<compile_context>
chip_gen: v7x
topology: tpu7x:2x2x1
jax: 0.10.2.dev20260603
libtpu: 0.0.44.dev20260713+nightly
codegen_flags: <defaults>
</compile_context>

<pallas_src>
import functools
import jax
import jax.numpy as jnp
from jax import lax
from jax.experimental import pallas as pl
from jax.experimental.pallas import tpu as pltpu
from jax.experimental.pallas import tpu_sc as plsc

SEQ = 200
DIM = 16
BATCH = 4096
NW = 32
SBLK = SEQ // 8
BBLK = BATCH // 128
NPAIR = SBLK * BBLK // NW
VOCAB = 1000000
PITCH = 136


def _make_transpose():
    mesh = plsc.VectorSubcoreMesh(core_axis_name="c", subcore_axis_name="s")
    NFULL = VOCAB // 128
    TAIL = VOCAB - NFULL * 128
    XTRA = NFULL - (NFULL // NW) * NW

    @functools.partial(
        pl.kernel,
        out_type=jax.ShapeDtypeStruct((VOCAB // 64, 8, 128), jnp.float32),
        mesh=mesh,
        compiler_params=pltpu.CompilerParams(
            use_tc_tiling_on_sc=True, needs_layout_passes=False
        ),
        scratch_types=[
            pltpu.VMEM((128, 128), jnp.float32),
            pltpu.VMEM((8, 2, 8, 128), jnp.float32),
            pltpu.SemaphoreType.DMA,
            pltpu.SemaphoreType.DMA,
        ],
    )
    def transpose_table(tabt_hbm, out_hbm, a_v, o_v, gsem, osem):
        wid = lax.axis_index("s") * 2 + lax.axis_index("c")
        nblk = jnp.where(wid < XTRA, NFULL // NW + 1, NFULL // NW)
        iota = jnp.arange(16, dtype=jnp.int32)

        def fire_in(r0, j):
            pltpu.async_copy(
                tabt_hbm.at[pl.ds(0, 16), pl.ds(j * 128, 128)],
                a_v.at[pl.ds(r0, 16)],
                gsem,
            )

        def drain_in(r0):
            pltpu.make_async_copy(
                tabt_hbm.at[pl.ds(0, 16), pl.ds(0, 128)],
                a_v.at[pl.ds(r0, 16)],
                gsem,
            ).wait()

        def wait_out():
            pltpu.make_async_copy(
                o_v.at[0], out_hbm.at[pl.ds(0, 2)], osem
            ).wait()

        for kk in range(8):
            fire_in(kk * 16, kk * NW + wid)

        def blk_body(k, carry):
            def work():
                r0 = (k & 7) * 16
                oslot = k & 7
                j = k * NW + wid
                drain_in(r0)
                pl.when(k >= 8)(wait_out)

                rowv = iota + r0

                @plsc.parallel_loop(0, 16, unroll=4)
                def t_body(t0):
                    tv = jnp.full((16,), 0, jnp.int32) + t0 * 8
                    p = t0 >> 3
                    a = t0 & 7
                    for r in range(8):
                        v = plsc.load_gather(a_v, [rowv, tv + r])
                        o_v[oslot, p, a, pl.ds(r * 16, 16)] = v
                pltpu.async_copy(o_v.at[oslot], out_hbm.at[pl.ds(2 * j, 2)], osem)

                @pl.when(k + 8 < nblk)
                def _():
                    fire_in(r0, (k + 8) * NW + wid)

            pl.when(k < nblk)(work)
            return carry

        lax.fori_loop(0, NFULL // NW + 1, blk_body, 0)
        for _ in range(8):
            wait_out()

        @pl.when(wid == XTRA)
        def _():
            for r in range(16):
                pltpu.sync_copy(
                    tabt_hbm.at[r, pl.ds(NFULL * 128, TAIL)],
                    a_v.at[r, pl.ds(0, TAIL)],
                )

            def t_body(t0, c2):
                tv = jnp.full((16,), 0, jnp.int32) + t0 * 8
                for r in range(8):
                    v = plsc.load_gather(a_v, [iota, tv + r])
                    o_v[0, 0, t0 & 7, pl.ds(r * 16, 16)] = v
                return c2

            lax.fori_loop(0, TAIL // 8, t_body, 0)
            pltpu.sync_copy(o_v.at[0, 0], out_hbm.at[2 * NFULL])

    return transpose_table


def _make_kernel():
    mesh = plsc.VectorSubcoreMesh(core_axis_name="c", subcore_axis_name="s")

    @functools.partial(
        pl.kernel,
        out_type=jax.ShapeDtypeStruct((SEQ, 2, BBLK, 8, 128), jnp.float32),
        mesh=mesh,
        compiler_params=pltpu.CompilerParams(
            use_tc_tiling_on_sc=False, needs_layout_passes=False
        ),
        scratch_types=[
            pltpu.VMEM((2, 1024), jnp.int32),
            pltpu.VMEM((2048, DIM), jnp.float32),
            pltpu.VMEM((2, 128, PITCH), jnp.float32),
            pltpu.VMEM((SEQ, DIM), jnp.float32),
            pltpu.SemaphoreType.DMA,
            pltpu.SemaphoreType.DMA,
            pltpu.SemaphoreType.DMA,
        ],
    )
    def tok_pos_embed(x_hbm, table_hbm, pos_hbm, out_hbm,
                      idx_v, rows_v, out_v, pos_v, gsem, osem, isem):
        wid = lax.axis_index("s") * 2 + lax.axis_index("c")
        pltpu.sync_copy(pos_hbm, pos_v)
        iota = jnp.arange(16, dtype=jnp.int32)

        def fire_idx(i):
            p = wid * NPAIR + i
            pltpu.async_copy(x_hbm.at[p >> 5, p & 31], idx_v.at[i & 1], isem)

        def wait_idx():
            pltpu.make_async_copy(
                x_hbm.at[0, 0], idx_v.at[0], isem
            ).wait()

        def fire_gathers(slot):
            for o in range(8):
                pltpu.async_copy(
                    table_hbm.at[idx_v.at[slot, pl.ds(o * 128, 128)]],
                    rows_v.at[pl.ds(slot * 1024 + o * 128, 128)],
                    gsem,
                )

        def drain_gathers(slot):
            for o in range(8):
                pltpu.make_async_copy(
                    table_hbm.at[idx_v.at[0, pl.ds(0, 128)]],
                    rows_v.at[pl.ds(slot * 1024 + o * 128, 128)],
                    gsem,
                ).wait()

        def out_dmas(fire, oslot, sblk, bblk):
            for ssub in range(8):
                for dblk in range(2):
                    src = out_v.at[oslot, pl.ds(ssub * 16 + dblk * 8, 8), pl.ds(0, 128)]
                    dst = out_hbm.at[sblk * 8 + ssub, dblk, bblk]
                    if fire:
                        pltpu.async_copy(src, dst, osem)
                    else:
                        pltpu.make_async_copy(src, dst, osem).wait()

        fire_idx(0)
        wait_idx()
        fire_gathers(0)
        fire_idx(1)

        def pair_body(i, carry):
            cur = i & 1
            p = wid * NPAIR + i
            sblk = p >> 5
            bblk = p & 31

            drain_gathers(cur)

            @pl.when(i + 2 < NPAIR)
            def _():
                fire_idx(i + 2)

            @pl.when(i + 1 < NPAIR)
            def _():
                wait_idx()
                fire_gathers(1 - cur)

            @pl.when(i >= 2)
            def _():
                out_dmas(False, cur, 0, 0)

            def ssub_body(ssub, c2):
                prow = pos_v[sblk * 8 + ssub]
                rowidx = iota + ssub * 16
                rbase = cur * 1024 + ssub * 128

                @plsc.parallel_loop(0, 16, unroll=4)
                def q_body(q):
                    qv = jnp.full((16,), 0, jnp.int32) + q * 8
                    for r in range(8):
                        v = rows_v[rbase + q * 8 + r] + prow
                        plsc.store_scatter(out_v.at[cur], [rowidx, qv + r], v)

                return c2

            lax.fori_loop(0, 8, ssub_body, 0)
            out_dmas(True, cur, sblk, bblk)
            return carry

        lax.fori_loop(0, NPAIR, pair_body, 0)
        out_dmas(False, 0, 0, 0)
        out_dmas(False, 1, 0, 0)

    return tok_pos_embed


_kernel = _make_kernel()
_transpose = _make_transpose()


@jax.jit
def kernel(inputs, token_table, pos_table):
    x = (
        inputs.astype(jnp.int32)
        .reshape(BBLK, 128, SBLK, 8)
        .transpose(2, 0, 3, 1)
        .reshape(SBLK, BBLK, 1024)
    )
    tt = _transpose(token_table.T).reshape(VOCAB, DIM)
    out_phys = _kernel(x, tt, pos_table)
    return out_phys.transpose(2, 4, 0, 1, 3).reshape(BATCH, SEQ, DIM)

# --- scband reference (transcript-rebuilt; emitter-appended) ---
"""Pipeline reference for scband-token-and-position-embedding-50053548868160 (READ-ONLY COPY).

The authoritative reference and input builder live on the scoring server;
editing this copy changes nothing except your own understanding.
"""

import jax, jax.numpy as jnp
import numpy as np

SEQ_LEN = 200
MAX_FEATURES = 1000000
EMBED_DIM = 16
BATCH = 4096

def setup_inputs(seed: int = 0) -> dict:
    key = jax.random.key(seed)
    k_idx, k_tok, k_pos = jax.random.split(key, 3)
    inputs = jax.random.randint(k_idx, (BATCH, SEQ_LEN), 0, MAX_FEATURES, dtype=jnp.int64 if jax.config.jax_enable_x64 else jnp.int32)
    token_table = jax.random.normal(k_tok, (MAX_FEATURES, EMBED_DIM), dtype=jnp.float32) * 0.05
    pos_table = jax.random.normal(k_pos, (SEQ_LEN, EMBED_DIM), dtype=jnp.float32) * 0.05
    return {"inputs": inputs, "token_table": token_table, "pos_table": pos_table}

def reference(inputs, token_table, pos_table):
    length = inputs.shape[-1]
    positions = jnp.arange(0, length)
    embedded_tokens = jnp.take(token_table, inputs, axis=0)
    embedded_positions = jnp.take(pos_table, positions, axis=0)
    return embedded_tokens + embedded_positions[None, :, :]

if __name__ == "__main__":
    import jax
    _d = setup_inputs()
    print(jax.jit(kernel)(*tuple(_d.values())))

</pallas_src>

<mosaic_0001>
#map = affine_map<(d0, d1) -> (0, 0, 0)>
#map1 = affine_map<(d0, d1) -> (0, 0)>
#map2 = affine_map<(d0, d1) -> (0, 0, 0, 0, 0)>
module attributes {stable_mosaic.version = 14 : i64} {
  func.func @tok_pos_embed(%arg0: i32, %arg1: i32, %arg2: memref<25x32x1024xi32, #tpu.memory_space<hbm>>, %arg3: memref<1000000x16xf32, #tpu.memory_space<hbm>>, %arg4: memref<200x16xf32, #tpu.memory_space<hbm>>, %arg5: memref<200x2x32x8x128xf32, #tpu.memory_space<hbm>>, %arg6: memref<2x1024xi32, #tpu.memory_space<vmem>>, %arg7: memref<2048x16xf32, #tpu.memory_space<vmem>>, %arg8: memref<2x128x136xf32, #tpu.memory_space<vmem>>, %arg9: memref<200x16xf32, #tpu.memory_space<vmem>>, %arg10: memref<!tpu.dma_semaphore, #tpu.memory_space<semaphore_mem>>, %arg11: memref<!tpu.dma_semaphore, #tpu.memory_space<semaphore_mem>>, %arg12: memref<!tpu.dma_semaphore, #tpu.memory_space<semaphore_mem>>) attributes {dimension_semantics = [#tpu.dimension_semantics<core_parallel>, #tpu.dimension_semantics<subcore_parallel>], iteration_bounds = array<i64: 2, 16>, scalar_prefetch = 0 : i64, scratch_operands = 7 : i64, tpu.core_type = #tpu.core_type<sc_vector_subcore>, window_params = [{transform_indices = #map}, {transform_indices = #map1}, {transform_indices = #map1}, {transform_indices = #map2}]} {
    %mul3A = arith.constant 2 : i32
    %mul3A_0 = arith.muli %arg1, %mul3A : i32
    %add3A = arith.addi %mul3A_0, %arg0 : i32
    "tpu.region"() ({
      %run_scoped3A = tpu.sem_alloc : memref<!tpu.dma_semaphore, #tpu.memory_space<semaphore_mem>>
      tpu.enqueue_dma source(%arg4 : memref<200x16xf32, #tpu.memory_space<hbm>>) target(%arg9 : memref<200x16xf32, #tpu.memory_space<vmem>>) target_semaphore(%run_scoped3A : memref<!tpu.dma_semaphore, #tpu.memory_space<semaphore_mem>>)
      tpu.wait_dma2 semaphore(%run_scoped3A : memref<!tpu.dma_semaphore, #tpu.memory_space<semaphore_mem>>) src(%arg4 : memref<200x16xf32, #tpu.memory_space<hbm>>) dst(%arg9 : memref<200x16xf32, #tpu.memory_space<vmem>>)
      tpu.yield
    }) : () -> ()
    %iota3A = tpu.iota {dimensions = array<i32: 0>} : vector<16xi32>
    %mul3A_1 = arith.constant 25 : i32
    %mul3A_2 = arith.muli %add3A, %mul3A_1 : i32
    %add3A_3 = arith.constant 0 : i32
    %add3A_4 = arith.addi %mul3A_2, %add3A_3 : i32
    %shift_right_arithmetic3A = arith.constant 5 : i32
    %shift_right_arithmetic3A_5 = arith.shrsi %add3A_4, %shift_right_arithmetic3A : i32
    %and3A = arith.constant 31 : i32
    %and3A_6 = arith.andi %add3A_4, %and3A : i32
    %dma_start3A = arith.constant 0 : i32
    %dma_start3A_7 = arith.constant 0 : i32
    %dma_start3A_8 = tpu.memref_slice %arg6[%dma_start3A, %dma_start3A_7] : memref<2x1024xi32, #tpu.memory_space<vmem>> -> memref<1x1024xi32, #tpu.memory_space<vmem>>
    %dma_start3A_9 = tpu.memref_squeeze %dma_start3A_8 : memref<1x1024xi32, #tpu.memory_space<vmem>> -> memref<1024xi32, #tpu.memory_space<vmem>>
    %dma_start3A_10 = arith.constant 0 : i32
    %dma_start3A_11 = tpu.memref_slice %arg2[%shift_right_arithmetic3A_5, %and3A_6, %dma_start3A_10] : memref<25x32x1024xi32, #tpu.memory_space<hbm>> -> memref<1x1x1024xi32, #tpu.memory_space<hbm>>
    %dma_start3A_12 = tpu.memref_squeeze %dma_start3A_11 : memref<1x1x1024xi32, #tpu.memory_space<hbm>> -> memref<1024xi32, #tpu.memory_space<hbm>>
    %dma_start3A_13 = arith.constant 0 : i32
    %dma_start3A_14 = tpu.memref_slice %arg6[%dma_start3A, %dma_start3A_13] : memref<2x1024xi32, #tpu.memory_space<vmem>> -> memref<1x1024xi32, #tpu.memory_space<vmem>>
    %dma_start3A_15 = tpu.memref_squeeze %dma_start3A_14 : memref<1x1024xi32, #tpu.memory_space<vmem>> -> memref<1024xi32, #tpu.memory_space<vmem>>
    %dma_start3A_16 = arith.constant 0 : i32
    %dma_start3A_17 = tpu.memref_slice %arg2[%shift_right_arithmetic3A_5, %and3A_6, %dma_start3A_16] : memref<25x32x1024xi32, #tpu.memory_space<hbm>> -> memref<1x1x1024xi32, #tpu.memory_space<hbm>>
    %dma_start3A_18 = tpu.memref_squeeze %dma_start3A_17 : memref<1x1x1024xi32, #tpu.memory_space<hbm>> -> memref<1024xi32, #tpu.memory_space<hbm>>
    tpu.enqueue_dma source(%dma_start3A_18 : memref<1024xi32, #tpu.memory_space<hbm>>) target(%dma_start3A_15 : memref<1024xi32, #tpu.memory_space<vmem>>) target_semaphore(%arg12 : memref<!tpu.dma_semaphore, #tpu.memory_space<semaphore_mem>>)
    %dma_wait3A = arith.constant 0 : i32
    %dma_wait3A_19 = arith.constant 0 : i32
    %dma_wait3A_20 = arith.constant 0 : i32
    %dma_wait3A_21 = arith.constant 0 : i32
    %dma_wait3A_22 = tpu.memref_slice %arg6[%dma_wait3A_20, %dma_wait3A_21] : memref<2x1024xi32, #tpu.memory_space<vmem>> -> memref<1x1024xi32, #tpu.memory_space<vmem>>
    %dma_wait3A_23 = tpu.memref_squeeze %dma_wait3A_22 : memref<1x1024xi32, #tpu.memory_space<vmem>> -> memref<1024xi32, #tpu.memory_space<vmem>>
    %dma_wait3A_24 = arith.constant 0 : i32
    %dma_wait3A_25 = tpu.memref_slice %arg2[%dma_wait3A, %dma_wait3A_19, %dma_wait3A_24] : memref<25x32x1024xi32, #tpu.memory_space<hbm>> -> memref<1x1x1024xi32, #tpu.memory_space<hbm>>
    %dma_wait3A_26 = tpu.memref_squeeze %dma_wait3A_25 : memref<1x1x1024xi32, #tpu.memory_space<hbm>> -> memref<1024xi32, #tpu.memory_space<hbm>>
    %dma_wait3A_27 = arith.constant 0 : i32
    %dma_wait3A_28 = tpu.memref_slice %arg6[%dma_wait3A_20, %dma_wait3A_27] : memref<2x1024xi32, #tpu.memory_space<vmem>> -> memref<1x1024xi32, #tpu.memory_space<vmem>>
    %dma_wait3A_29 = tpu.memref_squeeze %dma_wait3A_28 : memref<1x1024xi32, #tpu.memory_space<vmem>> -> memref<1024xi32, #tpu.memory_space<vmem>>
    %dma_wait3A_30 = arith.constant 0 : i32
    %dma_wait3A_31 = tpu.memref_slice %arg2[%dma_wait3A, %dma_wait3A_19, %dma_wait3A_30] : memref<25x32x1024xi32, #tpu.memory_space<hbm>> -> memref<1x1x1024xi32, #tpu.memory_space<hbm>>
    %dma_wait3A_32 = tpu.memref_squeeze %dma_wait3A_31 : memref<1x1x1024xi32, #tpu.memory_space<hbm>> -> memref<1024xi32, #tpu.memory_space<hbm>>
    tpu.wait_dma2 semaphore(%arg12 : memref<!tpu.dma_semaphore, #tpu.memory_space<semaphore_mem>>) src(%dma_wait3A_32 : memref<1024xi32, #tpu.memory_space<hbm>>) dst(%dma_wait3A_29 : memref<1024xi32, #tpu.memory_space<vmem>>)
    %dma_start3A_33 = arith.constant 0 : i32
    %dma_start3A_34 = arith.constant 0 : i32
    %dma_start3A_35 = arith.constant 0 : i32
    %dma_start3A_36 = tpu.memref_slice %arg7[%dma_start3A_34, %dma_start3A_35] : memref<2048x16xf32, #tpu.memory_space<vmem>> -> memref<128x16xf32, #tpu.memory_space<vmem>>
    %dma_start3A_37 = arith.constant 0 : i32
    %dma_start3A_38 = tpu.memref_slice %arg6[%dma_start3A_33, %dma_start3A_37] : memref<2x1024xi32, #tpu.memory_space<vmem>> -> memref<1x128xi32, #tpu.memory_space<vmem>>
    %dma_start3A_39 = tpu.memref_squeeze %dma_start3A_38 : memref<1x128xi32, #tpu.memory_space<vmem>> -> memref<128xi32, #tpu.memory_space<vmem>>
    %dma_start3A_40 = arith.constant 0 : i32
    %dma_start3A_41 = arith.constant 0 : i32
    %dma_start3A_42 = tpu.memref_slice %arg3[%dma_start3A_40, %dma_start3A_41] : memref<1000000x16xf32, #tpu.memory_space<hbm>> -> memref<1000000x16xf32, #tpu.memory_space<hbm>>
    tpu.enqueue_indirect_dma source(%dma_start3A_42 : memref<1000000x16xf32, #tpu.memory_space<hbm>>) target(%dma_start3A_36 : memref<128x16xf32, #tpu.memory_space<vmem>>) offsets(%dma_start3A_39 : memref<128xi32, #tpu.memory_space<vmem>>) semaphore(%arg10 : memref<!tpu.dma_semaphore, #tpu.memory_space<semaphore_mem>>)
    %dma_start3A_43 = arith.constant 0 : i32
    %dma_start3A_44 = arith.constant 128 : i32
    %dma_start3A_45 = arith.constant 0 : i32
    %dma_start3A_46 = tpu.memref_slice %arg7[%dma_start3A_44, %dma_start3A_45] : memref<2048x16xf32, #tpu.memory_space<vmem>> -> memref<128x16xf32, #tpu.memory_space<vmem>>
    %dma_start3A_47 = arith.constant 128 : i32
    %dma_start3A_48 = tpu.memref_slice %arg6[%dma_start3A_43, %dma_start3A_47] : memref<2x1024xi32, #tpu.memory_space<vmem>> -> memref<1x128xi32, #tpu.memory_space<vmem>>
    %dma_start3A_49 = tpu.memref_squeeze %dma_start3A_48 : memref<1x128xi32, #tpu.memory_space<vmem>> -> memref<128xi32, #tpu.memory_space<vmem>>
    %dma_start3A_50 = arith.constant 0 : i32
    %dma_start3A_51 = arith.constant 0 : i32
    %dma_start3A_52 = tpu.memref_slice %arg3[%dma_start3A_50, %dma_start3A_51] : memref<1000000x16xf32, #tpu.memory_space<hbm>> -> memref<1000000x16xf32, #tpu.memory_space<hbm>>
    tpu.enqueue_indirect_dma source(%dma_start3A_52 : memref<1000000x16xf32, #tpu.memory_space<hbm>>) target(%dma_start3A_46 : memref<128x16xf32, #tpu.memory_space<vmem>>) offsets(%dma_start3A_49 : memref<128xi32, #tpu.memory_space<vmem>>) semaphore(%arg10 : memref<!tpu.dma_semaphore, #tpu.memory_space<semaphore_mem>>)
    %dma_start3A_53 = arith.constant 0 : i32
    %dma_start3A_54 = arith.constant 256 : i32
    %dma_start3A_55 = arith.constant 0 : i32
    %dma_start3A_56 = tpu.memref_slice %arg7[%dma_start3A_54, %dma_start3A_55] : memref<2048x16xf32, #tpu.memory_space<vmem>> -> memref<128x16xf32, #tpu.memory_space<vmem>>
    %dma_start3A_57 = arith.constant 256 : i32
    %dma_start3A_58 = tpu.memref_slice %arg6[%dma_start3A_53, %dma_start3A_57] : memref<2x1024xi32, #tpu.memory_space<vmem>> -> memref<1x128xi32, #tpu.memory_space<vmem>>
    %dma_start3A_59 = tpu.memref_squeeze %dma_start3A_58 : memref<1x128xi32, #tpu.memory_space<vmem>> -> memref<128xi32, #tpu.memory_space<vmem>>
    %dma_start3A_60 = arith.constant 0 : i32
    %dma_start3A_61 = arith.constant 0 : i32
    %dma_start3A_62 = tpu.memref_slice %arg3[%dma_start3A_60, %dma_start3A_61] : memref<1000000x16xf32, #tpu.memory_space<hbm>> -> memref<1000000x16xf32, #tpu.memory_space<hbm>>
    tpu.enqueue_indirect_dma source(%dma_start3A_62 : memref<1000000x16xf32, #tpu.memory_space<hbm>>) target(%dma_start3A_56 : memref<128x16xf32, #tpu.memory_space<vmem>>) offsets(%dma_start3A_59 : memref<128xi32, #tpu.memory_space<vmem>>) semaphore(%arg10 : memref<!tpu.dma_semaphore, #tpu.memory_space<semaphore_mem>>)
    %dma_start3A_63 = arith.constant 0 : i32
    %dma_start3A_64 = arith.constant 384 : i32
    %dma_start3A_65 = arith.constant 0 : i32
    %dma_start3A_66 = tpu.memref_slice %arg7[%dma_start3A_64, %dma_start3A_65] : memref<2048x16xf32, #tpu.memory_space<vmem>> -> memref<128x16xf32, #tpu.memory_space<vmem>>
    %dma_start3A_67 = arith.constant 384 : i32
    %dma_start3A_68 = tpu.memref_slice %arg6[%dma_start3A_63, %dma_start3A_67] : memref<2x1024xi32, #tpu.memory_space<vmem>> -> memref<1x128xi32, #tpu.memory_space<vmem>>
    %dma_start3A_69 = tpu.memref_squeeze %dma_start3A_68 : memref<1x128xi32, #tpu.memory_space<vmem>> -> memref<128xi32, #tpu.memory_space<vmem>>
    %dma_start3A_70 = arith.constant 0 : i32
    %dma_start3A_71 = arith.constant 0 : i32
    %dma_start3A_72 = tpu.memref_slice %arg3[%dma_start3A_70, %dma_start3A_71] : memref<1000000x16xf32, #tpu.memory_space<hbm>> -> memref<1000000x16xf32, #tpu.memory_space<hbm>>
    tpu.enqueue_indirect_dma source(%dma_start3A_72 : memref<1000000x16xf32, #tpu.memory_space<hbm>>) target(%dma_start3A_66 : memref<128x16xf32, #tpu.memory_space<vmem>>) offsets(%dma_start3A_69 : memref<128xi32, #tpu.memory_space<vmem>>) semaphore(%arg10 : memref<!tpu.dma_semaphore, #tpu.memory_space<semaphore_mem>>)
    %dma_start3A_73 = arith.constant 0 : i32
    %dma_start3A_74 = arith.constant 512 : i32
    %dma_start3A_75 = arith.constant 0 : i32
    %dma_start3A_76 = tpu.memref_slice %arg7[%dma_start3A_74, %dma_start3A_75] : memref<2048x16xf32, #tpu.memory_space<vmem>> -> memref<128x16xf32, #tpu.memory_space<vmem>>
    %dma_start3A_77 = arith.constant 512 : i32
    %dma_start3A_78 = tpu.memref_slice %arg6[%dma_start3A_73, %dma_start3A_77] : memref<2x1024xi32, #tpu.memory_space<vmem>> -> memref<1x128xi32, #tpu.memory_space<vmem>>
    %dma_start3A_79 = tpu.memref_squeeze %dma_start3A_78 : memref<1x128xi32, #tpu.memory_space<vmem>> -> memref<128xi32, #tpu.memory_space<vmem>>
    %dma_start3A_80 = arith.constant 0 : i32
    %dma_start3A_81 = arith.constant 0 : i32
    %dma_start3A_82 = tpu.memref_slice %arg3[%dma_start3A_80, %dma_start3A_81] : memref<1000000x16xf32, #tpu.memory_space<hbm>> -> memref<1000000x16xf32, #tpu.memory_space<hbm>>
    tpu.enqueue_indirect_dma source(%dma_start3A_82 : memref<1000000x16xf32, #tpu.memory_space<hbm>>) target(%dma_start3A_76 : memref<128x16xf32, #tpu.memory_space<vmem>>) offsets(%dma_start3A_79 : memref<128xi32, #tpu.memory_space<vmem>>) semaphore(%arg10 : memref<!tpu.dma_semaphore, #tpu.memory_space<semaphore_mem>>)
    %dma_start3A_83 = arith.constant 0 : i32
    %dma_start3A_84 = arith.constant 640 : i32
    %dma_start3A_85 = arith.constant 0 : i32
    %dma_start3A_86 = tpu.memref_slice %arg7[%dma_start3A_84, %dma_start3A_85] : memref<2048x16xf32, #tpu.memory_space<vmem>> -> memref<128x16xf32, #tpu.memory_space<vmem>>
    %dma_start3A_87 = arith.constant 640 : i32
    %dma_start3A_88 = tpu.memref_slice %arg6[%dma_start3A_83, %dma_start3A_87] : memref<2x1024xi32, #tpu.memory_space<vmem>> -> memref<1x128xi32, #tpu.memory_space<vmem>>
    %dma_start3A_89 = tpu.memref_squeeze %dma_start3A_88 : memref<1x128xi32, #tpu.memory_space<vmem>> -> memref<128xi32, #tpu.memory_space<vmem>>
    %dma_start3A_90 = arith.constant 0 : i32
    %dma_start3A_91 = arith.constant 0 : i32
    %dma_start3A_92 = tpu.memref_slice %arg3[%dma_start3A_90, %dma_start3A_91] : memref<1000000x16xf32, #tpu.memory_space<hbm>> -> memref<1000000x16xf32, #tpu.memory_space<hbm>>
    tpu.enqueue_indirect_dma source(%dma_start3A_92 : memref<1000000x16xf32, #tpu.memory_space<hbm>>) target(%dma_start3A_86 : memref<128x16xf32, #tpu.memory_space<vmem>>) offsets(%dma_start3A_89 : memref<128xi32, #tpu.memory_space<vmem>>) semaphore(%arg10 : memref<!tpu.dma_semaphore, #tpu.memory_space<semaphore_mem>>)
    %dma_start3A_93 = arith.constant 0 : i32
    %dma_start3A_94 = arith.constant 768 : i32
    %dma_start3A_95 = arith.constant 0 : i32
    %dma_start3A_96 = tpu.memref_slice %arg7[%dma_start3A_94, %dma_start3A_95] : memref<2048x16xf32, #tpu.memory_space<vmem>> -> memref<128x16xf32, #tpu.memory_space<vmem>>
    %dma_start3A_97 = arith.constant 768 : i32
    %dma_start3A_98 = tpu.memref_slice %arg6[%dma_start3A_93, %dma_start3A_97] : memref<2x1024xi32, #tpu.memory_space<vmem>> -> memref<1x128xi32, #tpu.memory_space<vmem>>
    %dma_start3A_99 = tpu.memref_squeeze %dma_start3A_98 : memref<1x128xi32, #tpu.memory_space<vmem>> -> memref<128xi32, #tpu.memory_space<vmem>>
    %dma_start3A_100 = arith.constant 0 : i32
    %dma_start3A_101 = arith.constant 0 : i32
    %dma_start3A_102 = tpu.memref_slice %arg3[%dma_start3A_100, %dma_start3A_101] : memref<1000000x16xf32, #tpu.memory_space<hbm>> -> memref<1000000x16xf32, #tpu.memory_space<hbm>>
    tpu.enqueue_indirect_dma source(%dma_start3A_102 : memref<1000000x16xf32, #tpu.memory_space<hbm>>) target(%dma_start3A_96 : memref<128x16xf32, #tpu.memory_space<vmem>>) offsets(%dma_start3A_99 : memref<128xi32, #tpu.memory_space<vmem>>) semaphore(%arg10 : memref<!tpu.dma_semaphore, #tpu.memory_space<semaphore_mem>>)
    %dma_start3A_103 = arith.constant 0 : i32
    %dma_start3A_104 = arith.constant 896 : i32
    %dma_start3A_105 = arith.constant 0 : i32
    %dma_start3A_106 = tpu.memref_slice %arg7[%dma_start3A_104, %dma_start3A_105] : memref<2048x16xf32, #tpu.memory_space<vmem>> -> memref<128x16xf32, #tpu.memory_space<vmem>>
    %dma_start3A_107 = arith.constant 896 : i32
    %dma_start3A_108 = tpu.memref_slice %arg6[%dma_start3A_103, %dma_start3A_107] : memref<2x1024xi32, #tpu.memory_space<vmem>> -> memref<1x128xi32, #tpu.memory_space<vmem>>
    %dma_start3A_109 = tpu.memref_squeeze %dma_start3A_108 : memref<1x128xi32, #tpu.memory_space<vmem>> -> memref<128xi32, #tpu.memory_space<vmem>>
    %dma_start3A_110 = arith.constant 0 : i32
    %dma_start3A_111 = arith.constant 0 : i32
    %dma_start3A_112 = tpu.memref_slice %arg3[%dma_start3A_110, %dma_start3A_111] : memref<1000000x16xf32, #tpu.memory_space<hbm>> -> memref<1000000x16xf32, #tpu.memory_space<hbm>>
    tpu.enqueue_indirect_dma source(%dma_start3A_112 : memref<1000000x16xf32, #tpu.memory_space<hbm>>) target(%dma_start3A_106 : memref<128x16xf32, #tpu.memory_space<vmem>>) offsets(%dma_start3A_109 : memref<128xi32, #tpu.memory_space<vmem>>) semaphore(%arg10 : memref<!tpu.dma_semaphore, #tpu.memory_space<semaphore_mem>>)
    %mul3A_113 = arith.constant 25 : i32
    %mul3A_114 = arith.muli %add3A, %mul3A_113 : i32
    %add3A_115 = arith.constant 1 : i32
    %add3A_116 = arith.addi %mul3A_114, %add3A_115 : i32
    %shift_right_arithmetic3A_117 = arith.constant 5 : i32
    %shift_right_arithmetic3A_118 = arith.shrsi %add3A_116, %shift_right_arithmetic3A_117 : i32
    %and3A_119 = arith.constant 31 : i32
    %and3A_120 = arith.andi %add3A_116, %and3A_119 : i32
    %dma_start3A_121 = arith.constant 1 : i32
    %dma_start3A_122 = arith.constant 0 : i32
    %dma_start3A_123 = tpu.memref_slice %arg6[%dma_start3A_121, %dma_start3A_122] : memref<2x1024xi32, #tpu.memory_space<vmem>> -> memref<1x1024xi32, #tpu.memory_space<vmem>>
    %dma_start3A_124 = tpu.memref_squeeze %dma_start3A_123 : memref<1x1024xi32, #tpu.memory_space<vmem>> -> memref<1024xi32, #tpu.memory_space<vmem>>
    %dma_start3A_125 = arith.constant 0 : i32
    %dma_start3A_126 = tpu.memref_slice %arg2[%shift_right_arithmetic3A_118, %and3A_120, %dma_start3A_125] : memref<25x32x1024xi32, #tpu.memory_space<hbm>> -> memref<1x1x1024xi32, #tpu.memory_space<hbm>>
    %dma_start3A_127 = tpu.memref_squeeze %dma_start3A_126 : memref<1x1x1024xi32, #tpu.memory_space<hbm>> -> memref<1024xi32, #tpu.memory_space<hbm>>
    %dma_start3A_128 = arith.constant 0 : i32
    %dma_start3A_129 = tpu.memref_slice %arg6[%dma_start3A_121, %dma_start3A_128] : memref<2x1024xi32, #tpu.memory_space<vmem>> -> memref<1x1024xi32, #tpu.memory_space<vmem>>
    %dma_start3A_130 = tpu.memref_squeeze %dma_start3A_129 : memref<1x1024xi32, #tpu.memory_space<vmem>> -> memref<1024xi32, #tpu.memory_space<vmem>>
    %dma_start3A_131 = arith.constant 0 : i32
    %dma_start3A_132 = tpu.memref_slice %arg2[%shift_right_arithmetic3A_118, %and3A_120, %dma_start3A_131] : memref<25x32x1024xi32, #tpu.memory_space<hbm>> -> memref<1x1x1024xi32, #tpu.memory_space<hbm>>
    %dma_start3A_133 = tpu.memref_squeeze %dma_start3A_132 : memref<1x1x1024xi32, #tpu.memory_space<hbm>> -> memref<1024xi32, #tpu.memory_space<hbm>>
    tpu.enqueue_dma source(%dma_start3A_133 : memref<1024xi32, #tpu.memory_space<hbm>>) target(%dma_start3A_130 : memref<1024xi32, #tpu.memory_space<vmem>>) target_semaphore(%arg12 : memref<!tpu.dma_semaphore, #tpu.memory_space<semaphore_mem>>)
    %scan3A = arith.constant 0 : i32
    %scan3A_134 = arith.constant 0 : i32
    %scan3A_135 = arith.constant 25 : i32
    %scan3A_136 = arith.addi %scan3A_134, %scan3A_135 : i32
    %scan3A_137 = arith.constant 1 : i32
    scf.for %scan3A_779 = %scan3A_134 to %scan3A_136 step %scan3A_137  : i32 {
      %and3A_780 = arith.constant 1 : i32
      %and3A_781 = arith.andi %scan3A_779, %and3A_780 : i32
      %mul3A_782 = arith.constant 25 : i32
      %mul3A_783 = arith.muli %add3A, %mul3A_782 : i32
      %add3A_784 = arith.addi %mul3A_783, %scan3A_779 : i32
      %shift_right_arithmetic3A_785 = arith.constant 5 : i32
      %shift_right_arithmetic3A_786 = arith.shrsi %add3A_784, %shift_right_arithmetic3A_785 : i32
      %and3A_787 = arith.constant 31 : i32
      %and3A_788 = arith.andi %add3A_784, %and3A_787 : i32
      %mul3A_789 = arith.constant 1024 : i32
      %mul3A_790 = arith.muli %and3A_781, %mul3A_789 : i32
      %add3A_791 = arith.constant 0 : i32
      %add3A_792 = arith.addi %mul3A_790, %add3A_791 : i32
      %dma_wait3A_793 = arith.constant 0 : i32
      %dma_wait3A_794 = arith.constant 0 : i32
      %dma_wait3A_795 = tpu.memref_slice %arg7[%add3A_792, %dma_wait3A_794] : memref<2048x16xf32, #tpu.memory_space<vmem>> -> memref<128x16xf32, #tpu.memory_space<vmem>>
      %dma_wait3A_796 = arith.constant 0 : i32
      %dma_wait3A_797 = tpu.memref_slice %arg6[%dma_wait3A_793, %dma_wait3A_796] : memref<2x1024xi32, #tpu.memory_space<vmem>> -> memref<1x128xi32, #tpu.memory_space<vmem>>
      %dma_wait3A_798 = tpu.memref_squeeze %dma_wait3A_797 : memref<1x128xi32, #tpu.memory_space<vmem>> -> memref<128xi32, #tpu.memory_space<vmem>>
      %dma_wait3A_799 = arith.constant 0 : i32
      %dma_wait3A_800 = arith.constant 0 : i32
      %dma_wait3A_801 = tpu.memref_slice %arg3[%dma_wait3A_799, %dma_wait3A_800] : memref<1000000x16xf32, #tpu.memory_space<hbm>> -> memref<1000000x16xf32, #tpu.memory_space<hbm>>
      tpu.wait_indirect_dma semaphore(%arg10 : memref<!tpu.dma_semaphore, #tpu.memory_space<semaphore_mem>>) src(%dma_wait3A_801 : memref<1000000x16xf32, #tpu.memory_space<hbm>>) dst(%dma_wait3A_795 : memref<128x16xf32, #tpu.memory_space<vmem>>)
      %mul3A_802 = arith.constant 1024 : i32
      %mul3A_803 = arith.muli %and3A_781, %mul3A_802 : i32
      %add3A_804 = arith.constant 128 : i32
      %add3A_805 = arith.addi %mul3A_803, %add3A_804 : i32
      %dma_wait3A_806 = arith.constant 0 : i32
      %dma_wait3A_807 = arith.constant 0 : i32
      %dma_wait3A_808 = tpu.memref_slice %arg7[%add3A_805, %dma_wait3A_807] : memref<2048x16xf32, #tpu.memory_space<vmem>> -> memref<128x16xf32, #tpu.memory_space<vmem>>
      %dma_wait3A_809 = arith.constant 0 : i32
      %dma_wait3A_810 = tpu.memref_slice %arg6[%dma_wait3A_806, %dma_wait3A_809] : memref<2x1024xi32, #tpu.memory_space<vmem>> -> memref<1x128xi32, #tpu.memory_space<vmem>>
      %dma_wait3A_811 = tpu.memref_squeeze %dma_wait3A_810 : memref<1x128xi32, #tpu.memory_space<vmem>> -> memref<128xi32, #tpu.memory_space<vmem>>
      %dma_wait3A_812 = arith.constant 0 : i32
      %dma_wait3A_813 = arith.constant 0 : i32
      %dma_wait3A_814 = tpu.memref_slice %arg3[%dma_wait3A_812, %dma_wait3A_813] : memref<1000000x16xf32, #tpu.memory_space<hbm>> -> memref<1000000x16xf32, #tpu.memory_space<hbm>>
      tpu.wait_indirect_dma semaphore(%arg10 : memref<!tpu.dma_semaphore, #tpu.memory_space<semaphore_mem>>) src(%dma_wait3A_814 : memref<1000000x16xf32, #tpu.memory_space<hbm>>) dst(%dma_wait3A_808 : memref<128x16xf32, #tpu.memory_space<vmem>>)
      %mul3A_815 = arith.constant 1024 : i32
      %mul3A_816 = arith.muli %and3A_781, %mul3A_815 : i32
      %add3A_817 = arith.constant 256 : i32
      %add3A_818 = arith.addi %mul3A_816, %add3A_817 : i32
      %dma_wait3A_819 = arith.constant 0 : i32
      %dma_wait3A_820 = arith.constant 0 : i32
      %dma_wait3A_821 = tpu.memref_slice %arg7[%add3A_818, %dma_wait3A_820] : memref<2048x16xf32, #tpu.memory_space<vmem>> -> memref<128x16xf32, #tpu.memory_space<vmem>>
      %dma_wait3A_822 = arith.constant 0 : i32
      %dma_wait3A_823 = tpu.memref_slice %arg6[%dma_wait3A_819, %dma_wait3A_822] : memref<2x1024xi32, #tpu.memory_space<vmem>> -> memref<1x128xi32, #tpu.memory_space<vmem>>
      %dma_wait3A_824 = tpu.memref_squeeze %dma_wait3A_823 : memref<1x128xi32, #tpu.memory_space<vmem>> -> memref<128xi32, #tpu.memory_space<vmem>>
      %dma_wait3A_825 = arith.constant 0 : i32
      %dma_wait3A_826 = arith.constant 0 : i32
      %dma_wait3A_827 = tpu.memref_slice %arg3[%dma_wait3A_825, %dma_wait3A_826] : memref<1000000x16xf32, #tpu.memory_space<hbm>> -> memref<1000000x16xf32, #tpu.memory_space<hbm>>
      tpu.wait_indirect_dma semaphore(%arg10 : memref<!tpu.dma_semaphore, #tpu.memory_space<semaphore_mem>>) src(%dma_wait3A_827 : memref<1000000x16xf32, #tpu.memory_space<hbm>>) dst(%dma_wait3A_821 : memref<128x16xf32, #tpu.memory_space<vmem>>)
      %mul3A_828 = arith.constant 1024 : i32
      %mul3A_829 = arith.muli %and3A_781, %mul3A_828 : i32
      %add3A_830 = arith.constant 384 : i32
      %add3A_831 = arith.addi %mul3A_829, %add3A_830 : i32
      %dma_wait3A_832 = arith.constant 0 : i32
      %dma_wait3A_833 = arith.constant 0 : i32
      %dma_wait3A_834 = tpu.memref_slice %arg7[%add3A_831, %dma_wait3A_833] : memref<2048x16xf32, #tpu.memory_space<vmem>> -> memref<128x16xf32, #tpu.memory_space<vmem>>
      %dma_wait3A_835 = arith.constant 0 : i32
      %dma_wait3A_836 = tpu.memref_slice %arg6[%dma_wait3A_832, %dma_wait3A_835] : memref<2x1024xi32, #tpu.memory_space<vmem>> -> memref<1x128xi32, #tpu.memory_space<vmem>>
      %dma_wait3A_837 = tpu.memref_squeeze %dma_wait3A_836 : memref<1x128xi32, #tpu.memory_space<vmem>> -> memref<128xi32, #tpu.memory_space<vmem>>
      %dma_wait3A_838 = arith.constant 0 : i32
      %dma_wait3A_839 = arith.constant 0 : i32
      %dma_wait3A_840 = tpu.memref_slice %arg3[%dma_wait3A_838, %dma_wait3A_839] : memref<1000000x16xf32, #tpu.memory_space<hbm>> -> memref<1000000x16xf32, #tpu.memory_space<hbm>>
      tpu.wait_indirect_dma semaphore(%arg10 : memref<!tpu.dma_semaphore, #tpu.memory_space<semaphore_mem>>) src(%dma_wait3A_840 : memref<1000000x16xf32, #tpu.memory_space<hbm>>) dst(%dma_wait3A_834 : memref<128x16xf32, #tpu.memory_space<vmem>>)
      %mul3A_841 = arith.constant 1024 : i32
      %mul3A_842 = arith.muli %and3A_781, %mul3A_841 : i32
      %add3A_843 = arith.constant 512 : i32
      %add3A_844 = arith.addi %mul3A_842, %add3A_843 : i32
      %dma_wait3A_845 = arith.constant 0 : i32
      %dma_wait3A_846 = arith.constant 0 : i32
      %dma_wait3A_847 = tpu.memref_slice %arg7[%add3A_844, %dma_wait3A_846] : memref<2048x16xf32, #tpu.memory_space<vmem>> -> memref<128x16xf32, #tpu.memory_space<vmem>>
      %dma_wait3A_848 = arith.constant 0 : i32
      %dma_wait3A_849 = tpu.memref_slice %arg6[%dma_wait3A_845, %dma_wait3A_848] : memref<2x1024xi32, #tpu.memory_space<vmem>> -> memref<1x128xi32, #tpu.memory_space<vmem>>
      %dma_wait3A_850 = tpu.memref_squeeze %dma_wait3A_849 : memref<1x128xi32, #tpu.memory_space<vmem>> -> memref<128xi32, #tpu.memory_space<vmem>>
      %dma_wait3A_851 = arith.constant 0 : i32
      %dma_wait3A_852 = arith.constant 0 : i32
      %dma_wait3A_853 = tpu.memref_slice %arg3[%dma_wait3A_851, %dma_wait3A_852] : memref<1000000x16xf32, #tpu.memory_space<hbm>> -> memref<1000000x16xf32, #tpu.memory_space<hbm>>
      tpu.wait_indirect_dma semaphore(%arg10 : memref<!tpu.dma_semaphore, #tpu.memory_space<semaphore_mem>>) src(%dma_wait3A_853 : memref<1000000x16xf32, #tpu.memory_space<hbm>>) dst(%dma_wait3A_847 : memref<128x16xf32, #tpu.memory_space<vmem>>)
      %mul3A_854 = arith.constant 1024 : i32
      %mul3A_855 = arith.muli %and3A_781, %mul3A_854 : i32
      %add3A_856 = arith.constant 640 : i32
      %add3A_857 = arith.addi %mul3A_855, %add3A_856 : i32
      %dma_wait3A_858 = arith.constant 0 : i32
      %dma_wait3A_859 = arith.constant 0 : i32
      %dma_wait3A_860 = tpu.memref_slice %arg7[%add3A_857, %dma_wait3A_859] : memref<2048x16xf32, #tpu.memory_space<vmem>> -> memref<128x16xf32, #tpu.memory_space<vmem>>
      %dma_wait3A_861 = arith.constant 0 : i32
      %dma_wait3A_862 = tpu.memref_slice %arg6[%dma_wait3A_858, %dma_wait3A_861] : memref<2x1024xi32, #tpu.memory_space<vmem>> -> memref<1x128xi32, #tpu.memory_space<vmem>>
      %dma_wait3A_863 = tpu.memref_squeeze %dma_wait3A_862 : memref<1x128xi32, #tpu.memory_space<vmem>> -> memref<128xi32, #tpu.memory_space<vmem>>
      %dma_wait3A_864 = arith.constant 0 : i32
      %dma_wait3A_865 = arith.constant 0 : i32
      %dma_wait3A_866 = tpu.memref_slice %arg3[%dma_wait3A_864, %dma_wait3A_865] : memref<1000000x16xf32, #tpu.memory_space<hbm>> -> memref<1000000x16xf32, #tpu.memory_space<hbm>>
      tpu.wait_indirect_dma semaphore(%arg10 : memref<!tpu.dma_semaphore, #tpu.memory_space<semaphore_mem>>) src(%dma_wait3A_866 : memref<1000000x16xf32, #tpu.memory_space<hbm>>) dst(%dma_wait3A_860 : memref<128x16xf32, #tpu.memory_space<vmem>>)
      %mul3A_867 = arith.constant 1024 : i32
      %mul3A_868 = arith.muli %and3A_781, %mul3A_867 : i32
      %add3A_869 = arith.constant 768 : i32
      %add3A_870 = arith.addi %mul3A_868, %add3A_869 : i32
      %dma_wait3A_871 = arith.constant 0 : i32
      %dma_wait3A_872 = arith.constant 0 : i32
      %dma_wait3A_873 = tpu.memref_slice %arg7[%add3A_870, %dma_wait3A_872] : memref<2048x16xf32, #tpu.memory_space<vmem>> -> memref<128x16xf32, #tpu.memory_space<vmem>>
      %dma_wait3A_874 = arith.constant 0 : i32
      %dma_wait3A_875 = tpu.memref_slice %arg6[%dma_wait3A_871, %dma_wait3A_874] : memref<2x1024xi32, #tpu.memory_space<vmem>> -> memref<1x128xi32, #tpu.memory_space<vmem>>
      %dma_wait3A_876 = tpu.memref_squeeze %dma_wait3A_875 : memref<1x128xi32, #tpu.memory_space<vmem>> -> memref<128xi32, #tpu.memory_space<vmem>>
      %dma_wait3A_877 = arith.constant 0 : i32
      %dma_wait3A_878 = arith.constant 0 : i32
      %dma_wait3A_879 = tpu.memref_slice %arg3[%dma_wait3A_877, %dma_wait3A_878] : memref<1000000x16xf32, #tpu.memory_space<hbm>> -> memref<1000000x16xf32, #tpu.memory_space<hbm>>
      tpu.wait_indirect_dma semaphore(%arg10 : memref<!tpu.dma_semaphore, #tpu.memory_space<semaphore_mem>>) src(%dma_wait3A_879 : memref<1000000x16xf32, #tpu.memory_space<hbm>>) dst(%dma_wait3A_873 : memref<128x16xf32, #tpu.memory_space<vmem>>)
      %mul3A_880 = arith.constant 1024 : i32
      %mul3A_881 = arith.muli %and3A_781, %mul3A_880 : i32
      %add3A_882 = arith.constant 896 : i32
      %add3A_883 = arith.addi %mul3A_881, %add3A_882 : i32
      %dma_wait3A_884 = arith.constant 0 : i32
      %dma_wait3A_885 = arith.constant 0 : i32
      %dma_wait3A_886 = tpu.memref_slice %arg7[%add3A_883, %dma_wait3A_885] : memref<2048x16xf32, #tpu.memory_space<vmem>> -> memref<128x16xf32, #tpu.memory_space<vmem>>
      %dma_wait3A_887 = arith.constant 0 : i32
      %dma_wait3A_888 = tpu.memref_slice %arg6[%dma_wait3A_884, %dma_wait3A_887] : memref<2x1024xi32, #tpu.memory_space<vmem>> -> memref<1x128xi32, #tpu.memory_space<vmem>>
      %dma_wait3A_889 = tpu.memref_squeeze %dma_wait3A_888 : memref<1x128xi32, #tpu.memory_space<vmem>> -> memref<128xi32, #tpu.memory_space<vmem>>
      %dma_wait3A_890 = arith.constant 0 : i32
      %dma_wait3A_891 = arith.constant 0 : i32
      %dma_wait3A_892 = tpu.memref_slice %arg3[%dma_wait3A_890, %dma_wait3A_891] : memref<1000000x16xf32, #tpu.memory_space<hbm>> -> memref<1000000x16xf32, #tpu.memory_space<hbm>>
      tpu.wait_indirect_dma semaphore(%arg10 : memref<!tpu.dma_semaphore, #tpu.memory_space<semaphore_mem>>) src(%dma_wait3A_892 : memref<1000000x16xf32, #tpu.memory_space<hbm>>) dst(%dma_wait3A_886 : memref<128x16xf32, #tpu.memory_space<vmem>>)
      %add3A_893 = arith.constant 2 : i32
      %add3A_894 = arith.addi %scan3A_779, %add3A_893 : i32
      %lt3A = arith.constant 25 : i32
      %lt3A_895 = arith.cmpi slt, %add3A_894, %lt3A : i32
      %convert_element_type3A = arith.extui %lt3A_895 : i1 to i32
      %cond3A = arith.constant 0 : i32
      %cond3A_896 = arith.cmpi ne, %convert_element_type3A, %cond3A : i32
      scf.if %cond3A_896 {
        %add3A_1250 = arith.constant 2 : i32
        %add3A_1251 = arith.addi %scan3A_779, %add3A_1250 : i32
        %mul3A_1252 = arith.constant 25 : i32
        %mul3A_1253 = arith.muli %add3A, %mul3A_1252 : i32
        %add3A_1254 = arith.addi %mul3A_1253, %add3A_1251 : i32
        %shift_right_arithmetic3A_1255 = arith.constant 5 : i32
        %shift_right_arithmetic3A_1256 = arith.shrsi %add3A_1254, %shift_right_arithmetic3A_1255 : i32
        %and3A_1257 = arith.constant 31 : i32
        %and3A_1258 = arith.andi %add3A_1254, %and3A_1257 : i32
        %and3A_1259 = arith.constant 1 : i32
        %and3A_1260 = arith.andi %add3A_1251, %and3A_1259 : i32
        %dma_start3A_1261 = arith.constant 0 : i32
        %dma_start3A_1262 = tpu.memref_slice %arg6[%and3A_1260, %dma_start3A_1261] : memref<2x1024xi32, #tpu.memory_space<vmem>> -> memref<1x1024xi32, #tpu.memory_space<vmem>>
        %dma_start3A_1263 = tpu.memref_squeeze %dma_start3A_1262 : memref<1x1024xi32, #tpu.memory_space<vmem>> -> memref<1024xi32, #tpu.memory_space<vmem>>
        %dma_start3A_1264 = arith.constant 0 : i32
        %dma_start3A_1265 = tpu.memref_slice %arg2[%shift_right_arithmetic3A_1256, %and3A_1258, %dma_start3A_1264] : memref<25x32x1024xi32, #tpu.memory_space<hbm>> -> memref<1x1x1024xi32, #tpu.memory_space<hbm>>
        %dma_start3A_1266 = tpu.memref_squeeze %dma_start3A_1265 : memref<1x1x1024xi32, #tpu.memory_space<hbm>> -> memref<1024xi32, #tpu.memory_space<hbm>>
        %dma_start3A_1267 = arith.constant 0 : i32
        %dma_start3A_1268 = tpu.memref_slice %arg6[%and3A_1260, %dma_start3A_1267] : memref<2x1024xi32, #tpu.memory_space<vmem>> -> memref<1x1024xi32, #tpu.memory_space<vmem>>
        %dma_start3A_1269 = tpu.memref_squeeze %dma_start3A_1268 : memref<1x1024xi32, #tpu.memory_space<vmem>> -> memref<1024xi32, #tpu.memory_space<vmem>>
        %dma_start3A_1270 = arith.constant 0 : i32
        %dma_start3A_1271 = tpu.memref_slice %arg2[%shift_right_arithmetic3A_1256, %and3A_1258, %dma_start3A_1270] : memref<25x32x1024xi32, #tpu.memory_space<hbm>> -> memref<1x1x1024xi32, #tpu.memory_space<hbm>>
        %dma_start3A_1272 = tpu.memref_squeeze %dma_start3A_1271 : memref<1x1x1024xi32, #tpu.memory_space<hbm>> -> memref<1024xi32, #tpu.memory_space<hbm>>
        tpu.enqueue_dma source(%dma_start3A_1272 : memref<1024xi32, #tpu.memory_space<hbm>>) target(%dma_start3A_1269 : memref<1024xi32, #tpu.memory_space<vmem>>) target_semaphore(%arg12 : memref<!tpu.dma_semaphore, #tpu.memory_space<semaphore_mem>>)
      } else {
      }
      %add3A_897 = arith.constant 1 : i32
      %add3A_898 = arith.addi %scan3A_779, %add3A_897 : i32
      %lt3A_899 = arith.constant 25 : i32
      %lt3A_900 = arith.cmpi slt, %add3A_898, %lt3A_899 : i32
      %convert_element_type3A_901 = arith.extui %lt3A_900 : i1 to i32
      %cond3A_902 = arith.constant 0 : i32
      %cond3A_903 = arith.cmpi ne, %convert_element_type3A_901, %cond3A_902 : i32
      scf.if %cond3A_903 {
        %dma_wait3A_1250 = arith.constant 0 : i32
        %dma_wait3A_1251 = arith.constant 0 : i32
        %dma_wait3A_1252 = arith.constant 0 : i32
        %dma_wait3A_1253 = arith.constant 0 : i32
        %dma_wait3A_1254 = tpu.memref_slice %arg6[%dma_wait3A_1252, %dma_wait3A_1253] : memref<2x1024xi32, #tpu.memory_space<vmem>> -> memref<1x1024xi32, #tpu.memory_space<vmem>>
        %dma_wait3A_1255 = tpu.memref_squeeze %dma_wait3A_1254 : memref<1x1024xi32, #tpu.memory_space<vmem>> -> memref<1024xi32, #tpu.memory_space<vmem>>
        %dma_wait3A_1256 = arith.constant 0 : i32
        %dma_wait3A_1257 = tpu.memref_slice %arg2[%dma_wait3A_1250, %dma_wait3A_1251, %dma_wait3A_1256] : memref<25x32x1024xi32, #tpu.memory_space<hbm>> -> memref<1x1x1024xi32, #tpu.memory_space<hbm>>
        %dma_wait3A_1258 = tpu.memref_squeeze %dma_wait3A_1257 : memref<1x1x1024xi32, #tpu.memory_space<hbm>> -> memref<1024xi32, #tpu.memory_space<hbm>>
        %dma_wait3A_1259 = arith.constant 0 : i32
        %dma_wait3A_1260 = tpu.memref_slice %arg6[%dma_wait3A_1252, %dma_wait3A_1259] : memref<2x1024xi32, #tpu.memory_space<vmem>> -> memref<1x1024xi32, #tpu.memory_space<vmem>>
        %dma_wait3A_1261 = tpu.memref_squeeze %dma_wait3A_1260 : memref<1x1024xi32, #tpu.memory_space<vmem>> -> memref<1024xi32, #tpu.memory_space<vmem>>
        %dma_wait3A_1262 = arith.constant 0 : i32
        %dma_wait3A_1263 = tpu.memref_slice %arg2[%dma_wait3A_1250, %dma_wait3A_1251, %dma_wait3A_1262] : memref<25x32x1024xi32, #tpu.memory_space<hbm>> -> memref<1x1x1024xi32, #tpu.memory_space<hbm>>
        %dma_wait3A_1264 = tpu.memref_squeeze %dma_wait3A_1263 : memref<1x1x1024xi32, #tpu.memory_space<hbm>> -> memref<1024xi32, #tpu.memory_space<hbm>>
        tpu.wait_dma2 semaphore(%arg12 : memref<!tpu.dma_semaphore, #tpu.memory_space<semaphore_mem>>) src(%dma_wait3A_1264 : memref<1024xi32, #tpu.memory_space<hbm>>) dst(%dma_wait3A_1261 : memref<1024xi32, #tpu.memory_space<vmem>>)
        %sub3A = arith.constant 1 : i32
        %sub3A_1265 = arith.subi %sub3A, %and3A_781 : i32
        %mul3A_1266 = arith.constant 1024 : i32
        %mul3A_1267 = arith.muli %sub3A_1265, %mul3A_1266 : i32
        %add3A_1268 = arith.constant 0 : i32
        %add3A_1269 = arith.addi %mul3A_1267, %add3A_1268 : i32
        %dma_start3A_1270 = arith.constant 0 : i32
        %dma_start3A_1271 = tpu.memref_slice %arg7[%add3A_1269, %dma_start3A_1270] : memref<2048x16xf32, #tpu.memory_space<vmem>> -> memref<128x16xf32, #tpu.memory_space<vmem>>
        %dma_start3A_1272 = arith.constant 0 : i32
        %dma_start3A_1273 = tpu.memref_slice %arg6[%sub3A_1265, %dma_start3A_1272] : memref<2x1024xi32, #tpu.memory_space<vmem>> -> memref<1x128xi32, #tpu.memory_space<vmem>>
        %dma_start3A_1274 = tpu.memref_squeeze %dma_start3A_1273 : memref<1x128xi32, #tpu.memory_space<vmem>> -> memref<128xi32, #tpu.memory_space<vmem>>
        %dma_start3A_1275 = arith.constant 0 : i32
        %dma_start3A_1276 = arith.constant 0 : i32
        %dma_start3A_1277 = tpu.memref_slice %arg3[%dma_start3A_1275, %dma_start3A_1276] : memref<1000000x16xf32, #tpu.memory_space<hbm>> -> memref<1000000x16xf32, #tpu.memory_space<hbm>>
        tpu.enqueue_indirect_dma source(%dma_start3A_1277 : memref<1000000x16xf32, #tpu.memory_space<hbm>>) target(%dma_start3A_1271 : memref<128x16xf32, #tpu.memory_space<vmem>>) offsets(%dma_start3A_1274 : memref<128xi32, #tpu.memory_space<vmem>>) semaphore(%arg10 : memref<!tpu.dma_semaphore, #tpu.memory_space<semaphore_mem>>)
        %mul3A_1278 = arith.constant 1024 : i32
        %mul3A_1279 = arith.muli %sub3A_1265, %mul3A_1278 : i32
        %add3A_1280 = arith.constant 128 : i32
        %add3A_1281 = arith.addi %mul3A_1279, %add3A_1280 : i32
        %dma_start3A_1282 = arith.constant 0 : i32
        %dma_start3A_1283 = tpu.memref_slice %arg7[%add3A_1281, %dma_start3A_1282] : memref<2048x16xf32, #tpu.memory_space<vmem>> -> memref<128x16xf32, #tpu.memory_space<vmem>>
        %dma_start3A_1284 = arith.constant 128 : i32
        %dma_start3A_1285 = tpu.memref_slice %arg6[%sub3A_1265, %dma_start3A_1284] : memref<2x1024xi32, #tpu.memory_space<vmem>> -> memref<1x128xi32, #tpu.memory_space<vmem>>
        %dma_start3A_1286 = tpu.memref_squeeze %dma_start3A_1285 : memref<1x128xi32, #tpu.memory_space<vmem>> -> memref<128xi32, #tpu.memory_space<vmem>>
        %dma_start3A_1287 = arith.constant 0 : i32
        %dma_start3A_1288 = arith.constant 0 : i32
        %dma_start3A_1289 = tpu.memref_slice %arg3[%dma_start3A_1287, %dma_start3A_1288] : memref<1000000x16xf32, #tpu.memory_space<hbm>> -> memref<1000000x16xf32, #tpu.memory_space<hbm>>
        tpu.enqueue_indirect_dma source(%dma_start3A_1289 : memref<1000000x16xf32, #tpu.memory_space<hbm>>) target(%dma_start3A_1283 : memref<128x16xf32, #tpu.memory_space<vmem>>) offsets(%dma_start3A_1286 : memref<128xi32, #tpu.memory_space<vmem>>) semaphore(%arg10 : memref<!tpu.dma_semaphore, #tpu.memory_space<semaphore_mem>>)
        %mul3A_1290 = arith.constant 1024 : i32
        %mul3A_1291 = arith.muli %sub3A_1265, %mul3A_1290 : i32
        %add3A_1292 = arith.constant 256 : i32
        %add3A_1293 = arith.addi %mul3A_1291, %add3A_1292 : i32
        %dma_start3A_1294 = arith.constant 0 : i32
        %dma_start3A_1295 = tpu.memref_slice %arg7[%add3A_1293, %dma_start3A_1294] : memref<2048x16xf32, #tpu.memory_space<vmem>> -> memref<128x16xf32, #tpu.memory_space<vmem>>
        %dma_start3A_1296 = arith.constant 256 : i32
        %dma_start3A_1297 = tpu.memref_slice %arg6[%sub3A_1265, %dma_start3A_1296] : memref<2x1024xi32, #tpu.memory_space<vmem>> -> memref<1x128xi32, #tpu.memory_space<vmem>>
        %dma_start3A_1298 = tpu.memref_squeeze %dma_start3A_1297 : memref<1x128xi32, #tpu.memory_space<vmem>> -> memref<128xi32, #tpu.memory_space<vmem>>
        %dma_start3A_1299 = arith.constant 0 : i32
        %dma_start3A_1300 = arith.constant 0 : i32
        %dma_start3A_1301 = tpu.memref_slice %arg3[%dma_start3A_1299, %dma_start3A_1300] : memref<1000000x16xf32, #tpu.memory_space<hbm>> -> memref<1000000x16xf32, #tpu.memory_space<hbm>>
        tpu.enqueue_indirect_dma source(%dma_start3A_1301 : memref<1000000x16xf32, #tpu.memory_space<hbm>>) target(%dma_start3A_1295 : memref<128x16xf32, #tpu.memory_space<vmem>>) offsets(%dma_start3A_1298 : memref<128xi32, #tpu.memory_space<vmem>>) semaphore(%arg10 : memref<!tpu.dma_semaphore, #tpu.memory_space<semaphore_mem>>)
        %mul3A_1302 = arith.constant 1024 : i32
        %mul3A_1303 = arith.muli %sub3A_1265, %mul3A_1302 : i32
        %add3A_1304 = arith.constant 384 : i32
        %add3A_1305 = arith.addi %mul3A_1303, %add3A_1304 : i32
        %dma_start3A_1306 = arith.constant 0 : i32
        %dma_start3A_1307 = tpu.memref_slice %arg7[%add3A_1305, %dma_start3A_1306] : memref<2048x16xf32, #tpu.memory_space<vmem>> -> memref<128x16xf32, #tpu.memory_space<vmem>>
        %dma_start3A_1308 = arith.constant 384 : i32
        %dma_start3A_1309 = tpu.memref_slice %arg6[%sub3A_1265, %dma_start3A_1308] : memref<2x1024xi32, #tpu.memory_space<vmem>> -> memref<1x128xi32, #tpu.memory_space<vmem>>
        %dma_start3A_1310 = tpu.memref_squeeze %dma_start3A_1309 : memref<1x128xi32, #tpu.memory_space<vmem>> -> memref<128xi32, #tpu.memory_space<vmem>>
        %dma_start3A_1311 = arith.constant 0 : i32
        %dma_start3A_1312 = arith.constant 0 : i32
        %dma_start3A_1313 = tpu.memref_slice %arg3[%dma_start3A_1311, %dma_start3A_1312] : memref<1000000x16xf32, #tpu.memory_space<hbm>> -> memref<1000000x16xf32, #tpu.memory_space<hbm>>
        tpu.enqueue_indirect_dma source(%dma_start3A_1313 : memref<1000000x16xf32, #tpu.memory_space<hbm>>) target(%dma_start3A_1307 : memref<128x16xf32, #tpu.memory_space<vmem>>) offsets(%dma_start3A_1310 : memref<128xi32, #tpu.memory_space<vmem>>) semaphore(%arg10 : memref<!tpu.dma_semaphore, #tpu.memory_space<semaphore_mem>>)
        %mul3A_1314 = arith.constant 1024 : i32
        %mul3A_1315 = arith.muli %sub3A_1265, %mul3A_1314 : i32
        %add3A_1316 = arith.constant 512 : i32
        %add3A_1317 = arith.addi %mul3A_1315, %add3A_1316 : i32
        %dma_start3A_1318 = arith.constant 0 : i32
        %dma_start3A_1319 = tpu.memref_slice %arg7[%add3A_1317, %dma_start3A_1318] : memref<2048x16xf32, #tpu.memory_space<vmem>> -> memref<128x16xf32, #tpu.memory_space<vmem>>
        %dma_start3A_1320 = arith.constant 512 : i32
        %dma_start3A_1321 = tpu.memref_slice %arg6[%sub3A_1265, %dma_start3A_1320] : memref<2x1024xi32, #tpu.memory_space<vmem>> -> memref<1x128xi32, #tpu.memory_space<vmem>>
        %dma_start3A_1322 = tpu.memref_squeeze %dma_start3A_1321 : memref<1x128xi32, #tpu.memory_space<vmem>> -> memref<128xi32, #tpu.memory_space<vmem>>
        %dma_start3A_1323 = arith.constant 0 : i32
        %dma_start3A_1324 = arith.constant 0 : i32
        %dma_start3A_1325 = tpu.memref_slice %arg3[%dma_start3A_1323, %dma_start3A_1324] : memref<1000000x16xf32, #tpu.memory_space<hbm>> -> memref<1000000x16xf32, #tpu.memory_space<hbm>>
        tpu.enqueue_indirect_dma source(%dma_start3A_1325 : memref<1000000x16xf32, #tpu.memory_space<hbm>>) target(%dma_start3A_1319 : memref<128x16xf32, #tpu.memory_space<vmem>>) offsets(%dma_start3A_1322 : memref<128xi32, #tpu.memory_space<vmem>>) semaphore(%arg10 : memref<!tpu.dma_semaphore, #tpu.memory_space<semaphore_mem>>)
        %mul3A_1326 = arith.constant 1024 : i32
        %mul3A_1327 = arith.muli %sub3A_1265, %mul3A_1326 : i32
        %add3A_1328 = arith.constant 640 : i32
        %add3A_1329 = arith.addi %mul3A_1327, %add3A_1328 : i32
        %dma_start3A_1330 = arith.constant 0 : i32
        %dma_start3A_1331 = tpu.memref_slice %arg7[%add3A_1329, %dma_start3A_1330] : memref<2048x16xf32, #tpu.memory_space<vmem>> -> memref<128x16xf32, #tpu.memory_space<vmem>>
        %dma_start3A_1332 = arith.constant 640 : i32
        %dma_start3A_1333 = tpu.memref_slice %arg6[%sub3A_1265, %dma_start3A_1332] : memref<2x1024xi32, #tpu.memory_space<vmem>> -> memref<1x128xi32, #tpu.memory_space<vmem>>
        %dma_start3A_1334 = tpu.memref_squeeze %dma_start3A_1333 : memref<1x128xi32, #tpu.memory_space<vmem>> -> memref<128xi32, #tpu.memory_space<vmem>>
        %dma_start3A_1335 = arith.constant 0 : i32
        %dma_start3A_1336 = arith.constant 0 : i32
        %dma_start3A_1337 = tpu.memref_slice %arg3[%dma_start3A_1335, %dma_start3A_1336] : memref<1000000x16xf32, #tpu.memory_space<hbm>> -> memref<1000000x16xf32, #tpu.memory_space<hbm>>
        tpu.enqueue_indirect_dma source(%dma_start3A_1337 : memref<1000000x16xf32, #tpu.memory_space<hbm>>) target(%dma_start3A_1331 : memref<128x16xf32, #tpu.memory_space<vmem>>) offsets(%dma_start3A_1334 : memref<128xi32, #tpu.memory_space<vmem>>) semaphore(%arg10 : memref<!tpu.dma_semaphore, #tpu.memory_space<semaphore_mem>>)
        %mul3A_1338 = arith.constant 1024 : i32
        %mul3A_1339 = arith.muli %sub3A_1265, %mul3A_1338 : i32
        %add3A_1340 = arith.constant 768 : i32
        %add3A_1341 = arith.addi %mul3A_1339, %add3A_1340 : i32
        %dma_start3A_1342 = arith.constant 0 : i32
        %dma_start3A_1343 = tpu.memref_slice %arg7[%add3A_1341, %dma_start3A_1342] : memref<2048x16xf32, #tpu.memory_space<vmem>> -> memref<128x16xf32, #tpu.memory_space<vmem>>
        %dma_start3A_1344 = arith.constant 768 : i32
        %dma_start3A_1345 = tpu.memref_slice %arg6[%sub3A_1265, %dma_start3A_1344] : memref<2x1024xi32, #tpu.memory_space<vmem>> -> memref<1x128xi32, #tpu.memory_space<vmem>>
        %dma_start3A_1346 = tpu.memref_squeeze %dma_start3A_1345 : memref<1x128xi32, #tpu.memory_space<vmem>> -> memref<128xi32, #tpu.memory_space<vmem>>
        %dma_start3A_1347 = arith.constant 0 : i32
        %dma_start3A_1348 = arith.constant 0 : i32
        %dma_start3A_1349 = tpu.memref_slice %arg3[%dma_start3A_1347, %dma_start3A_1348] : memref<1000000x16xf32, #tpu.memory_space<hbm>> -> memref<1000000x16xf32, #tpu.memory_space<hbm>>
        tpu.enqueue_indirect_dma source(%dma_start3A_1349 : memref<1000000x16xf32, #tpu.memory_space<hbm>>) target(%dma_start3A_1343 : memref<128x16xf32, #tpu.memory_space<vmem>>) offsets(%dma_start3A_1346 : memref<128xi32, #tpu.memory_space<vmem>>) semaphore(%arg10 : memref<!tpu.dma_semaphore, #tpu.memory_space<semaphore_mem>>)
        %mul3A_1350 = arith.constant 1024 : i32
        %mul3A_1351 = arith.muli %sub3A_1265, %mul3A_1350 : i32
        %add3A_1352 = arith.constant 896 : i32
        %add3A_1353 = arith.addi %mul3A_1351, %add3A_1352 : i32
        %dma_start3A_1354 = arith.constant 0 : i32
        %dma_start3A_1355 = tpu.memref_slice %arg7[%add3A_1353, %dma_start3A_1354] : memref<2048x16xf32, #tpu.memory_space<vmem>> -> memref<128x16xf32, #tpu.memory_space<vmem>>
        %dma_start3A_1356 = arith.constant 896 : i32
        %dma_start3A_1357 = tpu.memref_slice %arg6[%sub3A_1265, %dma_start3A_1356] : memref<2x1024xi32, #tpu.memory_space<vmem>> -> memref<1x128xi32, #tpu.memory_space<vmem>>
        %dma_start3A_1358 = tpu.memref_squeeze %dma_start3A_1357 : memref<1x128xi32, #tpu.memory_space<vmem>> -> memref<128xi32, #tpu.memory_space<vmem>>
        %dma_start3A_1359 = arith.constant 0 : i32
        %dma_start3A_1360 = arith.constant 0 : i32
        %dma_start3A_1361 = tpu.memref_slice %arg3[%dma_start3A_1359, %dma_start3A_1360] : memref<1000000x16xf32, #tpu.memory_space<hbm>> -> memref<1000000x16xf32, #tpu.memory_space<hbm>>
        tpu.enqueue_indirect_dma source(%dma_start3A_1361 : memref<1000000x16xf32, #tpu.memory_space<hbm>>) target(%dma_start3A_1355 : memref<128x16xf32, #tpu.memory_space<vmem>>) offsets(%dma_start3A_1358 : memref<128xi32, #tpu.memory_space<vmem>>) semaphore(%arg10 : memref<!tpu.dma_semaphore, #tpu.memory_space<semaphore_mem>>)
      } else {
      }
      %ge3A = arith.constant 2 : i32
      %ge3A_904 = arith.cmpi sge, %scan3A_779, %ge3A : i32
      %convert_element_type3A_905 = arith.extui %ge3A_904 : i1 to i32
      %cond3A_906 = arith.constant 0 : i32
      %cond3A_907 = arith.cmpi ne, %convert_element_type3A_905, %cond3A_906 : i32
      scf.if %cond3A_907 {
        %dma_wait3A_1250 = arith.constant 0 : i32
        %dma_wait3A_1251 = arith.constant 0 : i32
        %dma_wait3A_1252 = arith.constant 0 : i32
        %dma_wait3A_1253 = arith.constant 0 : i32
        %dma_wait3A_1254 = arith.constant 0 : i32
        %dma_wait3A_1255 = tpu.memref_slice %arg8[%and3A_781, %dma_wait3A_1253, %dma_wait3A_1254] : memref<2x128x136xf32, #tpu.memory_space<vmem>> -> memref<1x8x128xf32, #tpu.memory_space<vmem>>
        %dma_wait3A_1256 = tpu.memref_squeeze %dma_wait3A_1255 : memref<1x8x128xf32, #tpu.memory_space<vmem>> -> memref<8x128xf32, #tpu.memory_space<vmem>>
        %dma_wait3A_1257 = arith.constant 0 : i32
        %dma_wait3A_1258 = arith.constant 0 : i32
        %dma_wait3A_1259 = tpu.memref_slice %arg5[%dma_wait3A_1250, %dma_wait3A_1251, %dma_wait3A_1252, %dma_wait3A_1257, %dma_wait3A_1258] : memref<200x2x32x8x128xf32, #tpu.memory_space<hbm>> -> memref<1x1x1x8x128xf32, #tpu.memory_space<hbm>>
        %dma_wait3A_1260 = tpu.memref_squeeze %dma_wait3A_1259 : memref<1x1x1x8x128xf32, #tpu.memory_space<hbm>> -> memref<8x128xf32, #tpu.memory_space<hbm>>
        %dma_wait3A_1261 = arith.constant 0 : i32
        %dma_wait3A_1262 = arith.constant 0 : i32
        %dma_wait3A_1263 = tpu.memref_slice %arg5[%dma_wait3A_1250, %dma_wait3A_1251, %dma_wait3A_1252, %dma_wait3A_1261, %dma_wait3A_1262] : memref<200x2x32x8x128xf32, #tpu.memory_space<hbm>> -> memref<1x1x1x8x128xf32, #tpu.memory_space<hbm>>
        %dma_wait3A_1264 = tpu.memref_squeeze %dma_wait3A_1263 : memref<1x1x1x8x128xf32, #tpu.memory_space<hbm>> -> memref<8x128xf32, #tpu.memory_space<hbm>>
        %dma_wait3A_1265 = arith.constant 0 : i32
        %dma_wait3A_1266 = arith.constant 0 : i32
        %dma_wait3A_1267 = tpu.memref_slice %arg8[%and3A_781, %dma_wait3A_1265, %dma_wait3A_1266] : memref<2x128x136xf32, #tpu.memory_space<vmem>> -> memref<1x8x128xf32, #tpu.memory_space<vmem>>
        %dma_wait3A_1268 = tpu.memref_squeeze %dma_wait3A_1267 : memref<1x8x128xf32, #tpu.memory_space<vmem>> -> memref<8x128xf32, #tpu.memory_space<vmem>>
        tpu.wait_dma2 semaphore(%arg11 : memref<!tpu.dma_semaphore, #tpu.memory_space<semaphore_mem>>) src(%dma_wait3A_1268 : memref<8x128xf32, #tpu.memory_space<vmem>>) dst(%dma_wait3A_1264 : memref<8x128xf32, #tpu.memory_space<hbm>>)
        %dma_wait3A_1269 = arith.constant 0 : i32
        %dma_wait3A_1270 = arith.constant 1 : i32
        %dma_wait3A_1271 = arith.constant 0 : i32
        %dma_wait3A_1272 = arith.constant 8 : i32
        %dma_wait3A_1273 = arith.constant 0 : i32
        %dma_wait3A_1274 = tpu.memref_slice %arg8[%and3A_781, %dma_wait3A_1272, %dma_wait3A_1273] : memref<2x128x136xf32, #tpu.memory_space<vmem>> -> memref<1x8x128xf32, #tpu.memory_space<vmem>>
        %dma_wait3A_1275 = tpu.memref_squeeze %dma_wait3A_1274 : memref<1x8x128xf32, #tpu.memory_space<vmem>> -> memref<8x128xf32, #tpu.memory_space<vmem>>
        %dma_wait3A_1276 = arith.constant 0 : i32
        %dma_wait3A_1277 = arith.constant 0 : i32
        %dma_wait3A_1278 = tpu.memref_slice %arg5[%dma_wait3A_1269, %dma_wait3A_1270, %dma_wait3A_1271, %dma_wait3A_1276, %dma_wait3A_1277] : memref<200x2x32x8x128xf32, #tpu.memory_space<hbm>> -> memref<1x1x1x8x128xf32, #tpu.memory_space<hbm>>
        %dma_wait3A_1279 = tpu.memref_squeeze %dma_wait3A_1278 : memref<1x1x1x8x128xf32, #tpu.memory_space<hbm>> -> memref<8x128xf32, #tpu.memory_space<hbm>>
        %dma_wait3A_1280 = arith.constant 0 : i32
        %dma_wait3A_1281 = arith.constant 0 : i32
        %dma_wait3A_1282 = tpu.memref_slice %arg5[%dma_wait3A_1269, %dma_wait3A_1270, %dma_wait3A_1271, %dma_wait3A_1280, %dma_wait3A_1281] : memref<200x2x32x8x128xf32, #tpu.memory_space<hbm>> -> memref<1x1x1x8x128xf32, #tpu.memory_space<hbm>>
        %dma_wait3A_1283 = tpu.memref_squeeze %dma_wait3A_1282 : memref<1x1x1x8x128xf32, #tpu.memory_space<hbm>> -> memref<8x128xf32, #tpu.memory_space<hbm>>
        %dma_wait3A_1284 = arith.constant 8 : i32
        %dma_wait3A_1285 = arith.constant 0 : i32
        %dma_wait3A_1286 = tpu.memref_slice %arg8[%and3A_781, %dma_wait3A_1284, %dma_wait3A_1285] : memref<2x128x136xf32, #tpu.memory_space<vmem>> -> memref<1x8x128xf32, #tpu.memory_space<vmem>>
        %dma_wait3A_1287 = tpu.memref_squeeze %dma_wait3A_1286 : memref<1x8x128xf32, #tpu.memory_space<vmem>> -> memref<8x128xf32, #tpu.memory_space<vmem>>
        tpu.wait_dma2 semaphore(%arg11 : memref<!tpu.dma_semaphore, #tpu.memory_space<semaphore_mem>>) src(%dma_wait3A_1287 : memref<8x128xf32, #tpu.memory_space<vmem>>) dst(%dma_wait3A_1283 : memref<8x128xf32, #tpu.memory_space<hbm>>)
        %dma_wait3A_1288 = arith.constant 1 : i32
        %dma_wait3A_1289 = arith.constant 0 : i32
        %dma_wait3A_1290 = arith.constant 0 : i32
        %dma_wait3A_1291 = arith.constant 16 : i32
        %dma_wait3A_1292 = arith.constant 0 : i32
        %dma_wait3A_1293 = tpu.memref_slice %arg8[%and3A_781, %dma_wait3A_1291, %dma_wait3A_1292] : memref<2x128x136xf32, #tpu.memory_space<vmem>> -> memref<1x8x128xf32, #tpu.memory_space<vmem>>
        %dma_wait3A_1294 = tpu.memref_squeeze %dma_wait3A_1293 : memref<1x8x128xf32, #tpu.memory_space<vmem>> -> memref<8x128xf32, #tpu.memory_space<vmem>>
        %dma_wait3A_1295 = arith.constant 0 : i32
        %dma_wait3A_1296 = arith.constant 0 : i32
        %dma_wait3A_1297 = tpu.memref_slice %arg5[%dma_wait3A_1288, %dma_wait3A_1289, %dma_wait3A_1290, %dma_wait3A_1295, %dma_wait3A_1296] : memref<200x2x32x8x128xf32, #tpu.memory_space<hbm>> -> memref<1x1x1x8x128xf32, #tpu.memory_space<hbm>>
        %dma_wait3A_1298 = tpu.memref_squeeze %dma_wait3A_1297 : memref<1x1x1x8x128xf32, #tpu.memory_space<hbm>> -> memref<8x128xf32, #tpu.memory_space<hbm>>
        %dma_wait3A_1299 = arith.constant 0 : i32
        %dma_wait3A_1300 = arith.constant 0 : i32
        %dma_wait3A_1301 = tpu.memref_slice %arg5[%dma_wait3A_1288, %dma_wait3A_1289, %dma_wait3A_1290, %dma_wait3A_1299, %dma_wait3A_1300] : memref<200x2x32x8x128xf32, #tpu.memory_space<hbm>> -> memref<1x1x1x8x128xf32, #tpu.memory_space<hbm>>
        %dma_wait3A_1302 = tpu.memref_squeeze %dma_wait3A_1301 : memref<1x1x1x8x128xf32, #tpu.memory_space<hbm>> -> memref<8x128xf32, #tpu.memory_space<hbm>>
        %dma_wait3A_1303 = arith.constant 16 : i32
        %dma_wait3A_1304 = arith.constant 0 : i32
        %dma_wait3A_1305 = tpu.memref_slice %arg8[%and3A_781, %dma_wait3A_1303, %dma_wait3A_1304] : memref<2x128x136xf32, #tpu.memory_space<vmem>> -> memref<1x8x128xf32, #tpu.memory_space<vmem>>
        %dma_wait3A_1306 = tpu.memref_squeeze %dma_wait3A_1305 : memref<1x8x128xf32, #tpu.memory_space<vmem>> -> memref<8x128xf32, #tpu.memory_space<vmem>>
        tpu.wait_dma2 semaphore(%arg11 : memref<!tpu.dma_semaphore, #tpu.memory_space<semaphore_mem>>) src(%dma_wait3A_1306 : memref<8x128xf32, #tpu.memory_space<vmem>>) dst(%dma_wait3A_1302 : memref<8x128xf32, #tpu.memory_space<hbm>>)
        %dma_wait3A_1307 = arith.constant 1 : i32
        %dma_wait3A_1308 = arith.constant 1 : i32
        %dma_wait3A_1309 = arith.constant 0 : i32
        %dma_wait3A_1310 = arith.constant 24 : i32
        %dma_wait3A_1311 = arith.constant 0 : i32
        %dma_wait3A_1312 = tpu.memref_slice %arg8[%and3A_781, %dma_wait3A_1310, %dma_wait3A_1311] : memref<2x128x136xf32, #tpu.memory_space<vmem>> -> memref<1x8x128xf32, #tpu.memory_space<vmem>>
        %dma_wait3A_1313 = tpu.memref_squeeze %dma_wait3A_1312 : memref<1x8x128xf32, #tpu.memory_space<vmem>> -> memref<8x128xf32, #tpu.memory_space<vmem>>
        %dma_wait3A_1314 = arith.constant 0 : i32
        %dma_wait3A_1315 = arith.constant 0 : i32
        %dma_wait3A_1316 = tpu.memref_slice %arg5[%dma_wait3A_1307, %dma_wait3A_1308, %dma_wait3A_1309, %dma_wait3A_1314, %dma_wait3A_1315] : memref<200x2x32x8x128xf32, #tpu.memory_space<hbm>> -> memref<1x1x1x8x128xf32, #tpu.memory_space<hbm>>
        %dma_wait3A_1317 = tpu.memref_squeeze %dma_wait3A_1316 : memref<1x1x1x8x128xf32, #tpu.memory_space<hbm>> -> memref<8x128xf32, #tpu.memory_space<hbm>>
        %dma_wait3A_1318 = arith.constant 0 : i32
        %dma_wait3A_1319 = arith.constant 0 : i32
        %dma_wait3A_1320 = tpu.memref_slice %arg5[%dma_wait3A_1307, %dma_wait3A_1308, %dma_wait3A_1309, %dma_wait3A_1318, %dma_wait3A_1319] : memref<200x2x32x8x128xf32, #tpu.memory_space<hbm>> -> memref<1x1x1x8x128xf32, #tpu.memory_space<hbm>>
        %dma_wait3A_1321 = tpu.memref_squeeze %dma_wait3A_1320 : memref<1x1x1x8x128xf32, #tpu.memory_space<hbm>> -> memref<8x128xf32, #tpu.memory_space<hbm>>
        %dma_wait3A_1322 = arith.constant 24 : i32
        %dma_wait3A_1323 = arith.constant 0 : i32
        %dma_wait3A_1324 = tpu.memref_slice %arg8[%and3A_781, %dma_wait3A_1322, %dma_wait3A_1323] : memref<2x128x136xf32, #tpu.memory_space<vmem>> -> memref<1x8x128xf32, #tpu.memory_space<vmem>>
        %dma_wait3A_1325 = tpu.memref_squeeze %dma_wait3A_1324 : memref<1x8x128xf32, #tpu.memory_space<vmem>> -> memref<8x128xf32, #tpu.memory_space<vmem>>
        tpu.wait_dma2 semaphore(%arg11 : memref<!tpu.dma_semaphore, #tpu.memory_space<semaphore_mem>>) src(%dma_wait3A_1325 : memref<8x128xf32, #tpu.memory_space<vmem>>) dst(%dma_wait3A_1321 : memref<8x128xf32, #tpu.memory_space<hbm>>)
        %dma_wait3A_1326 = arith.constant 2 : i32
        %dma_wait3A_1327 = arith.constant 0 : i32
        %dma_wait3A_1328 = arith.constant 0 : i32
        %dma_wait3A_1329 = arith.constant 32 : i32
        %dma_wait3A_1330 = arith.constant 0 : i32
        %dma_wait3A_1331 = tpu.memref_slice %arg8[%and3A_781, %dma_wait3A_1329, %dma_wait3A_1330] : memref<2x128x136xf32, #tpu.memory_space<vmem>> -> memref<1x8x128xf32, #tpu.memory_space<vmem>>
        %dma_wait3A_1332 = tpu.memref_squeeze %dma_wait3A_1331 : memref<1x8x128xf32, #tpu.memory_space<vmem>> -> memref<8x128xf32, #tpu.memory_space<vmem>>
        %dma_wait3A_1333 = arith.constant 0 : i32
        %dma_wait3A_1334 = arith.constant 0 : i32
        %dma_wait3A_1335 = tpu.memref_slice %arg5[%dma_wait3A_1326, %dma_wait3A_1327, %dma_wait3A_1328, %dma_wait3A_1333, %dma_wait3A_1334] : memref<200x2x32x8x128xf32, #tpu.memory_space<hbm>> -> memref<1x1x1x8x128xf32, #tpu.memory_space<hbm>>
        %dma_wait3A_1336 = tpu.memref_squeeze %dma_wait3A_1335 : memref<1x1x1x8x128xf32, #tpu.memory_space<hbm>> -> memref<8x128xf32, #tpu.memory_space<hbm>>
        %dma_wait3A_1337 = arith.constant 0 : i32
        %dma_wait3A_1338 = arith.constant 0 : i32
        %dma_wait3A_1339 = tpu.memref_slice %arg5[%dma_wait3A_1326, %dma_wait3A_1327, %dma_wait3A_1328, %dma_wait3A_1337, %dma_wait3A_1338] : memref<200x2x32x8x128xf32, #tpu.memory_space<hbm>> -> memref<1x1x1x8x128xf32, #tpu.memory_space<hbm>>
        %dma_wait3A_1340 = tpu.memref_squeeze %dma_wait3A_1339 : memref<1x1x1x8x128xf32, #tpu.memory_space<hbm>> -> memref<8x128xf32, #tpu.memory_space<hbm>>
        %dma_wait3A_1341 = arith.constant 32 : i32
        %dma_wait3A_1342 = arith.constant 0 : i32
        %dma_wait3A_1343 = tpu.memref_slice %arg8[%and3A_781, %dma_wait3A_1341, %dma_wait3A_1342] : memref<2x128x136xf32, #tpu.memory_space<vmem>> -> memref<1x8x128xf32, #tpu.memory_space<vmem>>
        %dma_wait3A_1344 = tpu.memref_squeeze %dma_wait3A_1343 : memref<1x8x128xf32, #tpu.memory_space<vmem>> -> memref<8x128xf32, #tpu.memory_space<vmem>>
        tpu.wait_dma2 semaphore(%arg11 : memref<!tpu.dma_semaphore, #tpu.memory_space<semaphore_mem>>) src(%dma_wait3A_1344 : memref<8x128xf32, #tpu.memory_space<vmem>>) dst(%dma_wait3A_1340 : memref<8x128xf32, #tpu.memory_space<hbm>>)
        %dma_wait3A_1345 = arith.constant 2 : i32
        %dma_wait3A_1346 = arith.constant 1 : i32
        %dma_wait3A_1347 = arith.constant 0 : i32
        %dma_wait3A_1348 = arith.constant 40 : i32
        %dma_wait3A_1349 = arith.constant 0 : i32
        %dma_wait3A_1350 = tpu.memref_slice %arg8[%and3A_781, %dma_wait3A_1348, %dma_wait3A_1349] : memref<2x128x136xf32, #tpu.memory_space<vmem>> -> memref<1x8x128xf32, #tpu.memory_space<vmem>>
        %dma_wait3A_1351 = tpu.memref_squeeze %dma_wait3A_1350 : memref<1x8x128xf32, #tpu.memory_space<vmem>> -> memref<8x128xf32, #tpu.memory_space<vmem>>
        %dma_wait3A_1352 = arith.constant 0 : i32
        %dma_wait3A_1353 = arith.constant 0 : i32
        %dma_wait3A_1354 = tpu.memref_slice %arg5[%dma_wait3A_1345, %dma_wait3A_1346, %dma_wait3A_1347, %dma_wait3A_1352, %dma_wait3A_1353] : memref<200x2x32x8x128xf32, #tpu.memory_space<hbm>> -> memref<1x1x1x8x128xf32, #tpu.memory_space<hbm>>
        %dma_wait3A_1355 = tpu.memref_squeeze %dma_wait3A_1354 : memref<1x1x1x8x128xf32, #tpu.memory_space<hbm>> -> memref<8x128xf32, #tpu.memory_space<hbm>>
        %dma_wait3A_1356 = arith.constant 0 : i32
        %dma_wait3A_1357 = arith.constant 0 : i32
        %dma_wait3A_1358 = tpu.memref_slice %arg5[%dma_wait3A_1345, %dma_wait3A_1346, %dma_wait3A_1347, %dma_wait3A_1356, %dma_wait3A_1357] : memref<200x2x32x8x128xf32, #tpu.memory_space<hbm>> -> memref<1x1x1x8x128xf32, #tpu.memory_space<hbm>>
        %dma_wait3A_1359 = tpu.memref_squeeze %dma_wait3A_1358 : memref<1x1x1x8x128xf32, #tpu.memory_space<hbm>> -> memref<8x128xf32, #tpu.memory_space<hbm>>
        %dma_wait3A_1360 = arith.constant 40 : i32
        %dma_wait3A_1361 = arith.constant 0 : i32
        %dma_wait3A_1362 = tpu.memref_slice %arg8[%and3A_781, %dma_wait3A_1360, %dma_wait3A_1361] : memref<2x128x136xf32, #tpu.memory_space<vmem>> -> memref<1x8x128xf32, #tpu.memory_space<vmem>>
        %dma_wait3A_1363 = tpu.memref_squeeze %dma_wait3A_1362 : memref<1x8x128xf32, #tpu.memory_space<vmem>> -> memref<8x128xf32, #tpu.memory_space<vmem>>
        tpu.wait_dma2 semaphore(%arg11 : memref<!tpu.dma_semaphore, #tpu.memory_space<semaphore_mem>>) src(%dma_wait3A_1363 : memref<8x128xf32, #tpu.memory_space<vmem>>) dst(%dma_wait3A_1359 : memref<8x128xf32, #tpu.memory_space<hbm>>)
        %dma_wait3A_1364 = arith.constant 3 : i32
        %dma_wait3A_1365 = arith.constant 0 : i32
        %dma_wait3A_1366 = arith.constant 0 : i32
        %dma_wait3A_1367 = arith.constant 48 : i32
        %dma_wait3A_1368 = arith.constant 0 : i32
        %dma_wait3A_1369 = tpu.memref_slice %arg8[%and3A_781, %dma_wait3A_1367, %dma_wait3A_1368] : memref<2x128x136xf32, #tpu.memory_space<vmem>> -> memref<1x8x128xf32, #tpu.memory_space<vmem>>
        %dma_wait3A_1370 = tpu.memref_squeeze %dma_wait3A_1369 : memref<1x8x128xf32, #tpu.memory_space<vmem>> -> memref<8x128xf32, #tpu.memory_space<vmem>>
        %dma_wait3A_1371 = arith.constant 0 : i32
        %dma_wait3A_1372 = arith.constant 0 : i32
        %dma_wait3A_1373 = tpu.memref_slice %arg5[%dma_wait3A_1364, %dma_wait3A_1365, %dma_wait3A_1366, %dma_wait3A_1371, %dma_wait3A_1372] : memref<200x2x32x8x128xf32, #tpu.memory_space<hbm>> -> memref<1x1x1x8x128xf32, #tpu.memory_space<hbm>>
        %dma_wait3A_1374 = tpu.memref_squeeze %dma_wait3A_1373 : memref<1x1x1x8x128xf32, #tpu.memory_space<hbm>> -> memref<8x128xf32, #tpu.memory_space<hbm>>
        %dma_wait3A_1375 = arith.constant 0 : i32
        %dma_wait3A_1376 = arith.constant 0 : i32
        %dma_wait3A_1377 = tpu.memref_slice %arg5[%dma_wait3A_1364, %dma_wait3A_1365, %dma_wait3A_1366, %dma_wait3A_1375, %dma_wait3A_1376] : memref<200x2x32x8x128xf32, #tpu.memory_space<hbm>> -> memref<1x1x1x8x128xf32, #tpu.memory_space<hbm>>
        %dma_wait3A_1378 = tpu.memref_squeeze %dma_wait3A_1377 : memref<1x1x1x8x128xf32, #tpu.memory_space<hbm>> -> memref<8x128xf32, #tpu.memory_space<hbm>>
        %dma_wait3A_1379 = arith.constant 48 : i32
        %dma_wait3A_1380 = arith.constant 0 : i32
        %dma_wait3A_1381 = tpu.memref_slice %arg8[%and3A_781, %dma_wait3A_1379, %dma_wait3A_1380] : memref<2x128x136xf32, #tpu.memory_space<vmem>> -> memref<1x8x128xf32, #tpu.memory_space<vmem>>
        %dma_wait3A_1382 = tpu.memref_squeeze %dma_wait3A_1381 : memref<1x8x128xf32, #tpu.memory_space<vmem>> -> memref<8x128xf32, #tpu.memory_space<vmem>>
        tpu.wait_dma2 semaphore(%arg11 : memref<!tpu.dma_semaphore, #tpu.memory_space<semaphore_mem>>) src(%dma_wait3A_1382 : memref<8x128xf32, #tpu.memory_space<vmem>>) dst(%dma_wait3A_1378 : memref<8x128xf32, #tpu.memory_space<hbm>>)
        %dma_wait3A_1383 = arith.constant 3 : i32
        %dma_wait3A_1384 = arith.constant 1 : i32
        %dma_wait3A_1385 = arith.constant 0 : i32
        %dma_wait3A_1386 = arith.constant 56 : i32
        %dma_wait3A_1387 = arith.constant 0 : i32
        %dma_wait3A_1388 = tpu.memref_slice %arg8[%and3A_781, %dma_wait3A_1386, %dma_wait3A_1387] : memref<2x128x136xf32, #tpu.memory_space<vmem>> -> memref<1x8x128xf32, #tpu.memory_space<vmem>>
        %dma_wait3A_1389 = tpu.memref_squeeze %dma_wait3A_1388 : memref<1x8x128xf32, #tpu.memory_space<vmem>> -> memref<8x128xf32, #tpu.memory_space<vmem>>
        %dma_wait3A_1390 = arith.constant 0 : i32
        %dma_wait3A_1391 = arith.constant 0 : i32
        %dma_wait3A_1392 = tpu.memref_slice %arg5[%dma_wait3A_1383, %dma_wait3A_1384, %dma_wait3A_1385, %dma_wait3A_1390, %dma_wait3A_1391] : memref<200x2x32x8x128xf32, #tpu.memory_space<hbm>> -> memref<1x1x1x8x128xf32, #tpu.memory_space<hbm>>
        %dma_wait3A_1393 = tpu.memref_squeeze %dma_wait3A_1392 : memref<1x1x1x8x128xf32, #tpu.memory_space<hbm>> -> memref<8x128xf32, #tpu.memory_space<hbm>>
        %dma_wait3A_1394 = arith.constant 0 : i32
        %dma_wait3A_1395 = arith.constant 0 : i32
        %dma_wait3A_1396 = tpu.memref_slice %arg5[%dma_wait3A_1383, %dma_wait3A_1384, %dma_wait3A_1385, %dma_wait3A_1394, %dma_wait3A_1395] : memref<200x2x32x8x128xf32, #tpu.memory_space<hbm>> -> memref<1x1x1x8x128xf32, #tpu.memory_space<hbm>>
        %dma_wait3A_1397 = tpu.memref_squeeze %dma_wait3A_1396 : memref<1x1x1x8x128xf32, #tpu.memory_space<hbm>> -> memref<8x128xf32, #tpu.memory_space<hbm>>
        %dma_wait3A_1398 = arith.constant 56 : i32
        %dma_wait3A_1399 = arith.constant 0 : i32
        %dma_wait3A_1400 = tpu.memref_slice %arg8[%and3A_781, %dma_wait3A_1398, %dma_wait3A_1399] : memref<2x128x136xf32, #tpu.memory_space<vmem>> -> memref<1x8x128xf32, #tpu.memory_space<vmem>>
        %dma_wait3A_1401 = tpu.memref_squeeze %dma_wait3A_1400 : memref<1x8x128xf32, #tpu.memory_space<vmem>> -> memref<8x128xf32, #tpu.memory_space<vmem>>
        tpu.wait_dma2 semaphore(%arg11 : memref<!tpu.dma_semaphore, #tpu.memory_space<semaphore_mem>>) src(%dma_wait3A_1401 : memref<8x128xf32, #tpu.memory_space<vmem>>) dst(%dma_wait3A_1397 : memref<8x128xf32, #tpu.memory_space<hbm>>)
        %dma_wait3A_1402 = arith.constant 4 : i32
        %dma_wait3A_1403 = arith.constant 0 : i32
        %dma_wait3A_1404 = arith.constant 0 : i32
        %dma_wait3A_1405 = arith.constant 64 : i32
        %dma_wait3A_1406 = arith.constant 0 : i32
        %dma_wait3A_1407 = tpu.memref_slice %arg8[%and3A_781, %dma_wait3A_1405, %dma_wait3A_1406] : memref<2x128x136xf32, #tpu.memory_space<vmem>> -> memref<1x8x128xf32, #tpu.memory_space<vmem>>
        %dma_wait3A_1408 = tpu.memref_squeeze %dma_wait3A_1407 : memref<1x8x128xf32, #tpu.memory_space<vmem>> -> memref<8x128xf32, #tpu.memory_space<vmem>>
        %dma_wait3A_1409 = arith.constant 0 : i32
        %dma_wait3A_1410 = arith.constant 0 : i32
        %dma_wait3A_1411 = tpu.memref_slice %arg5[%dma_wait3A_1402, %dma_wait3A_1403, %dma_wait3A_1404, %dma_wait3A_1409, %dma_wait3A_1410] : memref<200x2x32x8x128xf32, #tpu.memory_space<hbm>> -> memref<1x1x1x8x128xf32, #tpu.memory_space<hbm>>
        %dma_wait3A_1412 = tpu.memref_squeeze %dma_wait3A_1411 : memref<1x1x1x8x128xf32, #tpu.memory_space<hbm>> -> memref<8x128xf32, #tpu.memory_space<hbm>>
        %dma_wait3A_1413 = arith.constant 0 : i32
        %dma_wait3A_1414 = arith.constant 0 : i32
        %dma_wait3A_1415 = tpu.memref_slice %arg5[%dma_wait3A_1402, %dma_wait3A_1403, %dma_wait3A_1404, %dma_wait3A_1413, %dma_wait3A_1414] : memref<200x2x32x8x128xf32, #tpu.memory_space<hbm>> -> memref<1x1x1x8x128xf32, #tpu.memory_space<hbm>>
        %dma_wait3A_1416 = tpu.memref_squeeze %dma_wait3A_1415 : memref<1x1x1x8x128xf32, #tpu.memory_space<hbm>> -> memref<8x128xf32, #tpu.memory_space<hbm>>
        %dma_wait3A_1417 = arith.constant 64 : i32
        %dma_wait3A_1418 = arith.constant 0 : i32
        %dma_wait3A_1419 = tpu.memref_slice %arg8[%and3A_781, %dma_wait3A_1417, %dma_wait3A_1418] : memref<2x128x136xf32, #tpu.memory_space<vmem>> -> memref<1x8x128xf32, #tpu.memory_space<vmem>>
        %dma_wait3A_1420 = tpu.memref_squeeze %dma_wait3A_1419 : memref<1x8x128xf32, #tpu.memory_space<vmem>> -> memref<8x128xf32, #tpu.memory_space<vmem>>
        tpu.wait_dma2 semaphore(%arg11 : memref<!tpu.dma_semaphore, #tpu.memory_space<semaphore_mem>>) src(%dma_wait3A_1420 : memref<8x128xf32, #tpu.memory_space<vmem>>) dst(%dma_wait3A_1416 : memref<8x128xf32, #tpu.memory_space<hbm>>)
        %dma_wait3A_1421 = arith.constant 4 : i32
        %dma_wait3A_1422 = arith.constant 1 : i32
        %dma_wait3A_1423 = arith.constant 0 : i32
        %dma_wait3A_1424 = arith.constant 72 : i32
        %dma_wait3A_1425 = arith.constant 0 : i32
        %dma_wait3A_1426 = tpu.memref_slice %arg8[%and3A_781, %dma_wait3A_1424, %dma_wait3A_1425] : memref<2x128x136xf32, #tpu.memory_space<vmem>> -> memref<1x8x128xf32, #tpu.memory_space<vmem>>
        %dma_wait3A_1427 = tpu.memref_squeeze %dma_wait3A_1426 : memref<1x8x128xf32, #tpu.memory_space<vmem>> -> memref<8x128xf32, #tpu.memory_space<vmem>>
        %dma_wait3A_1428 = arith.constant 0 : i32
        %dma_wait3A_1429 = arith.constant 0 : i32
        %dma_wait3A_1430 = tpu.memref_slice %arg5[%dma_wait3A_1421, %dma_wait3A_1422, %dma_wait3A_1423, %dma_wait3A_1428, %dma_wait3A_1429] : memref<200x2x32x8x128xf32, #tpu.memory_space<hbm>> -> memref<1x1x1x8x128xf32, #tpu.memory_space<hbm>>
        %dma_wait3A_1431 = tpu.memref_squeeze %dma_wait3A_1430 : memref<1x1x1x8x128xf32, #tpu.memory_space<hbm>> -> memref<8x128xf32, #tpu.memory_space<hbm>>
        %dma_wait3A_1432 = arith.constant 0 : i32
        %dma_wait3A_1433 = arith.constant 0 : i32
        %dma_wait3A_1434 = tpu.memref_slice %arg5[%dma_wait3A_1421, %dma_wait3A_1422, %dma_wait3A_1423, %dma_wait3A_1432, %dma_wait3A_1433] : memref<200x2x32x8x128xf32, #tpu.memory_space<hbm>> -> memref<1x1x1x8x128xf32, #tpu.memory_space<hbm>>
        %dma_wait3A_1435 = tpu.memref_squeeze %dma_wait3A_1434 : memref<1x1x1x8x128xf32, #tpu.memory_space<hbm>> -> memref<8x128xf32, #tpu.memory_space<hbm>>
        %dma_wait3A_1436 = arith.constant 72 : i32
        %dma_wait3A_1437 = arith.constant 0 : i32
        %dma_wait3A_1438 = tpu.memref_slice %arg8[%and3A_781, %dma_wait3A_1436, %dma_wait3A_1437] : memref<2x128x136xf32, #tpu.memory_space<vmem>> -> memref<1x8x128xf32, #tpu.memory_space<vmem>>
        %dma_wait3A_1439 = tpu.memref_squeeze %dma_wait3A_1438 : memref<1x8x128xf32, #tpu.memory_space<vmem>> -> memref<8x128xf32, #tpu.memory_space<vmem>>
        tpu.wait_dma2 semaphore(%arg11 : memref<!tpu.dma_semaphore, #tpu.memory_space<semaphore_mem>>) src(%dma_wait3A_1439 : memref<8x128xf32, #tpu.memory_space<vmem>>) dst(%dma_wait3A_1435 : memref<8x128xf32, #tpu.memory_space<hbm>>)
        %dma_wait3A_1440 = arith.constant 5 : i32
        %dma_wait3A_1441 = arith.constant 0 : i32
        %dma_wait3A_1442 = arith.constant 0 : i32
        %dma_wait3A_1443 = arith.constant 80 : i32
        %dma_wait3A_1444 = arith.constant 0 : i32
        %dma_wait3A_1445 = tpu.memref_slice %arg8[%and3A_781, %dma_wait3A_1443, %dma_wait3A_1444] : memref<2x128x136xf32, #tpu.memory_space<vmem>> -> memref<1x8x128xf32, #tpu.memory_space<vmem>>
        %dma_wait3A_1446 = tpu.memref_squeeze %dma_wait3A_1445 : memref<1x8x128xf32, #tpu.memory_space<vmem>> -> memref<8x128xf32, #tpu.memory_space<vmem>>
        %dma_wait3A_1447 = arith.constant 0 : i32
        %dma_wait3A_1448 = arith.constant 0 : i32
        %dma_wait3A_1449 = tpu.memref_slice %arg5[%dma_wait3A_1440, %dma_wait3A_1441, %dma_wait3A_1442, %dma_wait3A_1447, %dma_wait3A_1448] : memref<200x2x32x8x128xf32, #tpu.memory_space<hbm>> -> memref<1x1x1x8x128xf32, #tpu.memory_space<hbm>>
        %dma_wait3A_1450 = tpu.memref_squeeze %dma_wait3A_1449 : memref<1x1x1x8x128xf32, #tpu.memory_space<hbm>> -> memref<8x128xf32, #tpu.memory_space<hbm>>
        %dma_wait3A_1451 = arith.constant 0 : i32
        %dma_wait3A_1452 = arith.constant 0 : i32
        %dma_wait3A_1453 = tpu.memref_slice %arg5[%dma_wait3A_1440, %dma_wait3A_1441, %dma_wait3A_1442, %dma_wait3A_1451, %dma_wait3A_1452] : memref<200x2x32x8x128xf32, #tpu.memory_space<hbm>> -> memref<1x1x1x8x128xf32, #tpu.memory_space<hbm>>
        %dma_wait3A_1454 = tpu.memref_squeeze %dma_wait3A_1453 : memref<1x1x1x8x128xf32, #tpu.memory_space<hbm>> -> memref<8x128xf32, #tpu.memory_space<hbm>>
        %dma_wait3A_1455 = arith.constant 80 : i32
        %dma_wait3A_1456 = arith.constant 0 : i32
        %dma_wait3A_1457 = tpu.memref_slice %arg8[%and3A_781, %dma_wait3A_1455, %dma_wait3A_1456] : memref<2x128x136xf32, #tpu.memory_space<vmem>> -> memref<1x8x128xf32, #tpu.memory_space<vmem>>
        %dma_wait3A_1458 = tpu.memref_squeeze %dma_wait3A_1457 : memref<1x8x128xf32, #tpu.memory_space<vmem>> -> memref<8x128xf32, #tpu.memory_space<vmem>>
        tpu.wait_dma2 semaphore(%arg11 : memref<!tpu.dma_semaphore, #tpu.memory_space<semaphore_mem>>) src(%dma_wait3A_1458 : memref<8x128xf32, #tpu.memory_space<vmem>>) dst(%dma_wait3A_1454 : memref<8x128xf32, #tpu.memory_space<hbm>>)
        %dma_wait3A_1459 = arith.constant 5 : i32
        %dma_wait3A_1460 = arith.constant 1 : i32
        %dma_wait3A_1461 = arith.constant 0 : i32
        %dma_wait3A_1462 = arith.constant 88 : i32
        %dma_wait3A_1463 = arith.constant 0 : i32
        %dma_wait3A_1464 = tpu.memref_slice %arg8[%and3A_781, %dma_wait3A_1462, %dma_wait3A_1463] : memref<2x128x136xf32, #tpu.memory_space<vmem>> -> memref<1x8x128xf32, #tpu.memory_space<vmem>>
        %dma_wait3A_1465 = tpu.memref_squeeze %dma_wait3A_1464 : memref<1x8x128xf32, #tpu.memory_space<vmem>> -> memref<8x128xf32, #tpu.memory_space<vmem>>
        %dma_wait3A_1466 = arith.constant 0 : i32
        %dma_wait3A_1467 = arith.constant 0 : i32
        %dma_wait3A_1468 = tpu.memref_slice %arg5[%dma_wait3A_1459, %dma_wait3A_1460, %dma_wait3A_1461, %dma_wait3A_1466, %dma_wait3A_1467] : memref<200x2x32x8x128xf32, #tpu.memory_space<hbm>> -> memref<1x1x1x8x128xf32, #tpu.memory_space<hbm>>
        %dma_wait3A_1469 = tpu.memref_squeeze %dma_wait3A_1468 : memref<1x1x1x8x128xf32, #tpu.memory_space<hbm>> -> memref<8x128xf32, #tpu.memory_space<hbm>>
        %dma_wait3A_1470 = arith.constant 0 : i32
        %dma_wait3A_1471 = arith.constant 0 : i32
        %dma_wait3A_1472 = tpu.memref_slice %arg5[%dma_wait3A_1459, %dma_wait3A_1460, %dma_wait3A_1461, %dma_wait3A_1470, %dma_wait3A_1471] : memref<200x2x32x8x128xf32, #tpu.memory_space<hbm>> -> memref<1x1x1x8x128xf32, #tpu.memory_space<hbm>>
        %dma_wait3A_1473 = tpu.memref_squeeze %dma_wait3A_1472 : memref<1x1x1x8x128xf32, #tpu.memory_space<hbm>> -> memref<8x128xf32, #tpu.memory_space<hbm>>
        %dma_wait3A_1474 = arith.constant 88 : i32
        %dma_wait3A_1475 = arith.constant 0 : i32
        %dma_wait3A_1476 = tpu.memref_slice %arg8[%and3A_781, %dma_wait3A_1474, %dma_wait3A_1475] : memref<2x128x136xf32, #tpu.memory_space<vmem>> -> memref<1x8x128xf32, #tpu.memory_space<vmem>>
        %dma_wait3A_1477 = tpu.memref_squeeze %dma_wait3A_1476 : memref<1x8x128xf32, #tpu.memory_space<vmem>> -> memref<8x128xf32, #tpu.memory_space<vmem>>
        tpu.wait_dma2 semaphore(%arg11 : memref<!tpu.dma_semaphore, #tpu.memory_space<semaphore_mem>>) src(%dma_wait3A_1477 : memref<8x128xf32, #tpu.memory_space<vmem>>) dst(%dma_wait3A_1473 : memref<8x128xf32, #tpu.memory_space<hbm>>)
        %dma_wait3A_1478 = arith.constant 6 : i32
        %dma_wait3A_1479 = arith.constant 0 : i32
        %dma_wait3A_1480 = arith.constant 0 : i32
        %dma_wait3A_1481 = arith.constant 96 : i32
        %dma_wait3A_1482 = arith.constant 0 : i32
        %dma_wait3A_1483 = tpu.memref_slice %arg8[%and3A_781, %dma_wait3A_1481, %dma_wait3A_1482] : memref<2x128x136xf32, #tpu.memory_space<vmem>> -> memref<1x8x128xf32, #tpu.memory_space<vmem>>
        %dma_wait3A_1484 = tpu.memref_squeeze %dma_wait3A_1483 : memref<1x8x128xf32, #tpu.memory_space<vmem>> -> memref<8x128xf32, #tpu.memory_space<vmem>>
        %dma_wait3A_1485 = arith.constant 0 : i32
        %dma_wait3A_1486 = arith.constant 0 : i32
        %dma_wait3A_1487 = tpu.memref_slice %arg5[%dma_wait3A_1478, %dma_wait3A_1479, %dma_wait3A_1480, %dma_wait3A_1485, %dma_wait3A_1486] : memref<200x2x32x8x128xf32, #tpu.memory_space<hbm>> -> memref<1x1x1x8x128xf32, #tpu.memory_space<hbm>>
        %dma_wait3A_1488 = tpu.memref_squeeze %dma_wait3A_1487 : memref<1x1x1x8x128xf32, #tpu.memory_space<hbm>> -> memref<8x128xf32, #tpu.memory_space<hbm>>
        %dma_wait3A_1489 = arith.constant 0 : i32
        %dma_wait3A_1490 = arith.constant 0 : i32
        %dma_wait3A_1491 = tpu.memref_slice %arg5[%dma_wait3A_1478, %dma_wait3A_1479, %dma_wait3A_1480, %dma_wait3A_1489, %dma_wait3A_1490] : memref<200x2x32x8x128xf32, #tpu.memory_space<hbm>> -> memref<1x1x1x8x128xf32, #tpu.memory_space<hbm>>
        %dma_wait3A_1492 = tpu.memref_squeeze %dma_wait3A_1491 : memref<1x1x1x8x128xf32, #tpu.memory_space<hbm>> -> memref<8x128xf32, #tpu.memory_space<hbm>>
        %dma_wait3A_1493 = arith.constant 96 : i32
        %dma_wait3A_1494 = arith.constant 0 : i32
        %dma_wait3A_1495 = tpu.memref_slice %arg8[%and3A_781, %dma_wait3A_1493, %dma_wait3A_1494] : memref<2x128x136xf32, #tpu.memory_space<vmem>> -> memref<1x8x128xf32, #tpu.memory_space<vmem>>
        %dma_wait3A_1496 = tpu.memref_squeeze %dma_wait3A_1495 : memref<1x8x128xf32, #tpu.memory_space<vmem>> -> memref<8x128xf32, #tpu.memory_space<vmem>>
        tpu.wait_dma2 semaphore(%arg11 : memref<!tpu.dma_semaphore, #tpu.memory_space<semaphore_mem>>) src(%dma_wait3A_1496 : memref<8x128xf32, #tpu.memory_space<vmem>>) dst(%dma_wait3A_1492 : memref<8x128xf32, #tpu.memory_space<hbm>>)
        %dma_wait3A_1497 = arith.constant 6 : i32
        %dma_wait3A_1498 = arith.constant 1 : i32
        %dma_wait3A_1499 = arith.constant 0 : i32
        %dma_wait3A_1500 = arith.constant 104 : i32
        %dma_wait3A_1501 = arith.constant 0 : i32
        %dma_wait3A_1502 = tpu.memref_slice %arg8[%and3A_781, %dma_wait3A_1500, %dma_wait3A_1501] : memref<2x128x136xf32, #tpu.memory_space<vmem>> -> memref<1x8x128xf32, #tpu.memory_space<vmem>>
        %dma_wait3A_1503 = tpu.memref_squeeze %dma_wait3A_1502 : memref<1x8x128xf32, #tpu.memory_space<vmem>> -> memref<8x128xf32, #tpu.memory_space<vmem>>
        %dma_wait3A_1504 = arith.constant 0 : i32
        %dma_wait3A_1505 = arith.constant 0 : i32
        %dma_wait3A_1506 = tpu.memref_slice %arg5[%dma_wait3A_1497, %dma_wait3A_1498, %dma_wait3A_1499, %dma_wait3A_1504, %dma_wait3A_1505] : memref<200x2x32x8x128xf32, #tpu.memory_space<hbm>> -> memref<1x1x1x8x128xf32, #tpu.memory_space<hbm>>
        %dma_wait3A_1507 = tpu.memref_squeeze %dma_wait3A_1506 : memref<1x1x1x8x128xf32, #tpu.memory_space<hbm>> -> memref<8x128xf32, #tpu.memory_space<hbm>>
        %dma_wait3A_1508 = arith.constant 0 : i32
        %dma_wait3A_1509 = arith.constant 0 : i32
        %dma_wait3A_1510 = tpu.memref_slice %arg5[%dma_wait3A_1497, %dma_wait3A_1498, %dma_wait3A_1499, %dma_wait3A_1508, %dma_wait3A_1509] : memref<200x2x32x8x128xf32, #tpu.memory_space<hbm>> -> memref<1x1x1x8x128xf32, #tpu.memory_space<hbm>>
        %dma_wait3A_1511 = tpu.memref_squeeze %dma_wait3A_1510 : memref<1x1x1x8x128xf32, #tpu.memory_space<hbm>> -> memref<8x128xf32, #tpu.memory_space<hbm>>
        %dma_wait3A_1512 = arith.constant 104 : i32
        %dma_wait3A_1513 = arith.constant 0 : i32
        %dma_wait3A_1514 = tpu.memref_slice %arg8[%and3A_781, %dma_wait3A_1512, %dma_wait3A_1513] : memref<2x128x136xf32, #tpu.memory_space<vmem>> -> memref<1x8x128xf32, #tpu.memory_space<vmem>>
        %dma_wait3A_1515 = tpu.memref_squeeze %dma_wait3A_1514 : memref<1x8x128xf32, #tpu.memory_space<vmem>> -> memref<8x128xf32, #tpu.memory_space<vmem>>
        tpu.wait_dma2 semaphore(%arg11 : memref<!tpu.dma_semaphore, #tpu.memory_space<semaphore_mem>>) src(%dma_wait3A_1515 : memref<8x128xf32, #tpu.memory_space<vmem>>) dst(%dma_wait3A_1511 : memref<8x128xf32, #tpu.memory_space<hbm>>)
        %dma_wait3A_1516 = arith.constant 7 : i32
        %dma_wait3A_1517 = arith.constant 0 : i32
        %dma_wait3A_1518 = arith.constant 0 : i32
        %dma_wait3A_1519 = arith.constant 112 : i32
        %dma_wait3A_1520 = arith.constant 0 : i32
        %dma_wait3A_1521 = tpu.memref_slice %arg8[%and3A_781, %dma_wait3A_1519, %dma_wait3A_1520] : memref<2x128x136xf32, #tpu.memory_space<vmem>> -> memref<1x8x128xf32, #tpu.memory_space<vmem>>
        %dma_wait3A_1522 = tpu.memref_squeeze %dma_wait3A_1521 : memref<1x8x128xf32, #tpu.memory_space<vmem>> -> memref<8x128xf32, #tpu.memory_space<vmem>>
        %dma_wait3A_1523 = arith.constant 0 : i32
        %dma_wait3A_1524 = arith.constant 0 : i32
        %dma_wait3A_1525 = tpu.memref_slice %arg5[%dma_wait3A_1516, %dma_wait3A_1517, %dma_wait3A_1518, %dma_wait3A_1523, %dma_wait3A_1524] : memref<200x2x32x8x128xf32, #tpu.memory_space<hbm>> -> memref<1x1x1x8x128xf32, #tpu.memory_space<hbm>>
        %dma_wait3A_1526 = tpu.memref_squeeze %dma_wait3A_1525 : memref<1x1x1x8x128xf32, #tpu.memory_space<hbm>> -> memref<8x128xf32, #tpu.memory_space<hbm>>
        %dma_wait3A_1527 = arith.constant 0 : i32
        %dma_wait3A_1528 = arith.constant 0 : i32
        %dma_wait3A_1529 = tpu.memref_slice %arg5[%dma_wait3A_1516, %dma_wait3A_1517, %dma_wait3A_1518, %dma_wait3A_1527, %dma_wait3A_1528] : memref<200x2x32x8x128xf32, #tpu.memory_space<hbm>> -> memref<1x1x1x8x128xf32, #tpu.memory_space<hbm>>
        %dma_wait3A_1530 = tpu.memref_squeeze %dma_wait3A_1529 : memref<1x1x1x8x128xf32, #tpu.memory_space<hbm>> -> memref<8x128xf32, #tpu.memory_space<hbm>>
        %dma_wait3A_1531 = arith.constant 112 : i32
        %dma_wait3A_1532 = arith.constant 0 : i32
        %dma_wait3A_1533 = tpu.memref_slice %arg8[%and3A_781, %dma_wait3A_1531, %dma_wait3A_1532] : memref<2x128x136xf32, #tpu.memory_space<vmem>> -> memref<1x8x128xf32, #tpu.memory_space<vmem>>
        %dma_wait3A_1534 = tpu.memref_squeeze %dma_wait3A_1533 : memref<1x8x128xf32, #tpu.memory_space<vmem>> -> memref<8x128xf32, #tpu.memory_space<vmem>>
        tpu.wait_dma2 semaphore(%arg11 : memref<!tpu.dma_semaphore, #tpu.memory_space<semaphore_mem>>) src(%dma_wait3A_1534 : memref<8x128xf32, #tpu.memory_space<vmem>>) dst(%dma_wait3A_1530 : memref<8x128xf32, #tpu.memory_space<hbm>>)
        %dma_wait3A_1535 = arith.constant 7 : i32
        %dma_wait3A_1536 = arith.constant 1 : i32
        %dma_wait3A_1537 = arith.constant 0 : i32
        %dma_wait3A_1538 = arith.constant 120 : i32
        %dma_wait3A_1539 = arith.constant 0 : i32
        %dma_wait3A_1540 = tpu.memref_slice %arg8[%and3A_781, %dma_wait3A_1538, %dma_wait3A_1539] : memref<2x128x136xf32, #tpu.memory_space<vmem>> -> memref<1x8x128xf32, #tpu.memory_space<vmem>>
        %dma_wait3A_1541 = tpu.memref_squeeze %dma_wait3A_1540 : memref<1x8x128xf32, #tpu.memory_space<vmem>> -> memref<8x128xf32, #tpu.memory_space<vmem>>
        %dma_wait3A_1542 = arith.constant 0 : i32
        %dma_wait3A_1543 = arith.constant 0 : i32
        %dma_wait3A_1544 = tpu.memref_slice %arg5[%dma_wait3A_1535, %dma_wait3A_1536, %dma_wait3A_1537, %dma_wait3A_1542, %dma_wait3A_1543] : memref<200x2x32x8x128xf32, #tpu.memory_space<hbm>> -> memref<1x1x1x8x128xf32, #tpu.memory_space<hbm>>
        %dma_wait3A_1545 = tpu.memref_squeeze %dma_wait3A_1544 : memref<1x1x1x8x128xf32, #tpu.memory_space<hbm>> -> memref<8x128xf32, #tpu.memory_space<hbm>>
        %dma_wait3A_1546 = arith.constant 0 : i32
        %dma_wait3A_1547 = arith.constant 0 : i32
        %dma_wait3A_1548 = tpu.memref_slice %arg5[%dma_wait3A_1535, %dma_wait3A_1536, %dma_wait3A_1537, %dma_wait3A_1546, %dma_wait3A_1547] : memref<200x2x32x8x128xf32, #tpu.memory_space<hbm>> -> memref<1x1x1x8x128xf32, #tpu.memory_space<hbm>>
        %dma_wait3A_1549 = tpu.memref_squeeze %dma_wait3A_1548 : memref<1x1x1x8x128xf32, #tpu.memory_space<hbm>> -> memref<8x128xf32, #tpu.memory_space<hbm>>
        %dma_wait3A_1550 = arith.constant 120 : i32
        %dma_wait3A_1551 = arith.constant 0 : i32
        %dma_wait3A_1552 = tpu.memref_slice %arg8[%and3A_781, %dma_wait3A_1550, %dma_wait3A_1551] : memref<2x128x136xf32, #tpu.memory_space<vmem>> -> memref<1x8x128xf32, #tpu.memory_space<vmem>>
        %dma_wait3A_1553 = tpu.memref_squeeze %dma_wait3A_1552 : memref<1x8x128xf32, #tpu.memory_space<vmem>> -> memref<8x128xf32, #tpu.memory_space<vmem>>
        tpu.wait_dma2 semaphore(%arg11 : memref<!tpu.dma_semaphore, #tpu.memory_space<semaphore_mem>>) src(%dma_wait3A_1553 : memref<8x128xf32, #tpu.memory_space<vmem>>) dst(%dma_wait3A_1549 : memref<8x128xf32, #tpu.memory_space<hbm>>)
      } else {
      }
      %scan3A_908 = arith.constant 0 : i32
      %scan3A_909 = arith.constant 0 : i32
      %scan3A_910 = arith.constant 8 : i32
      %scan3A_911 = arith.addi %scan3A_909, %scan3A_910 : i32
      %scan3A_912 = arith.constant 1 : i32
      scf.for %scan3A_1250 = %scan3A_909 to %scan3A_911 step %scan3A_912  : i32 {
        %mul3A_1251 = arith.constant 8 : i32
        %mul3A_1252 = arith.muli %shift_right_arithmetic3A_786, %mul3A_1251 : i32
        %add3A_1253 = arith.addi %mul3A_1252, %scan3A_1250 : i32
        %get3A = arith.index_cast %add3A_1253 : i32 to index
        %get3A_1254 = arith.constant 0 : index
        %get3A_1255 = tpu.vector_load %arg9[%get3A, %get3A_1254] {strides = array<i32>} : memref<200x16xf32, #tpu.memory_space<vmem>>, vector<16xf32>,
        %mul3A_1256 = arith.constant 16 : i32
        %mul3A_1257 = arith.muli %scan3A_1250, %mul3A_1256 : i32
        %add3A_1258 = vector.broadcast %mul3A_1257 : i32 to vector<16xi32>
        %add3A_1259 = arith.addi %iota3A, %add3A_1258 : vector<16xi32>
        %mul3A_1260 = arith.constant 1024 : i32
        %mul3A_1261 = arith.muli %and3A_781, %mul3A_1260 : i32
        %mul3A_1262 = arith.constant 128 : i32
        %mul3A_1263 = arith.muli %scan3A_1250, %mul3A_1262 : i32
        %add3A_1264 = arith.addi %mul3A_1261, %mul3A_1263 : i32
        %parallel_loop3A = arith.constant 0 : i32
        %parallel_loop3A_1265 = arith.constant 16 : i32
        %parallel_loop3A_1266 = arith.constant 1 : i32
        scf.for %parallel_loop3A_1267 = %parallel_loop3A to %parallel_loop3A_1265 step %parallel_loop3A_1266  : i32 {
          %parallel_loop3A_1268 = arith.constant 0 : i32
          %parallel_loop3A_1269 = vector.broadcast %parallel_loop3A_1268 : i32 to vector<16xi32>
          %parallel_loop3A_1270 = arith.constant 8 : i32
          %parallel_loop3A_1271 = arith.muli %parallel_loop3A_1267, %parallel_loop3A_1270 : i32
          %parallel_loop3A_1272 = vector.broadcast %parallel_loop3A_1271 : i32 to vector<16xi32>
          %parallel_loop3A_1273 = arith.addi %parallel_loop3A_1269, %parallel_loop3A_1272 : vector<16xi32>
          %parallel_loop3A_1274 = arith.constant 8 : i32
          %parallel_loop3A_1275 = arith.muli %parallel_loop3A_1267, %parallel_loop3A_1274 : i32
          %parallel_loop3A_1276 = arith.addi %add3A_1264, %parallel_loop3A_1275 : i32
          %parallel_loop3A_1277 = arith.constant 0 : i32
          %parallel_loop3A_1278 = arith.addi %parallel_loop3A_1276, %parallel_loop3A_1277 : i32
          %parallel_loop3A_1279 = arith.index_cast %parallel_loop3A_1278 : i32 to index
          %parallel_loop3A_1280 = arith.constant 0 : index
          %parallel_loop3A_1281 = tpu.vector_load %arg7[%parallel_loop3A_1279, %parallel_loop3A_1280] {strides = array<i32>} : memref<2048x16xf32, #tpu.memory_space<vmem>>, vector<16xf32>,
          %parallel_loop3A_1282 = arith.addf %parallel_loop3A_1281, %get3A_1255 : vector<16xf32>
          %parallel_loop3A_1283 = arith.constant 0 : i32
          %parallel_loop3A_1284 = vector.broadcast %parallel_loop3A_1283 : i32 to vector<16xi32>
          %parallel_loop3A_1285 = arith.addi %parallel_loop3A_1273, %parallel_loop3A_1284 : vector<16xi32>
          %parallel_loop3A_1286 = arith.constant 0 : i32
          %parallel_loop3A_1287 = arith.constant 0 : i32
          %parallel_loop3A_1288 = tpu.memref_slice %arg8[%and3A_781, %parallel_loop3A_1286, %parallel_loop3A_1287] : memref<2x128x136xf32, #tpu.memory_space<vmem>> -> memref<1x128x136xf32, #tpu.memory_space<vmem>>
          %parallel_loop3A_1289 = tpu.memref_squeeze %parallel_loop3A_1288 : memref<1x128x136xf32, #tpu.memory_space<vmem>> -> memref<128x136xf32, #tpu.memory_space<vmem>>
          tpu.vector_store_idx %parallel_loop3A_1289[%add3A_1259, %parallel_loop3A_1285], %parallel_loop3A_1282 : memref<128x136xf32, #tpu.memory_space<vmem>>[vector<16xi32>, vector<16xi32>], vector<16xf32>,
          %parallel_loop3A_1290 = arith.constant 8 : i32
          %parallel_loop3A_1291 = arith.muli %parallel_loop3A_1267, %parallel_loop3A_1290 : i32
          %parallel_loop3A_1292 = arith.addi %add3A_1264, %parallel_loop3A_1291 : i32
          %parallel_loop3A_1293 = arith.constant 1 : i32
          %parallel_loop3A_1294 = arith.addi %parallel_loop3A_1292, %parallel_loop3A_1293 : i32
          %parallel_loop3A_1295 = arith.index_cast %parallel_loop3A_1294 : i32 to index
          %parallel_loop3A_1296 = arith.constant 0 : index
          %parallel_loop3A_1297 = tpu.vector_load %arg7[%parallel_loop3A_1295, %parallel_loop3A_1296] {strides = array<i32>} : memref<2048x16xf32, #tpu.memory_space<vmem>>, vector<16xf32>,
          %parallel_loop3A_1298 = arith.addf %parallel_loop3A_1297, %get3A_1255 : vector<16xf32>
          %parallel_loop3A_1299 = arith.constant 1 : i32
          %parallel_loop3A_1300 = vector.broadcast %parallel_loop3A_1299 : i32 to vector<16xi32>
          %parallel_loop3A_1301 = arith.addi %parallel_loop3A_1273, %parallel_loop3A_1300 : vector<16xi32>
          %parallel_loop3A_1302 = arith.constant 0 : i32
          %parallel_loop3A_1303 = arith.constant 0 : i32
          %parallel_loop3A_1304 = tpu.memref_slice %arg8[%and3A_781, %parallel_loop3A_1302, %parallel_loop3A_1303] : memref<2x128x136xf32, #tpu.memory_space<vmem>> -> memref<1x128x136xf32, #tpu.memory_space<vmem>>
          %parallel_loop3A_1305 = tpu.memref_squeeze %parallel_loop3A_1304 : memref<1x128x136xf32, #tpu.memory_space<vmem>> -> memref<128x136xf32, #tpu.memory_space<vmem>>
          tpu.vector_store_idx %parallel_loop3A_1305[%add3A_1259, %parallel_loop3A_1301], %parallel_loop3A_1298 : memref<128x136xf32, #tpu.memory_space<vmem>>[vector<16xi32>, vector<16xi32>], vector<16xf32>,
          %parallel_loop3A_1306 = arith.constant 8 : i32
          %parallel_loop3A_1307 = arith.muli %parallel_loop3A_1267, %parallel_loop3A_1306 : i32
          %parallel_loop3A_1308 = arith.addi %add3A_1264, %parallel_loop3A_1307 : i32
          %parallel_loop3A_1309 = arith.constant 2 : i32
          %parallel_loop3A_1310 = arith.addi %parallel_loop3A_1308, %parallel_loop3A_1309 : i32
          %parallel_loop3A_1311 = arith.index_cast %parallel_loop3A_1310 : i32 to index
          %parallel_loop3A_1312 = arith.constant 0 : index
          %parallel_loop3A_1313 = tpu.vector_load %arg7[%parallel_loop3A_1311, %parallel_loop3A_1312] {strides = array<i32>} : memref<2048x16xf32, #tpu.memory_space<vmem>>, vector<16xf32>,
          %parallel_loop3A_1314 = arith.addf %parallel_loop3A_1313, %get3A_1255 : vector<16xf32>
          %parallel_loop3A_1315 = arith.constant 2 : i32
          %parallel_loop3A_1316 = vector.broadcast %parallel_loop3A_1315 : i32 to vector<16xi32>
          %parallel_loop3A_1317 = arith.addi %parallel_loop3A_1273, %parallel_loop3A_1316 : vector<16xi32>
          %parallel_loop3A_1318 = arith.constant 0 : i32
          %parallel_loop3A_1319 = arith.constant 0 : i32
          %parallel_loop3A_1320 = tpu.memref_slice %arg8[%and3A_781, %parallel_loop3A_1318, %parallel_loop3A_1319] : memref<2x128x136xf32, #tpu.memory_space<vmem>> -> memref<1x128x136xf32, #tpu.memory_space<vmem>>
          %parallel_loop3A_1321 = tpu.memref_squeeze %parallel_loop3A_1320 : memref<1x128x136xf32, #tpu.memory_space<vmem>> -> memref<128x136xf32, #tpu.memory_space<vmem>>
          tpu.vector_store_idx %parallel_loop3A_1321[%add3A_1259, %parallel_loop3A_1317], %parallel_loop3A_1314 : memref<128x136xf32, #tpu.memory_space<vmem>>[vector<16xi32>, vector<16xi32>], vector<16xf32>,
          %parallel_loop3A_1322 = arith.constant 8 : i32
          %parallel_loop3A_1323 = arith.muli %parallel_loop3A_1267, %parallel_loop3A_1322 : i32
          %parallel_loop3A_1324 = arith.addi %add3A_1264, %parallel_loop3A_1323 : i32
          %parallel_loop3A_1325 = arith.constant 3 : i32
          %parallel_loop3A_1326 = arith.addi %parallel_loop3A_1324, %parallel_loop3A_1325 : i32
          %parallel_loop3A_1327 = arith.index_cast %parallel_loop3A_1326 : i32 to index
          %parallel_loop3A_1328 = arith.constant 0 : index
          %parallel_loop3A_1329 = tpu.vector_load %arg7[%parallel_loop3A_1327, %parallel_loop3A_1328] {strides = array<i32>} : memref<2048x16xf32, #tpu.memory_space<vmem>>, vector<16xf32>,
          %parallel_loop3A_1330 = arith.addf %parallel_loop3A_1329, %get3A_1255 : vector<16xf32>
          %parallel_loop3A_1331 = arith.constant 3 : i32
          %parallel_loop3A_1332 = vector.broadcast %parallel_loop3A_1331 : i32 to vector<16xi32>
          %parallel_loop3A_1333 = arith.addi %parallel_loop3A_1273, %parallel_loop3A_1332 : vector<16xi32>
          %parallel_loop3A_1334 = arith.constant 0 : i32
          %parallel_loop3A_1335 = arith.constant 0 : i32
          %parallel_loop3A_1336 = tpu.memref_slice %arg8[%and3A_781, %parallel_loop3A_1334, %parallel_loop3A_1335] : memref<2x128x136xf32, #tpu.memory_space<vmem>> -> memref<1x128x136xf32, #tpu.memory_space<vmem>>
          %parallel_loop3A_1337 = tpu.memref_squeeze %parallel_loop3A_1336 : memref<1x128x136xf32, #tpu.memory_space<vmem>> -> memref<128x136xf32, #tpu.memory_space<vmem>>
          tpu.vector_store_idx %parallel_loop3A_1337[%add3A_1259, %parallel_loop3A_1333], %parallel_loop3A_1330 : memref<128x136xf32, #tpu.memory_space<vmem>>[vector<16xi32>, vector<16xi32>], vector<16xf32>,
          %parallel_loop3A_1338 = arith.constant 8 : i32
          %parallel_loop3A_1339 = arith.muli %parallel_loop3A_1267, %parallel_loop3A_1338 : i32
          %parallel_loop3A_1340 = arith.addi %add3A_1264, %parallel_loop3A_1339 : i32
          %parallel_loop3A_1341 = arith.constant 4 : i32
          %parallel_loop3A_1342 = arith.addi %parallel_loop3A_1340, %parallel_loop3A_1341 : i32
          %parallel_loop3A_1343 = arith.index_cast %parallel_loop3A_1342 : i32 to index
          %parallel_loop3A_1344 = arith.constant 0 : index
          %parallel_loop3A_1345 = tpu.vector_load %arg7[%parallel_loop3A_1343, %parallel_loop3A_1344] {strides = array<i32>} : memref<2048x16xf32, #tpu.memory_space<vmem>>, vector<16xf32>,
          %parallel_loop3A_1346 = arith.addf %parallel_loop3A_1345, %get3A_1255 : vector<16xf32>
          %parallel_loop3A_1347 = arith.constant 4 : i32
          %parallel_loop3A_1348 = vector.broadcast %parallel_loop3A_1347 : i32 to vector<16xi32>
          %parallel_loop3A_1349 = arith.addi %parallel_loop3A_1273, %parallel_loop3A_1348 : vector<16xi32>
          %parallel_loop3A_1350 = arith.constant 0 : i32
          %parallel_loop3A_1351 = arith.constant 0 : i32
          %parallel_loop3A_1352 = tpu.memref_slice %arg8[%and3A_781, %parallel_loop3A_1350, %parallel_loop3A_1351] : memref<2x128x136xf32, #tpu.memory_space<vmem>> -> memref<1x128x136xf32, #tpu.memory_space<vmem>>
          %parallel_loop3A_1353 = tpu.memref_squeeze %parallel_loop3A_1352 : memref<1x128x136xf32, #tpu.memory_space<vmem>> -> memref<128x136xf32, #tpu.memory_space<vmem>>
          tpu.vector_store_idx %parallel_loop3A_1353[%add3A_1259, %parallel_loop3A_1349], %parallel_loop3A_1346 : memref<128x136xf32, #tpu.memory_space<vmem>>[vector<16xi32>, vector<16xi32>], vector<16xf32>,
          %parallel_loop3A_1354 = arith.constant 8 : i32
          %parallel_loop3A_1355 = arith.muli %parallel_loop3A_1267, %parallel_loop3A_1354 : i32
          %parallel_loop3A_1356 = arith.addi %add3A_1264, %parallel_loop3A_1355 : i32
          %parallel_loop3A_1357 = arith.constant 5 : i32
          %parallel_loop3A_1358 = arith.addi %parallel_loop3A_1356, %parallel_loop3A_1357 : i32
          %parallel_loop3A_1359 = arith.index_cast %parallel_loop3A_1358 : i32 to index
          %parallel_loop3A_1360 = arith.constant 0 : index
          %parallel_loop3A_1361 = tpu.vector_load %arg7[%parallel_loop3A_1359, %parallel_loop3A_1360] {strides = array<i32>} : memref<2048x16xf32, #tpu.memory_space<vmem>>, vector<16xf32>,
          %parallel_loop3A_1362 = arith.addf %parallel_loop3A_1361, %get3A_1255 : vector<16xf32>
          %parallel_loop3A_1363 = arith.constant 5 : i32
          %parallel_loop3A_1364 = vector.broadcast %parallel_loop3A_1363 : i32 to vector<16xi32>
          %parallel_loop3A_1365 = arith.addi %parallel_loop3A_1273, %parallel_loop3A_1364 : vector<16xi32>
          %parallel_loop3A_1366 = arith.constant 0 : i32
          %parallel_loop3A_1367 = arith.constant 0 : i32
          %parallel_loop3A_1368 = tpu.memref_slice %arg8[%and3A_781, %parallel_loop3A_1366, %parallel_loop3A_1367] : memref<2x128x136xf32, #tpu.memory_space<vmem>> -> memref<1x128x136xf32, #tpu.memory_space<vmem>>
          %parallel_loop3A_1369 = tpu.memref_squeeze %parallel_loop3A_1368 : memref<1x128x136xf32, #tpu.memory_space<vmem>> -> memref<128x136xf32, #tpu.memory_space<vmem>>
          tpu.vector_store_idx %parallel_loop3A_1369[%add3A_1259, %parallel_loop3A_1365], %parallel_loop3A_1362 : memref<128x136xf32, #tpu.memory_space<vmem>>[vector<16xi32>, vector<16xi32>], vector<16xf32>,
          %parallel_loop3A_1370 = arith.constant 8 : i32
          %parallel_loop3A_1371 = arith.muli %parallel_loop3A_1267, %parallel_loop3A_1370 : i32
          %parallel_loop3A_1372 = arith.addi %add3A_1264, %parallel_loop3A_1371 : i32
          %parallel_loop3A_1373 = arith.constant 6 : i32
          %parallel_loop3A_1374 = arith.addi %parallel_loop3A_1372, %parallel_loop3A_1373 : i32
          %parallel_loop3A_1375 = arith.index_cast %parallel_loop3A_1374 : i32 to index
          %parallel_loop3A_1376 = arith.constant 0 : index
          %parallel_loop3A_1377 = tpu.vector_load %arg7[%parallel_loop3A_1375, %parallel_loop3A_1376] {strides = array<i32>} : memref<2048x16xf32, #tpu.memory_space<vmem>>, vector<16xf32>,
          %parallel_loop3A_1378 = arith.addf %parallel_loop3A_1377, %get3A_1255 : vector<16xf32>
          %parallel_loop3A_1379 = arith.constant 6 : i32
          %parallel_loop3A_1380 = vector.broadcast %parallel_loop3A_1379 : i32 to vector<16xi32>
          %parallel_loop3A_1381 = arith.addi %parallel_loop3A_1273, %parallel_loop3A_1380 : vector<16xi32>
          %parallel_loop3A_1382 = arith.constant 0 : i32
          %parallel_loop3A_1383 = arith.constant 0 : i32
          %parallel_loop3A_1384 = tpu.memref_slice %arg8[%and3A_781, %parallel_loop3A_1382, %parallel_loop3A_1383] : memref<2x128x136xf32, #tpu.memory_space<vmem>> -> memref<1x128x136xf32, #tpu.memory_space<vmem>>
          %parallel_loop3A_1385 = tpu.memref_squeeze %parallel_loop3A_1384 : memref<1x128x136xf32, #tpu.memory_space<vmem>> -> memref<128x136xf32, #tpu.memory_space<vmem>>
          tpu.vector_store_idx %parallel_loop3A_1385[%add3A_1259, %parallel_loop3A_1381], %parallel_loop3A_1378 : memref<128x136xf32, #tpu.memory_space<vmem>>[vector<16xi32>, vector<16xi32>], vector<16xf32>,
          %parallel_loop3A_1386 = arith.constant 8 : i32
          %parallel_loop3A_1387 = arith.muli %parallel_loop3A_1267, %parallel_loop3A_1386 : i32
          %parallel_loop3A_1388 = arith.addi %add3A_1264, %parallel_loop3A_1387 : i32
          %parallel_loop3A_1389 = arith.constant 7 : i32
          %parallel_loop3A_1390 = arith.addi %parallel_loop3A_1388, %parallel_loop3A_1389 : i32
          %parallel_loop3A_1391 = arith.index_cast %parallel_loop3A_1390 : i32 to index
          %parallel_loop3A_1392 = arith.constant 0 : index
          %parallel_loop3A_1393 = tpu.vector_load %arg7[%parallel_loop3A_1391, %parallel_loop3A_1392] {strides = array<i32>} : memref<2048x16xf32, #tpu.memory_space<vmem>>, vector<16xf32>,
          %parallel_loop3A_1394 = arith.addf %parallel_loop3A_1393, %get3A_1255 : vector<16xf32>
          %parallel_loop3A_1395 = arith.constant 7 : i32
          %parallel_loop3A_1396 = vector.broadcast %parallel_loop3A_1395 : i32 to vector<16xi32>
          %parallel_loop3A_1397 = arith.addi %parallel_loop3A_1273, %parallel_loop3A_1396 : vector<16xi32>
          %parallel_loop3A_1398 = arith.constant 0 : i32
          %parallel_loop3A_1399 = arith.constant 0 : i32
          %parallel_loop3A_1400 = tpu.memref_slice %arg8[%and3A_781, %parallel_loop3A_1398, %parallel_loop3A_1399] : memref<2x128x136xf32, #tpu.memory_space<vmem>> -> memref<1x128x136xf32, #tpu.memory_space<vmem>>
          %parallel_loop3A_1401 = tpu.memref_squeeze %parallel_loop3A_1400 : memref<1x128x136xf32, #tpu.memory_space<vmem>> -> memref<128x136xf32, #tpu.memory_space<vmem>>
          tpu.vector_store_idx %parallel_loop3A_1401[%add3A_1259, %parallel_loop3A_1397], %parallel_loop3A_1394 : memref<128x136xf32, #tpu.memory_space<vmem>>[vector<16xi32>, vector<16xi32>], vector<16xf32>,
        } {sc.loop_unroll_factor = 4 : i64, sc.parallel_access}
      }
      %scan3A_913 = arith.constant 8 : i32
      %mul3A_914 = arith.constant 8 : i32
      %mul3A_915 = arith.muli %shift_right_arithmetic3A_786, %mul3A_914 : i32
      %add3A_916 = arith.constant 0 : i32
      %add3A_917 = arith.addi %mul3A_915, %add3A_916 : i32
      %dma_start3A_918 = arith.constant 0 : i32
      %dma_start3A_919 = arith.constant 0 : i32
      %dma_start3A_920 = arith.constant 0 : i32
      %dma_start3A_921 = tpu.memref_slice %arg8[%and3A_781, %dma_start3A_919, %dma_start3A_920] : memref<2x128x136xf32, #tpu.memory_space<vmem>> -> memref<1x8x128xf32, #tpu.memory_space<vmem>>
      %dma_start3A_922 = tpu.memref_squeeze %dma_start3A_921 : memref<1x8x128xf32, #tpu.memory_space<vmem>> -> memref<8x128xf32, #tpu.memory_space<vmem>>
      %dma_start3A_923 = arith.constant 0 : i32
      %dma_start3A_924 = arith.constant 0 : i32
      %dma_start3A_925 = tpu.memref_slice %arg5[%add3A_917, %dma_start3A_918, %and3A_788, %dma_start3A_923, %dma_start3A_924] : memref<200x2x32x8x128xf32, #tpu.memory_space<hbm>> -> memref<1x1x1x8x128xf32, #tpu.memory_space<hbm>>
      %dma_start3A_926 = tpu.memref_squeeze %dma_start3A_925 : memref<1x1x1x8x128xf32, #tpu.memory_space<hbm>> -> memref<8x128xf32, #tpu.memory_space<hbm>>
      %dma_start3A_927 = arith.constant 0 : i32
      %dma_start3A_928 = arith.constant 0 : i32
      %dma_start3A_929 = tpu.memref_slice %arg5[%add3A_917, %dma_start3A_918, %and3A_788, %dma_start3A_927, %dma_start3A_928] : memref<200x2x32x8x128xf32, #tpu.memory_space<hbm>> -> memref<1x1x1x8x128xf32, #tpu.memory_space<hbm>>
      %dma_start3A_930 = tpu.memref_squeeze %dma_start3A_929 : memref<1x1x1x8x128xf32, #tpu.memory_space<hbm>> -> memref<8x128xf32, #tpu.memory_space<hbm>>
      %dma_start3A_931 = arith.constant 0 : i32
      %dma_start3A_932 = arith.constant 0 : i32
      %dma_start3A_933 = tpu.memref_slice %arg8[%and3A_781, %dma_start3A_931, %dma_start3A_932] : memref<2x128x136xf32, #tpu.memory_space<vmem>> -> memref<1x8x128xf32, #tpu.memory_space<vmem>>
      %dma_start3A_934 = tpu.memref_squeeze %dma_start3A_933 : memref<1x8x128xf32, #tpu.memory_space<vmem>> -> memref<8x128xf32, #tpu.memory_space<vmem>>
      tpu.enqueue_dma source(%dma_start3A_934 : memref<8x128xf32, #tpu.memory_space<vmem>>) target(%dma_start3A_930 : memref<8x128xf32, #tpu.memory_space<hbm>>) target_semaphore(%arg11 : memref<!tpu.dma_semaphore, #tpu.memory_space<semaphore_mem>>)
      %mul3A_935 = arith.constant 8 : i32
      %mul3A_936 = arith.muli %shift_right_arithmetic3A_786, %mul3A_935 : i32
      %add3A_937 = arith.constant 0 : i32
      %add3A_938 = arith.addi %mul3A_936, %add3A_937 : i32
      %dma_start3A_939 = arith.constant 1 : i32
      %dma_start3A_940 = arith.constant 8 : i32
      %dma_start3A_941 = arith.constant 0 : i32
      %dma_start3A_942 = tpu.memref_slice %arg8[%and3A_781, %dma_start3A_940, %dma_start3A_941] : memref<2x128x136xf32, #tpu.memory_space<vmem>> -> memref<1x8x128xf32, #tpu.memory_space<vmem>>
      %dma_start3A_943 = tpu.memref_squeeze %dma_start3A_942 : memref<1x8x128xf32, #tpu.memory_space<vmem>> -> memref<8x128xf32, #tpu.memory_space<vmem>>
      %dma_start3A_944 = arith.constant 0 : i32
      %dma_start3A_945 = arith.constant 0 : i32
      %dma_start3A_946 = tpu.memref_slice %arg5[%add3A_938, %dma_start3A_939, %and3A_788, %dma_start3A_944, %dma_start3A_945] : memref<200x2x32x8x128xf32, #tpu.memory_space<hbm>> -> memref<1x1x1x8x128xf32, #tpu.memory_space<hbm>>
      %dma_start3A_947 = tpu.memref_squeeze %dma_start3A_946 : memref<1x1x1x8x128xf32, #tpu.memory_space<hbm>> -> memref<8x128xf32, #tpu.memory_space<hbm>>
      %dma_start3A_948 = arith.constant 0 : i32
      %dma_start3A_949 = arith.constant 0 : i32
      %dma_start3A_950 = tpu.memref_slice %arg5[%add3A_938, %dma_start3A_939, %and3A_788, %dma_start3A_948, %dma_start3A_949] : memref<200x2x32x8x128xf32, #tpu.memory_space<hbm>> -> memref<1x1x1x8x128xf32, #tpu.memory_space<hbm>>
      %dma_start3A_951 = tpu.memref_squeeze %dma_start3A_950 : memref<1x1x1x8x128xf32, #tpu.memory_space<hbm>> -> memref<8x128xf32, #tpu.memory_space<hbm>>
      %dma_start3A_952 = arith.constant 8 : i32
      %dma_start3A_953 = arith.constant 0 : i32
      %dma_start3A_954 = tpu.memref_slice %arg8[%and3A_781, %dma_start3A_952, %dma_start3A_953] : memref<2x128x136xf32, #tpu.memory_space<vmem>> -> memref<1x8x128xf32, #tpu.memory_space<vmem>>
      %dma_start3A_955 = tpu.memref_squeeze %dma_start3A_954 : memref<1x8x128xf32, #tpu.memory_space<vmem>> -> memref<8x128xf32, #tpu.memory_space<vmem>>
      tpu.enqueue_dma source(%dma_start3A_955 : memref<8x128xf32, #tpu.memory_space<vmem>>) target(%dma_start3A_951 : memref<8x128xf32, #tpu.memory_space<hbm>>) target_semaphore(%arg11 : memref<!tpu.dma_semaphore, #tpu.memory_space<semaphore_mem>>)
      %mul3A_956 = arith.constant 8 : i32
      %mul3A_957 = arith.muli %shift_right_arithmetic3A_786, %mul3A_956 : i32
      %add3A_958 = arith.constant 1 : i32
      %add3A_959 = arith.addi %mul3A_957, %add3A_958 : i32
      %dma_start3A_960 = arith.constant 0 : i32
      %dma_start3A_961 = arith.constant 16 : i32
      %dma_start3A_962 = arith.constant 0 : i32
      %dma_start3A_963 = tpu.memref_slice %arg8[%and3A_781, %dma_start3A_961, %dma_start3A_962] : memref<2x128x136xf32, #tpu.memory_space<vmem>> -> memref<1x8x128xf32, #tpu.memory_space<vmem>>
      %dma_start3A_964 = tpu.memref_squeeze %dma_start3A_963 : memref<1x8x128xf32, #tpu.memory_space<vmem>> -> memref<8x128xf32, #tpu.memory_space<vmem>>
      %dma_start3A_965 = arith.constant 0 : i32
      %dma_start3A_966 = arith.constant 0 : i32
      %dma_start3A_967 = tpu.memref_slice %arg5[%add3A_959, %dma_start3A_960, %and3A_788, %dma_start3A_965, %dma_start3A_966] : memref<200x2x32x8x128xf32, #tpu.memory_space<hbm>> -> memref<1x1x1x8x128xf32, #tpu.memory_space<hbm>>
      %dma_start3A_968 = tpu.memref_squeeze %dma_start3A_967 : memref<1x1x1x8x128xf32, #tpu.memory_space<hbm>> -> memref<8x128xf32, #tpu.memory_space<hbm>>
      %dma_start3A_969 = arith.constant 0 : i32
      %dma_start3A_970 = arith.constant 0 : i32
      %dma_start3A_971 = tpu.memref_slice %arg5[%add3A_959, %dma_start3A_960, %and3A_788, %dma_start3A_969, %dma_start3A_970] : memref<200x2x32x8x128xf32, #tpu.memory_space<hbm>> -> memref<1x1x1x8x128xf32, #tpu.memory_space<hbm>>
      %dma_start3A_972 = tpu.memref_squeeze %dma_start3A_971 : memref<1x1x1x8x128xf32, #tpu.memory_space<hbm>> -> memref<8x128xf32, #tpu.memory_space<hbm>>
      %dma_start3A_973 = arith.constant 16 : i32
      %dma_start3A_974 = arith.constant 0 : i32
      %dma_start3A_975 = tpu.memref_slice %arg8[%and3A_781, %dma_start3A_973, %dma_start3A_974] : memref<2x128x136xf32, #tpu.memory_space<vmem>> -> memref<1x8x128xf32, #tpu.memory_space<vmem>>
      %dma_start3A_976 = tpu.memref_squeeze %dma_start3A_975 : memref<1x8x128xf32, #tpu.memory_space<vmem>> -> memref<8x128xf32, #tpu.memory_space<vmem>>
      tpu.enqueue_dma source(%dma_start3A_976 : memref<8x128xf32, #tpu.memory_space<vmem>>) target(%dma_start3A_972 : memref<8x128xf32, #tpu.memory_space<hbm>>) target_semaphore(%arg11 : memref<!tpu.dma_semaphore, #tpu.memory_space<semaphore_mem>>)
      %mul3A_977 = arith.constant 8 : i32
      %mul3A_978 = arith.muli %shift_right_arithmetic3A_786, %mul3A_977 : i32
      %add3A_979 = arith.constant 1 : i32
      %add3A_980 = arith.addi %mul3A_978, %add3A_979 : i32
      %dma_start3A_981 = arith.constant 1 : i32
      %dma_start3A_982 = arith.constant 24 : i32
      %dma_start3A_983 = arith.constant 0 : i32
      %dma_start3A_984 = tpu.memref_slice %arg8[%and3A_781, %dma_start3A_982, %dma_start3A_983] : memref<2x128x136xf32, #tpu.memory_space<vmem>> -> memref<1x8x128xf32, #tpu.memory_space<vmem>>
      %dma_start3A_985 = tpu.memref_squeeze %dma_start3A_984 : memref<1x8x128xf32, #tpu.memory_space<vmem>> -> memref<8x128xf32, #tpu.memory_space<vmem>>
      %dma_start3A_986 = arith.constant 0 : i32
      %dma_start3A_987 = arith.constant 0 : i32
      %dma_start3A_988 = tpu.memref_slice %arg5[%add3A_980, %dma_start3A_981, %and3A_788, %dma_start3A_986, %dma_start3A_987] : memref<200x2x32x8x128xf32, #tpu.memory_space<hbm>> -> memref<1x1x1x8x128xf32, #tpu.memory_space<hbm>>
      %dma_start3A_989 = tpu.memref_squeeze %dma_start3A_988 : memref<1x1x1x8x128xf32, #tpu.memory_space<hbm>> -> memref<8x128xf32, #tpu.memory_space<hbm>>
      %dma_start3A_990 = arith.constant 0 : i32
      %dma_start3A_991 = arith.constant 0 : i32
      %dma_start3A_992 = tpu.memref_slice %arg5[%add3A_980, %dma_start3A_981, %and3A_788, %dma_start3A_990, %dma_start3A_991] : memref<200x2x32x8x128xf32, #tpu.memory_space<hbm>> -> memref<1x1x1x8x128xf32, #tpu.memory_space<hbm>>
      %dma_start3A_993 = tpu.memref_squeeze %dma_start3A_992 : memref<1x1x1x8x128xf32, #tpu.memory_space<hbm>> -> memref<8x128xf32, #tpu.memory_space<hbm>>
      %dma_start3A_994 = arith.constant 24 : i32
      %dma_start3A_995 = arith.constant 0 : i32
      %dma_start3A_996 = tpu.memref_slice %arg8[%and3A_781, %dma_start3A_994, %dma_start3A_995] : memref<2x128x136xf32, #tpu.memory_space<vmem>> -> memref<1x8x128xf32, #tpu.memory_space<vmem>>
      %dma_start3A_997 = tpu.memref_squeeze %dma_start3A_996 : memref<1x8x128xf32, #tpu.memory_space<vmem>> -> memref<8x128xf32, #tpu.memory_space<vmem>>
      tpu.enqueue_dma source(%dma_start3A_997 : memref<8x128xf32, #tpu.memory_space<vmem>>) target(%dma_start3A_993 : memref<8x128xf32, #tpu.memory_space<hbm>>) target_semaphore(%arg11 : memref<!tpu.dma_semaphore, #tpu.memory_space<semaphore_mem>>)
      %mul3A_998 = arith.constant 8 : i32
      %mul3A_999 = arith.muli %shift_right_arithmetic3A_786, %mul3A_998 : i32
      %add3A_1000 = arith.constant 2 : i32
      %add3A_1001 = arith.addi %mul3A_999, %add3A_1000 : i32
      %dma_start3A_1002 = arith.constant 0 : i32
      %dma_start3A_1003 = arith.constant 32 : i32
      %dma_start3A_1004 = arith.constant 0 : i32
      %dma_start3A_1005 = tpu.memref_slice %arg8[%and3A_781, %dma_start3A_1003, %dma_start3A_1004] : memref<2x128x136xf32, #tpu.memory_space<vmem>> -> memref<1x8x128xf32, #tpu.memory_space<vmem>>
      %dma_start3A_1006 = tpu.memref_squeeze %dma_start3A_1005 : memref<1x8x128xf32, #tpu.memory_space<vmem>> -> memref<8x128xf32, #tpu.memory_space<vmem>>
      %dma_start3A_1007 = arith.constant 0 : i32
      %dma_start3A_1008 = arith.constant 0 : i32
      %dma_start3A_1009 = tpu.memref_slice %arg5[%add3A_1001, %dma_start3A_1002, %and3A_788, %dma_start3A_1007, %dma_start3A_1008] : memref<200x2x32x8x128xf32, #tpu.memory_space<hbm>> -> memref<1x1x1x8x128xf32, #tpu.memory_space<hbm>>
      %dma_start3A_1010 = tpu.memref_squeeze %dma_start3A_1009 : memref<1x1x1x8x128xf32, #tpu.memory_space<hbm>> -> memref<8x128xf32, #tpu.memory_space<hbm>>
      %dma_start3A_1011 = arith.constant 0 : i32
      %dma_start3A_1012 = arith.constant 0 : i32
      %dma_start3A_1013 = tpu.memref_slice %arg5[%add3A_1001, %dma_start3A_1002, %and3A_788, %dma_start3A_1011, %dma_start3A_1012] : memref<200x2x32x8x128xf32, #tpu.memory_space<hbm>> -> memref<1x1x1x8x128xf32, #tpu.memory_space<hbm>>
      %dma_start3A_1014 = tpu.memref_squeeze %dma_start3A_1013 : memref<1x1x1x8x128xf32, #tpu.memory_space<hbm>> -> memref<8x128xf32, #tpu.memory_space<hbm>>
      %dma_start3A_1015 = arith.constant 32 : i32
      %dma_start3A_1016 = arith.constant 0 : i32
      %dma_start3A_1017 = tpu.memref_slice %arg8[%and3A_781, %dma_start3A_1015, %dma_start3A_1016] : memref<2x128x136xf32, #tpu.memory_space<vmem>> -> memref<1x8x128xf32, #tpu.memory_space<vmem>>
      %dma_start3A_1018 = tpu.memref_squeeze %dma_start3A_1017 : memref<1x8x128xf32, #tpu.memory_space<vmem>> -> memref<8x128xf32, #tpu.memory_space<vmem>>
      tpu.enqueue_dma source(%dma_start3A_1018 : memref<8x128xf32, #tpu.memory_space<vmem>>) target(%dma_start3A_1014 : memref<8x128xf32, #tpu.memory_space<hbm>>) target_semaphore(%arg11 : memref<!tpu.dma_semaphore, #tpu.memory_space<semaphore_mem>>)
      %mul3A_1019 = arith.constant 8 : i32
      %mul3A_1020 = arith.muli %shift_right_arithmetic3A_786, %mul3A_1019 : i32
      %add3A_1021 = arith.constant 2 : i32
      %add3A_1022 = arith.addi %mul3A_1020, %add3A_1021 : i32
      %dma_start3A_1023 = arith.constant 1 : i32
      %dma_start3A_1024 = arith.constant 40 : i32
      %dma_start3A_1025 = arith.constant 0 : i32
      %dma_start3A_1026 = tpu.memref_slice %arg8[%and3A_781, %dma_start3A_1024, %dma_start3A_1025] : memref<2x128x136xf32, #tpu.memory_space<vmem>> -> memref<1x8x128xf32, #tpu.memory_space<vmem>>
      %dma_start3A_1027 = tpu.memref_squeeze %dma_start3A_1026 : memref<1x8x128xf32, #tpu.memory_space<vmem>> -> memref<8x128xf32, #tpu.memory_space<vmem>>
      %dma_start3A_1028 = arith.constant 0 : i32
      %dma_start3A_1029 = arith.constant 0 : i32
      %dma_start3A_1030 = tpu.memref_slice %arg5[%add3A_1022, %dma_start3A_1023, %and3A_788, %dma_start3A_1028, %dma_start3A_1029] : memref<200x2x32x8x128xf32, #tpu.memory_space<hbm>> -> memref<1x1x1x8x128xf32, #tpu.memory_space<hbm>>
      %dma_start3A_1031 = tpu.memref_squeeze %dma_start3A_1030 : memref<1x1x1x8x128xf32, #tpu.memory_space<hbm>> -> memref<8x128xf32, #tpu.memory_space<hbm>>
      %dma_start3A_1032 = arith.constant 0 : i32
      %dma_start3A_1033 = arith.constant 0 : i32
      %dma_start3A_1034 = tpu.memref_slice %arg5[%add3A_1022, %dma_start3A_1023, %and3A_788, %dma_start3A_1032, %dma_start3A_1033] : memref<200x2x32x8x128xf32, #tpu.memory_space<hbm>> -> memref<1x1x1x8x128xf32, #tpu.memory_space<hbm>>
      %dma_start3A_1035 = tpu.memref_squeeze %dma_start3A_1034 : memref<1x1x1x8x128xf32, #tpu.memory_space<hbm>> -> memref<8x128xf32, #tpu.memory_space<hbm>>
      %dma_start3A_1036 = arith.constant 40 : i32
      %dma_start3A_1037 = arith.constant 0 : i32
      %dma_start3A_1038 = tpu.memref_slice %arg8[%and3A_781, %dma_start3A_1036, %dma_start3A_1037] : memref<2x128x136xf32, #tpu.memory_space<vmem>> -> memref<1x8x128xf32, #tpu.memory_space<vmem>>
      %dma_start3A_1039 = tpu.memref_squeeze %dma_start3A_1038 : memref<1x8x128xf32, #tpu.memory_space<vmem>> -> memref<8x128xf32, #tpu.memory_space<vmem>>
      tpu.enqueue_dma source(%dma_start3A_1039 : memref<8x128xf32, #tpu.memory_space<vmem>>) target(%dma_start3A_1035 : memref<8x128xf32, #tpu.memory_space<hbm>>) target_semaphore(%arg11 : memref<!tpu.dma_semaphore, #tpu.memory_space<semaphore_mem>>)
      %mul3A_1040 = arith.constant 8 : i32
      %mul3A_1041 = arith.muli %shift_right_arithmetic3A_786, %mul3A_1040 : i32
      %add3A_1042 = arith.constant 3 : i32
      %add3A_1043 = arith.addi %mul3A_1041, %add3A_1042 : i32
      %dma_start3A_1044 = arith.constant 0 : i32
      %dma_start3A_1045 = arith.constant 48 : i32
      %dma_start3A_1046 = arith.constant 0 : i32
      %dma_start3A_1047 = tpu.memref_slice %arg8[%and3A_781, %dma_start3A_1045, %dma_start3A_1046] : memref<2x128x136xf32, #tpu.memory_space<vmem>> -> memref<1x8x128xf32, #tpu.memory_space<vmem>>
      %dma_start3A_1048 = tpu.memref_squeeze %dma_start3A_1047 : memref<1x8x128xf32, #tpu.memory_space<vmem>> -> memref<8x128xf32, #tpu.memory_space<vmem>>
      %dma_start3A_1049 = arith.constant 0 : i32
      %dma_start3A_1050 = arith.constant 0 : i32
      %dma_start3A_1051 = tpu.memref_slice %arg5[%add3A_1043, %dma_start3A_1044, %and3A_788, %dma_start3A_1049, %dma_start3A_1050] : memref<200x2x32x8x128xf32, #tpu.memory_space<hbm>> -> memref<1x1x1x8x128xf32, #tpu.memory_space<hbm>>
      %dma_start3A_1052 = tpu.memref_squeeze %dma_start3A_1051 : memref<1x1x1x8x128xf32, #tpu.memory_space<hbm>> -> memref<8x128xf32, #tpu.memory_space<hbm>>
      %dma_start3A_1053 = arith.constant 0 : i32
      %dma_start3A_1054 = arith.constant 0 : i32
      %dma_start3A_1055 = tpu.memref_slice %arg5[%add3A_1043, %dma_start3A_1044, %and3A_788, %dma_start3A_1053, %dma_start3A_1054] : memref<200x2x32x8x128xf32, #tpu.memory_space<hbm>> -> memref<1x1x1x8x128xf32, #tpu.memory_space<hbm>>
      %dma_start3A_1056 = tpu.memref_squeeze %dma_start3A_1055 : memref<1x1x1x8x128xf32, #tpu.memory_space<hbm>> -> memref<8x128xf32, #tpu.memory_space<hbm>>
      %dma_start3A_1057 = arith.constant 48 : i32
      %dma_start3A_1058 = arith.constant 0 : i32
      %dma_start3A_1059 = tpu.memref_slice %arg8[%and3A_781, %dma_start3A_1057, %dma_start3A_1058] : memref<2x128x136xf32, #tpu.memory_space<vmem>> -> memref<1x8x128xf32, #tpu.memory_space<vmem>>
      %dma_start3A_1060 = tpu.memref_squeeze %dma_start3A_1059 : memref<1x8x128xf32, #tpu.memory_space<vmem>> -> memref<8x128xf32, #tpu.memory_space<vmem>>
      tpu.enqueue_dma source(%dma_start3A_1060 : memref<8x128xf32, #tpu.memory_space<vmem>>) target(%dma_start3A_1056 : memref<8x128xf32, #tpu.memory_space<hbm>>) target_semaphore(%arg11 : memref<!tpu.dma_semaphore, #tpu.memory_space<semaphore_mem>>)
      %mul3A_1061 = arith.constant 8 : i32
      %mul3A_1062 = arith.muli %shift_right_arithmetic3A_786, %mul3A_1061 : i32
      %add3A_1063 = arith.constant 3 : i32
      %add3A_1064 = arith.addi %mul3A_1062, %add3A_1063 : i32
      %dma_start3A_1065 = arith.constant 1 : i32
      %dma_start3A_1066 = arith.constant 56 : i32
      %dma_start3A_1067 = arith.constant 0 : i32
      %dma_start3A_1068 = tpu.memref_slice %arg8[%and3A_781, %dma_start3A_1066, %dma_start3A_1067] : memref<2x128x136xf32, #tpu.memory_space<vmem>> -> memref<1x8x128xf32, #tpu.memory_space<vmem>>
      %dma_start3A_1069 = tpu.memref_squeeze %dma_start3A_1068 : memref<1x8x128xf32, #tpu.memory_space<vmem>> -> memref<8x128xf32, #tpu.memory_space<vmem>>
      %dma_start3A_1070 = arith.constant 0 : i32
      %dma_start3A_1071 = arith.constant 0 : i32
      %dma_start3A_1072 = tpu.memref_slice %arg5[%add3A_1064, %dma_start3A_1065, %and3A_788, %dma_start3A_1070, %dma_start3A_1071] : memref<200x2x32x8x128xf32, #tpu.memory_space<hbm>> -> memref<1x1x1x8x128xf32, #tpu.memory_space<hbm>>
      %dma_start3A_1073 = tpu.memref_squeeze %dma_start3A_1072 : memref<1x1x1x8x128xf32, #tpu.memory_space<hbm>> -> memref<8x128xf32, #tpu.memory_space<hbm>>
      %dma_start3A_1074 = arith.constant 0 : i32
      %dma_start3A_1075 = arith.constant 0 : i32
      %dma_start3A_1076 = tpu.memref_slice %arg5[%add3A_1064, %dma_start3A_1065, %and3A_788, %dma_start3A_1074, %dma_start3A_1075] : memref<200x2x32x8x128xf32, #tpu.memory_space<hbm>> -> memref<1x1x1x8x128xf32, #tpu.memory_space<hbm>>
      %dma_start3A_1077 = tpu.memref_squeeze %dma_start3A_1076 : memref<1x1x1x8x128xf32, #tpu.memory_space<hbm>> -> memref<8x128xf32, #tpu.memory_space<hbm>>
      %dma_start3A_1078 = arith.constant 56 : i32
      %dma_start3A_1079 = arith.constant 0 : i32
      %dma_start3A_1080 = tpu.memref_slice %arg8[%and3A_781, %dma_start3A_1078, %dma_start3A_1079] : memref<2x128x136xf32, #tpu.memory_space<vmem>> -> memref<1x8x128xf32, #tpu.memory_space<vmem>>
      %dma_start3A_1081 = tpu.memref_squeeze %dma_start3A_1080 : memref<1x8x128xf32, #tpu.memory_space<vmem>> -> memref<8x128xf32, #tpu.memory_space<vmem>>
      tpu.enqueue_dma source(%dma_start3A_1081 : memref<8x128xf32, #tpu.memory_space<vmem>>) target(%dma_start3A_1077 : memref<8x128xf32, #tpu.memory_space<hbm>>) target_semaphore(%arg11 : memref<!tpu.dma_semaphore, #tpu.memory_space<semaphore_mem>>)
      %mul3A_1082 = arith.constant 8 : i32
      %mul3A_1083 = arith.muli %shift_right_arithmetic3A_786, %mul3A_1082 : i32
      %add3A_1084 = arith.constant 4 : i32
      %add3A_1085 = arith.addi %mul3A_1083, %add3A_1084 : i32
      %dma_start3A_1086 = arith.constant 0 : i32
      %dma_start3A_1087 = arith.constant 64 : i32
      %dma_start3A_1088 = arith.constant 0 : i32
      %dma_start3A_1089 = tpu.memref_slice %arg8[%and3A_781, %dma_start3A_1087, %dma_start3A_1088] : memref<2x128x136xf32, #tpu.memory_space<vmem>> -> memref<1x8x128xf32, #tpu.memory_space<vmem>>
      %dma_start3A_1090 = tpu.memref_squeeze %dma_start3A_1089 : memref<1x8x128xf32, #tpu.memory_space<vmem>> -> memref<8x128xf32, #tpu.memory_space<vmem>>
      %dma_start3A_1091 = arith.constant 0 : i32
      %dma_start3A_1092 = arith.constant 0 : i32
      %dma_start3A_1093 = tpu.memref_slice %arg5[%add3A_1085, %dma_start3A_1086, %and3A_788, %dma_start3A_1091, %dma_start3A_1092] : memref<200x2x32x8x128xf32, #tpu.memory_space<hbm>> -> memref<1x1x1x8x128xf32, #tpu.memory_space<hbm>>
      %dma_start3A_1094 = tpu.memref_squeeze %dma_start3A_1093 : memref<1x1x1x8x128xf32, #tpu.memory_space<hbm>> -> memref<8x128xf32, #tpu.memory_space<hbm>>
      %dma_start3A_1095 = arith.constant 0 : i32
      %dma_start3A_1096 = arith.constant 0 : i32
      %dma_start3A_1097 = tpu.memref_slice %arg5[%add3A_1085, %dma_start3A_1086, %and3A_788, %dma_start3A_1095, %dma_start3A_1096] : memref<200x2x32x8x128xf32, #tpu.memory_space<hbm>> -> memref<1x1x1x8x128xf32, #tpu.memory_space<hbm>>
      %dma_start3A_1098 = tpu.memref_squeeze %dma_start3A_1097 : memref<1x1x1x8x128xf32, #tpu.memory_space<hbm>> -> memref<8x128xf32, #tpu.memory_space<hbm>>
      %dma_start3A_1099 = arith.constant 64 : i32
      %dma_start3A_1100 = arith.constant 0 : i32
      %dma_start3A_1101 = tpu.memref_slice %arg8[%and3A_781, %dma_start3A_1099, %dma_start3A_1100] : memref<2x128x136xf32, #tpu.memory_space<vmem>> -> memref<1x8x128xf32, #tpu.memory_space<vmem>>
      %dma_start3A_1102 = tpu.memref_squeeze %dma_start3A_1101 : memref<1x8x128xf32, #tpu.memory_space<vmem>> -> memref<8x128xf32, #tpu.memory_space<vmem>>
      tpu.enqueue_dma source(%dma_start3A_1102 : memref<8x128xf32, #tpu.memory_space<vmem>>) target(%dma_start3A_1098 : memref<8x128xf32, #tpu.memory_space<hbm>>) target_semaphore(%arg11 : memref<!tpu.dma_semaphore, #tpu.memory_space<semaphore_mem>>)
      %mul3A_1103 = arith.constant 8 : i32
      %mul3A_1104 = arith.muli %shift_right_arithmetic3A_786, %mul3A_1103 : i32
      %add3A_1105 = arith.constant 4 : i32
      %add3A_1106 = arith.addi %mul3A_1104, %add3A_1105 : i32
      %dma_start3A_1107 = arith.constant 1 : i32
      %dma_start3A_1108 = arith.constant 72 : i32
      %dma_start3A_1109 = arith.constant 0 : i32
      %dma_start3A_1110 = tpu.memref_slice %arg8[%and3A_781, %dma_start3A_1108, %dma_start3A_1109] : memref<2x128x136xf32, #tpu.memory_space<vmem>> -> memref<1x8x128xf32, #tpu.memory_space<vmem>>
      %dma_start3A_1111 = tpu.memref_squeeze %dma_start3A_1110 : memref<1x8x128xf32, #tpu.memory_space<vmem>> -> memref<8x128xf32, #tpu.memory_space<vmem>>
      %dma_start3A_1112 = arith.constant 0 : i32
      %dma_start3A_1113 = arith.constant 0 : i32
      %dma_start3A_1114 = tpu.memref_slice %arg5[%add3A_1106, %dma_start3A_1107, %and3A_788, %dma_start3A_1112, %dma_start3A_1113] : memref<200x2x32x8x128xf32, #tpu.memory_space<hbm>> -> memref<1x1x1x8x128xf32, #tpu.memory_space<hbm>>
      %dma_start3A_1115 = tpu.memref_squeeze %dma_start3A_1114 : memref<1x1x1x8x128xf32, #tpu.memory_space<hbm>> -> memref<8x128xf32, #tpu.memory_space<hbm>>
      %dma_start3A_1116 = arith.constant 0 : i32
      %dma_start3A_1117 = arith.constant 0 : i32
      %dma_start3A_1118 = tpu.memref_slice %arg5[%add3A_1106, %dma_start3A_1107, %and3A_788, %dma_start3A_1116, %dma_start3A_1117] : memref<200x2x32x8x128xf32, #tpu.memory_space<hbm>> -> memref<1x1x1x8x128xf32, #tpu.memory_space<hbm>>
      %dma_start3A_1119 = tpu.memref_squeeze %dma_start3A_1118 : memref<1x1x1x8x128xf32, #tpu.memory_space<hbm>> -> memref<8x128xf32, #tpu.memory_space<hbm>>
      %dma_start3A_1120 = arith.constant 72 : i32
      %dma_start3A_1121 = arith.constant 0 : i32
      %dma_start3A_1122 = tpu.memref_slice %arg8[%and3A_781, %dma_start3A_1120, %dma_start3A_1121] : memref<2x128x136xf32, #tpu.memory_space<vmem>> -> memref<1x8x128xf32, #tpu.memory_space<vmem>>
      %dma_start3A_1123 = tpu.memref_squeeze %dma_start3A_1122 : memref<1x8x128xf32, #tpu.memory_space<vmem>> -> memref<8x128xf32, #tpu.memory_space<vmem>>
      tpu.enqueue_dma source(%dma_start3A_1123 : memref<8x128xf32, #tpu.memory_space<vmem>>) target(%dma_start3A_1119 : memref<8x128xf32, #tpu.memory_space<hbm>>) target_semaphore(%arg11 : memref<!tpu.dma_semaphore, #tpu.memory_space<semaphore_mem>>)
      %mul3A_1124 = arith.constant 8 : i32
      %mul3A_1125 = arith.muli %shift_right_arithmetic3A_786, %mul3A_1124 : i32
      %add3A_1126 = arith.constant 5 : i32
      %add3A_1127 = arith.addi %mul3A_1125, %add3A_1126 : i32
      %dma_start3A_1128 = arith.constant 0 : i32
      %dma_start3A_1129 = arith.constant 80 : i32
      %dma_start3A_1130 = arith.constant 0 : i32
      %dma_start3A_1131 = tpu.memref_slice %arg8[%and3A_781, %dma_start3A_1129, %dma_start3A_1130] : memref<2x128x136xf32, #tpu.memory_space<vmem>> -> memref<1x8x128xf32, #tpu.memory_space<vmem>>
      %dma_start3A_1132 = tpu.memref_squeeze %dma_start3A_1131 : memref<1x8x128xf32, #tpu.memory_space<vmem>> -> memref<8x128xf32, #tpu.memory_space<vmem>>
      %dma_start3A_1133 = arith.constant 0 : i32
      %dma_start3A_1134 = arith.constant 0 : i32
      %dma_start3A_1135 = tpu.memref_slice %arg5[%add3A_1127, %dma_start3A_1128, %and3A_788, %dma_start3A_1133, %dma_start3A_1134] : memref<200x2x32x8x128xf32, #tpu.memory_space<hbm>> -> memref<1x1x1x8x128xf32, #tpu.memory_space<hbm>>
      %dma_start3A_1136 = tpu.memref_squeeze %dma_start3A_1135 : memref<1x1x1x8x128xf32, #tpu.memory_space<hbm>> -> memref<8x128xf32, #tpu.memory_space<hbm>>
      %dma_start3A_1137 = arith.constant 0 : i32
      %dma_start3A_1138 = arith.constant 0 : i32
      %dma_start3A_1139 = tpu.memref_slice %arg5[%add3A_1127, %dma_start3A_1128, %and3A_788, %dma_start3A_1137, %dma_start3A_1138] : memref<200x2x32x8x128xf32, #tpu.memory_space<hbm>> -> memref<1x1x1x8x128xf32, #tpu.memory_space<hbm>>
      %dma_start3A_1140 = tpu.memref_squeeze %dma_start3A_1139 : memref<1x1x1x8x128xf32, #tpu.memory_space<hbm>> -> memref<8x128xf32, #tpu.memory_space<hbm>>
      %dma_start3A_1141 = arith.constant 80 : i32
      %dma_start3A_1142 = arith.constant 0 : i32
      %dma_start3A_1143 = tpu.memref_slice %arg8[%and3A_781, %dma_start3A_1141, %dma_start3A_1142] : memref<2x128x136xf32, #tpu.memory_space<vmem>> -> memref<1x8x128xf32, #tpu.memory_space<vmem>>
      %dma_start3A_1144 = tpu.memref_squeeze %dma_start3A_1143 : memref<1x8x128xf32, #tpu.memory_space<vmem>> -> memref<8x128xf32, #tpu.memory_space<vmem>>
      tpu.enqueue_dma source(%dma_start3A_1144 : memref<8x128xf32, #tpu.memory_space<vmem>>) target(%dma_start3A_1140 : memref<8x128xf32, #tpu.memory_space<hbm>>) target_semaphore(%arg11 : memref<!tpu.dma_semaphore, #tpu.memory_space<semaphore_mem>>)
      %mul3A_1145 = arith.constant 8 : i32
      %mul3A_1146 = arith.muli %shift_right_arithmetic3A_786, %mul3A_1145 : i32
      %add3A_1147 = arith.constant 5 : i32
      %add3A_1148 = arith.addi %mul3A_1146, %add3A_1147 : i32
      %dma_start3A_1149 = arith.constant 1 : i32
      %dma_start3A_1150 = arith.constant 88 : i32
      %dma_start3A_1151 = arith.constant 0 : i32
      %dma_start3A_1152 = tpu.memref_slice %arg8[%and3A_781, %dma_start3A_1150, %dma_start3A_1151] : memref<2x128x136xf32, #tpu.memory_space<vmem>> -> memref<1x8x128xf32, #tpu.memory_space<vmem>>
      %dma_start3A_1153 = tpu.memref_squeeze %dma_start3A_1152 : memref<1x8x128xf32, #tpu.memory_space<vmem>> -> memref<8x128xf32, #tpu.memory_space<vmem>>
      %dma_start3A_1154 = arith.constant 0 : i32
      %dma_start3A_1155 = arith.constant 0 : i32
      %dma_start3A_1156 = tpu.memref_slice %arg5[%add3A_1148, %dma_start3A_1149, %and3A_788, %dma_start3A_1154, %dma_start3A_1155] : memref<200x2x32x8x128xf32, #tpu.memory_space<hbm>> -> memref<1x1x1x8x128xf32, #tpu.memory_space<hbm>>
      %dma_start3A_1157 = tpu.memref_squeeze %dma_start3A_1156 : memref<1x1x1x8x128xf32, #tpu.memory_space<hbm>> -> memref<8x128xf32, #tpu.memory_space<hbm>>
      %dma_start3A_1158 = arith.constant 0 : i32
      %dma_start3A_1159 = arith.constant 0 : i32
      %dma_start3A_1160 = tpu.memref_slice %arg5[%add3A_1148, %dma_start3A_1149, %and3A_788, %dma_start3A_1158, %dma_start3A_1159] : memref<200x2x32x8x128xf32, #tpu.memory_space<hbm>> -> memref<1x1x1x8x128xf32, #tpu.memory_space<hbm>>
      %dma_start3A_1161 = tpu.memref_squeeze %dma_start3A_1160 : memref<1x1x1x8x128xf32, #tpu.memory_space<hbm>> -> memref<8x128xf32, #tpu.memory_space<hbm>>
      %dma_start3A_1162 = arith.constant 88 : i32
      %dma_start3A_1163 = arith.constant 0 : i32
      %dma_start3A_1164 = tpu.memref_slice %arg8[%and3A_781, %dma_start3A_1162, %dma_start3A_1163] : memref<2x128x136xf32, #tpu.memory_space<vmem>> -> memref<1x8x128xf32, #tpu.memory_space<vmem>>
      %dma_start3A_1165 = tpu.memref_squeeze %dma_start3A_1164 : memref<1x8x128xf32, #tpu.memory_space<vmem>> -> memref<8x128xf32, #tpu.memory_space<vmem>>
      tpu.enqueue_dma source(%dma_start3A_1165 : memref<8x128xf32, #tpu.memory_space<vmem>>) target(%dma_start3A_1161 : memref<8x128xf32, #tpu.memory_space<hbm>>) target_semaphore(%arg11 : memref<!tpu.dma_semaphore, #tpu.memory_space<semaphore_mem>>)
      %mul3A_1166 = arith.constant 8 : i32
      %mul3A_1167 = arith.muli %shift_right_arithmetic3A_786, %mul3A_1166 : i32
      %add3A_1168 = arith.constant 6 : i32
      %add3A_1169 = arith.addi %mul3A_1167, %add3A_1168 : i32
      %dma_start3A_1170 = arith.constant 0 : i32
      %dma_start3A_1171 = arith.constant 96 : i32
      %dma_start3A_1172 = arith.constant 0 : i32
      %dma_start3A_1173 = tpu.memref_slice %arg8[%and3A_781, %dma_start3A_1171, %dma_start3A_1172] : memref<2x128x136xf32, #tpu.memory_space<vmem>> -> memref<1x8x128xf32, #tpu.memory_space<vmem>>
      %dma_start3A_1174 = tpu.memref_squeeze %dma_start3A_1173 : memref<1x8x128xf32, #tpu.memory_space<vmem>> -> memref<8x128xf32, #tpu.memory_space<vmem>>
      %dma_start3A_1175 = arith.constant 0 : i32
      %dma_start3A_1176 = arith.constant 0 : i32
      %dma_start3A_1177 = tpu.memref_slice %arg5[%add3A_1169, %dma_start3A_1170, %and3A_788, %dma_start3A_1175, %dma_start3A_1176] : memref<200x2x32x8x128xf32, #tpu.memory_space<hbm>> -> memref<1x1x1x8x128xf32, #tpu.memory_space<hbm>>
      %dma_start3A_1178 = tpu.memref_squeeze %dma_start3A_1177 : memref<1x1x1x8x128xf32, #tpu.memory_space<hbm>> -> memref<8x128xf32, #tpu.memory_space<hbm>>
      %dma_start3A_1179 = arith.constant 0 : i32
      %dma_start3A_1180 = arith.constant 0 : i32
      %dma_start3A_1181 = tpu.memref_slice %arg5[%add3A_1169, %dma_start3A_1170, %and3A_788, %dma_start3A_1179, %dma_start3A_1180] : memref<200x2x32x8x128xf32, #tpu.memory_space<hbm>> -> memref<1x1x1x8x128xf32, #tpu.memory_space<hbm>>
      %dma_start3A_1182 = tpu.memref_squeeze %dma_start3A_1181 : memref<1x1x1x8x128xf32, #tpu.memory_space<hbm>> -> memref<8x128xf32, #tpu.memory_space<hbm>>
      %dma_start3A_1183 = arith.constant 96 : i32
      %dma_start3A_1184 = arith.constant 0 : i32
      %dma_start3A_1185 = tpu.memref_slice %arg8[%and3A_781, %dma_start3A_1183, %dma_start3A_1184] : memref<2x128x136xf32, #tpu.memory_space<vmem>> -> memref<1x8x128xf32, #tpu.memory_space<vmem>>
      %dma_start3A_1186 = tpu.memref_squeeze %dma_start3A_1185 : memref<1x8x128xf32, #tpu.memory_space<vmem>> -> memref<8x128xf32, #tpu.memory_space<vmem>>
      tpu.enqueue_dma source(%dma_start3A_1186 : memref<8x128xf32, #tpu.memory_space<vmem>>) target(%dma_start3A_1182 : memref<8x128xf32, #tpu.memory_space<hbm>>) target_semaphore(%arg11 : memref<!tpu.dma_semaphore, #tpu.memory_space<semaphore_mem>>)
      %mul3A_1187 = arith.constant 8 : i32
      %mul3A_1188 = arith.muli %shift_right_arithmetic3A_786, %mul3A_1187 : i32
      %add3A_1189 = arith.constant 6 : i32
      %add3A_1190 = arith.addi %mul3A_1188, %add3A_1189 : i32
      %dma_start3A_1191 = arith.constant 1 : i32
      %dma_start3A_1192 = arith.constant 104 : i32
      %dma_start3A_1193 = arith.constant 0 : i32
      %dma_start3A_1194 = tpu.memref_slice %arg8[%and3A_781, %dma_start3A_1192, %dma_start3A_1193] : memref<2x128x136xf32, #tpu.memory_space<vmem>> -> memref<1x8x128xf32, #tpu.memory_space<vmem>>
      %dma_start3A_1195 = tpu.memref_squeeze %dma_start3A_1194 : memref<1x8x128xf32, #tpu.memory_space<vmem>> -> memref<8x128xf32, #tpu.memory_space<vmem>>
      %dma_start3A_1196 = arith.constant 0 : i32
      %dma_start3A_1197 = arith.constant 0 : i32
      %dma_start3A_1198 = tpu.memref_slice %arg5[%add3A_1190, %dma_start3A_1191, %and3A_788, %dma_start3A_1196, %dma_start3A_1197] : memref<200x2x32x8x128xf32, #tpu.memory_space<hbm>> -> memref<1x1x1x8x128xf32, #tpu.memory_space<hbm>>
      %dma_start3A_1199 = tpu.memref_squeeze %dma_start3A_1198 : memref<1x1x1x8x128xf32, #tpu.memory_space<hbm>> -> memref<8x128xf32, #tpu.memory_space<hbm>>
      %dma_start3A_1200 = arith.constant 0 : i32
      %dma_start3A_1201 = arith.constant 0 : i32
      %dma_start3A_1202 = tpu.memref_slice %arg5[%add3A_1190, %dma_start3A_1191, %and3A_788, %dma_start3A_1200, %dma_start3A_1201] : memref<200x2x32x8x128xf32, #tpu.memory_space<hbm>> -> memref<1x1x1x8x128xf32, #tpu.memory_space<hbm>>
      %dma_start3A_1203 = tpu.memref_squeeze %dma_start3A_1202 : memref<1x1x1x8x128xf32, #tpu.memory_space<hbm>> -> memref<8x128xf32, #tpu.memory_space<hbm>>
      %dma_start3A_1204 = arith.constant 104 : i32
      %dma_start3A_1205 = arith.constant 0 : i32
      %dma_start3A_1206 = tpu.memref_slice %arg8[%and3A_781, %dma_start3A_1204, %dma_start3A_1205] : memref<2x128x136xf32, #tpu.memory_space<vmem>> -> memref<1x8x128xf32, #tpu.memory_space<vmem>>
      %dma_start3A_1207 = tpu.memref_squeeze %dma_start3A_1206 : memref<1x8x128xf32, #tpu.memory_space<vmem>> -> memref<8x128xf32, #tpu.memory_space<vmem>>
      tpu.enqueue_dma source(%dma_start3A_1207 : memref<8x128xf32, #tpu.memory_space<vmem>>) target(%dma_start3A_1203 : memref<8x128xf32, #tpu.memory_space<hbm>>) target_semaphore(%arg11 : memref<!tpu.dma_semaphore, #tpu.memory_space<semaphore_mem>>)
      %mul3A_1208 = arith.constant 8 : i32
      %mul3A_1209 = arith.muli %shift_right_arithmetic3A_786, %mul3A_1208 : i32
      %add3A_1210 = arith.constant 7 : i32
      %add3A_1211 = arith.addi %mul3A_1209, %add3A_1210 : i32
      %dma_start3A_1212 = arith.constant 0 : i32
      %dma_start3A_1213 = arith.constant 112 : i32
      %dma_start3A_1214 = arith.constant 0 : i32
      %dma_start3A_1215 = tpu.memref_slice %arg8[%and3A_781, %dma_start3A_1213, %dma_start3A_1214] : memref<2x128x136xf32, #tpu.memory_space<vmem>> -> memref<1x8x128xf32, #tpu.memory_space<vmem>>
      %dma_start3A_1216 = tpu.memref_squeeze %dma_start3A_1215 : memref<1x8x128xf32, #tpu.memory_space<vmem>> -> memref<8x128xf32, #tpu.memory_space<vmem>>
      %dma_start3A_1217 = arith.constant 0 : i32
      %dma_start3A_1218 = arith.constant 0 : i32
      %dma_start3A_1219 = tpu.memref_slice %arg5[%add3A_1211, %dma_start3A_1212, %and3A_788, %dma_start3A_1217, %dma_start3A_1218] : memref<200x2x32x8x128xf32, #tpu.memory_space<hbm>> -> memref<1x1x1x8x128xf32, #tpu.memory_space<hbm>>
      %dma_start3A_1220 = tpu.memref_squeeze %dma_start3A_1219 : memref<1x1x1x8x128xf32, #tpu.memory_space<hbm>> -> memref<8x128xf32, #tpu.memory_space<hbm>>
      %dma_start3A_1221 = arith.constant 0 : i32
      %dma_start3A_1222 = arith.constant 0 : i32
      %dma_start3A_1223 = tpu.memref_slice %arg5[%add3A_1211, %dma_start3A_1212, %and3A_788, %dma_start3A_1221, %dma_start3A_1222] : memref<200x2x32x8x128xf32, #tpu.memory_space<hbm>> -> memref<1x1x1x8x128xf32, #tpu.memory_space<hbm>>
      %dma_start3A_1224 = tpu.memref_squeeze %dma_start3A_1223 : memref<1x1x1x8x128xf32, #tpu.memory_space<hbm>> -> memref<8x128xf32, #tpu.memory_space<hbm>>
      %dma_start3A_1225 = arith.constant 112 : i32
      %dma_start3A_1226 = arith.constant 0 : i32
      %dma_start3A_1227 = tpu.memref_slice %arg8[%and3A_781, %dma_start3A_1225, %dma_start3A_1226] : memref<2x128x136xf32, #tpu.memory_space<vmem>> -> memref<1x8x128xf32, #tpu.memory_space<vmem>>
      %dma_start3A_1228 = tpu.memref_squeeze %dma_start3A_1227 : memref<1x8x128xf32, #tpu.memory_space<vmem>> -> memref<8x128xf32, #tpu.memory_space<vmem>>
      tpu.enqueue_dma source(%dma_start3A_1228 : memref<8x128xf32, #tpu.memory_space<vmem>>) target(%dma_start3A_1224 : memref<8x128xf32, #tpu.memory_space<hbm>>) target_semaphore(%arg11 : memref<!tpu.dma_semaphore, #tpu.memory_space<semaphore_mem>>)
      %mul3A_1229 = arith.constant 8 : i32
      %mul3A_1230 = arith.muli %shift_right_arithmetic3A_786, %mul3A_1229 : i32
      %add3A_1231 = arith.constant 7 : i32
      %add3A_1232 = arith.addi %mul3A_1230, %add3A_1231 : i32
      %dma_start3A_1233 = arith.constant 1 : i32
      %dma_start3A_1234 = arith.constant 120 : i32
      %dma_start3A_1235 = arith.constant 0 : i32
      %dma_start3A_1236 = tpu.memref_slice %arg8[%and3A_781, %dma_start3A_1234, %dma_start3A_1235] : memref<2x128x136xf32, #tpu.memory_space<vmem>> -> memref<1x8x128xf32, #tpu.memory_space<vmem>>
      %dma_start3A_1237 = tpu.memref_squeeze %dma_start3A_1236 : memref<1x8x128xf32, #tpu.memory_space<vmem>> -> memref<8x128xf32, #tpu.memory_space<vmem>>
      %dma_start3A_1238 = arith.constant 0 : i32
      %dma_start3A_1239 = arith.constant 0 : i32
      %dma_start3A_1240 = tpu.memref_slice %arg5[%add3A_1232, %dma_start3A_1233, %and3A_788, %dma_start3A_1238, %dma_start3A_1239] : memref<200x2x32x8x128xf32, #tpu.memory_space<hbm>> -> memref<1x1x1x8x128xf32, #tpu.memory_space<hbm>>
      %dma_start3A_1241 = tpu.memref_squeeze %dma_start3A_1240 : memref<1x1x1x8x128xf32, #tpu.memory_space<hbm>> -> memref<8x128xf32, #tpu.memory_space<hbm>>
      %dma_start3A_1242 = arith.constant 0 : i32
      %dma_start3A_1243 = arith.constant 0 : i32
      %dma_start3A_1244 = tpu.memref_slice %arg5[%add3A_1232, %dma_start3A_1233, %and3A_788, %dma_start3A_1242, %dma_start3A_1243] : memref<200x2x32x8x128xf32, #tpu.memory_space<hbm>> -> memref<1x1x1x8x128xf32, #tpu.memory_space<hbm>>
      %dma_start3A_1245 = tpu.memref_squeeze %dma_start3A_1244 : memref<1x1x1x8x128xf32, #tpu.memory_space<hbm>> -> memref<8x128xf32, #tpu.memory_space<hbm>>
      %dma_start3A_1246 = arith.constant 120 : i32
      %dma_start3A_1247 = arith.constant 0 : i32
      %dma_start3A_1248 = tpu.memref_slice %arg8[%and3A_781, %dma_start3A_1246, %dma_start3A_1247] : memref<2x128x136xf32, #tpu.memory_space<vmem>> -> memref<1x8x128xf32, #tpu.memory_space<vmem>>
      %dma_start3A_1249 = tpu.memref_squeeze %dma_start3A_1248 : memref<1x8x128xf32, #tpu.memory_space<vmem>> -> memref<8x128xf32, #tpu.memory_space<vmem>>
      tpu.enqueue_dma source(%dma_start3A_1249 : memref<8x128xf32, #tpu.memory_space<vmem>>) target(%dma_start3A_1245 : memref<8x128xf32, #tpu.memory_space<hbm>>) target_semaphore(%arg11 : memref<!tpu.dma_semaphore, #tpu.memory_space<semaphore_mem>>)
    }
    %scan3A_138 = arith.constant 25 : i32
    %dma_wait3A_139 = arith.constant 0 : i32
    %dma_wait3A_140 = arith.constant 0 : i32
    %dma_wait3A_141 = arith.constant 0 : i32
    %dma_wait3A_142 = arith.constant 0 : i32
    %dma_wait3A_143 = arith.constant 0 : i32
    %dma_wait3A_144 = arith.constant 0 : i32
    %dma_wait3A_145 = tpu.memref_slice %arg8[%dma_wait3A_139, %dma_wait3A_143, %dma_wait3A_144] : memref<2x128x136xf32, #tpu.memory_space<vmem>> -> memref<1x8x128xf32, #tpu.memory_space<vmem>>
    %dma_wait3A_146 = tpu.memref_squeeze %dma_wait3A_145 : memref<1x8x128xf32, #tpu.memory_space<vmem>> -> memref<8x128xf32, #tpu.memory_space<vmem>>
    %dma_wait3A_147 = arith.constant 0 : i32
    %dma_wait3A_148 = arith.constant 0 : i32
    %dma_wait3A_149 = tpu.memref_slice %arg5[%dma_wait3A_140, %dma_wait3A_141, %dma_wait3A_142, %dma_wait3A_147, %dma_wait3A_148] : memref<200x2x32x8x128xf32, #tpu.memory_space<hbm>> -> memref<1x1x1x8x128xf32, #tpu.memory_space<hbm>>
    %dma_wait3A_150 = tpu.memref_squeeze %dma_wait3A_149 : memref<1x1x1x8x128xf32, #tpu.memory_space<hbm>> -> memref<8x128xf32, #tpu.memory_space<hbm>>
    %dma_wait3A_151 = arith.constant 0 : i32
    %dma_wait3A_152 = arith.constant 0 : i32
    %dma_wait3A_153 = tpu.memref_slice %arg5[%dma_wait3A_140, %dma_wait3A_141, %dma_wait3A_142, %dma_wait3A_151, %dma_wait3A_152] : memref<200x2x32x8x128xf32, #tpu.memory_space<hbm>> -> memref<1x1x1x8x128xf32, #tpu.memory_space<hbm>>
    %dma_wait3A_154 = tpu.memref_squeeze %dma_wait3A_153 : memref<1x1x1x8x128xf32, #tpu.memory_space<hbm>> -> memref<8x128xf32, #tpu.memory_space<hbm>>
    %dma_wait3A_155 = arith.constant 0 : i32
    %dma_wait3A_156 = arith.constant 0 : i32
    %dma_wait3A_157 = tpu.memref_slice %arg8[%dma_wait3A_139, %dma_wait3A_155, %dma_wait3A_156] : memref<2x128x136xf32, #tpu.memory_space<vmem>> -> memref<1x8x128xf32, #tpu.memory_space<vmem>>
    %dma_wait3A_158 = tpu.memref_squeeze %dma_wait3A_157 : memref<1x8x128xf32, #tpu.memory_space<vmem>> -> memref<8x128xf32, #tpu.memory_space<vmem>>
    tpu.wait_dma2 semaphore(%arg11 : memref<!tpu.dma_semaphore, #tpu.memory_space<semaphore_mem>>) src(%dma_wait3A_158 : memref<8x128xf32, #tpu.memory_space<vmem>>) dst(%dma_wait3A_154 : memref<8x128xf32, #tpu.memory_space<hbm>>)
    %dma_wait3A_159 = arith.constant 0 : i32
    %dma_wait3A_160 = arith.constant 0 : i32
    %dma_wait3A_161 = arith.constant 1 : i32
    %dma_wait3A_162 = arith.constant 0 : i32
    %dma_wait3A_163 = arith.constant 8 : i32
    %dma_wait3A_164 = arith.constant 0 : i32
    %dma_wait3A_165 = tpu.memref_slice %arg8[%dma_wait3A_159, %dma_wait3A_163, %dma_wait3A_164] : memref<2x128x136xf32, #tpu.memory_space<vmem>> -> memref<1x8x128xf32, #tpu.memory_space<vmem>>
    %dma_wait3A_166 = tpu.memref_squeeze %dma_wait3A_165 : memref<1x8x128xf32, #tpu.memory_space<vmem>> -> memref<8x128xf32, #tpu.memory_space<vmem>>
    %dma_wait3A_167 = arith.constant 0 : i32
    %dma_wait3A_168 = arith.constant 0 : i32
    %dma_wait3A_169 = tpu.memref_slice %arg5[%dma_wait3A_160, %dma_wait3A_161, %dma_wait3A_162, %dma_wait3A_167, %dma_wait3A_168] : memref<200x2x32x8x128xf32, #tpu.memory_space<hbm>> -> memref<1x1x1x8x128xf32, #tpu.memory_space<hbm>>
    %dma_wait3A_170 = tpu.memref_squeeze %dma_wait3A_169 : memref<1x1x1x8x128xf32, #tpu.memory_space<hbm>> -> memref<8x128xf32, #tpu.memory_space<hbm>>
    %dma_wait3A_171 = arith.constant 0 : i32
    %dma_wait3A_172 = arith.constant 0 : i32
    %dma_wait3A_173 = tpu.memref_slice %arg5[%dma_wait3A_160, %dma_wait3A_161, %dma_wait3A_162, %dma_wait3A_171, %dma_wait3A_172] : memref<200x2x32x8x128xf32, #tpu.memory_space<hbm>> -> memref<1x1x1x8x128xf32, #tpu.memory_space<hbm>>
    %dma_wait3A_174 = tpu.memref_squeeze %dma_wait3A_173 : memref<1x1x1x8x128xf32, #tpu.memory_space<hbm>> -> memref<8x128xf32, #tpu.memory_space<hbm>>
    %dma_wait3A_175 = arith.constant 8 : i32
    %dma_wait3A_176 = arith.constant 0 : i32
    %dma_wait3A_177 = tpu.memref_slice %arg8[%dma_wait3A_159, %dma_wait3A_175, %dma_wait3A_176] : memref<2x128x136xf32, #tpu.memory_space<vmem>> -> memref<1x8x128xf32, #tpu.memory_space<vmem>>
    %dma_wait3A_178 = tpu.memref_squeeze %dma_wait3A_177 : memref<1x8x128xf32, #tpu.memory_space<vmem>> -> memref<8x128xf32, #tpu.memory_space<vmem>>
    tpu.wait_dma2 semaphore(%arg11 : memref<!tpu.dma_semaphore, #tpu.memory_space<semaphore_mem>>) src(%dma_wait3A_178 : memref<8x128xf32, #tpu.memory_space<vmem>>) dst(%dma_wait3A_174 : memref<8x128xf32, #tpu.memory_space<hbm>>)
    %dma_wait3A_179 = arith.constant 0 : i32
    %dma_wait3A_180 = arith.constant 1 : i32
    %dma_wait3A_181 = arith.constant 0 : i32
    %dma_wait3A_182 = arith.constant 0 : i32
    %dma_wait3A_183 = arith.constant 16 : i32
    %dma_wait3A_184 = arith.constant 0 : i32
    %dma_wait3A_185 = tpu.memref_slice %arg8[%dma_wait3A_179, %dma_wait3A_183, %dma_wait3A_184] : memref<2x128x136xf32, #tpu.memory_space<vmem>> -> memref<1x8x128xf32, #tpu.memory_space<vmem>>
    %dma_wait3A_186 = tpu.memref_squeeze %dma_wait3A_185 : memref<1x8x128xf32, #tpu.memory_space<vmem>> -> memref<8x128xf32, #tpu.memory_space<vmem>>
    %dma_wait3A_187 = arith.constant 0 : i32
    %dma_wait3A_188 = arith.constant 0 : i32
    %dma_wait3A_189 = tpu.memref_slice %arg5[%dma_wait3A_180, %dma_wait3A_181, %dma_wait3A_182, %dma_wait3A_187, %dma_wait3A_188] : memref<200x2x32x8x128xf32, #tpu.memory_space<hbm>> -> memref<1x1x1x8x128xf32, #tpu.memory_space<hbm>>
    %dma_wait3A_190 = tpu.memref_squeeze %dma_wait3A_189 : memref<1x1x1x8x128xf32, #tpu.memory_space<hbm>> -> memref<8x128xf32, #tpu.memory_space<hbm>>
    %dma_wait3A_191 = arith.constant 0 : i32
    %dma_wait3A_192 = arith.constant 0 : i32
    %dma_wait3A_193 = tpu.memref_slice %arg5[%dma_wait3A_180, %dma_wait3A_181, %dma_wait3A_182, %dma_wait3A_191, %dma_wait3A_192] : memref<200x2x32x8x128xf32, #tpu.memory_space<hbm>> -> memref<1x1x1x8x128xf32, #tpu.memory_space<hbm>>
    %dma_wait3A_194 = tpu.memref_squeeze %dma_wait3A_193 : memref<1x1x1x8x128xf32, #tpu.memory_space<hbm>> -> memref<8x128xf32, #tpu.memory_space<hbm>>
    %dma_wait3A_195 = arith.constant 16 : i32
    %dma_wait3A_196 = arith.constant 0 : i32
    %dma_wait3A_197 = tpu.memref_slice %arg8[%dma_wait3A_179, %dma_wait3A_195, %dma_wait3A_196] : memref<2x128x136xf32, #tpu.memory_space<vmem>> -> memref<1x8x128xf32, #tpu.memory_space<vmem>>
    %dma_wait3A_198 = tpu.memref_squeeze %dma_wait3A_197 : memref<1x8x128xf32, #tpu.memory_space<vmem>> -> memref<8x128xf32, #tpu.memory_space<vmem>>
    tpu.wait_dma2 semaphore(%arg11 : memref<!tpu.dma_semaphore, #tpu.memory_space<semaphore_mem>>) src(%dma_wait3A_198 : memref<8x128xf32, #tpu.memory_space<vmem>>) dst(%dma_wait3A_194 : memref<8x128xf32, #tpu.memory_space<hbm>>)
    %dma_wait3A_199 = arith.constant 0 : i32
    %dma_wait3A_200 = arith.constant 1 : i32
    %dma_wait3A_201 = arith.constant 1 : i32
    %dma_wait3A_202 = arith.constant 0 : i32
    %dma_wait3A_203 = arith.constant 24 : i32
    %dma_wait3A_204 = arith.constant 0 : i32
    %dma_wait3A_205 = tpu.memref_slice %arg8[%dma_wait3A_199, %dma_wait3A_203, %dma_wait3A_204] : memref<2x128x136xf32, #tpu.memory_space<vmem>> -> memref<1x8x128xf32, #tpu.memory_space<vmem>>
    %dma_wait3A_206 = tpu.memref_squeeze %dma_wait3A_205 : memref<1x8x128xf32, #tpu.memory_space<vmem>> -> memref<8x128xf32, #tpu.memory_space<vmem>>
    %dma_wait3A_207 = arith.constant 0 : i32
    %dma_wait3A_208 = arith.constant 0 : i32
    %dma_wait3A_209 = tpu.memref_slice %arg5[%dma_wait3A_200, %dma_wait3A_201, %dma_wait3A_202, %dma_wait3A_207, %dma_wait3A_208] : memref<200x2x32x8x128xf32, #tpu.memory_space<hbm>> -> memref<1x1x1x8x128xf32, #tpu.memory_space<hbm>>
    %dma_wait3A_210 = tpu.memref_squeeze %dma_wait3A_209 : memref<1x1x1x8x128xf32, #tpu.memory_space<hbm>> -> memref<8x128xf32, #tpu.memory_space<hbm>>
    %dma_wait3A_211 = arith.constant 0 : i32
    %dma_wait3A_212 = arith.constant 0 : i32
    %dma_wait3A_213 = tpu.memref_slice %arg5[%dma_wait3A_200, %dma_wait3A_201, %dma_wait3A_202, %dma_wait3A_211, %dma_wait3A_212] : memref<200x2x32x8x128xf32, #tpu.memory_space<hbm>> -> memref<1x1x1x8x128xf32, #tpu.memory_space<hbm>>
    %dma_wait3A_214 = tpu.memref_squeeze %dma_wait3A_213 : memref<1x1x1x8x128xf32, #tpu.memory_space<hbm>> -> memref<8x128xf32, #tpu.memory_space<hbm>>
    %dma_wait3A_215 = arith.constant 24 : i32
    %dma_wait3A_216 = arith.constant 0 : i32
    %dma_wait3A_217 = tpu.memref_slice %arg8[%dma_wait3A_199, %dma_wait3A_215, %dma_wait3A_216] : memref<2x128x136xf32, #tpu.memory_space<vmem>> -> memref<1x8x128xf32, #tpu.memory_space<vmem>>
    %dma_wait3A_218 = tpu.memref_squeeze %dma_wait3A_217 : memref<1x8x128xf32, #tpu.memory_space<vmem>> -> memref<8x128xf32, #tpu.memory_space<vmem>>
    tpu.wait_dma2 semaphore(%arg11 : memref<!tpu.dma_semaphore, #tpu.memory_space<semaphore_mem>>) src(%dma_wait3A_218 : memref<8x128xf32, #tpu.memory_space<vmem>>) dst(%dma_wait3A_214 : memref<8x128xf32, #tpu.memory_space<hbm>>)
    %dma_wait3A_219 = arith.constant 0 : i32
    %dma_wait3A_220 = arith.constant 2 : i32
    %dma_wait3A_221 = arith.constant 0 : i32
    %dma_wait3A_222 = arith.constant 0 : i32
    %dma_wait3A_223 = arith.constant 32 : i32
    %dma_wait3A_224 = arith.constant 0 : i32
    %dma_wait3A_225 = tpu.memref_slice %arg8[%dma_wait3A_219, %dma_wait3A_223, %dma_wait3A_224] : memref<2x128x136xf32, #tpu.memory_space<vmem>> -> memref<1x8x128xf32, #tpu.memory_space<vmem>>
    %dma_wait3A_226 = tpu.memref_squeeze %dma_wait3A_225 : memref<1x8x128xf32, #tpu.memory_space<vmem>> -> memref<8x128xf32, #tpu.memory_space<vmem>>
    %dma_wait3A_227 = arith.constant 0 : i32
    %dma_wait3A_228 = arith.constant 0 : i32
    %dma_wait3A_229 = tpu.memref_slice %arg5[%dma_wait3A_220, %dma_wait3A_221, %dma_wait3A_222, %dma_wait3A_227, %dma_wait3A_228] : memref<200x2x32x8x128xf32, #tpu.memory_space<hbm>> -> memref<1x1x1x8x128xf32, #tpu.memory_space<hbm>>
    %dma_wait3A_230 = tpu.memref_squeeze %dma_wait3A_229 : memref<1x1x1x8x128xf32, #tpu.memory_space<hbm>> -> memref<8x128xf32, #tpu.memory_space<hbm>>
    %dma_wait3A_231 = arith.constant 0 : i32
    %dma_wait3A_232 = arith.constant 0 : i32
    %dma_wait3A_233 = tpu.memref_slice %arg5[%dma_wait3A_220, %dma_wait3A_221, %dma_wait3A_222, %dma_wait3A_231, %dma_wait3A_232] : memref<200x2x32x8x128xf32, #tpu.memory_space<hbm>> -> memref<1x1x1x8x128xf32, #tpu.memory_space<hbm>>
    %dma_wait3A_234 = tpu.memref_squeeze %dma_wait3A_233 : memref<1x1x1x8x128xf32, #tpu.memory_space<hbm>> -> memref<8x128xf32, #tpu.memory_space<hbm>>
    %dma_wait3A_235 = arith.constant 32 : i32
    %dma_wait3A_236 = arith.constant 0 : i32
    %dma_wait3A_237 = tpu.memref_slice %arg8[%dma_wait3A_219, %dma_wait3A_235, %dma_wait3A_236] : memref<2x128x136xf32, #tpu.memory_space<vmem>> -> memref<1x8x128xf32, #tpu.memory_space<vmem>>
    %dma_wait3A_238 = tpu.memref_squeeze %dma_wait3A_237 : memref<1x8x128xf32, #tpu.memory_space<vmem>> -> memref<8x128xf32, #tpu.memory_space<vmem>>
    tpu.wait_dma2 semaphore(%arg11 : memref<!tpu.dma_semaphore, #tpu.memory_space<semaphore_mem>>) src(%dma_wait3A_238 : memref<8x128xf32, #tpu.memory_space<vmem>>) dst(%dma_wait3A_234 : memref<8x128xf32, #tpu.memory_space<hbm>>)
    %dma_wait3A_239 = arith.constant 0 : i32
    %dma_wait3A_240 = arith.constant 2 : i32
    %dma_wait3A_241 = arith.constant 1 : i32
    %dma_wait3A_242 = arith.constant 0 : i32
    %dma_wait3A_243 = arith.constant 40 : i32
    %dma_wait3A_244 = arith.constant 0 : i32
    %dma_wait3A_245 = tpu.memref_slice %arg8[%dma_wait3A_239, %dma_wait3A_243, %dma_wait3A_244] : memref<2x128x136xf32, #tpu.memory_space<vmem>> -> memref<1x8x128xf32, #tpu.memory_space<vmem>>
    %dma_wait3A_246 = tpu.memref_squeeze %dma_wait3A_245 : memref<1x8x128xf32, #tpu.memory_space<vmem>> -> memref<8x128xf32, #tpu.memory_space<vmem>>
    %dma_wait3A_247 = arith.constant 0 : i32
    %dma_wait3A_248 = arith.constant 0 : i32
    %dma_wait3A_249 = tpu.memref_slice %arg5[%dma_wait3A_240, %dma_wait3A_241, %dma_wait3A_242, %dma_wait3A_247, %dma_wait3A_248] : memref<200x2x32x8x128xf32, #tpu.memory_space<hbm>> -> memref<1x1x1x8x128xf32, #tpu.memory_space<hbm>>
    %dma_wait3A_250 = tpu.memref_squeeze %dma_wait3A_249 : memref<1x1x1x8x128xf32, #tpu.memory_space<hbm>> -> memref<8x128xf32, #tpu.memory_space<hbm>>
    %dma_wait3A_251 = arith.constant 0 : i32
    %dma_wait3A_252 = arith.constant 0 : i32
    %dma_wait3A_253 = tpu.memref_slice %arg5[%dma_wait3A_240, %dma_wait3A_241, %dma_wait3A_242, %dma_wait3A_251, %dma_wait3A_252] : memref<200x2x32x8x128xf32, #tpu.memory_space<hbm>> -> memref<1x1x1x8x128xf32, #tpu.memory_space<hbm>>
    %dma_wait3A_254 = tpu.memref_squeeze %dma_wait3A_253 : memref<1x1x1x8x128xf32, #tpu.memory_space<hbm>> -> memref<8x128xf32, #tpu.memory_space<hbm>>
    %dma_wait3A_255 = arith.constant 40 : i32
    %dma_wait3A_256 = arith.constant 0 : i32
    %dma_wait3A_257 = tpu.memref_slice %arg8[%dma_wait3A_239, %dma_wait3A_255, %dma_wait3A_256] : memref<2x128x136xf32, #tpu.memory_space<vmem>> -> memref<1x8x128xf32, #tpu.memory_space<vmem>>
    %dma_wait3A_258 = tpu.memref_squeeze %dma_wait3A_257 : memref<1x8x128xf32, #tpu.memory_space<vmem>> -> memref<8x128xf32, #tpu.memory_space<vmem>>
    tpu.wait_dma2 semaphore(%arg11 : memref<!tpu.dma_semaphore, #tpu.memory_space<semaphore_mem>>) src(%dma_wait3A_258 : memref<8x128xf32, #tpu.memory_space<vmem>>) dst(%dma_wait3A_254 : memref<8x128xf32, #tpu.memory_space<hbm>>)
    %dma_wait3A_259 = arith.constant 0 : i32
    %dma_wait3A_260 = arith.constant 3 : i32
    %dma_wait3A_261 = arith.constant 0 : i32
    %dma_wait3A_262 = arith.constant 0 : i32
    %dma_wait3A_263 = arith.constant 48 : i32
    %dma_wait3A_264 = arith.constant 0 : i32
    %dma_wait3A_265 = tpu.memref_slice %arg8[%dma_wait3A_259, %dma_wait3A_263, %dma_wait3A_264] : memref<2x128x136xf32, #tpu.memory_space<vmem>> -> memref<1x8x128xf32, #tpu.memory_space<vmem>>
    %dma_wait3A_266 = tpu.memref_squeeze %dma_wait3A_265 : memref<1x8x128xf32, #tpu.memory_space<vmem>> -> memref<8x128xf32, #tpu.memory_space<vmem>>
    %dma_wait3A_267 = arith.constant 0 : i32
    %dma_wait3A_268 = arith.constant 0 : i32
    %dma_wait3A_269 = tpu.memref_slice %arg5[%dma_wait3A_260, %dma_wait3A_261, %dma_wait3A_262, %dma_wait3A_267, %dma_wait3A_268] : memref<200x2x32x8x128xf32, #tpu.memory_space<hbm>> -> memref<1x1x1x8x128xf32, #tpu.memory_space<hbm>>
    %dma_wait3A_270 = tpu.memref_squeeze %dma_wait3A_269 : memref<1x1x1x8x128xf32, #tpu.memory_space<hbm>> -> memref<8x128xf32, #tpu.memory_space<hbm>>
    %dma_wait3A_271 = arith.constant 0 : i32
    %dma_wait3A_272 = arith.constant 0 : i32
    %dma_wait3A_273 = tpu.memref_slice %arg5[%dma_wait3A_260, %dma_wait3A_261, %dma_wait3A_262, %dma_wait3A_271, %dma_wait3A_272] : memref<200x2x32x8x128xf32, #tpu.memory_space<hbm>> -> memref<1x1x1x8x128xf32, #tpu.memory_space<hbm>>
    %dma_wait3A_274 = tpu.memref_squeeze %dma_wait3A_273 : memref<1x1x1x8x128xf32, #tpu.memory_space<hbm>> -> memref<8x128xf32, #tpu.memory_space<hbm>>
    %dma_wait3A_275 = arith.constant 48 : i32
    %dma_wait3A_276 = arith.constant 0 : i32
    %dma_wait3A_277 = tpu.memref_slice %arg8[%dma_wait3A_259, %dma_wait3A_275, %dma_wait3A_276] : memref<2x128x136xf32, #tpu.memory_space<vmem>> -> memref<1x8x128xf32, #tpu.memory_space<vmem>>
    %dma_wait3A_278 = tpu.memref_squeeze %dma_wait3A_277 : memref<1x8x128xf32, #tpu.memory_space<vmem>> -> memref<8x128xf32, #tpu.memory_space<vmem>>
    tpu.wait_dma2 semaphore(%arg11 : memref<!tpu.dma_semaphore, #tpu.memory_space<semaphore_mem>>) src(%dma_wait3A_278 : memref<8x128xf32, #tpu.memory_space<vmem>>) dst(%dma_wait3A_274 : memref<8x128xf32, #tpu.memory_space<hbm>>)
    %dma_wait3A_279 = arith.constant 0 : i32
    %dma_wait3A_280 = arith.constant 3 : i32
    %dma_wait3A_281 = arith.constant 1 : i32
    %dma_wait3A_282 = arith.constant 0 : i32
    %dma_wait3A_283 = arith.constant 56 : i32
    %dma_wait3A_284 = arith.constant 0 : i32
    %dma_wait3A_285 = tpu.memref_slice %arg8[%dma_wait3A_279, %dma_wait3A_283, %dma_wait3A_284] : memref<2x128x136xf32, #tpu.memory_space<vmem>> -> memref<1x8x128xf32, #tpu.memory_space<vmem>>
    %dma_wait3A_286 = tpu.memref_squeeze %dma_wait3A_285 : memref<1x8x128xf32, #tpu.memory_space<vmem>> -> memref<8x128xf32, #tpu.memory_space<vmem>>
    %dma_wait3A_287 = arith.constant 0 : i32
    %dma_wait3A_288 = arith.constant 0 : i32
    %dma_wait3A_289 = tpu.memref_slice %arg5[%dma_wait3A_280, %dma_wait3A_281, %dma_wait3A_282, %dma_wait3A_287, %dma_wait3A_288] : memref<200x2x32x8x128xf32, #tpu.memory_space<hbm>> -> memref<1x1x1x8x128xf32, #tpu.memory_space<hbm>>
    %dma_wait3A_290 = tpu.memref_squeeze %dma_wait3A_289 : memref<1x1x1x8x128xf32, #tpu.memory_space<hbm>> -> memref<8x128xf32, #tpu.memory_space<hbm>>
    %dma_wait3A_291 = arith.constant 0 : i32
    %dma_wait3A_292 = arith.constant 0 : i32
    %dma_wait3A_293 = tpu.memref_slice %arg5[%dma_wait3A_280, %dma_wait3A_281, %dma_wait3A_282, %dma_wait3A_291, %dma_wait3A_292] : memref<200x2x32x8x128xf32, #tpu.memory_space<hbm>> -> memref<1x1x1x8x128xf32, #tpu.memory_space<hbm>>
    %dma_wait3A_294 = tpu.memref_squeeze %dma_wait3A_293 : memref<1x1x1x8x128xf32, #tpu.memory_space<hbm>> -> memref<8x128xf32, #tpu.memory_space<hbm>>
    %dma_wait3A_295 = arith.constant 56 : i32
    %dma_wait3A_296 = arith.constant 0 : i32
    %dma_wait3A_297 = tpu.memref_slice %arg8[%dma_wait3A_279, %dma_wait3A_295, %dma_wait3A_296] : memref<2x128x136xf32, #tpu.memory_space<vmem>> -> memref<1x8x128xf32, #tpu.memory_space<vmem>>
    %dma_wait3A_298 = tpu.memref_squeeze %dma_wait3A_297 : memref<1x8x128xf32, #tpu.memory_space<vmem>> -> memref<8x128xf32, #tpu.memory_space<vmem>>
    tpu.wait_dma2 semaphore(%arg11 : memref<!tpu.dma_semaphore, #tpu.memory_space<semaphore_mem>>) src(%dma_wait3A_298 : memref<8x128xf32, #tpu.memory_space<vmem>>) dst(%dma_wait3A_294 : memref<8x128xf32, #tpu.memory_space<hbm>>)
    %dma_wait3A_299 = arith.constant 0 : i32
    %dma_wait3A_300 = arith.constant 4 : i32
    %dma_wait3A_301 = arith.constant 0 : i32
    %dma_wait3A_302 = arith.constant 0 : i32
    %dma_wait3A_303 = arith.constant 64 : i32
    %dma_wait3A_304 = arith.constant 0 : i32
    %dma_wait3A_305 = tpu.memref_slice %arg8[%dma_wait3A_299, %dma_wait3A_303, %dma_wait3A_304] : memref<2x128x136xf32, #tpu.memory_space<vmem>> -> memref<1x8x128xf32, #tpu.memory_space<vmem>>
    %dma_wait3A_306 = tpu.memref_squeeze %dma_wait3A_305 : memref<1x8x128xf32, #tpu.memory_space<vmem>> -> memref<8x128xf32, #tpu.memory_space<vmem>>
    %dma_wait3A_307 = arith.constant 0 : i32
    %dma_wait3A_308 = arith.constant 0 : i32
    %dma_wait3A_309 = tpu.memref_slice %arg5[%dma_wait3A_300, %dma_wait3A_301, %dma_wait3A_302, %dma_wait3A_307, %dma_wait3A_308] : memref<200x2x32x8x128xf32, #tpu.memory_space<hbm>> -> memref<1x1x1x8x128xf32, #tpu.memory_space<hbm>>
    %dma_wait3A_310 = tpu.memref_squeeze %dma_wait3A_309 : memref<1x1x1x8x128xf32, #tpu.memory_space<hbm>> -> memref<8x128xf32, #tpu.memory_space<hbm>>
    %dma_wait3A_311 = arith.constant 0 : i32
    %dma_wait3A_312 = arith.constant 0 : i32
    %dma_wait3A_313 = tpu.memref_slice %arg5[%dma_wait3A_300, %dma_wait3A_301, %dma_wait3A_302, %dma_wait3A_311, %dma_wait3A_312] : memref<200x2x32x8x128xf32, #tpu.memory_space<hbm>> -> memref<1x1x1x8x128xf32, #tpu.memory_space<hbm>>
    %dma_wait3A_314 = tpu.memref_squeeze %dma_wait3A_313 : memref<1x1x1x8x128xf32, #tpu.memory_space<hbm>> -> memref<8x128xf32, #tpu.memory_space<hbm>>
    %dma_wait3A_315 = arith.constant 64 : i32
    %dma_wait3A_316 = arith.constant 0 : i32
    %dma_wait3A_317 = tpu.memref_slice %arg8[%dma_wait3A_299, %dma_wait3A_315, %dma_wait3A_316] : memref<2x128x136xf32, #tpu.memory_space<vmem>> -> memref<1x8x128xf32, #tpu.memory_space<vmem>>
    %dma_wait3A_318 = tpu.memref_squeeze %dma_wait3A_317 : memref<1x8x128xf32, #tpu.memory_space<vmem>> -> memref<8x128xf32, #tpu.memory_space<vmem>>
    tpu.wait_dma2 semaphore(%arg11 : memref<!tpu.dma_semaphore, #tpu.memory_space<semaphore_mem>>) src(%dma_wait3A_318 : memref<8x128xf32, #tpu.memory_space<vmem>>) dst(%dma_wait3A_314 : memref<8x128xf32, #tpu.memory_space<hbm>>)
    %dma_wait3A_319 = arith.constant 0 : i32
    %dma_wait3A_320 = arith.constant 4 : i32
    %dma_wait3A_321 = arith.constant 1 : i32
    %dma_wait3A_322 = arith.constant 0 : i32
    %dma_wait3A_323 = arith.constant 72 : i32
    %dma_wait3A_324 = arith.constant 0 : i32
    %dma_wait3A_325 = tpu.memref_slice %arg8[%dma_wait3A_319, %dma_wait3A_323, %dma_wait3A_324] : memref<2x128x136xf32, #tpu.memory_space<vmem>> -> memref<1x8x128xf32, #tpu.memory_space<vmem>>
    %dma_wait3A_326 = tpu.memref_squeeze %dma_wait3A_325 : memref<1x8x128xf32, #tpu.memory_space<vmem>> -> memref<8x128xf32, #tpu.memory_space<vmem>>
    %dma_wait3A_327 = arith.constant 0 : i32
    %dma_wait3A_328 = arith.constant 0 : i32
    %dma_wait3A_329 = tpu.memref_slice %arg5[%dma_wait3A_320, %dma_wait3A_321, %dma_wait3A_322, %dma_wait3A_327, %dma_wait3A_328] : memref<200x2x32x8x128xf32, #tpu.memory_space<hbm>> -> memref<1x1x1x8x128xf32, #tpu.memory_space<hbm>>
    %dma_wait3A_330 = tpu.memref_squeeze %dma_wait3A_329 : memref<1x1x1x8x128xf32, #tpu.memory_space<hbm>> -> memref<8x128xf32, #tpu.memory_space<hbm>>
    %dma_wait3A_331 = arith.constant 0 : i32
    %dma_wait3A_332 = arith.constant 0 : i32
    %dma_wait3A_333 = tpu.memref_slice %arg5[%dma_wait3A_320, %dma_wait3A_321, %dma_wait3A_322, %dma_wait3A_331, %dma_wait3A_332] : memref<200x2x32x8x128xf32, #tpu.memory_space<hbm>> -> memref<1x1x1x8x128xf32, #tpu.memory_space<hbm>>
    %dma_wait3A_334 = tpu.memref_squeeze %dma_wait3A_333 : memref<1x1x1x8x128xf32, #tpu.memory_space<hbm>> -> memref<8x128xf32, #tpu.memory_space<hbm>>
    %dma_wait3A_335 = arith.constant 72 : i32
    %dma_wait3A_336 = arith.constant 0 : i32
    %dma_wait3A_337 = tpu.memref_slice %arg8[%dma_wait3A_319, %dma_wait3A_335, %dma_wait3A_336] : memref<2x128x136xf32, #tpu.memory_space<vmem>> -> memref<1x8x128xf32, #tpu.memory_space<vmem>>
    %dma_wait3A_338 = tpu.memref_squeeze %dma_wait3A_337 : memref<1x8x128xf32, #tpu.memory_space<vmem>> -> memref<8x128xf32, #tpu.memory_space<vmem>>
    tpu.wait_dma2 semaphore(%arg11 : memref<!tpu.dma_semaphore, #tpu.memory_space<semaphore_mem>>) src(%dma_wait3A_338 : memref<8x128xf32, #tpu.memory_space<vmem>>) dst(%dma_wait3A_334 : memref<8x128xf32, #tpu.memory_space<hbm>>)
    %dma_wait3A_339 = arith.constant 0 : i32
    %dma_wait3A_340 = arith.constant 5 : i32
    %dma_wait3A_341 = arith.constant 0 : i32
    %dma_wait3A_342 = arith.constant 0 : i32
    %dma_wait3A_343 = arith.constant 80 : i32
    %dma_wait3A_344 = arith.constant 0 : i32
    %dma_wait3A_345 = tpu.memref_slice %arg8[%dma_wait3A_339, %dma_wait3A_343, %dma_wait3A_344] : memref<2x128x136xf32, #tpu.memory_space<vmem>> -> memref<1x8x128xf32, #tpu.memory_space<vmem>>
    %dma_wait3A_346 = tpu.memref_squeeze %dma_wait3A_345 : memref<1x8x128xf32, #tpu.memory_space<vmem>> -> memref<8x128xf32, #tpu.memory_space<vmem>>
    %dma_wait3A_347 = arith.constant 0 : i32
    %dma_wait3A_348 = arith.constant 0 : i32
    %dma_wait3A_349 = tpu.memref_slice %arg5[%dma_wait3A_340, %dma_wait3A_341, %dma_wait3A_342, %dma_wait3A_347, %dma_wait3A_348] : memref<200x2x32x8x128xf32, #tpu.memory_space<hbm>> -> memref<1x1x1x8x128xf32, #tpu.memory_space<hbm>>
    %dma_wait3A_350 = tpu.memref_squeeze %dma_wait3A_349 : memref<1x1x1x8x128xf32, #tpu.memory_space<hbm>> -> memref<8x128xf32, #tpu.memory_space<hbm>>
    %dma_wait3A_351 = arith.constant 0 : i32
    %dma_wait3A_352 = arith.constant 0 : i32
    %dma_wait3A_353 = tpu.memref_slice %arg5[%dma_wait3A_340, %dma_wait3A_341, %dma_wait3A_342, %dma_wait3A_351, %dma_wait3A_352] : memref<200x2x32x8x128xf32, #tpu.memory_space<hbm>> -> memref<1x1x1x8x128xf32, #tpu.memory_space<hbm>>
    %dma_wait3A_354 = tpu.memref_squeeze %dma_wait3A_353 : memref<1x1x1x8x128xf32, #tpu.memory_space<hbm>> -> memref<8x128xf32, #tpu.memory_space<hbm>>
    %dma_wait3A_355 = arith.constant 80 : i32
    %dma_wait3A_356 = arith.constant 0 : i32
    %dma_wait3A_357 = tpu.memref_slice %arg8[%dma_wait3A_339, %dma_wait3A_355, %dma_wait3A_356] : memref<2x128x136xf32, #tpu.memory_space<vmem>> -> memref<1x8x128xf32, #tpu.memory_space<vmem>>
    %dma_wait3A_358 = tpu.memref_squeeze %dma_wait3A_357 : memref<1x8x128xf32, #tpu.memory_space<vmem>> -> memref<8x128xf32, #tpu.memory_space<vmem>>
    tpu.wait_dma2 semaphore(%arg11 : memref<!tpu.dma_semaphore, #tpu.memory_space<semaphore_mem>>) src(%dma_wait3A_358 : memref<8x128xf32, #tpu.memory_space<vmem>>) dst(%dma_wait3A_354 : memref<8x128xf32, #tpu.memory_space<hbm>>)
    %dma_wait3A_359 = arith.constant 0 : i32
    %dma_wait3A_360 = arith.constant 5 : i32
    %dma_wait3A_361 = arith.constant 1 : i32
    %dma_wait3A_362 = arith.constant 0 : i32
    %dma_wait3A_363 = arith.constant 88 : i32
    %dma_wait3A_364 = arith.constant 0 : i32
    %dma_wait3A_365 = tpu.memref_slice %arg8[%dma_wait3A_359, %dma_wait3A_363, %dma_wait3A_364] : memref<2x128x136xf32, #tpu.memory_space<vmem>> -> memref<1x8x128xf32, #tpu.memory_space<vmem>>
    %dma_wait3A_366 = tpu.memref_squeeze %dma_wait3A_365 : memref<1x8x128xf32, #tpu.memory_space<vmem>> -> memref<8x128xf32, #tpu.memory_space<vmem>>
    %dma_wait3A_367 = arith.constant 0 : i32
    %dma_wait3A_368 = arith.constant 0 : i32
    %dma_wait3A_369 = tpu.memref_slice %arg5[%dma_wait3A_360, %dma_wait3A_361, %dma_wait3A_362, %dma_wait3A_367, %dma_wait3A_368] : memref<200x2x32x8x128xf32, #tpu.memory_space<hbm>> -> memref<1x1x1x8x128xf32, #tpu.memory_space<hbm>>
    %dma_wait3A_370 = tpu.memref_squeeze %dma_wait3A_369 : memref<1x1x1x8x128xf32, #tpu.memory_space<hbm>> -> memref<8x128xf32, #tpu.memory_space<hbm>>
    %dma_wait3A_371 = arith.constant 0 : i32
    %dma_wait3A_372 = arith.constant 0 : i32
    %dma_wait3A_373 = tpu.memref_slice %arg5[%dma_wait3A_360, %dma_wait3A_361, %dma_wait3A_362, %dma_wait3A_371, %dma_wait3A_372] : memref<200x2x32x8x128xf32, #tpu.memory_space<hbm>> -> memref<1x1x1x8x128xf32, #tpu.memory_space<hbm>>
    %dma_wait3A_374 = tpu.memref_squeeze %dma_wait3A_373 : memref<1x1x1x8x128xf32, #tpu.memory_space<hbm>> -> memref<8x128xf32, #tpu.memory_space<hbm>>
    %dma_wait3A_375 = arith.constant 88 : i32
    %dma_wait3A_376 = arith.constant 0 : i32
    %dma_wait3A_377 = tpu.memref_slice %arg8[%dma_wait3A_359, %dma_wait3A_375, %dma_wait3A_376] : memref<2x128x136xf32, #tpu.memory_space<vmem>> -> memref<1x8x128xf32, #tpu.memory_space<vmem>>
    %dma_wait3A_378 = tpu.memref_squeeze %dma_wait3A_377 : memref<1x8x128xf32, #tpu.memory_space<vmem>> -> memref<8x128xf32, #tpu.memory_space<vmem>>
    tpu.wait_dma2 semaphore(%arg11 : memref<!tpu.dma_semaphore, #tpu.memory_space<semaphore_mem>>) src(%dma_wait3A_378 : memref<8x128xf32, #tpu.memory_space<vmem>>) dst(%dma_wait3A_374 : memref<8x128xf32, #tpu.memory_space<hbm>>)
    %dma_wait3A_379 = arith.constant 0 : i32
    %dma_wait3A_380 = arith.constant 6 : i32
    %dma_wait3A_381 = arith.constant 0 : i32
    %dma_wait3A_382 = arith.constant 0 : i32
    %dma_wait3A_383 = arith.constant 96 : i32
    %dma_wait3A_384 = arith.constant 0 : i32
    %dma_wait3A_385 = tpu.memref_slice %arg8[%dma_wait3A_379, %dma_wait3A_383, %dma_wait3A_384] : memref<2x128x136xf32, #tpu.memory_space<vmem>> -> memref<1x8x128xf32, #tpu.memory_space<vmem>>
    %dma_wait3A_386 = tpu.memref_squeeze %dma_wait3A_385 : memref<1x8x128xf32, #tpu.memory_space<vmem>> -> memref<8x128xf32, #tpu.memory_space<vmem>>
    %dma_wait3A_387 = arith.constant 0 : i32
    %dma_wait3A_388 = arith.constant 0 : i32
    %dma_wait3A_389 = tpu.memref_slice %arg5[%dma_wait3A_380, %dma_wait3A_381, %dma_wait3A_382, %dma_wait3A_387, %dma_wait3A_388] : memref<200x2x32x8x128xf32, #tpu.memory_space<hbm>> -> memref<1x1x1x8x128xf32, #tpu.memory_space<hbm>>
    %dma_wait3A_390 = tpu.memref_squeeze %dma_wait3A_389 : memref<1x1x1x8x128xf32, #tpu.memory_space<hbm>> -> memref<8x128xf32, #tpu.memory_space<hbm>>
    %dma_wait3A_391 = arith.constant 0 : i32
    %dma_wait3A_392 = arith.constant 0 : i32
    %dma_wait3A_393 = tpu.memref_slice %arg5[%dma_wait3A_380, %dma_wait3A_381, %dma_wait3A_382, %dma_wait3A_391, %dma_wait3A_392] : memref<200x2x32x8x128xf32, #tpu.memory_space<hbm>> -> memref<1x1x1x8x128xf32, #tpu.memory_space<hbm>>
    %dma_wait3A_394 = tpu.memref_squeeze %dma_wait3A_393 : memref<1x1x1x8x128xf32, #tpu.memory_space<hbm>> -> memref<8x128xf32, #tpu.memory_space<hbm>>
    %dma_wait3A_395 = arith.constant 96 : i32
    %dma_wait3A_396 = arith.constant 0 : i32
    %dma_wait3A_397 = tpu.memref_slice %arg8[%dma_wait3A_379, %dma_wait3A_395, %dma_wait3A_396] : memref<2x128x136xf32, #tpu.memory_space<vmem>> -> memref<1x8x128xf32, #tpu.memory_space<vmem>>
    %dma_wait3A_398 = tpu.memref_squeeze %dma_wait3A_397 : memref<1x8x128xf32, #tpu.memory_space<vmem>> -> memref<8x128xf32, #tpu.memory_space<vmem>>
    tpu.wait_dma2 semaphore(%arg11 : memref<!tpu.dma_semaphore, #tpu.memory_space<semaphore_mem>>) src(%dma_wait3A_398 : memref<8x128xf32, #tpu.memory_space<vmem>>) dst(%dma_wait3A_394 : memref<8x128xf32, #tpu.memory_space<hbm>>)
    %dma_wait3A_399 = arith.constant 0 : i32
    %dma_wait3A_400 = arith.constant 6 : i32
    %dma_wait3A_401 = arith.constant 1 : i32
    %dma_wait3A_402 = arith.constant 0 : i32
    %dma_wait3A_403 = arith.constant 104 : i32
    %dma_wait3A_404 = arith.constant 0 : i32
    %dma_wait3A_405 = tpu.memref_slice %arg8[%dma_wait3A_399, %dma_wait3A_403, %dma_wait3A_404] : memref<2x128x136xf32, #tpu.memory_space<vmem>> -> memref<1x8x128xf32, #tpu.memory_space<vmem>>
    %dma_wait3A_406 = tpu.memref_squeeze %dma_wait3A_405 : memref<1x8x128xf32, #tpu.memory_space<vmem>> -> memref<8x128xf32, #tpu.memory_space<vmem>>
    %dma_wait3A_407 = arith.constant 0 : i32
    %dma_wait3A_408 = arith.constant 0 : i32
    %dma_wait3A_409 = tpu.memref_slice %arg5[%dma_wait3A_400, %dma_wait3A_401, %dma_wait3A_402, %dma_wait3A_407, %dma_wait3A_408] : memref<200x2x32x8x128xf32, #tpu.memory_space<hbm>> -> memref<1x1x1x8x128xf32, #tpu.memory_space<hbm>>
    %dma_wait3A_410 = tpu.memref_squeeze %dma_wait3A_409 : memref<1x1x1x8x128xf32, #tpu.memory_space<hbm>> -> memref<8x128xf32, #tpu.memory_space<hbm>>
    %dma_wait3A_411 = arith.constant 0 : i32
    %dma_wait3A_412 = arith.constant 0 : i32
    %dma_wait3A_413 = tpu.memref_slice %arg5[%dma_wait3A_400, %dma_wait3A_401, %dma_wait3A_402, %dma_wait3A_411, %dma_wait3A_412] : memref<200x2x32x8x128xf32, #tpu.memory_space<hbm>> -> memref<1x1x1x8x128xf32, #tpu.memory_space<hbm>>
    %dma_wait3A_414 = tpu.memref_squeeze %dma_wait3A_413 : memref<1x1x1x8x128xf32, #tpu.memory_space<hbm>> -> memref<8x128xf32, #tpu.memory_space<hbm>>
    %dma_wait3A_415 = arith.constant 104 : i32
    %dma_wait3A_416 = arith.constant 0 : i32
    %dma_wait3A_417 = tpu.memref_slice %arg8[%dma_wait3A_399, %dma_wait3A_415, %dma_wait3A_416] : memref<2x128x136xf32, #tpu.memory_space<vmem>> -> memref<1x8x128xf32, #tpu.memory_space<vmem>>
    %dma_wait3A_418 = tpu.memref_squeeze %dma_wait3A_417 : memref<1x8x128xf32, #tpu.memory_space<vmem>> -> memref<8x128xf32, #tpu.memory_space<vmem>>
    tpu.wait_dma2 semaphore(%arg11 : memref<!tpu.dma_semaphore, #tpu.memory_space<semaphore_mem>>) src(%dma_wait3A_418 : memref<8x128xf32, #tpu.memory_space<vmem>>) dst(%dma_wait3A_414 : memref<8x128xf32, #tpu.memory_space<hbm>>)
    %dma_wait3A_419 = arith.constant 0 : i32
    %dma_wait3A_420 = arith.constant 7 : i32
    %dma_wait3A_421 = arith.constant 0 : i32
    %dma_wait3A_422 = arith.constant 0 : i32
    %dma_wait3A_423 = arith.constant 112 : i32
    %dma_wait3A_424 = arith.constant 0 : i32
    %dma_wait3A_425 = tpu.memref_slice %arg8[%dma_wait3A_419, %dma_wait3A_423, %dma_wait3A_424] : memref<2x128x136xf32, #tpu.memory_space<vmem>> -> memref<1x8x128xf32, #tpu.memory_space<vmem>>
    %dma_wait3A_426 = tpu.memref_squeeze %dma_wait3A_425 : memref<1x8x128xf32, #tpu.memory_space<vmem>> -> memref<8x128xf32, #tpu.memory_space<vmem>>
    %dma_wait3A_427 = arith.constant 0 : i32
    %dma_wait3A_428 = arith.constant 0 : i32
    %dma_wait3A_429 = tpu.memref_slice %arg5[%dma_wait3A_420, %dma_wait3A_421, %dma_wait3A_422, %dma_wait3A_427, %dma_wait3A_428] : memref<200x2x32x8x128xf32, #tpu.memory_space<hbm>> -> memref<1x1x1x8x128xf32, #tpu.memory_space<hbm>>
    %dma_wait3A_430 = tpu.memref_squeeze %dma_wait3A_429 : memref<1x1x1x8x128xf32, #tpu.memory_space<hbm>> -> memref<8x128xf32, #tpu.memory_space<hbm>>
    %dma_wait3A_431 = arith.constant 0 : i32
    %dma_wait3A_432 = arith.constant 0 : i32
    %dma_wait3A_433 = tpu.memref_slice %arg5[%dma_wait3A_420, %dma_wait3A_421, %dma_wait3A_422, %dma_wait3A_431, %dma_wait3A_432] : memref<200x2x32x8x128xf32, #tpu.memory_space<hbm>> -> memref<1x1x1x8x128xf32, #tpu.memory_space<hbm>>
    %dma_wait3A_434 = tpu.memref_squeeze %dma_wait3A_433 : memref<1x1x1x8x128xf32, #tpu.memory_space<hbm>> -> memref<8x128xf32, #tpu.memory_space<hbm>>
    %dma_wait3A_435 = arith.constant 112 : i32
    %dma_wait3A_436 = arith.constant 0 : i32
    %dma_wait3A_437 = tpu.memref_slice %arg8[%dma_wait3A_419, %dma_wait3A_435, %dma_wait3A_436] : memref<2x128x136xf32, #tpu.memory_space<vmem>> -> memref<1x8x128xf32, #tpu.memory_space<vmem>>
    %dma_wait3A_438 = tpu.memref_squeeze %dma_wait3A_437 : memref<1x8x128xf32, #tpu.memory_space<vmem>> -> memref<8x128xf32, #tpu.memory_space<vmem>>
    tpu.wait_dma2 semaphore(%arg11 : memref<!tpu.dma_semaphore, #tpu.memory_space<semaphore_mem>>) src(%dma_wait3A_438 : memref<8x128xf32, #tpu.memory_space<vmem>>) dst(%dma_wait3A_434 : memref<8x128xf32, #tpu.memory_space<hbm>>)
    %dma_wait3A_439 = arith.constant 0 : i32
    %dma_wait3A_440 = arith.constant 7 : i32
    %dma_wait3A_441 = arith.constant 1 : i32
    %dma_wait3A_442 = arith.constant 0 : i32
    %dma_wait3A_443 = arith.constant 120 : i32
    %dma_wait3A_444 = arith.constant 0 : i32
    %dma_wait3A_445 = tpu.memref_slice %arg8[%dma_wait3A_439, %dma_wait3A_443, %dma_wait3A_444] : memref<2x128x136xf32, #tpu.memory_space<vmem>> -> memref<1x8x128xf32, #tpu.memory_space<vmem>>
    %dma_wait3A_446 = tpu.memref_squeeze %dma_wait3A_445 : memref<1x8x128xf32, #tpu.memory_space<vmem>> -> memref<8x128xf32, #tpu.memory_space<vmem>>
    %dma_wait3A_447 = arith.constant 0 : i32
    %dma_wait3A_448 = arith.constant 0 : i32
    %dma_wait3A_449 = tpu.memref_slice %arg5[%dma_wait3A_440, %dma_wait3A_441, %dma_wait3A_442, %dma_wait3A_447, %dma_wait3A_448] : memref<200x2x32x8x128xf32, #tpu.memory_space<hbm>> -> memref<1x1x1x8x128xf32, #tpu.memory_space<hbm>>
    %dma_wait3A_450 = tpu.memref_squeeze %dma_wait3A_449 : memref<1x1x1x8x128xf32, #tpu.memory_space<hbm>> -> memref<8x128xf32, #tpu.memory_space<hbm>>
    %dma_wait3A_451 = arith.constant 0 : i32
    %dma_wait3A_452 = arith.constant 0 : i32
    %dma_wait3A_453 = tpu.memref_slice %arg5[%dma_wait3A_440, %dma_wait3A_441, %dma_wait3A_442, %dma_wait3A_451, %dma_wait3A_452] : memref<200x2x32x8x128xf32, #tpu.memory_space<hbm>> -> memref<1x1x1x8x128xf32, #tpu.memory_space<hbm>>
    %dma_wait3A_454 = tpu.memref_squeeze %dma_wait3A_453 : memref<1x1x1x8x128xf32, #tpu.memory_space<hbm>> -> memref<8x128xf32, #tpu.memory_space<hbm>>
    %dma_wait3A_455 = arith.constant 120 : i32
    %dma_wait3A_456 = arith.constant 0 : i32
    %dma_wait3A_457 = tpu.memref_slice %arg8[%dma_wait3A_439, %dma_wait3A_455, %dma_wait3A_456] : memref<2x128x136xf32, #tpu.memory_space<vmem>> -> memref<1x8x128xf32, #tpu.memory_space<vmem>>
    %dma_wait3A_458 = tpu.memref_squeeze %dma_wait3A_457 : memref<1x8x128xf32, #tpu.memory_space<vmem>> -> memref<8x128xf32, #tpu.memory_space<vmem>>
    tpu.wait_dma2 semaphore(%arg11 : memref<!tpu.dma_semaphore, #tpu.memory_space<semaphore_mem>>) src(%dma_wait3A_458 : memref<8x128xf32, #tpu.memory_space<vmem>>) dst(%dma_wait3A_454 : memref<8x128xf32, #tpu.memory_space<hbm>>)
    %dma_wait3A_459 = arith.constant 1 : i32
    %dma_wait3A_460 = arith.constant 0 : i32
    %dma_wait3A_461 = arith.constant 0 : i32
    %dma_wait3A_462 = arith.constant 0 : i32
    %dma_wait3A_463 = arith.constant 0 : i32
    %dma_wait3A_464 = arith.constant 0 : i32
    %dma_wait3A_465 = tpu.memref_slice %arg8[%dma_wait3A_459, %dma_wait3A_463, %dma_wait3A_464] : memref<2x128x136xf32, #tpu.memory_space<vmem>> -> memref<1x8x128xf32, #tpu.memory_space<vmem>>
    %dma_wait3A_466 = tpu.memref_squeeze %dma_wait3A_465 : memref<1x8x128xf32, #tpu.memory_space<vmem>> -> memref<8x128xf32, #tpu.memory_space<vmem>>
    %dma_wait3A_467 = arith.constant 0 : i32
    %dma_wait3A_468 = arith.constant 0 : i32
    %dma_wait3A_469 = tpu.memref_slice %arg5[%dma_wait3A_460, %dma_wait3A_461, %dma_wait3A_462, %dma_wait3A_467, %dma_wait3A_468] : memref<200x2x32x8x128xf32, #tpu.memory_space<hbm>> -> memref<1x1x1x8x128xf32, #tpu.memory_space<hbm>>
    %dma_wait3A_470 = tpu.memref_squeeze %dma_wait3A_469 : memref<1x1x1x8x128xf32, #tpu.memory_space<hbm>> -> memref<8x128xf32, #tpu.memory_space<hbm>>
    %dma_wait3A_471 = arith.constant 0 : i32
    %dma_wait3A_472 = arith.constant 0 : i32
    %dma_wait3A_473 = tpu.memref_slice %arg5[%dma_wait3A_460, %dma_wait3A_461, %dma_wait3A_462, %dma_wait3A_471, %dma_wait3A_472] : memref<200x2x32x8x128xf32, #tpu.memory_space<hbm>> -> memref<1x1x1x8x128xf32, #tpu.memory_space<hbm>>
    %dma_wait3A_474 = tpu.memref_squeeze %dma_wait3A_473 : memref<1x1x1x8x128xf32, #tpu.memory_space<hbm>> -> memref<8x128xf32, #tpu.memory_space<hbm>>
    %dma_wait3A_475 = arith.constant 0 : i32
    %dma_wait3A_476 = arith.constant 0 : i32
    %dma_wait3A_477 = tpu.memref_slice %arg8[%dma_wait3A_459, %dma_wait3A_475, %dma_wait3A_476] : memref<2x128x136xf32, #tpu.memory_space<vmem>> -> memref<1x8x128xf32, #tpu.memory_space<vmem>>
    %dma_wait3A_478 = tpu.memref_squeeze %dma_wait3A_477 : memref<1x8x128xf32, #tpu.memory_space<vmem>> -> memref<8x128xf32, #tpu.memory_space<vmem>>
    tpu.wait_dma2 semaphore(%arg11 : memref<!tpu.dma_semaphore, #tpu.memory_space<semaphore_mem>>) src(%dma_wait3A_478 : memref<8x128xf32, #tpu.memory_space<vmem>>) dst(%dma_wait3A_474 : memref<8x128xf32, #tpu.memory_space<hbm>>)
    %dma_wait3A_479 = arith.constant 1 : i32
    %dma_wait3A_480 = arith.constant 0 : i32
    %dma_wait3A_481 = arith.constant 1 : i32
    %dma_wait3A_482 = arith.constant 0 : i32
    %dma_wait3A_483 = arith.constant 8 : i32
    %dma_wait3A_484 = arith.constant 0 : i32
    %dma_wait3A_485 = tpu.memref_slice %arg8[%dma_wait3A_479, %dma_wait3A_483, %dma_wait3A_484] : memref<2x128x136xf32, #tpu.memory_space<vmem>> -> memref<1x8x128xf32, #tpu.memory_space<vmem>>
    %dma_wait3A_486 = tpu.memref_squeeze %dma_wait3A_485 : memref<1x8x128xf32, #tpu.memory_space<vmem>> -> memref<8x128xf32, #tpu.memory_space<vmem>>
    %dma_wait3A_487 = arith.constant 0 : i32
    %dma_wait3A_488 = arith.constant 0 : i32
    %dma_wait3A_489 = tpu.memref_slice %arg5[%dma_wait3A_480, %dma_wait3A_481, %dma_wait3A_482, %dma_wait3A_487, %dma_wait3A_488] : memref<200x2x32x8x128xf32, #tpu.memory_space<hbm>> -> memref<1x1x1x8x128xf32, #tpu.memory_space<hbm>>
    %dma_wait3A_490 = tpu.memref_squeeze %dma_wait3A_489 : memref<1x1x1x8x128xf32, #tpu.memory_space<hbm>> -> memref<8x128xf32, #tpu.memory_space<hbm>>
    %dma_wait3A_491 = arith.constant 0 : i32
    %dma_wait3A_492 = arith.constant 0 : i32
    %dma_wait3A_493 = tpu.memref_slice %arg5[%dma_wait3A_480, %dma_wait3A_481, %dma_wait3A_482, %dma_wait3A_491, %dma_wait3A_492] : memref<200x2x32x8x128xf32, #tpu.memory_space<hbm>> -> memref<1x1x1x8x128xf32, #tpu.memory_space<hbm>>
    %dma_wait3A_494 = tpu.memref_squeeze %dma_wait3A_493 : memref<1x1x1x8x128xf32, #tpu.memory_space<hbm>> -> memref<8x128xf32, #tpu.memory_space<hbm>>
    %dma_wait3A_495 = arith.constant 8 : i32
    %dma_wait3A_496 = arith.constant 0 : i32
    %dma_wait3A_497 = tpu.memref_slice %arg8[%dma_wait3A_479, %dma_wait3A_495, %dma_wait3A_496] : memref<2x128x136xf32, #tpu.memory_space<vmem>> -> memref<1x8x128xf32, #tpu.memory_space<vmem>>
    %dma_wait3A_498 = tpu.memref_squeeze %dma_wait3A_497 : memref<1x8x128xf32, #tpu.memory_space<vmem>> -> memref<8x128xf32, #tpu.memory_space<vmem>>
    tpu.wait_dma2 semaphore(%arg11 : memref<!tpu.dma_semaphore, #tpu.memory_space<semaphore_mem>>) src(%dma_wait3A_498 : memref<8x128xf32, #tpu.memory_space<vmem>>) dst(%dma_wait3A_494 : memref<8x128xf32, #tpu.memory_space<hbm>>)
    %dma_wait3A_499 = arith.constant 1 : i32
    %dma_wait3A_500 = arith.constant 1 : i32
    %dma_wait3A_501 = arith.constant 0 : i32
    %dma_wait3A_502 = arith.constant 0 : i32
    %dma_wait3A_503 = arith.constant 16 : i32
    %dma_wait3A_504 = arith.constant 0 : i32
    %dma_wait3A_505 = tpu.memref_slice %arg8[%dma_wait3A_499, %dma_wait3A_503, %dma_wait3A_504] : memref<2x128x136xf32, #tpu.memory_space<vmem>> -> memref<1x8x128xf32, #tpu.memory_space<vmem>>
    %dma_wait3A_506 = tpu.memref_squeeze %dma_wait3A_505 : memref<1x8x128xf32, #tpu.memory_space<vmem>> -> memref<8x128xf32, #tpu.memory_space<vmem>>
    %dma_wait3A_507 = arith.constant 0 : i32
    %dma_wait3A_508 = arith.constant 0 : i32
    %dma_wait3A_509 = tpu.memref_slice %arg5[%dma_wait3A_500, %dma_wait3A_501, %dma_wait3A_502, %dma_wait3A_507, %dma_wait3A_508] : memref<200x2x32x8x128xf32, #tpu.memory_space<hbm>> -> memref<1x1x1x8x128xf32, #tpu.memory_space<hbm>>
    %dma_wait3A_510 = tpu.memref_squeeze %dma_wait3A_509 : memref<1x1x1x8x128xf32, #tpu.memory_space<hbm>> -> memref<8x128xf32, #tpu.memory_space<hbm>>
    %dma_wait3A_511 = arith.constant 0 : i32
    %dma_wait3A_512 = arith.constant 0 : i32
    %dma_wait3A_513 = tpu.memref_slice %arg5[%dma_wait3A_500, %dma_wait3A_501, %dma_wait3A_502, %dma_wait3A_511, %dma_wait3A_512] : memref<200x2x32x8x128xf32, #tpu.memory_space<hbm>> -> memref<1x1x1x8x128xf32, #tpu.memory_space<hbm>>
    %dma_wait3A_514 = tpu.memref_squeeze %dma_wait3A_513 : memref<1x1x1x8x128xf32, #tpu.memory_space<hbm>> -> memref<8x128xf32, #tpu.memory_space<hbm>>
    %dma_wait3A_515 = arith.constant 16 : i32
    %dma_wait3A_516 = arith.constant 0 : i32
    %dma_wait3A_517 = tpu.memref_slice %arg8[%dma_wait3A_499, %dma_wait3A_515, %dma_wait3A_516] : memref<2x128x136xf32, #tpu.memory_space<vmem>> -> memref<1x8x128xf32, #tpu.memory_space<vmem>>
    %dma_wait3A_518 = tpu.memref_squeeze %dma_wait3A_517 : memref<1x8x128xf32, #tpu.memory_space<vmem>> -> memref<8x128xf32, #tpu.memory_space<vmem>>
    tpu.wait_dma2 semaphore(%arg11 : memref<!tpu.dma_semaphore, #tpu.memory_space<semaphore_mem>>) src(%dma_wait3A_518 : memref<8x128xf32, #tpu.memory_space<vmem>>) dst(%dma_wait3A_514 : memref<8x128xf32, #tpu.memory_space<hbm>>)
    %dma_wait3A_519 = arith.constant 1 : i32
    %dma_wait3A_520 = arith.constant 1 : i32
    %dma_wait3A_521 = arith.constant 1 : i32
    %dma_wait3A_522 = arith.constant 0 : i32
    %dma_wait3A_523 = arith.constant 24 : i32
    %dma_wait3A_524 = arith.constant 0 : i32
    %dma_wait3A_525 = tpu.memref_slice %arg8[%dma_wait3A_519, %dma_wait3A_523, %dma_wait3A_524] : memref<2x128x136xf32, #tpu.memory_space<vmem>> -> memref<1x8x128xf32, #tpu.memory_space<vmem>>
    %dma_wait3A_526 = tpu.memref_squeeze %dma_wait3A_525 : memref<1x8x128xf32, #tpu.memory_space<vmem>> -> memref<8x128xf32, #tpu.memory_space<vmem>>
    %dma_wait3A_527 = arith.constant 0 : i32
    %dma_wait3A_528 = arith.constant 0 : i32
    %dma_wait3A_529 = tpu.memref_slice %arg5[%dma_wait3A_520, %dma_wait3A_521, %dma_wait3A_522, %dma_wait3A_527, %dma_wait3A_528] : memref<200x2x32x8x128xf32, #tpu.memory_space<hbm>> -> memref<1x1x1x8x128xf32, #tpu.memory_space<hbm>>
    %dma_wait3A_530 = tpu.memref_squeeze %dma_wait3A_529 : memref<1x1x1x8x128xf32, #tpu.memory_space<hbm>> -> memref<8x128xf32, #tpu.memory_space<hbm>>
    %dma_wait3A_531 = arith.constant 0 : i32
    %dma_wait3A_532 = arith.constant 0 : i32
    %dma_wait3A_533 = tpu.memref_slice %arg5[%dma_wait3A_520, %dma_wait3A_521, %dma_wait3A_522, %dma_wait3A_531, %dma_wait3A_532] : memref<200x2x32x8x128xf32, #tpu.memory_space<hbm>> -> memref<1x1x1x8x128xf32, #tpu.memory_space<hbm>>
    %dma_wait3A_534 = tpu.memref_squeeze %dma_wait3A_533 : memref<1x1x1x8x128xf32, #tpu.memory_space<hbm>> -> memref<8x128xf32, #tpu.memory_space<hbm>>
    %dma_wait3A_535 = arith.constant 24 : i32
    %dma_wait3A_536 = arith.constant 0 : i32
    %dma_wait3A_537 = tpu.memref_slice %arg8[%dma_wait3A_519, %dma_wait3A_535, %dma_wait3A_536] : memref<2x128x136xf32, #tpu.memory_space<vmem>> -> memref<1x8x128xf32, #tpu.memory_space<vmem>>
    %dma_wait3A_538 = tpu.memref_squeeze %dma_wait3A_537 : memref<1x8x128xf32, #tpu.memory_space<vmem>> -> memref<8x128xf32, #tpu.memory_space<vmem>>
    tpu.wait_dma2 semaphore(%arg11 : memref<!tpu.dma_semaphore, #tpu.memory_space<semaphore_mem>>) src(%dma_wait3A_538 : memref<8x128xf32, #tpu.memory_space<vmem>>) dst(%dma_wait3A_534 : memref<8x128xf32, #tpu.memory_space<hbm>>)
    %dma_wait3A_539 = arith.constant 1 : i32
    %dma_wait3A_540 = arith.constant 2 : i32
    %dma_wait3A_541 = arith.constant 0 : i32
    %dma_wait3A_542 = arith.constant 0 : i32
    %dma_wait3A_543 = arith.constant 32 : i32
    %dma_wait3A_544 = arith.constant 0 : i32
    %dma_wait3A_545 = tpu.memref_slice %arg8[%dma_wait3A_539, %dma_wait3A_543, %dma_wait3A_544] : memref<2x128x136xf32, #tpu.memory_space<vmem>> -> memref<1x8x128xf32, #tpu.memory_space<vmem>>
    %dma_wait3A_546 = tpu.memref_squeeze %dma_wait3A_545 : memref<1x8x128xf32, #tpu.memory_space<vmem>> -> memref<8x128xf32, #tpu.memory_space<vmem>>
    %dma_wait3A_547 = arith.constant 0 : i32
    %dma_wait3A_548 = arith.constant 0 : i32
    %dma_wait3A_549 = tpu.memref_slice %arg5[%dma_wait3A_540, %dma_wait3A_541, %dma_wait3A_542, %dma_wait3A_547, %dma_wait3A_548] : memref<200x2x32x8x128xf32, #tpu.memory_space<hbm>> -> memref<1x1x1x8x128xf32, #tpu.memory_space<hbm>>
    %dma_wait3A_550 = tpu.memref_squeeze %dma_wait3A_549 : memref<1x1x1x8x128xf32, #tpu.memory_space<hbm>> -> memref<8x128xf32, #tpu.memory_space<hbm>>
    %dma_wait3A_551 = arith.constant 0 : i32
    %dma_wait3A_552 = arith.constant 0 : i32
    %dma_wait3A_553 = tpu.memref_slice %arg5[%dma_wait3A_540, %dma_wait3A_541, %dma_wait3A_542, %dma_wait3A_551, %dma_wait3A_552] : memref<200x2x32x8x128xf32, #tpu.memory_space<hbm>> -> memref<1x1x1x8x128xf32, #tpu.memory_space<hbm>>
    %dma_wait3A_554 = tpu.memref_squeeze %dma_wait3A_553 : memref<1x1x1x8x128xf32, #tpu.memory_space<hbm>> -> memref<8x128xf32, #tpu.memory_space<hbm>>
    %dma_wait3A_555 = arith.constant 32 : i32
    %dma_wait3A_556 = arith.constant 0 : i32
    %dma_wait3A_557 = tpu.memref_slice %arg8[%dma_wait3A_539, %dma_wait3A_555, %dma_wait3A_556] : memref<2x128x136xf32, #tpu.memory_space<vmem>> -> memref<1x8x128xf32, #tpu.memory_space<vmem>>
    %dma_wait3A_558 = tpu.memref_squeeze %dma_wait3A_557 : memref<1x8x128xf32, #tpu.memory_space<vmem>> -> memref<8x128xf32, #tpu.memory_space<vmem>>
    tpu.wait_dma2 semaphore(%arg11 : memref<!tpu.dma_semaphore, #tpu.memory_space<semaphore_mem>>) src(%dma_wait3A_558 : memref<8x128xf32, #tpu.memory_space<vmem>>) dst(%dma_wait3A_554 : memref<8x128xf32, #tpu.memory_space<hbm>>)
    %dma_wait3A_559 = arith.constant 1 : i32
    %dma_wait3A_560 = arith.constant 2 : i32
    %dma_wait3A_561 = arith.constant 1 : i32
    %dma_wait3A_562 = arith.constant 0 : i32
    %dma_wait3A_563 = arith.constant 40 : i32
    %dma_wait3A_564 = arith.constant 0 : i32
    %dma_wait3A_565 = tpu.memref_slice %arg8[%dma_wait3A_559, %dma_wait3A_563, %dma_wait3A_564] : memref<2x128x136xf32, #tpu.memory_space<vmem>> -> memref<1x8x128xf32, #tpu.memory_space<vmem>>
    %dma_wait3A_566 = tpu.memref_squeeze %dma_wait3A_565 : memref<1x8x128xf32, #tpu.memory_space<vmem>> -> memref<8x128xf32, #tpu.memory_space<vmem>>
    %dma_wait3A_567 = arith.constant 0 : i32
    %dma_wait3A_568 = arith.constant 0 : i32
    %dma_wait3A_569 = tpu.memref_slice %arg5[%dma_wait3A_560, %dma_wait3A_561, %dma_wait3A_562, %dma_wait3A_567, %dma_wait3A_568] : memref<200x2x32x8x128xf32, #tpu.memory_space<hbm>> -> memref<1x1x1x8x128xf32, #tpu.memory_space<hbm>>
    %dma_wait3A_570 = tpu.memref_squeeze %dma_wait3A_569 : memref<1x1x1x8x128xf32, #tpu.memory_space<hbm>> -> memref<8x128xf32, #tpu.memory_space<hbm>>
    %dma_wait3A_571 = arith.constant 0 : i32
    %dma_wait3A_572 = arith.constant 0 : i32
    %dma_wait3A_573 = tpu.memref_slice %arg5[%dma_wait3A_560, %dma_wait3A_561, %dma_wait3A_562, %dma_wait3A_571, %dma_wait3A_572] : memref<200x2x32x8x128xf32, #tpu.memory_space<hbm>> -> memref<1x1x1x8x128xf32, #tpu.memory_space<hbm>>
    %dma_wait3A_574 = tpu.memref_squeeze %dma_wait3A_573 : memref<1x1x1x8x128xf32, #tpu.memory_space<hbm>> -> memref<8x128xf32, #tpu.memory_space<hbm>>
    %dma_wait3A_575 = arith.constant 40 : i32
    %dma_wait3A_576 = arith.constant 0 : i32
    %dma_wait3A_577 = tpu.memref_slice %arg8[%dma_wait3A_559, %dma_wait3A_575, %dma_wait3A_576] : memref<2x128x136xf32, #tpu.memory_space<vmem>> -> memref<1x8x128xf32, #tpu.memory_space<vmem>>
    %dma_wait3A_578 = tpu.memref_squeeze %dma_wait3A_577 : memref<1x8x128xf32, #tpu.memory_space<vmem>> -> memref<8x128xf32, #tpu.memory_space<vmem>>
    tpu.wait_dma2 semaphore(%arg11 : memref<!tpu.dma_semaphore, #tpu.memory_space<semaphore_mem>>) src(%dma_wait3A_578 : memref<8x128xf32, #tpu.memory_space<vmem>>) dst(%dma_wait3A_574 : memref<8x128xf32, #tpu.memory_space<hbm>>)
    %dma_wait3A_579 = arith.constant 1 : i32
    %dma_wait3A_580 = arith.constant 3 : i32
    %dma_wait3A_581 = arith.constant 0 : i32
    %dma_wait3A_582 = arith.constant 0 : i32
    %dma_wait3A_583 = arith.constant 48 : i32
    %dma_wait3A_584 = arith.constant 0 : i32
    %dma_wait3A_585 = tpu.memref_slice %arg8[%dma_wait3A_579, %dma_wait3A_583, %dma_wait3A_584] : memref<2x128x136xf32, #tpu.memory_space<vmem>> -> memref<1x8x128xf32, #tpu.memory_space<vmem>>
    %dma_wait3A_586 = tpu.memref_squeeze %dma_wait3A_585 : memref<1x8x128xf32, #tpu.memory_space<vmem>> -> memref<8x128xf32, #tpu.memory_space<vmem>>
    %dma_wait3A_587 = arith.constant 0 : i32
    %dma_wait3A_588 = arith.constant 0 : i32
    %dma_wait3A_589 = tpu.memref_slice %arg5[%dma_wait3A_580, %dma_wait3A_581, %dma_wait3A_582, %dma_wait3A_587, %dma_wait3A_588] : memref<200x2x32x8x128xf32, #tpu.memory_space<hbm>> -> memref<1x1x1x8x128xf32, #tpu.memory_space<hbm>>
    %dma_wait3A_590 = tpu.memref_squeeze %dma_wait3A_589 : memref<1x1x1x8x128xf32, #tpu.memory_space<hbm>> -> memref<8x128xf32, #tpu.memory_space<hbm>>
    %dma_wait3A_591 = arith.constant 0 : i32
    %dma_wait3A_592 = arith.constant 0 : i32
    %dma_wait3A_593 = tpu.memref_slice %arg5[%dma_wait3A_580, %dma_wait3A_581, %dma_wait3A_582, %dma_wait3A_591, %dma_wait3A_592] : memref<200x2x32x8x128xf32, #tpu.memory_space<hbm>> -> memref<1x1x1x8x128xf32, #tpu.memory_space<hbm>>
    %dma_wait3A_594 = tpu.memref_squeeze %dma_wait3A_593 : memref<1x1x1x8x128xf32, #tpu.memory_space<hbm>> -> memref<8x128xf32, #tpu.memory_space<hbm>>
    %dma_wait3A_595 = arith.constant 48 : i32
    %dma_wait3A_596 = arith.constant 0 : i32
    %dma_wait3A_597 = tpu.memref_slice %arg8[%dma_wait3A_579, %dma_wait3A_595, %dma_wait3A_596] : memref<2x128x136xf32, #tpu.memory_space<vmem>> -> memref<1x8x128xf32, #tpu.memory_space<vmem>>
    %dma_wait3A_598 = tpu.memref_squeeze %dma_wait3A_597 : memref<1x8x128xf32, #tpu.memory_space<vmem>> -> memref<8x128xf32, #tpu.memory_space<vmem>>
    tpu.wait_dma2 semaphore(%arg11 : memref<!tpu.dma_semaphore, #tpu.memory_space<semaphore_mem>>) src(%dma_wait3A_598 : memref<8x128xf32, #tpu.memory_space<vmem>>) dst(%dma_wait3A_594 : memref<8x128xf32, #tpu.memory_space<hbm>>)
    %dma_wait3A_599 = arith.constant 1 : i32
    %dma_wait3A_600 = arith.constant 3 : i32
    %dma_wait3A_601 = arith.constant 1 : i32
    %dma_wait3A_602 = arith.constant 0 : i32
    %dma_wait3A_603 = arith.constant 56 : i32
    %dma_wait3A_604 = arith.constant 0 : i32
    %dma_wait3A_605 = tpu.memref_slice %arg8[%dma_wait3A_599, %dma_wait3A_603, %dma_wait3A_604] : memref<2x128x136xf32, #tpu.memory_space<vmem>> -> memref<1x8x128xf32, #tpu.memory_space<vmem>>
    %dma_wait3A_606 = tpu.memref_squeeze %dma_wait3A_605 : memref<1x8x128xf32, #tpu.memory_space<vmem>> -> memref<8x128xf32, #tpu.memory_space<vmem>>
    %dma_wait3A_607 = arith.constant 0 : i32
    %dma_wait3A_608 = arith.constant 0 : i32
    %dma_wait3A_609 = tpu.memref_slice %arg5[%dma_wait3A_600, %dma_wait3A_601, %dma_wait3A_602, %dma_wait3A_607, %dma_wait3A_608] : memref<200x2x32x8x128xf32, #tpu.memory_space<hbm>> -> memref<1x1x1x8x128xf32, #tpu.memory_space<hbm>>
    %dma_wait3A_610 = tpu.memref_squeeze %dma_wait3A_609 : memref<1x1x1x8x128xf32, #tpu.memory_space<hbm>> -> memref<8x128xf32, #tpu.memory_space<hbm>>
    %dma_wait3A_611 = arith.constant 0 : i32
    %dma_wait3A_612 = arith.constant 0 : i32
    %dma_wait3A_613 = tpu.memref_slice %arg5[%dma_wait3A_600, %dma_wait3A_601, %dma_wait3A_602, %dma_wait3A_611, %dma_wait3A_612] : memref<200x2x32x8x128xf32, #tpu.memory_space<hbm>> -> memref<1x1x1x8x128xf32, #tpu.memory_space<hbm>>
    %dma_wait3A_614 = tpu.memref_squeeze %dma_wait3A_613 : memref<1x1x1x8x128xf32, #tpu.memory_space<hbm>> -> memref<8x128xf32, #tpu.memory_space<hbm>>
    %dma_wait3A_615 = arith.constant 56 : i32
    %dma_wait3A_616 = arith.constant 0 : i32
    %dma_wait3A_617 = tpu.memref_slice %arg8[%dma_wait3A_599, %dma_wait3A_615, %dma_wait3A_616] : memref<2x128x136xf32, #tpu.memory_space<vmem>> -> memref<1x8x128xf32, #tpu.memory_space<vmem>>
    %dma_wait3A_618 = tpu.memref_squeeze %dma_wait3A_617 : memref<1x8x128xf32, #tpu.memory_space<vmem>> -> memref<8x128xf32, #tpu.memory_space<vmem>>
    tpu.wait_dma2 semaphore(%arg11 : memref<!tpu.dma_semaphore, #tpu.memory_space<semaphore_mem>>) src(%dma_wait3A_618 : memref<8x128xf32, #tpu.memory_space<vmem>>) dst(%dma_wait3A_614 : memref<8x128xf32, #tpu.memory_space<hbm>>)
    %dma_wait3A_619 = arith.constant 1 : i32
    %dma_wait3A_620 = arith.constant 4 : i32
    %dma_wait3A_621 = arith.constant 0 : i32
    %dma_wait3A_622 = arith.constant 0 : i32
    %dma_wait3A_623 = arith.constant 64 : i32
    %dma_wait3A_624 = arith.constant 0 : i32
    %dma_wait3A_625 = tpu.memref_slice %arg8[%dma_wait3A_619, %dma_wait3A_623, %dma_wait3A_624] : memref<2x128x136xf32, #tpu.memory_space<vmem>> -> memref<1x8x128xf32, #tpu.memory_space<vmem>>
    %dma_wait3A_626 = tpu.memref_squeeze %dma_wait3A_625 : memref<1x8x128xf32, #tpu.memory_space<vmem>> -> memref<8x128xf32, #tpu.memory_space<vmem>>
    %dma_wait3A_627 = arith.constant 0 : i32
    %dma_wait3A_628 = arith.constant 0 : i32
    %dma_wait3A_629 = tpu.memref_slice %arg5[%dma_wait3A_620, %dma_wait3A_621, %dma_wait3A_622, %dma_wait3A_627, %dma_wait3A_628] : memref<200x2x32x8x128xf32, #tpu.memory_space<hbm>> -> memref<1x1x1x8x128xf32, #tpu.memory_space<hbm>>
    %dma_wait3A_630 = tpu.memref_squeeze %dma_wait3A_629 : memref<1x1x1x8x128xf32, #tpu.memory_space<hbm>> -> memref<8x128xf32, #tpu.memory_space<hbm>>
    %dma_wait3A_631 = arith.constant 0 : i32
    %dma_wait3A_632 = arith.constant 0 : i32
    %dma_wait3A_633 = tpu.memref_slice %arg5[%dma_wait3A_620, %dma_wait3A_621, %dma_wait3A_622, %dma_wait3A_631, %dma_wait3A_632] : memref<200x2x32x8x128xf32, #tpu.memory_space<hbm>> -> memref<1x1x1x8x128xf32, #tpu.memory_space<hbm>>
    %dma_wait3A_634 = tpu.memref_squeeze %dma_wait3A_633 : memref<1x1x1x8x128xf32, #tpu.memory_space<hbm>> -> memref<8x128xf32, #tpu.memory_space<hbm>>
    %dma_wait3A_635 = arith.constant 64 : i32
    %dma_wait3A_636 = arith.constant 0 : i32
    %dma_wait3A_637 = tpu.memref_slice %arg8[%dma_wait3A_619, %dma_wait3A_635, %dma_wait3A_636] : memref<2x128x136xf32, #tpu.memory_space<vmem>> -> memref<1x8x128xf32, #tpu.memory_space<vmem>>
    %dma_wait3A_638 = tpu.memref_squeeze %dma_wait3A_637 : memref<1x8x128xf32, #tpu.memory_space<vmem>> -> memref<8x128xf32, #tpu.memory_space<vmem>>
    tpu.wait_dma2 semaphore(%arg11 : memref<!tpu.dma_semaphore, #tpu.memory_space<semaphore_mem>>) src(%dma_wait3A_638 : memref<8x128xf32, #tpu.memory_space<vmem>>) dst(%dma_wait3A_634 : memref<8x128xf32, #tpu.memory_space<hbm>>)
    %dma_wait3A_639 = arith.constant 1 : i32
    %dma_wait3A_640 = arith.constant 4 : i32
    %dma_wait3A_641 = arith.constant 1 : i32
    %dma_wait3A_642 = arith.constant 0 : i32
    %dma_wait3A_643 = arith.constant 72 : i32
    %dma_wait3A_644 = arith.constant 0 : i32
    %dma_wait3A_645 = tpu.memref_slice %arg8[%dma_wait3A_639, %dma_wait3A_643, %dma_wait3A_644] : memref<2x128x136xf32, #tpu.memory_space<vmem>> -> memref<1x8x128xf32, #tpu.memory_space<vmem>>
    %dma_wait3A_646 = tpu.memref_squeeze %dma_wait3A_645 : memref<1x8x128xf32, #tpu.memory_space<vmem>> -> memref<8x128xf32, #tpu.memory_space<vmem>>
    %dma_wait3A_647 = arith.constant 0 : i32
    %dma_wait3A_648 = arith.constant 0 : i32
    %dma_wait3A_649 = tpu.memref_slice %arg5[%dma_wait3A_640, %dma_wait3A_641, %dma_wait3A_642, %dma_wait3A_647, %dma_wait3A_648] : memref<200x2x32x8x128xf32, #tpu.memory_space<hbm>> -> memref<1x1x1x8x128xf32, #tpu.memory_space<hbm>>
    %dma_wait3A_650 = tpu.memref_squeeze %dma_wait3A_649 : memref<1x1x1x8x128xf32, #tpu.memory_space<hbm>> -> memref<8x128xf32, #tpu.memory_space<hbm>>
    %dma_wait3A_651 = arith.constant 0 : i32
    %dma_wait3A_652 = arith.constant 0 : i32
    %dma_wait3A_653 = tpu.memref_slice %arg5[%dma_wait3A_640, %dma_wait3A_641, %dma_wait3A_642, %dma_wait3A_651, %dma_wait3A_652] : memref<200x2x32x8x128xf32, #tpu.memory_space<hbm>> -> memref<1x1x1x8x128xf32, #tpu.memory_space<hbm>>
    %dma_wait3A_654 = tpu.memref_squeeze %dma_wait3A_653 : memref<1x1x1x8x128xf32, #tpu.memory_space<hbm>> -> memref<8x128xf32, #tpu.memory_space<hbm>>
    %dma_wait3A_655 = arith.constant 72 : i32
    %dma_wait3A_656 = arith.constant 0 : i32
    %dma_wait3A_657 = tpu.memref_slice %arg8[%dma_wait3A_639, %dma_wait3A_655, %dma_wait3A_656] : memref<2x128x136xf32, #tpu.memory_space<vmem>> -> memref<1x8x128xf32, #tpu.memory_space<vmem>>
    %dma_wait3A_658 = tpu.memref_squeeze %dma_wait3A_657 : memref<1x8x128xf32, #tpu.memory_space<vmem>> -> memref<8x128xf32, #tpu.memory_space<vmem>>
    tpu.wait_dma2 semaphore(%arg11 : memref<!tpu.dma_semaphore, #tpu.memory_space<semaphore_mem>>) src(%dma_wait3A_658 : memref<8x128xf32, #tpu.memory_space<vmem>>) dst(%dma_wait3A_654 : memref<8x128xf32, #tpu.memory_space<hbm>>)
    %dma_wait3A_659 = arith.constant 1 : i32
    %dma_wait3A_660 = arith.constant 5 : i32
    %dma_wait3A_661 = arith.constant 0 : i32
    %dma_wait3A_662 = arith.constant 0 : i32
    %dma_wait3A_663 = arith.constant 80 : i32
    %dma_wait3A_664 = arith.constant 0 : i32
    %dma_wait3A_665 = tpu.memref_slice %arg8[%dma_wait3A_659, %dma_wait3A_663, %dma_wait3A_664] : memref<2x128x136xf32, #tpu.memory_space<vmem>> -> memref<1x8x128xf32, #tpu.memory_space<vmem>>
    %dma_wait3A_666 = tpu.memref_squeeze %dma_wait3A_665 : memref<1x8x128xf32, #tpu.memory_space<vmem>> -> memref<8x128xf32, #tpu.memory_space<vmem>>
    %dma_wait3A_667 = arith.constant 0 : i32
    %dma_wait3A_668 = arith.constant 0 : i32
    %dma_wait3A_669 = tpu.memref_slice %arg5[%dma_wait3A_660, %dma_wait3A_661, %dma_wait3A_662, %dma_wait3A_667, %dma_wait3A_668] : memref<200x2x32x8x128xf32, #tpu.memory_space<hbm>> -> memref<1x1x1x8x128xf32, #tpu.memory_space<hbm>>
    %dma_wait3A_670 = tpu.memref_squeeze %dma_wait3A_669 : memref<1x1x1x8x128xf32, #tpu.memory_space<hbm>> -> memref<8x128xf32, #tpu.memory_space<hbm>>
    %dma_wait3A_671 = arith.constant 0 : i32
    %dma_wait3A_672 = arith.constant 0 : i32
    %dma_wait3A_673 = tpu.memref_slice %arg5[%dma_wait3A_660, %dma_wait3A_661, %dma_wait3A_662, %dma_wait3A_671, %dma_wait3A_672] : memref<200x2x32x8x128xf32, #tpu.memory_space<hbm>> -> memref<1x1x1x8x128xf32, #tpu.memory_space<hbm>>
    %dma_wait3A_674 = tpu.memref_squeeze %dma_wait3A_673 : memref<1x1x1x8x128xf32, #tpu.memory_space<hbm>> -> memref<8x128xf32, #tpu.memory_space<hbm>>
    %dma_wait3A_675 = arith.constant 80 : i32
    %dma_wait3A_676 = arith.constant 0 : i32
    %dma_wait3A_677 = tpu.memref_slice %arg8[%dma_wait3A_659, %dma_wait3A_675, %dma_wait3A_676] : memref<2x128x136xf32, #tpu.memory_space<vmem>> -> memref<1x8x128xf32, #tpu.memory_space<vmem>>
    %dma_wait3A_678 = tpu.memref_squeeze %dma_wait3A_677 : memref<1x8x128xf32, #tpu.memory_space<vmem>> -> memref<8x128xf32, #tpu.memory_space<vmem>>
    tpu.wait_dma2 semaphore(%arg11 : memref<!tpu.dma_semaphore, #tpu.memory_space<semaphore_mem>>) src(%dma_wait3A_678 : memref<8x128xf32, #tpu.memory_space<vmem>>) dst(%dma_wait3A_674 : memref<8x128xf32, #tpu.memory_space<hbm>>)
    %dma_wait3A_679 = arith.constant 1 : i32
    %dma_wait3A_680 = arith.constant 5 : i32
    %dma_wait3A_681 = arith.constant 1 : i32
    %dma_wait3A_682 = arith.constant 0 : i32
    %dma_wait3A_683 = arith.constant 88 : i32
    %dma_wait3A_684 = arith.constant 0 : i32
    %dma_wait3A_685 = tpu.memref_slice %arg8[%dma_wait3A_679, %dma_wait3A_683, %dma_wait3A_684] : memref<2x128x136xf32, #tpu.memory_space<vmem>> -> memref<1x8x128xf32, #tpu.memory_space<vmem>>
    %dma_wait3A_686 = tpu.memref_squeeze %dma_wait3A_685 : memref<1x8x128xf32, #tpu.memory_space<vmem>> -> memref<8x128xf32, #tpu.memory_space<vmem>>
    %dma_wait3A_687 = arith.constant 0 : i32
    %dma_wait3A_688 = arith.constant 0 : i32
    %dma_wait3A_689 = tpu.memref_slice %arg5[%dma_wait3A_680, %dma_wait3A_681, %dma_wait3A_682, %dma_wait3A_687, %dma_wait3A_688] : memref<200x2x32x8x128xf32, #tpu.memory_space<hbm>> -> memref<1x1x1x8x128xf32, #tpu.memory_space<hbm>>
    %dma_wait3A_690 = tpu.memref_squeeze %dma_wait3A_689 : memref<1x1x1x8x128xf32, #tpu.memory_space<hbm>> -> memref<8x128xf32, #tpu.memory_space<hbm>>
    %dma_wait3A_691 = arith.constant 0 : i32
    %dma_wait3A_692 = arith.constant 0 : i32
    %dma_wait3A_693 = tpu.memref_slice %arg5[%dma_wait3A_680, %dma_wait3A_681, %dma_wait3A_682, %dma_wait3A_691, %dma_wait3A_692] : memref<200x2x32x8x128xf32, #tpu.memory_space<hbm>> -> memref<1x1x1x8x128xf32, #tpu.memory_space<hbm>>
    %dma_wait3A_694 = tpu.memref_squeeze %dma_wait3A_693 : memref<1x1x1x8x128xf32, #tpu.memory_space<hbm>> -> memref<8x128xf32, #tpu.memory_space<hbm>>
    %dma_wait3A_695 = arith.constant 88 : i32
    %dma_wait3A_696 = arith.constant 0 : i32
    %dma_wait3A_697 = tpu.memref_slice %arg8[%dma_wait3A_679, %dma_wait3A_695, %dma_wait3A_696] : memref<2x128x136xf32, #tpu.memory_space<vmem>> -> memref<1x8x128xf32, #tpu.memory_space<vmem>>
    %dma_wait3A_698 = tpu.memref_squeeze %dma_wait3A_697 : memref<1x8x128xf32, #tpu.memory_space<vmem>> -> memref<8x128xf32, #tpu.memory_space<vmem>>
    tpu.wait_dma2 semaphore(%arg11 : memref<!tpu.dma_semaphore, #tpu.memory_space<semaphore_mem>>) src(%dma_wait3A_698 : memref<8x128xf32, #tpu.memory_space<vmem>>) dst(%dma_wait3A_694 : memref<8x128xf32, #tpu.memory_space<hbm>>)
    %dma_wait3A_699 = arith.constant 1 : i32
    %dma_wait3A_700 = arith.constant 6 : i32
    %dma_wait3A_701 = arith.constant 0 : i32
    %dma_wait3A_702 = arith.constant 0 : i32
    %dma_wait3A_703 = arith.constant 96 : i32
    %dma_wait3A_704 = arith.constant 0 : i32
    %dma_wait3A_705 = tpu.memref_slice %arg8[%dma_wait3A_699, %dma_wait3A_703, %dma_wait3A_704] : memref<2x128x136xf32, #tpu.memory_space<vmem>> -> memref<1x8x128xf32, #tpu.memory_space<vmem>>
    %dma_wait3A_706 = tpu.memref_squeeze %dma_wait3A_705 : memref<1x8x128xf32, #tpu.memory_space<vmem>> -> memref<8x128xf32, #tpu.memory_space<vmem>>
    %dma_wait3A_707 = arith.constant 0 : i32
    %dma_wait3A_708 = arith.constant 0 : i32
    %dma_wait3A_709 = tpu.memref_slice %arg5[%dma_wait3A_700, %dma_wait3A_701, %dma_wait3A_702, %dma_wait3A_707, %dma_wait3A_708] : memref<200x2x32x8x128xf32, #tpu.memory_space<hbm>> -> memref<1x1x1x8x128xf32, #tpu.memory_space<hbm>>
    %dma_wait3A_710 = tpu.memref_squeeze %dma_wait3A_709 : memref<1x1x1x8x128xf32, #tpu.memory_space<hbm>> -> memref<8x128xf32, #tpu.memory_space<hbm>>
    %dma_wait3A_711 = arith.constant 0 : i32
    %dma_wait3A_712 = arith.constant 0 : i32
    %dma_wait3A_713 = tpu.memref_slice %arg5[%dma_wait3A_700, %dma_wait3A_701, %dma_wait3A_702, %dma_wait3A_711, %dma_wait3A_712] : memref<200x2x32x8x128xf32, #tpu.memory_space<hbm>> -> memref<1x1x1x8x128xf32, #tpu.memory_space<hbm>>
    %dma_wait3A_714 = tpu.memref_squeeze %dma_wait3A_713 : memref<1x1x1x8x128xf32, #tpu.memory_space<hbm>> -> memref<8x128xf32, #tpu.memory_space<hbm>>
    %dma_wait3A_715 = arith.constant 96 : i32
    %dma_wait3A_716 = arith.constant 0 : i32
    %dma_wait3A_717 = tpu.memref_slice %arg8[%dma_wait3A_699, %dma_wait3A_715, %dma_wait3A_716] : memref<2x128x136xf32, #tpu.memory_space<vmem>> -> memref<1x8x128xf32, #tpu.memory_space<vmem>>
    %dma_wait3A_718 = tpu.memref_squeeze %dma_wait3A_717 : memref<1x8x128xf32, #tpu.memory_space<vmem>> -> memref<8x128xf32, #tpu.memory_space<vmem>>
    tpu.wait_dma2 semaphore(%arg11 : memref<!tpu.dma_semaphore, #tpu.memory_space<semaphore_mem>>) src(%dma_wait3A_718 : memref<8x128xf32, #tpu.memory_space<vmem>>) dst(%dma_wait3A_714 : memref<8x128xf32, #tpu.memory_space<hbm>>)
    %dma_wait3A_719 = arith.constant 1 : i32
    %dma_wait3A_720 = arith.constant 6 : i32
    %dma_wait3A_721 = arith.constant 1 : i32
    %dma_wait3A_722 = arith.constant 0 : i32
    %dma_wait3A_723 = arith.constant 104 : i32
    %dma_wait3A_724 = arith.constant 0 : i32
    %dma_wait3A_725 = tpu.memref_slice %arg8[%dma_wait3A_719, %dma_wait3A_723, %dma_wait3A_724] : memref<2x128x136xf32, #tpu.memory_space<vmem>> -> memref<1x8x128xf32, #tpu.memory_space<vmem>>
    %dma_wait3A_726 = tpu.memref_squeeze %dma_wait3A_725 : memref<1x8x128xf32, #tpu.memory_space<vmem>> -> memref<8x128xf32, #tpu.memory_space<vmem>>
    %dma_wait3A_727 = arith.constant 0 : i32
    %dma_wait3A_728 = arith.constant 0 : i32
    %dma_wait3A_729 = tpu.memref_slice %arg5[%dma_wait3A_720, %dma_wait3A_721, %dma_wait3A_722, %dma_wait3A_727, %dma_wait3A_728] : memref<200x2x32x8x128xf32, #tpu.memory_space<hbm>> -> memref<1x1x1x8x128xf32, #tpu.memory_space<hbm>>
    %dma_wait3A_730 = tpu.memref_squeeze %dma_wait3A_729 : memref<1x1x1x8x128xf32, #tpu.memory_space<hbm>> -> memref<8x128xf32, #tpu.memory_space<hbm>>
    %dma_wait3A_731 = arith.constant 0 : i32
    %dma_wait3A_732 = arith.constant 0 : i32
    %dma_wait3A_733 = tpu.memref_slice %arg5[%dma_wait3A_720, %dma_wait3A_721, %dma_wait3A_722, %dma_wait3A_731, %dma_wait3A_732] : memref<200x2x32x8x128xf32, #tpu.memory_space<hbm>> -> memref<1x1x1x8x128xf32, #tpu.memory_space<hbm>>
    %dma_wait3A_734 = tpu.memref_squeeze %dma_wait3A_733 : memref<1x1x1x8x128xf32, #tpu.memory_space<hbm>> -> memref<8x128xf32, #tpu.memory_space<hbm>>
    %dma_wait3A_735 = arith.constant 104 : i32
    %dma_wait3A_736 = arith.constant 0 : i32
    %dma_wait3A_737 = tpu.memref_slice %arg8[%dma_wait3A_719, %dma_wait3A_735, %dma_wait3A_736] : memref<2x128x136xf32, #tpu.memory_space<vmem>> -> memref<1x8x128xf32, #tpu.memory_space<vmem>>
    %dma_wait3A_738 = tpu.memref_squeeze %dma_wait3A_737 : memref<1x8x128xf32, #tpu.memory_space<vmem>> -> memref<8x128xf32, #tpu.memory_space<vmem>>
    tpu.wait_dma2 semaphore(%arg11 : memref<!tpu.dma_semaphore, #tpu.memory_space<semaphore_mem>>) src(%dma_wait3A_738 : memref<8x128xf32, #tpu.memory_space<vmem>>) dst(%dma_wait3A_734 : memref<8x128xf32, #tpu.memory_space<hbm>>)
    %dma_wait3A_739 = arith.constant 1 : i32
    %dma_wait3A_740 = arith.constant 7 : i32
    %dma_wait3A_741 = arith.constant 0 : i32
    %dma_wait3A_742 = arith.constant 0 : i32
    %dma_wait3A_743 = arith.constant 112 : i32
    %dma_wait3A_744 = arith.constant 0 : i32
    %dma_wait3A_745 = tpu.memref_slice %arg8[%dma_wait3A_739, %dma_wait3A_743, %dma_wait3A_744] : memref<2x128x136xf32, #tpu.memory_space<vmem>> -> memref<1x8x128xf32, #tpu.memory_space<vmem>>
    %dma_wait3A_746 = tpu.memref_squeeze %dma_wait3A_745 : memref<1x8x128xf32, #tpu.memory_space<vmem>> -> memref<8x128xf32, #tpu.memory_space<vmem>>
    %dma_wait3A_747 = arith.constant 0 : i32
    %dma_wait3A_748 = arith.constant 0 : i32
    %dma_wait3A_749 = tpu.memref_slice %arg5[%dma_wait3A_740, %dma_wait3A_741, %dma_wait3A_742, %dma_wait3A_747, %dma_wait3A_748] : memref<200x2x32x8x128xf32, #tpu.memory_space<hbm>> -> memref<1x1x1x8x128xf32, #tpu.memory_space<hbm>>
    %dma_wait3A_750 = tpu.memref_squeeze %dma_wait3A_749 : memref<1x1x1x8x128xf32, #tpu.memory_space<hbm>> -> memref<8x128xf32, #tpu.memory_space<hbm>>
    %dma_wait3A_751 = arith.constant 0 : i32
    %dma_wait3A_752 = arith.constant 0 : i32
    %dma_wait3A_753 = tpu.memref_slice %arg5[%dma_wait3A_740, %dma_wait3A_741, %dma_wait3A_742, %dma_wait3A_751, %dma_wait3A_752] : memref<200x2x32x8x128xf32, #tpu.memory_space<hbm>> -> memref<1x1x1x8x128xf32, #tpu.memory_space<hbm>>
    %dma_wait3A_754 = tpu.memref_squeeze %dma_wait3A_753 : memref<1x1x1x8x128xf32, #tpu.memory_space<hbm>> -> memref<8x128xf32, #tpu.memory_space<hbm>>
    %dma_wait3A_755 = arith.constant 112 : i32
    %dma_wait3A_756 = arith.constant 0 : i32
    %dma_wait3A_757 = tpu.memref_slice %arg8[%dma_wait3A_739, %dma_wait3A_755, %dma_wait3A_756] : memref<2x128x136xf32, #tpu.memory_space<vmem>> -> memref<1x8x128xf32, #tpu.memory_space<vmem>>
    %dma_wait3A_758 = tpu.memref_squeeze %dma_wait3A_757 : memref<1x8x128xf32, #tpu.memory_space<vmem>> -> memref<8x128xf32, #tpu.memory_space<vmem>>
    tpu.wait_dma2 semaphore(%arg11 : memref<!tpu.dma_semaphore, #tpu.memory_space<semaphore_mem>>) src(%dma_wait3A_758 : memref<8x128xf32, #tpu.memory_space<vmem>>) dst(%dma_wait3A_754 : memref<8x128xf32, #tpu.memory_space<hbm>>)
    %dma_wait3A_759 = arith.constant 1 : i32
    %dma_wait3A_760 = arith.constant 7 : i32
    %dma_wait3A_761 = arith.constant 1 : i32
    %dma_wait3A_762 = arith.constant 0 : i32
    %dma_wait3A_763 = arith.constant 120 : i32
    %dma_wait3A_764 = arith.constant 0 : i32
    %dma_wait3A_765 = tpu.memref_slice %arg8[%dma_wait3A_759, %dma_wait3A_763, %dma_wait3A_764] : memref<2x128x136xf32, #tpu.memory_space<vmem>> -> memref<1x8x128xf32, #tpu.memory_space<vmem>>
    %dma_wait3A_766 = tpu.memref_squeeze %dma_wait3A_765 : memref<1x8x128xf32, #tpu.memory_space<vmem>> -> memref<8x128xf32, #tpu.memory_space<vmem>>
    %dma_wait3A_767 = arith.constant 0 : i32
    %dma_wait3A_768 = arith.constant 0 : i32
    %dma_wait3A_769 = tpu.memref_slice %arg5[%dma_wait3A_760, %dma_wait3A_761, %dma_wait3A_762, %dma_wait3A_767, %dma_wait3A_768] : memref<200x2x32x8x128xf32, #tpu.memory_space<hbm>> -> memref<1x1x1x8x128xf32, #tpu.memory_space<hbm>>
    %dma_wait3A_770 = tpu.memref_squeeze %dma_wait3A_769 : memref<1x1x1x8x128xf32, #tpu.memory_space<hbm>> -> memref<8x128xf32, #tpu.memory_space<hbm>>
    %dma_wait3A_771 = arith.constant 0 : i32
    %dma_wait3A_772 = arith.constant 0 : i32
    %dma_wait3A_773 = tpu.memref_slice %arg5[%dma_wait3A_760, %dma_wait3A_761, %dma_wait3A_762, %dma_wait3A_771, %dma_wait3A_772] : memref<200x2x32x8x128xf32, #tpu.memory_space<hbm>> -> memref<1x1x1x8x128xf32, #tpu.memory_space<hbm>>
    %dma_wait3A_774 = tpu.memref_squeeze %dma_wait3A_773 : memref<1x1x1x8x128xf32, #tpu.memory_space<hbm>> -> memref<8x128xf32, #tpu.memory_space<hbm>>
    %dma_wait3A_775 = arith.constant 120 : i32
    %dma_wait3A_776 = arith.constant 0 : i32
    %dma_wait3A_777 = tpu.memref_slice %arg8[%dma_wait3A_759, %dma_wait3A_775, %dma_wait3A_776] : memref<2x128x136xf32, #tpu.memory_space<vmem>> -> memref<1x8x128xf32, #tpu.memory_space<vmem>>
    %dma_wait3A_778 = tpu.memref_squeeze %dma_wait3A_777 : memref<1x8x128xf32, #tpu.memory_space<vmem>> -> memref<8x128xf32, #tpu.memory_space<vmem>>
    tpu.wait_dma2 semaphore(%arg11 : memref<!tpu.dma_semaphore, #tpu.memory_space<semaphore_mem>>) src(%dma_wait3A_778 : memref<8x128xf32, #tpu.memory_space<vmem>>) dst(%dma_wait3A_774 : memref<8x128xf32, #tpu.memory_space<hbm>>)
    return
  }
}

#map = affine_map<(d0, d1) -> (0, 0)>
#map1 = affine_map<(d0, d1) -> (0, 0, 0)>
module attributes {stable_mosaic.version = 14 : i64} {
  func.func @transpose_table(%arg0: i32, %arg1: i32, %arg2: memref<16x1000000xf32, #tpu.memory_space<hbm>>, %arg3: memref<15625x8x128xf32, #tpu.memory_space<hbm>>, %arg4: memref<128x128xf32, #tpu.memory_space<vmem>>, %arg5: memref<8x2x8x128xf32, #tpu.memory_space<vmem>>, %arg6: memref<!tpu.dma_semaphore, #tpu.memory_space<semaphore_mem>>, %arg7: memref<!tpu.dma_semaphore, #tpu.memory_space<semaphore_mem>>) attributes {dimension_semantics = [#tpu.dimension_semantics<core_parallel>, #tpu.dimension_semantics<subcore_parallel>], iteration_bounds = array<i64: 2, 16>, scalar_prefetch = 0 : i64, scratch_operands = 4 : i64, tpu.core_type = #tpu.core_type<sc_vector_subcore>, window_params = [{transform_indices = #map}, {transform_indices = #map1}]} {
    %mul3A = arith.constant 2 : i32
    %mul3A_0 = arith.muli %arg1, %mul3A : i32
    %add3A = arith.addi %mul3A_0, %arg0 : i32
    %lt3A = arith.constant 4 : i32
    %lt3A_1 = arith.cmpi slt, %add3A, %lt3A : i32
    %jit3A = arith.constant 245 : i32
    %jit3A_2 = arith.constant 244 : i32
    %select_n3A = arith.select %lt3A_1, %jit3A, %jit3A_2 : i32
    %iota3A = tpu.iota {dimensions = array<i32: 0>} : vector<16xi32>
    %add3A_3 = arith.constant 0 : i32
    %add3A_4 = arith.addi %add3A_3, %add3A : i32
    %mul3A_5 = arith.constant 128 : i32
    %mul3A_6 = arith.muli %add3A_4, %mul3A_5 : i32
    %dma_start3A = arith.constant 0 : i32
    %dma_start3A_7 = arith.constant 0 : i32
    %dma_start3A_8 = tpu.memref_slice %arg4[%dma_start3A, %dma_start3A_7] : memref<128x128xf32, #tpu.memory_space<vmem>> -> memref<16x128xf32, #tpu.memory_space<vmem>>
    %dma_start3A_9 = arith.constant 0 : i32
    %dma_start3A_10 = tpu.memref_slice %arg2[%dma_start3A_9, %mul3A_6] : memref<16x1000000xf32, #tpu.memory_space<hbm>> -> memref<16x128xf32, #tpu.memory_space<hbm>>
    %dma_start3A_11 = arith.constant 0 : i32
    %dma_start3A_12 = arith.constant 0 : i32
    %dma_start3A_13 = tpu.memref_slice %arg4[%dma_start3A_11, %dma_start3A_12] : memref<128x128xf32, #tpu.memory_space<vmem>> -> memref<16x128xf32, #tpu.memory_space<vmem>>
    %dma_start3A_14 = arith.constant 0 : i32
    %dma_start3A_15 = tpu.memref_slice %arg2[%dma_start3A_14, %mul3A_6] : memref<16x1000000xf32, #tpu.memory_space<hbm>> -> memref<16x128xf32, #tpu.memory_space<hbm>>
    tpu.enqueue_dma source(%dma_start3A_15 : memref<16x128xf32, #tpu.memory_space<hbm>>) target(%dma_start3A_13 : memref<16x128xf32, #tpu.memory_space<vmem>>) target_semaphore(%arg6 : memref<!tpu.dma_semaphore, #tpu.memory_space<semaphore_mem>>)
    %add3A_16 = arith.constant 32 : i32
    %add3A_17 = arith.addi %add3A_16, %add3A : i32
    %mul3A_18 = arith.constant 128 : i32
    %mul3A_19 = arith.muli %add3A_17, %mul3A_18 : i32
    %dma_start3A_20 = arith.constant 16 : i32
    %dma_start3A_21 = arith.constant 0 : i32
    %dma_start3A_22 = tpu.memref_slice %arg4[%dma_start3A_20, %dma_start3A_21] : memref<128x128xf32, #tpu.memory_space<vmem>> -> memref<16x128xf32, #tpu.memory_space<vmem>>
    %dma_start3A_23 = arith.constant 0 : i32
    %dma_start3A_24 = tpu.memref_slice %arg2[%dma_start3A_23, %mul3A_19] : memref<16x1000000xf32, #tpu.memory_space<hbm>> -> memref<16x128xf32, #tpu.memory_space<hbm>>
    %dma_start3A_25 = arith.constant 16 : i32
    %dma_start3A_26 = arith.constant 0 : i32
    %dma_start3A_27 = tpu.memref_slice %arg4[%dma_start3A_25, %dma_start3A_26] : memref<128x128xf32, #tpu.memory_space<vmem>> -> memref<16x128xf32, #tpu.memory_space<vmem>>
    %dma_start3A_28 = arith.constant 0 : i32
    %dma_start3A_29 = tpu.memref_slice %arg2[%dma_start3A_28, %mul3A_19] : memref<16x1000000xf32, #tpu.memory_space<hbm>> -> memref<16x128xf32, #tpu.memory_space<hbm>>
    tpu.enqueue_dma source(%dma_start3A_29 : memref<16x128xf32, #tpu.memory_space<hbm>>) target(%dma_start3A_27 : memref<16x128xf32, #tpu.memory_space<vmem>>) target_semaphore(%arg6 : memref<!tpu.dma_semaphore, #tpu.memory_space<semaphore_mem>>)
    %add3A_30 = arith.constant 64 : i32
    %add3A_31 = arith.addi %add3A_30, %add3A : i32
    %mul3A_32 = arith.constant 128 : i32
    %mul3A_33 = arith.muli %add3A_31, %mul3A_32 : i32
    %dma_start3A_34 = arith.constant 32 : i32
    %dma_start3A_35 = arith.constant 0 : i32
    %dma_start3A_36 = tpu.memref_slice %arg4[%dma_start3A_34, %dma_start3A_35] : memref<128x128xf32, #tpu.memory_space<vmem>> -> memref<16x128xf32, #tpu.memory_space<vmem>>
    %dma_start3A_37 = arith.constant 0 : i32
    %dma_start3A_38 = tpu.memref_slice %arg2[%dma_start3A_37, %mul3A_33] : memref<16x1000000xf32, #tpu.memory_space<hbm>> -> memref<16x128xf32, #tpu.memory_space<hbm>>
    %dma_start3A_39 = arith.constant 32 : i32
    %dma_start3A_40 = arith.constant 0 : i32
    %dma_start3A_41 = tpu.memref_slice %arg4[%dma_start3A_39, %dma_start3A_40] : memref<128x128xf32, #tpu.memory_space<vmem>> -> memref<16x128xf32, #tpu.memory_space<vmem>>
    %dma_start3A_42 = arith.constant 0 : i32
    %dma_start3A_43 = tpu.memref_slice %arg2[%dma_start3A_42, %mul3A_33] : memref<16x1000000xf32, #tpu.memory_space<hbm>> -> memref<16x128xf32, #tpu.memory_space<hbm>>
    tpu.enqueue_dma source(%dma_start3A_43 : memref<16x128xf32, #tpu.memory_space<hbm>>) target(%dma_start3A_41 : memref<16x128xf32, #tpu.memory_space<vmem>>) target_semaphore(%arg6 : memref<!tpu.dma_semaphore, #tpu.memory_space<semaphore_mem>>)
    %add3A_44 = arith.constant 96 : i32
    %add3A_45 = arith.addi %add3A_44, %add3A : i32
    %mul3A_46 = arith.constant 128 : i32
    %mul3A_47 = arith.muli %add3A_45, %mul3A_46 : i32
    %dma_start3A_48 = arith.constant 48 : i32
    %dma_start3A_49 = arith.constant 0 : i32
    %dma_start3A_50 = tpu.memref_slice %arg4[%dma_start3A_48, %dma_start3A_49] : memref<128x128xf32, #tpu.memory_space<vmem>> -> memref<16x128xf32, #tpu.memory_space<vmem>>
    %dma_start3A_51 = arith.constant 0 : i32
    %dma_start3A_52 = tpu.memref_slice %arg2[%dma_start3A_51, %mul3A_47] : memref<16x1000000xf32, #tpu.memory_space<hbm>> -> memref<16x128xf32, #tpu.memory_space<hbm>>
    %dma_start3A_53 = arith.constant 48 : i32
    %dma_start3A_54 = arith.constant 0 : i32
    %dma_start3A_55 = tpu.memref_slice %arg4[%dma_start3A_53, %dma_start3A_54] : memref<128x128xf32, #tpu.memory_space<vmem>> -> memref<16x128xf32, #tpu.memory_space<vmem>>
    %dma_start3A_56 = arith.constant 0 : i32
    %dma_start3A_57 = tpu.memref_slice %arg2[%dma_start3A_56, %mul3A_47] : memref<16x1000000xf32, #tpu.memory_space<hbm>> -> memref<16x128xf32, #tpu.memory_space<hbm>>
    tpu.enqueue_dma source(%dma_start3A_57 : memref<16x128xf32, #tpu.memory_space<hbm>>) target(%dma_start3A_55 : memref<16x128xf32, #tpu.memory_space<vmem>>) target_semaphore(%arg6 : memref<!tpu.dma_semaphore, #tpu.memory_space<semaphore_mem>>)
    %add3A_58 = arith.constant 128 : i32
    %add3A_59 = arith.addi %add3A_58, %add3A : i32
    %mul3A_60 = arith.constant 128 : i32
    %mul3A_61 = arith.muli %add3A_59, %mul3A_60 : i32
    %dma_start3A_62 = arith.constant 64 : i32
    %dma_start3A_63 = arith.constant 0 : i32
    %dma_start3A_64 = tpu.memref_slice %arg4[%dma_start3A_62, %dma_start3A_63] : memref<128x128xf32, #tpu.memory_space<vmem>> -> memref<16x128xf32, #tpu.memory_space<vmem>>
    %dma_start3A_65 = arith.constant 0 : i32
    %dma_start3A_66 = tpu.memref_slice %arg2[%dma_start3A_65, %mul3A_61] : memref<16x1000000xf32, #tpu.memory_space<hbm>> -> memref<16x128xf32, #tpu.memory_space<hbm>>
    %dma_start3A_67 = arith.constant 64 : i32
    %dma_start3A_68 = arith.constant 0 : i32
    %dma_start3A_69 = tpu.memref_slice %arg4[%dma_start3A_67, %dma_start3A_68] : memref<128x128xf32, #tpu.memory_space<vmem>> -> memref<16x128xf32, #tpu.memory_space<vmem>>
    %dma_start3A_70 = arith.constant 0 : i32
    %dma_start3A_71 = tpu.memref_slice %arg2[%dma_start3A_70, %mul3A_61] : memref<16x1000000xf32, #tpu.memory_space<hbm>> -> memref<16x128xf32, #tpu.memory_space<hbm>>
    tpu.enqueue_dma source(%dma_start3A_71 : memref<16x128xf32, #tpu.memory_space<hbm>>) target(%dma_start3A_69 : memref<16x128xf32, #tpu.memory_space<vmem>>) target_semaphore(%arg6 : memref<!tpu.dma_semaphore, #tpu.memory_space<semaphore_mem>>)
    %add3A_72 = arith.constant 160 : i32
    %add3A_73 = arith.addi %add3A_72, %add3A : i32
    %mul3A_74 = arith.constant 128 : i32
    %mul3A_75 = arith.muli %add3A_73, %mul3A_74 : i32
    %dma_start3A_76 = arith.constant 80 : i32
    %dma_start3A_77 = arith.constant 0 : i32
    %dma_start3A_78 = tpu.memref_slice %arg4[%dma_start3A_76, %dma_start3A_77] : memref<128x128xf32, #tpu.memory_space<vmem>> -> memref<16x128xf32, #tpu.memory_space<vmem>>
    %dma_start3A_79 = arith.constant 0 : i32
    %dma_start3A_80 = tpu.memref_slice %arg2[%dma_start3A_79, %mul3A_75] : memref<16x1000000xf32, #tpu.memory_space<hbm>> -> memref<16x128xf32, #tpu.memory_space<hbm>>
    %dma_start3A_81 = arith.constant 80 : i32
    %dma_start3A_82 = arith.constant 0 : i32
    %dma_start3A_83 = tpu.memref_slice %arg4[%dma_start3A_81, %dma_start3A_82] : memref<128x128xf32, #tpu.memory_space<vmem>> -> memref<16x128xf32, #tpu.memory_space<vmem>>
    %dma_start3A_84 = arith.constant 0 : i32
    %dma_start3A_85 = tpu.memref_slice %arg2[%dma_start3A_84, %mul3A_75] : memref<16x1000000xf32, #tpu.memory_space<hbm>> -> memref<16x128xf32, #tpu.memory_space<hbm>>
    tpu.enqueue_dma source(%dma_start3A_85 : memref<16x128xf32, #tpu.memory_space<hbm>>) target(%dma_start3A_83 : memref<16x128xf32, #tpu.memory_space<vmem>>) target_semaphore(%arg6 : memref<!tpu.dma_semaphore, #tpu.memory_space<semaphore_mem>>)
    %add3A_86 = arith.constant 192 : i32
    %add3A_87 = arith.addi %add3A_86, %add3A : i32
    %mul3A_88 = arith.constant 128 : i32
    %mul3A_89 = arith.muli %add3A_87, %mul3A_88 : i32
    %dma_start3A_90 = arith.constant 96 : i32
    %dma_start3A_91 = arith.constant 0 : i32
    %dma_start3A_92 = tpu.memref_slice %arg4[%dma_start3A_90, %dma_start3A_91] : memref<128x128xf32, #tpu.memory_space<vmem>> -> memref<16x128xf32, #tpu.memory_space<vmem>>
    %dma_start3A_93 = arith.constant 0 : i32
    %dma_start3A_94 = tpu.memref_slice %arg2[%dma_start3A_93, %mul3A_89] : memref<16x1000000xf32, #tpu.memory_space<hbm>> -> memref<16x128xf32, #tpu.memory_space<hbm>>
    %dma_start3A_95 = arith.constant 96 : i32
    %dma_start3A_96 = arith.constant 0 : i32
    %dma_start3A_97 = tpu.memref_slice %arg4[%dma_start3A_95, %dma_start3A_96] : memref<128x128xf32, #tpu.memory_space<vmem>> -> memref<16x128xf32, #tpu.memory_space<vmem>>
    %dma_start3A_98 = arith.constant 0 : i32
    %dma_start3A_99 = tpu.memref_slice %arg2[%dma_start3A_98, %mul3A_89] : memref<16x1000000xf32, #tpu.memory_space<hbm>> -> memref<16x128xf32, #tpu.memory_space<hbm>>
    tpu.enqueue_dma source(%dma_start3A_99 : memref<16x128xf32, #tpu.memory_space<hbm>>) target(%dma_start3A_97 : memref<16x128xf32, #tpu.memory_space<vmem>>) target_semaphore(%arg6 : memref<!tpu.dma_semaphore, #tpu.memory_space<semaphore_mem>>)
    %add3A_100 = arith.constant 224 : i32
    %add3A_101 = arith.addi %add3A_100, %add3A : i32
    %mul3A_102 = arith.constant 128 : i32
    %mul3A_103 = arith.muli %add3A_101, %mul3A_102 : i32
    %dma_start3A_104 = arith.constant 112 : i32
    %dma_start3A_105 = arith.constant 0 : i32
    %dma_start3A_106 = tpu.memref_slice %arg4[%dma_start3A_104, %dma_start3A_105] : memref<128x128xf32, #tpu.memory_space<vmem>> -> memref<16x128xf32, #tpu.memory_space<vmem>>
    %dma_start3A_107 = arith.constant 0 : i32
    %dma_start3A_108 = tpu.memref_slice %arg2[%dma_start3A_107, %mul3A_103] : memref<16x1000000xf32, #tpu.memory_space<hbm>> -> memref<16x128xf32, #tpu.memory_space<hbm>>
    %dma_start3A_109 = arith.constant 112 : i32
    %dma_start3A_110 = arith.constant 0 : i32
    %dma_start3A_111 = tpu.memref_slice %arg4[%dma_start3A_109, %dma_start3A_110] : memref<128x128xf32, #tpu.memory_space<vmem>> -> memref<16x128xf32, #tpu.memory_space<vmem>>
    %dma_start3A_112 = arith.constant 0 : i32
    %dma_start3A_113 = tpu.memref_slice %arg2[%dma_start3A_112, %mul3A_103] : memref<16x1000000xf32, #tpu.memory_space<hbm>> -> memref<16x128xf32, #tpu.memory_space<hbm>>
    tpu.enqueue_dma source(%dma_start3A_113 : memref<16x128xf32, #tpu.memory_space<hbm>>) target(%dma_start3A_111 : memref<16x128xf32, #tpu.memory_space<vmem>>) target_semaphore(%arg6 : memref<!tpu.dma_semaphore, #tpu.memory_space<semaphore_mem>>)
    %scan3A = arith.constant 0 : i32
    %scan3A_114 = arith.constant 0 : i32
    %scan3A_115 = arith.constant 245 : i32
    %scan3A_116 = arith.addi %scan3A_114, %scan3A_115 : i32
    %scan3A_117 = arith.constant 1 : i32
    scf.for %scan3A_272 = %scan3A_114 to %scan3A_116 step %scan3A_117  : i32 {
      %lt3A_273 = arith.cmpi slt, %scan3A_272, %select_n3A : i32
      %convert_element_type3A_274 = arith.extui %lt3A_273 : i1 to i32
      %cond3A_275 = arith.constant 0 : i32
      %cond3A_276 = arith.cmpi ne, %convert_element_type3A_274, %cond3A_275 : i32
      scf.if %cond3A_276 {
        %and3A = arith.constant 7 : i32
        %and3A_277 = arith.andi %scan3A_272, %and3A : i32
        %mul3A_278 = arith.constant 16 : i32
        %mul3A_279 = arith.muli %and3A_277, %mul3A_278 : i32
        %and3A_280 = arith.constant 7 : i32
        %and3A_281 = arith.andi %scan3A_272, %and3A_280 : i32
        %mul3A_282 = arith.constant 32 : i32
        %mul3A_283 = arith.muli %scan3A_272, %mul3A_282 : i32
        %add3A_284 = arith.addi %mul3A_283, %add3A : i32
        %dma_wait3A_285 = arith.constant 0 : i32
        %dma_wait3A_286 = tpu.memref_slice %arg4[%mul3A_279, %dma_wait3A_285] : memref<128x128xf32, #tpu.memory_space<vmem>> -> memref<16x128xf32, #tpu.memory_space<vmem>>
        %dma_wait3A_287 = arith.constant 0 : i32
        %dma_wait3A_288 = arith.constant 0 : i32
        %dma_wait3A_289 = tpu.memref_slice %arg2[%dma_wait3A_287, %dma_wait3A_288] : memref<16x1000000xf32, #tpu.memory_space<hbm>> -> memref<16x128xf32, #tpu.memory_space<hbm>>
        %dma_wait3A_290 = arith.constant 0 : i32
        %dma_wait3A_291 = tpu.memref_slice %arg4[%mul3A_279, %dma_wait3A_290] : memref<128x128xf32, #tpu.memory_space<vmem>> -> memref<16x128xf32, #tpu.memory_space<vmem>>
        %dma_wait3A_292 = arith.constant 0 : i32
        %dma_wait3A_293 = arith.constant 0 : i32
        %dma_wait3A_294 = tpu.memref_slice %arg2[%dma_wait3A_292, %dma_wait3A_293] : memref<16x1000000xf32, #tpu.memory_space<hbm>> -> memref<16x128xf32, #tpu.memory_space<hbm>>
        tpu.wait_dma2 semaphore(%arg6 : memref<!tpu.dma_semaphore, #tpu.memory_space<semaphore_mem>>) src(%dma_wait3A_294 : memref<16x128xf32, #tpu.memory_space<hbm>>) dst(%dma_wait3A_291 : memref<16x128xf32, #tpu.memory_space<vmem>>)
        %ge3A = arith.constant 8 : i32
        %ge3A_295 = arith.cmpi sge, %scan3A_272, %ge3A : i32
        %convert_element_type3A_296 = arith.extui %ge3A_295 : i1 to i32
        %cond3A_297 = arith.constant 0 : i32
        %cond3A_298 = arith.cmpi ne, %convert_element_type3A_296, %cond3A_297 : i32
        scf.if %cond3A_298 {
          %dma_wait3A_327 = arith.constant 0 : i32
          %dma_wait3A_328 = arith.constant 0 : i32
          %dma_wait3A_329 = arith.constant 0 : i32
          %dma_wait3A_330 = arith.constant 0 : i32
          %dma_wait3A_331 = tpu.memref_slice %arg5[%dma_wait3A_327, %dma_wait3A_328, %dma_wait3A_329, %dma_wait3A_330] : memref<8x2x8x128xf32, #tpu.memory_space<vmem>> -> memref<1x2x8x128xf32, #tpu.memory_space<vmem>>
          %dma_wait3A_332 = tpu.memref_squeeze %dma_wait3A_331 : memref<1x2x8x128xf32, #tpu.memory_space<vmem>> -> memref<2x8x128xf32, #tpu.memory_space<vmem>>
          %dma_wait3A_333 = arith.constant 0 : i32
          %dma_wait3A_334 = arith.constant 0 : i32
          %dma_wait3A_335 = arith.constant 0 : i32
          %dma_wait3A_336 = tpu.memref_slice %arg3[%dma_wait3A_333, %dma_wait3A_334, %dma_wait3A_335] : memref<15625x8x128xf32, #tpu.memory_space<hbm>> -> memref<2x8x128xf32, #tpu.memory_space<hbm>>
          %dma_wait3A_337 = arith.constant 0 : i32
          %dma_wait3A_338 = arith.constant 0 : i32
          %dma_wait3A_339 = arith.constant 0 : i32
          %dma_wait3A_340 = tpu.memref_slice %arg3[%dma_wait3A_337, %dma_wait3A_338, %dma_wait3A_339] : memref<15625x8x128xf32, #tpu.memory_space<hbm>> -> memref<2x8x128xf32, #tpu.memory_space<hbm>>
          %dma_wait3A_341 = arith.constant 0 : i32
          %dma_wait3A_342 = arith.constant 0 : i32
          %dma_wait3A_343 = arith.constant 0 : i32
          %dma_wait3A_344 = tpu.memref_slice %arg5[%dma_wait3A_327, %dma_wait3A_341, %dma_wait3A_342, %dma_wait3A_343] : memref<8x2x8x128xf32, #tpu.memory_space<vmem>> -> memref<1x2x8x128xf32, #tpu.memory_space<vmem>>
          %dma_wait3A_345 = tpu.memref_squeeze %dma_wait3A_344 : memref<1x2x8x128xf32, #tpu.memory_space<vmem>> -> memref<2x8x128xf32, #tpu.memory_space<vmem>>
          tpu.wait_dma2 semaphore(%arg7 : memref<!tpu.dma_semaphore, #tpu.memory_space<semaphore_mem>>) src(%dma_wait3A_345 : memref<2x8x128xf32, #tpu.memory_space<vmem>>) dst(%dma_wait3A_340 : memref<2x8x128xf32, #tpu.memory_space<hbm>>)
        } else {
        }
        %add3A_299 = vector.broadcast %mul3A_279 : i32 to vector<16xi32>
        %add3A_300 = arith.addi %iota3A, %add3A_299 : vector<16xi32>
        %parallel_loop3A = arith.constant 0 : i32
        %parallel_loop3A_301 = arith.constant 16 : i32
        %parallel_loop3A_302 = arith.constant 1 : i32
        scf.for %parallel_loop3A_327 = %parallel_loop3A to %parallel_loop3A_301 step %parallel_loop3A_302  : i32 {
          %parallel_loop3A_328 = arith.constant 0 : i32
          %parallel_loop3A_329 = vector.broadcast %parallel_loop3A_328 : i32 to vector<16xi32>
          %parallel_loop3A_330 = arith.constant 8 : i32
          %parallel_loop3A_331 = arith.muli %parallel_loop3A_327, %parallel_loop3A_330 : i32
          %parallel_loop3A_332 = vector.broadcast %parallel_loop3A_331 : i32 to vector<16xi32>
          %parallel_loop3A_333 = arith.addi %parallel_loop3A_329, %parallel_loop3A_332 : vector<16xi32>
          %parallel_loop3A_334 = arith.constant 3 : i32
          %parallel_loop3A_335 = arith.shrsi %parallel_loop3A_327, %parallel_loop3A_334 : i32
          %parallel_loop3A_336 = arith.constant 7 : i32
          %parallel_loop3A_337 = arith.andi %parallel_loop3A_327, %parallel_loop3A_336 : i32
          %parallel_loop3A_338 = arith.constant 0 : i32
          %parallel_loop3A_339 = vector.broadcast %parallel_loop3A_338 : i32 to vector<16xi32>
          %parallel_loop3A_340 = arith.addi %parallel_loop3A_333, %parallel_loop3A_339 : vector<16xi32>
          %parallel_loop3A_341 = tpu.vector_load_idx %arg4[%add3A_300, %parallel_loop3A_340] : memref<128x128xf32, #tpu.memory_space<vmem>>[vector<16xi32>, vector<16xi32>], vector<16xf32>,
          %parallel_loop3A_342 = arith.index_cast %and3A_281 : i32 to index
          %parallel_loop3A_343 = arith.index_cast %parallel_loop3A_335 : i32 to index
          %parallel_loop3A_344 = arith.index_cast %parallel_loop3A_337 : i32 to index
          %parallel_loop3A_345 = arith.constant 0 : index
          %parallel_loop3A_346 = tpu.vector_load %arg5[%parallel_loop3A_342, %parallel_loop3A_343, %parallel_loop3A_344, %parallel_loop3A_345] {strides = array<i32>} : memref<8x2x8x128xf32, #tpu.memory_space<vmem>>, vector<16xf32>,
          tpu.vector_store %arg5[%parallel_loop3A_342, %parallel_loop3A_343, %parallel_loop3A_344, %parallel_loop3A_345], %parallel_loop3A_341 {strides = array<i32>} : memref<8x2x8x128xf32, #tpu.memory_space<vmem>>, vector<16xf32>,
          %parallel_loop3A_347 = arith.constant 1 : i32
          %parallel_loop3A_348 = vector.broadcast %parallel_loop3A_347 : i32 to vector<16xi32>
          %parallel_loop3A_349 = arith.addi %parallel_loop3A_333, %parallel_loop3A_348 : vector<16xi32>
          %parallel_loop3A_350 = tpu.vector_load_idx %arg4[%add3A_300, %parallel_loop3A_349] : memref<128x128xf32, #tpu.memory_space<vmem>>[vector<16xi32>, vector<16xi32>], vector<16xf32>,
          %parallel_loop3A_351 = arith.index_cast %and3A_281 : i32 to index
          %parallel_loop3A_352 = arith.index_cast %parallel_loop3A_335 : i32 to index
          %parallel_loop3A_353 = arith.index_cast %parallel_loop3A_337 : i32 to index
          %parallel_loop3A_354 = arith.constant 16 : index
          %parallel_loop3A_355 = tpu.vector_load %arg5[%parallel_loop3A_351, %parallel_loop3A_352, %parallel_loop3A_353, %parallel_loop3A_354] {strides = array<i32>} : memref<8x2x8x128xf32, #tpu.memory_space<vmem>>, vector<16xf32>,
          tpu.vector_store %arg5[%parallel_loop3A_351, %parallel_loop3A_352, %parallel_loop3A_353, %parallel_loop3A_354], %parallel_loop3A_350 {strides = array<i32>} : memref<8x2x8x128xf32, #tpu.memory_space<vmem>>, vector<16xf32>,
          %parallel_loop3A_356 = arith.constant 2 : i32
          %parallel_loop3A_357 = vector.broadcast %parallel_loop3A_356 : i32 to vector<16xi32>
          %parallel_loop3A_358 = arith.addi %parallel_loop3A_333, %parallel_loop3A_357 : vector<16xi32>
          %parallel_loop3A_359 = tpu.vector_load_idx %arg4[%add3A_300, %parallel_loop3A_358] : memref<128x128xf32, #tpu.memory_space<vmem>>[vector<16xi32>, vector<16xi32>], vector<16xf32>,
          %parallel_loop3A_360 = arith.index_cast %and3A_281 : i32 to index
          %parallel_loop3A_361 = arith.index_cast %parallel_loop3A_335 : i32 to index
          %parallel_loop3A_362 = arith.index_cast %parallel_loop3A_337 : i32 to index
          %parallel_loop3A_363 = arith.constant 32 : index
          %parallel_loop3A_364 = tpu.vector_load %arg5[%parallel_loop3A_360, %parallel_loop3A_361, %parallel_loop3A_362, %parallel_loop3A_363] {strides = array<i32>} : memref<8x2x8x128xf32, #tpu.memory_space<vmem>>, vector<16xf32>,
          tpu.vector_store %arg5[%parallel_loop3A_360, %parallel_loop3A_361, %parallel_loop3A_362, %parallel_loop3A_363], %parallel_loop3A_359 {strides = array<i32>} : memref<8x2x8x128xf32, #tpu.memory_space<vmem>>, vector<16xf32>,
          %parallel_loop3A_365 = arith.constant 3 : i32
          %parallel_loop3A_366 = vector.broadcast %parallel_loop3A_365 : i32 to vector<16xi32>
          %parallel_loop3A_367 = arith.addi %parallel_loop3A_333, %parallel_loop3A_366 : vector<16xi32>
          %parallel_loop3A_368 = tpu.vector_load_idx %arg4[%add3A_300, %parallel_loop3A_367] : memref<128x128xf32, #tpu.memory_space<vmem>>[vector<16xi32>, vector<16xi32>], vector<16xf32>,
          %parallel_loop3A_369 = arith.index_cast %and3A_281 : i32 to index
          %parallel_loop3A_370 = arith.index_cast %parallel_loop3A_335 : i32 to index
          %parallel_loop3A_371 = arith.index_cast %parallel_loop3A_337 : i32 to index
          %parallel_loop3A_372 = arith.constant 48 : index
          %parallel_loop3A_373 = tpu.vector_load %arg5[%parallel_loop3A_369, %parallel_loop3A_370, %parallel_loop3A_371, %parallel_loop3A_372] {strides = array<i32>} : memref<8x2x8x128xf32, #tpu.memory_space<vmem>>, vector<16xf32>,
          tpu.vector_store %arg5[%parallel_loop3A_369, %parallel_loop3A_370, %parallel_loop3A_371, %parallel_loop3A_372], %parallel_loop3A_368 {strides = array<i32>} : memref<8x2x8x128xf32, #tpu.memory_space<vmem>>, vector<16xf32>,
          %parallel_loop3A_374 = arith.constant 4 : i32
          %parallel_loop3A_375 = vector.broadcast %parallel_loop3A_374 : i32 to vector<16xi32>
          %parallel_loop3A_376 = arith.addi %parallel_loop3A_333, %parallel_loop3A_375 : vector<16xi32>
          %parallel_loop3A_377 = tpu.vector_load_idx %arg4[%add3A_300, %parallel_loop3A_376] : memref<128x128xf32, #tpu.memory_space<vmem>>[vector<16xi32>, vector<16xi32>], vector<16xf32>,
          %parallel_loop3A_378 = arith.index_cast %and3A_281 : i32 to index
          %parallel_loop3A_379 = arith.index_cast %parallel_loop3A_335 : i32 to index
          %parallel_loop3A_380 = arith.index_cast %parallel_loop3A_337 : i32 to index
          %parallel_loop3A_381 = arith.constant 64 : index
          %parallel_loop3A_382 = tpu.vector_load %arg5[%parallel_loop3A_378, %parallel_loop3A_379, %parallel_loop3A_380, %parallel_loop3A_381] {strides = array<i32>} : memref<8x2x8x128xf32, #tpu.memory_space<vmem>>, vector<16xf32>,
          tpu.vector_store %arg5[%parallel_loop3A_378, %parallel_loop3A_379, %parallel_loop3A_380, %parallel_loop3A_381], %parallel_loop3A_377 {strides = array<i32>} : memref<8x2x8x128xf32, #tpu.memory_space<vmem>>, vector<16xf32>,
          %parallel_loop3A_383 = arith.constant 5 : i32
          %parallel_loop3A_384 = vector.broadcast %parallel_loop3A_383 : i32 to vector<16xi32>
          %parallel_loop3A_385 = arith.addi %parallel_loop3A_333, %parallel_loop3A_384 : vector<16xi32>
          %parallel_loop3A_386 = tpu.vector_load_idx %arg4[%add3A_300, %parallel_loop3A_385] : memref<128x128xf32, #tpu.memory_space<vmem>>[vector<16xi32>, vector<16xi32>], vector<16xf32>,
          %parallel_loop3A_387 = arith.index_cast %and3A_281 : i32 to index
          %parallel_loop3A_388 = arith.index_cast %parallel_loop3A_335 : i32 to index
          %parallel_loop3A_389 = arith.index_cast %parallel_loop3A_337 : i32 to index
          %parallel_loop3A_390 = arith.constant 80 : index
          %parallel_loop3A_391 = tpu.vector_load %arg5[%parallel_loop3A_387, %parallel_loop3A_388, %parallel_loop3A_389, %parallel_loop3A_390] {strides = array<i32>} : memref<8x2x8x128xf32, #tpu.memory_space<vmem>>, vector<16xf32>,
          tpu.vector_store %arg5[%parallel_loop3A_387, %parallel_loop3A_388, %parallel_loop3A_389, %parallel_loop3A_390], %parallel_loop3A_386 {strides = array<i32>} : memref<8x2x8x128xf32, #tpu.memory_space<vmem>>, vector<16xf32>,
          %parallel_loop3A_392 = arith.constant 6 : i32
          %parallel_loop3A_393 = vector.broadcast %parallel_loop3A_392 : i32 to vector<16xi32>
          %parallel_loop3A_394 = arith.addi %parallel_loop3A_333, %parallel_loop3A_393 : vector<16xi32>
          %parallel_loop3A_395 = tpu.vector_load_idx %arg4[%add3A_300, %parallel_loop3A_394] : memref<128x128xf32, #tpu.memory_space<vmem>>[vector<16xi32>, vector<16xi32>], vector<16xf32>,
          %parallel_loop3A_396 = arith.index_cast %and3A_281 : i32 to index
          %parallel_loop3A_397 = arith.index_cast %parallel_loop3A_335 : i32 to index
          %parallel_loop3A_398 = arith.index_cast %parallel_loop3A_337 : i32 to index
          %parallel_loop3A_399 = arith.constant 96 : index
          %parallel_loop3A_400 = tpu.vector_load %arg5[%parallel_loop3A_396, %parallel_loop3A_397, %parallel_loop3A_398, %parallel_loop3A_399] {strides = array<i32>} : memref<8x2x8x128xf32, #tpu.memory_space<vmem>>, vector<16xf32>,
          tpu.vector_store %arg5[%parallel_loop3A_396, %parallel_loop3A_397, %parallel_loop3A_398, %parallel_loop3A_399], %parallel_loop3A_395 {strides = array<i32>} : memref<8x2x8x128xf32, #tpu.memory_space<vmem>>, vector<16xf32>,
          %parallel_loop3A_401 = arith.constant 7 : i32
          %parallel_loop3A_402 = vector.broadcast %parallel_loop3A_401 : i32 to vector<16xi32>
          %parallel_loop3A_403 = arith.addi %parallel_loop3A_333, %parallel_loop3A_402 : vector<16xi32>
          %parallel_loop3A_404 = tpu.vector_load_idx %arg4[%add3A_300, %parallel_loop3A_403] : memref<128x128xf32, #tpu.memory_space<vmem>>[vector<16xi32>, vector<16xi32>], vector<16xf32>,
          %parallel_loop3A_405 = arith.index_cast %and3A_281 : i32 to index
          %parallel_loop3A_406 = arith.index_cast %parallel_loop3A_335 : i32 to index
          %parallel_loop3A_407 = arith.index_cast %parallel_loop3A_337 : i32 to index
          %parallel_loop3A_408 = arith.constant 112 : index
          %parallel_loop3A_409 = tpu.vector_load %arg5[%parallel_loop3A_405, %parallel_loop3A_406, %parallel_loop3A_407, %parallel_loop3A_408] {strides = array<i32>} : memref<8x2x8x128xf32, #tpu.memory_space<vmem>>, vector<16xf32>,
          tpu.vector_store %arg5[%parallel_loop3A_405, %parallel_loop3A_406, %parallel_loop3A_407, %parallel_loop3A_408], %parallel_loop3A_404 {strides = array<i32>} : memref<8x2x8x128xf32, #tpu.memory_space<vmem>>, vector<16xf32>,
        } {sc.loop_unroll_factor = 4 : i64, sc.parallel_access}
        %mul3A_303 = arith.constant 2 : i32
        %mul3A_304 = arith.muli %mul3A_303, %add3A_284 : i32
        %dma_start3A_305 = arith.constant 0 : i32
        %dma_start3A_306 = arith.constant 0 : i32
        %dma_start3A_307 = arith.constant 0 : i32
        %dma_start3A_308 = tpu.memref_slice %arg5[%and3A_281, %dma_start3A_305, %dma_start3A_306, %dma_start3A_307] : memref<8x2x8x128xf32, #tpu.memory_space<vmem>> -> memref<1x2x8x128xf32, #tpu.memory_space<vmem>>
        %dma_start3A_309 = tpu.memref_squeeze %dma_start3A_308 : memref<1x2x8x128xf32, #tpu.memory_space<vmem>> -> memref<2x8x128xf32, #tpu.memory_space<vmem>>
        %dma_start3A_310 = arith.constant 0 : i32
        %dma_start3A_311 = arith.constant 0 : i32
        %dma_start3A_312 = tpu.memref_slice %arg3[%mul3A_304, %dma_start3A_310, %dma_start3A_311] : memref<15625x8x128xf32, #tpu.memory_space<hbm>> -> memref<2x8x128xf32, #tpu.memory_space<hbm>>
        %dma_start3A_313 = arith.constant 0 : i32
        %dma_start3A_314 = arith.constant 0 : i32
        %dma_start3A_315 = tpu.memref_slice %arg3[%mul3A_304, %dma_start3A_313, %dma_start3A_314] : memref<15625x8x128xf32, #tpu.memory_space<hbm>> -> memref<2x8x128xf32, #tpu.memory_space<hbm>>
        %dma_start3A_316 = arith.constant 0 : i32
        %dma_start3A_317 = arith.constant 0 : i32
        %dma_start3A_318 = arith.constant 0 : i32
        %dma_start3A_319 = tpu.memref_slice %arg5[%and3A_281, %dma_start3A_316, %dma_start3A_317, %dma_start3A_318] : memref<8x2x8x128xf32, #tpu.memory_space<vmem>> -> memref<1x2x8x128xf32, #tpu.memory_space<vmem>>
        %dma_start3A_320 = tpu.memref_squeeze %dma_start3A_319 : memref<1x2x8x128xf32, #tpu.memory_space<vmem>> -> memref<2x8x128xf32, #tpu.memory_space<vmem>>
        tpu.enqueue_dma source(%dma_start3A_320 : memref<2x8x128xf32, #tpu.memory_space<vmem>>) target(%dma_start3A_315 : memref<2x8x128xf32, #tpu.memory_space<hbm>>) target_semaphore(%arg7 : memref<!tpu.dma_semaphore, #tpu.memory_space<semaphore_mem>>)
        %add3A_321 = arith.constant 8 : i32
        %add3A_322 = arith.addi %scan3A_272, %add3A_321 : i32
        %lt3A_323 = arith.cmpi slt, %add3A_322, %select_n3A : i32
        %convert_element_type3A_324 = arith.extui %lt3A_323 : i1 to i32
        %cond3A_325 = arith.constant 0 : i32
        %cond3A_326 = arith.cmpi ne, %convert_element_type3A_324, %cond3A_325 : i32
        scf.if %cond3A_326 {
          %add3A_327 = arith.constant 8 : i32
          %add3A_328 = arith.addi %scan3A_272, %add3A_327 : i32
          %mul3A_329 = arith.constant 32 : i32
          %mul3A_330 = arith.muli %add3A_328, %mul3A_329 : i32
          %add3A_331 = arith.addi %mul3A_330, %add3A : i32
          %mul3A_332 = arith.constant 128 : i32
          %mul3A_333 = arith.muli %add3A_331, %mul3A_332 : i32
          %dma_start3A_334 = arith.constant 0 : i32
          %dma_start3A_335 = tpu.memref_slice %arg4[%mul3A_279, %dma_start3A_334] : memref<128x128xf32, #tpu.memory_space<vmem>> -> memref<16x128xf32, #tpu.memory_space<vmem>>
          %dma_start3A_336 = arith.constant 0 : i32
          %dma_start3A_337 = tpu.memref_slice %arg2[%dma_start3A_336, %mul3A_333] : memref<16x1000000xf32, #tpu.memory_space<hbm>> -> memref<16x128xf32, #tpu.memory_space<hbm>>
          %dma_start3A_338 = arith.constant 0 : i32
          %dma_start3A_339 = tpu.memref_slice %arg4[%mul3A_279, %dma_start3A_338] : memref<128x128xf32, #tpu.memory_space<vmem>> -> memref<16x128xf32, #tpu.memory_space<vmem>>
          %dma_start3A_340 = arith.constant 0 : i32
          %dma_start3A_341 = tpu.memref_slice %arg2[%dma_start3A_340, %mul3A_333] : memref<16x1000000xf32, #tpu.memory_space<hbm>> -> memref<16x128xf32, #tpu.memory_space<hbm>>
          tpu.enqueue_dma source(%dma_start3A_341 : memref<16x128xf32, #tpu.memory_space<hbm>>) target(%dma_start3A_339 : memref<16x128xf32, #tpu.memory_space<vmem>>) target_semaphore(%arg6 : memref<!tpu.dma_semaphore, #tpu.memory_space<semaphore_mem>>)
        } else {
        }
      } else {
      }
    }
    %scan3A_118 = arith.constant 245 : i32
    %dma_wait3A = arith.constant 0 : i32
    %dma_wait3A_119 = arith.constant 0 : i32
    %dma_wait3A_120 = arith.constant 0 : i32
    %dma_wait3A_121 = arith.constant 0 : i32
    %dma_wait3A_122 = tpu.memref_slice %arg5[%dma_wait3A, %dma_wait3A_119, %dma_wait3A_120, %dma_wait3A_121] : memref<8x2x8x128xf32, #tpu.memory_space<vmem>> -> memref<1x2x8x128xf32, #tpu.memory_space<vmem>>
    %dma_wait3A_123 = tpu.memref_squeeze %dma_wait3A_122 : memref<1x2x8x128xf32, #tpu.memory_space<vmem>> -> memref<2x8x128xf32, #tpu.memory_space<vmem>>
    %dma_wait3A_124 = arith.constant 0 : i32
    %dma_wait3A_125 = arith.constant 0 : i32
    %dma_wait3A_126 = arith.constant 0 : i32
    %dma_wait3A_127 = tpu.memref_slice %arg3[%dma_wait3A_124, %dma_wait3A_125, %dma_wait3A_126] : memref<15625x8x128xf32, #tpu.memory_space<hbm>> -> memref<2x8x128xf32, #tpu.memory_space<hbm>>
    %dma_wait3A_128 = arith.constant 0 : i32
    %dma_wait3A_129 = arith.constant 0 : i32
    %dma_wait3A_130 = arith.constant 0 : i32
    %dma_wait3A_131 = tpu.memref_slice %arg3[%dma_wait3A_128, %dma_wait3A_129, %dma_wait3A_130] : memref<15625x8x128xf32, #tpu.memory_space<hbm>> -> memref<2x8x128xf32, #tpu.memory_space<hbm>>
    %dma_wait3A_132 = arith.constant 0 : i32
    %dma_wait3A_133 = arith.constant 0 : i32
    %dma_wait3A_134 = arith.constant 0 : i32
    %dma_wait3A_135 = tpu.memref_slice %arg5[%dma_wait3A, %dma_wait3A_132, %dma_wait3A_133, %dma_wait3A_134] : memref<8x2x8x128xf32, #tpu.memory_space<vmem>> -> memref<1x2x8x128xf32, #tpu.memory_space<vmem>>
    %dma_wait3A_136 = tpu.memref_squeeze %dma_wait3A_135 : memref<1x2x8x128xf32, #tpu.memory_space<vmem>> -> memref<2x8x128xf32, #tpu.memory_space<vmem>>
    tpu.wait_dma2 semaphore(%arg7 : memref<!tpu.dma_semaphore, #tpu.memory_space<semaphore_mem>>) src(%dma_wait3A_136 : memref<2x8x128xf32, #tpu.memory_space<vmem>>) dst(%dma_wait3A_131 : memref<2x8x128xf32, #tpu.memory_space<hbm>>)
    %dma_wait3A_137 = arith.constant 0 : i32
    %dma_wait3A_138 = arith.constant 0 : i32
    %dma_wait3A_139 = arith.constant 0 : i32
    %dma_wait3A_140 = arith.constant 0 : i32
    %dma_wait3A_141 = tpu.memref_slice %arg5[%dma_wait3A_137, %dma_wait3A_138, %dma_wait3A_139, %dma_wait3A_140] : memref<8x2x8x128xf32, #tpu.memory_space<vmem>> -> memref<1x2x8x128xf32, #tpu.memory_space<vmem>>
    %dma_wait3A_142 = tpu.memref_squeeze %dma_wait3A_141 : memref<1x2x8x128xf32, #tpu.memory_space<vmem>> -> memref<2x8x128xf32, #tpu.memory_space<vmem>>
    %dma_wait3A_143 = arith.constant 0 : i32
    %dma_wait3A_144 = arith.constant 0 : i32
    %dma_wait3A_145 = arith.constant 0 : i32
    %dma_wait3A_146 = tpu.memref_slice %arg3[%dma_wait3A_143, %dma_wait3A_144, %dma_wait3A_145] : memref<15625x8x128xf32, #tpu.memory_space<hbm>> -> memref<2x8x128xf32, #tpu.memory_space<hbm>>
    %dma_wait3A_147 = arith.constant 0 : i32
    %dma_wait3A_148 = arith.constant 0 : i32
    %dma_wait3A_149 = arith.constant 0 : i32
    %dma_wait3A_150 = tpu.memref_slice %arg3[%dma_wait3A_147, %dma_wait3A_148, %dma_wait3A_149] : memref<15625x8x128xf32, #tpu.memory_space<hbm>> -> memref<2x8x128xf32, #tpu.memory_space<hbm>>
    %dma_wait3A_151 = arith.constant 0 : i32
    %dma_wait3A_152 = arith.constant 0 : i32
    %dma_wait3A_153 = arith.constant 0 : i32
    %dma_wait3A_154 = tpu.memref_slice %arg5[%dma_wait3A_137, %dma_wait3A_151, %dma_wait3A_152, %dma_wait3A_153] : memref<8x2x8x128xf32, #tpu.memory_space<vmem>> -> memref<1x2x8x128xf32, #tpu.memory_space<vmem>>
    %dma_wait3A_155 = tpu.memref_squeeze %dma_wait3A_154 : memref<1x2x8x128xf32, #tpu.memory_space<vmem>> -> memref<2x8x128xf32, #tpu.memory_space<vmem>>
    tpu.wait_dma2 semaphore(%arg7 : memref<!tpu.dma_semaphore, #tpu.memory_space<semaphore_mem>>) src(%dma_wait3A_155 : memref<2x8x128xf32, #tpu.memory_space<vmem>>) dst(%dma_wait3A_150 : memref<2x8x128xf32, #tpu.memory_space<hbm>>)
    %dma_wait3A_156 = arith.constant 0 : i32
    %dma_wait3A_157 = arith.constant 0 : i32
    %dma_wait3A_158 = arith.constant 0 : i32
    %dma_wait3A_159 = arith.constant 0 : i32
    %dma_wait3A_160 = tpu.memref_slice %arg5[%dma_wait3A_156, %dma_wait3A_157, %dma_wait3A_158, %dma_wait3A_159] : memref<8x2x8x128xf32, #tpu.memory_space<vmem>> -> memref<1x2x8x128xf32, #tpu.memory_space<vmem>>
    %dma_wait3A_161 = tpu.memref_squeeze %dma_wait3A_160 : memref<1x2x8x128xf32, #tpu.memory_space<vmem>> -> memref<2x8x128xf32, #tpu.memory_space<vmem>>
    %dma_wait3A_162 = arith.constant 0 : i32
    %dma_wait3A_163 = arith.constant 0 : i32
    %dma_wait3A_164 = arith.constant 0 : i32
    %dma_wait3A_165 = tpu.memref_slice %arg3[%dma_wait3A_162, %dma_wait3A_163, %dma_wait3A_164] : memref<15625x8x128xf32, #tpu.memory_space<hbm>> -> memref<2x8x128xf32, #tpu.memory_space<hbm>>
    %dma_wait3A_166 = arith.constant 0 : i32
    %dma_wait3A_167 = arith.constant 0 : i32
    %dma_wait3A_168 = arith.constant 0 : i32
    %dma_wait3A_169 = tpu.memref_slice %arg3[%dma_wait3A_166, %dma_wait3A_167, %dma_wait3A_168] : memref<15625x8x128xf32, #tpu.memory_space<hbm>> -> memref<2x8x128xf32, #tpu.memory_space<hbm>>
    %dma_wait3A_170 = arith.constant 0 : i32
    %dma_wait3A_171 = arith.constant 0 : i32
    %dma_wait3A_172 = arith.constant 0 : i32
    %dma_wait3A_173 = tpu.memref_slice %arg5[%dma_wait3A_156, %dma_wait3A_170, %dma_wait3A_171, %dma_wait3A_172] : memref<8x2x8x128xf32, #tpu.memory_space<vmem>> -> memref<1x2x8x128xf32, #tpu.memory_space<vmem>>
    %dma_wait3A_174 = tpu.memref_squeeze %dma_wait3A_173 : memref<1x2x8x128xf32, #tpu.memory_space<vmem>> -> memref<2x8x128xf32, #tpu.memory_space<vmem>>
    tpu.wait_dma2 semaphore(%arg7 : memref<!tpu.dma_semaphore, #tpu.memory_space<semaphore_mem>>) src(%dma_wait3A_174 : memref<2x8x128xf32, #tpu.memory_space<vmem>>) dst(%dma_wait3A_169 : memref<2x8x128xf32, #tpu.memory_space<hbm>>)
    %dma_wait3A_175 = arith.constant 0 : i32
    %dma_wait3A_176 = arith.constant 0 : i32
    %dma_wait3A_177 = arith.constant 0 : i32
    %dma_wait3A_178 = arith.constant 0 : i32
    %dma_wait3A_179 = tpu.memref_slice %arg5[%dma_wait3A_175, %dma_wait3A_176, %dma_wait3A_177, %dma_wait3A_178] : memref<8x2x8x128xf32, #tpu.memory_space<vmem>> -> memref<1x2x8x128xf32, #tpu.memory_space<vmem>>
    %dma_wait3A_180 = tpu.memref_squeeze %dma_wait3A_179 : memref<1x2x8x128xf32, #tpu.memory_space<vmem>> -> memref<2x8x128xf32, #tpu.memory_space<vmem>>
    %dma_wait3A_181 = arith.constant 0 : i32
    %dma_wait3A_182 = arith.constant 0 : i32
    %dma_wait3A_183 = arith.constant 0 : i32
    %dma_wait3A_184 = tpu.memref_slice %arg3[%dma_wait3A_181, %dma_wait3A_182, %dma_wait3A_183] : memref<15625x8x128xf32, #tpu.memory_space<hbm>> -> memref<2x8x128xf32, #tpu.memory_space<hbm>>
    %dma_wait3A_185 = arith.constant 0 : i32
    %dma_wait3A_186 = arith.constant 0 : i32
    %dma_wait3A_187 = arith.constant 0 : i32
    %dma_wait3A_188 = tpu.memref_slice %arg3[%dma_wait3A_185, %dma_wait3A_186, %dma_wait3A_187] : memref<15625x8x128xf32, #tpu.memory_space<hbm>> -> memref<2x8x128xf32, #tpu.memory_space<hbm>>
    %dma_wait3A_189 = arith.constant 0 : i32
    %dma_wait3A_190 = arith.constant 0 : i32
    %dma_wait3A_191 = arith.constant 0 : i32
    %dma_wait3A_192 = tpu.memref_slice %arg5[%dma_wait3A_175, %dma_wait3A_189, %dma_wait3A_190, %dma_wait3A_191] : memref<8x2x8x128xf32, #tpu.memory_space<vmem>> -> memref<1x2x8x128xf32, #tpu.memory_space<vmem>>
    %dma_wait3A_193 = tpu.memref_squeeze %dma_wait3A_192 : memref<1x2x8x128xf32, #tpu.memory_space<vmem>> -> memref<2x8x128xf32, #tpu.memory_space<vmem>>
    tpu.wait_dma2 semaphore(%arg7 : memref<!tpu.dma_semaphore, #tpu.memory_space<semaphore_mem>>) src(%dma_wait3A_193 : memref<2x8x128xf32, #tpu.memory_space<vmem>>) dst(%dma_wait3A_188 : memref<2x8x128xf32, #tpu.memory_space<hbm>>)
    %dma_wait3A_194 = arith.constant 0 : i32
    %dma_wait3A_195 = arith.constant 0 : i32
    %dma_wait3A_196 = arith.constant 0 : i32
    %dma_wait3A_197 = arith.constant 0 : i32
    %dma_wait3A_198 = tpu.memref_slice %arg5[%dma_wait3A_194, %dma_wait3A_195, %dma_wait3A_196, %dma_wait3A_197] : memref<8x2x8x128xf32, #tpu.memory_space<vmem>> -> memref<1x2x8x128xf32, #tpu.memory_space<vmem>>
    %dma_wait3A_199 = tpu.memref_squeeze %dma_wait3A_198 : memref<1x2x8x128xf32, #tpu.memory_space<vmem>> -> memref<2x8x128xf32, #tpu.memory_space<vmem>>
    %dma_wait3A_200 = arith.constant 0 : i32
    %dma_wait3A_201 = arith.constant 0 : i32
    %dma_wait3A_202 = arith.constant 0 : i32
    %dma_wait3A_203 = tpu.memref_slice %arg3[%dma_wait3A_200, %dma_wait3A_201, %dma_wait3A_202] : memref<15625x8x128xf32, #tpu.memory_space<hbm>> -> memref<2x8x128xf32, #tpu.memory_space<hbm>>
    %dma_wait3A_204 = arith.constant 0 : i32
    %dma_wait3A_205 = arith.constant 0 : i32
    %dma_wait3A_206 = arith.constant 0 : i32
    %dma_wait3A_207 = tpu.memref_slice %arg3[%dma_wait3A_204, %dma_wait3A_205, %dma_wait3A_206] : memref<15625x8x128xf32, #tpu.memory_space<hbm>> -> memref<2x8x128xf32, #tpu.memory_space<hbm>>
    %dma_wait3A_208 = arith.constant 0 : i32
    %dma_wait3A_209 = arith.constant 0 : i32
    %dma_wait3A_210 = arith.constant 0 : i32
    %dma_wait3A_211 = tpu.memref_slice %arg5[%dma_wait3A_194, %dma_wait3A_208, %dma_wait3A_209, %dma_wait3A_210] : memref<8x2x8x128xf32, #tpu.memory_space<vmem>> -> memref<1x2x8x128xf32, #tpu.memory_space<vmem>>
    %dma_wait3A_212 = tpu.memref_squeeze %dma_wait3A_211 : memref<1x2x8x128xf32, #tpu.memory_space<vmem>> -> memref<2x8x128xf32, #tpu.memory_space<vmem>>
    tpu.wait_dma2 semaphore(%arg7 : memref<!tpu.dma_semaphore, #tpu.memory_space<semaphore_mem>>) src(%dma_wait3A_212 : memref<2x8x128xf32, #tpu.memory_space<vmem>>) dst(%dma_wait3A_207 : memref<2x8x128xf32, #tpu.memory_space<hbm>>)
    %dma_wait3A_213 = arith.constant 0 : i32
    %dma_wait3A_214 = arith.constant 0 : i32
    %dma_wait3A_215 = arith.constant 0 : i32
    %dma_wait3A_216 = arith.constant 0 : i32
    %dma_wait3A_217 = tpu.memref_slice %arg5[%dma_wait3A_213, %dma_wait3A_214, %dma_wait3A_215, %dma_wait3A_216] : memref<8x2x8x128xf32, #tpu.memory_space<vmem>> -> memref<1x2x8x128xf32, #tpu.memory_space<vmem>>
    %dma_wait3A_218 = tpu.memref_squeeze %dma_wait3A_217 : memref<1x2x8x128xf32, #tpu.memory_space<vmem>> -> memref<2x8x128xf32, #tpu.memory_space<vmem>>
    %dma_wait3A_219 = arith.constant 0 : i32
    %dma_wait3A_220 = arith.constant 0 : i32
    %dma_wait3A_221 = arith.constant 0 : i32
    %dma_wait3A_222 = tpu.memref_slice %arg3[%dma_wait3A_219, %dma_wait3A_220, %dma_wait3A_221] : memref<15625x8x128xf32, #tpu.memory_space<hbm>> -> memref<2x8x128xf32, #tpu.memory_space<hbm>>
    %dma_wait3A_223 = arith.constant 0 : i32
    %dma_wait3A_224 = arith.constant 0 : i32
    %dma_wait3A_225 = arith.constant 0 : i32
    %dma_wait3A_226 = tpu.memref_slice %arg3[%dma_wait3A_223, %dma_wait3A_224, %dma_wait3A_225] : memref<15625x8x128xf32, #tpu.memory_space<hbm>> -> memref<2x8x128xf32, #tpu.memory_space<hbm>>
    %dma_wait3A_227 = arith.constant 0 : i32
    %dma_wait3A_228 = arith.constant 0 : i32
    %dma_wait3A_229 = arith.constant 0 : i32
    %dma_wait3A_230 = tpu.memref_slice %arg5[%dma_wait3A_213, %dma_wait3A_227, %dma_wait3A_228, %dma_wait3A_229] : memref<8x2x8x128xf32, #tpu.memory_space<vmem>> -> memref<1x2x8x128xf32, #tpu.memory_space<vmem>>
    %dma_wait3A_231 = tpu.memref_squeeze %dma_wait3A_230 : memref<1x2x8x128xf32, #tpu.memory_space<vmem>> -> memref<2x8x128xf32, #tpu.memory_space<vmem>>
    tpu.wait_dma2 semaphore(%arg7 : memref<!tpu.dma_semaphore, #tpu.memory_space<semaphore_mem>>) src(%dma_wait3A_231 : memref<2x8x128xf32, #tpu.memory_space<vmem>>) dst(%dma_wait3A_226 : memref<2x8x128xf32, #tpu.memory_space<hbm>>)
    %dma_wait3A_232 = arith.constant 0 : i32
    %dma_wait3A_233 = arith.constant 0 : i32
    %dma_wait3A_234 = arith.constant 0 : i32
    %dma_wait3A_235 = arith.constant 0 : i32
    %dma_wait3A_236 = tpu.memref_slice %arg5[%dma_wait3A_232, %dma_wait3A_233, %dma_wait3A_234, %dma_wait3A_235] : memref<8x2x8x128xf32, #tpu.memory_space<vmem>> -> memref<1x2x8x128xf32, #tpu.memory_space<vmem>>
    %dma_wait3A_237 = tpu.memref_squeeze %dma_wait3A_236 : memref<1x2x8x128xf32, #tpu.memory_space<vmem>> -> memref<2x8x128xf32, #tpu.memory_space<vmem>>
    %dma_wait3A_238 = arith.constant 0 : i32
    %dma_wait3A_239 = arith.constant 0 : i32
    %dma_wait3A_240 = arith.constant 0 : i32
    %dma_wait3A_241 = tpu.memref_slice %arg3[%dma_wait3A_238, %dma_wait3A_239, %dma_wait3A_240] : memref<15625x8x128xf32, #tpu.memory_space<hbm>> -> memref<2x8x128xf32, #tpu.memory_space<hbm>>
    %dma_wait3A_242 = arith.constant 0 : i32
    %dma_wait3A_243 = arith.constant 0 : i32
    %dma_wait3A_244 = arith.constant 0 : i32
    %dma_wait3A_245 = tpu.memref_slice %arg3[%dma_wait3A_242, %dma_wait3A_243, %dma_wait3A_244] : memref<15625x8x128xf32, #tpu.memory_space<hbm>> -> memref<2x8x128xf32, #tpu.memory_space<hbm>>
    %dma_wait3A_246 = arith.constant 0 : i32
    %dma_wait3A_247 = arith.constant 0 : i32
    %dma_wait3A_248 = arith.constant 0 : i32
    %dma_wait3A_249 = tpu.memref_slice %arg5[%dma_wait3A_232, %dma_wait3A_246, %dma_wait3A_247, %dma_wait3A_248] : memref<8x2x8x128xf32, #tpu.memory_space<vmem>> -> memref<1x2x8x128xf32, #tpu.memory_space<vmem>>
    %dma_wait3A_250 = tpu.memref_squeeze %dma_wait3A_249 : memref<1x2x8x128xf32, #tpu.memory_space<vmem>> -> memref<2x8x128xf32, #tpu.memory_space<vmem>>
    tpu.wait_dma2 semaphore(%arg7 : memref<!tpu.dma_semaphore, #tpu.memory_space<semaphore_mem>>) src(%dma_wait3A_250 : memref<2x8x128xf32, #tpu.memory_space<vmem>>) dst(%dma_wait3A_245 : memref<2x8x128xf32, #tpu.memory_space<hbm>>)
    %dma_wait3A_251 = arith.constant 0 : i32
    %dma_wait3A_252 = arith.constant 0 : i32
    %dma_wait3A_253 = arith.constant 0 : i32
    %dma_wait3A_254 = arith.constant 0 : i32
    %dma_wait3A_255 = tpu.memref_slice %arg5[%dma_wait3A_251, %dma_wait3A_252, %dma_wait3A_253, %dma_wait3A_254] : memref<8x2x8x128xf32, #tpu.memory_space<vmem>> -> memref<1x2x8x128xf32, #tpu.memory_space<vmem>>
    %dma_wait3A_256 = tpu.memref_squeeze %dma_wait3A_255 : memref<1x2x8x128xf32, #tpu.memory_space<vmem>> -> memref<2x8x128xf32, #tpu.memory_space<vmem>>
    %dma_wait3A_257 = arith.constant 0 : i32
    %dma_wait3A_258 = arith.constant 0 : i32
    %dma_wait3A_259 = arith.constant 0 : i32
    %dma_wait3A_260 = tpu.memref_slice %arg3[%dma_wait3A_257, %dma_wait3A_258, %dma_wait3A_259] : memref<15625x8x128xf32, #tpu.memory_space<hbm>> -> memref<2x8x128xf32, #tpu.memory_space<hbm>>
    %dma_wait3A_261 = arith.constant 0 : i32
    %dma_wait3A_262 = arith.constant 0 : i32
    %dma_wait3A_263 = arith.constant 0 : i32
    %dma_wait3A_264 = tpu.memref_slice %arg3[%dma_wait3A_261, %dma_wait3A_262, %dma_wait3A_263] : memref<15625x8x128xf32, #tpu.memory_space<hbm>> -> memref<2x8x128xf32, #tpu.memory_space<hbm>>
    %dma_wait3A_265 = arith.constant 0 : i32
    %dma_wait3A_266 = arith.constant 0 : i32
    %dma_wait3A_267 = arith.constant 0 : i32
    %dma_wait3A_268 = tpu.memref_slice %arg5[%dma_wait3A_251, %dma_wait3A_265, %dma_wait3A_266, %dma_wait3A_267] : memref<8x2x8x128xf32, #tpu.memory_space<vmem>> -> memref<1x2x8x128xf32, #tpu.memory_space<vmem>>
    %dma_wait3A_269 = tpu.memref_squeeze %dma_wait3A_268 : memref<1x2x8x128xf32, #tpu.memory_space<vmem>> -> memref<2x8x128xf32, #tpu.memory_space<vmem>>
    tpu.wait_dma2 semaphore(%arg7 : memref<!tpu.dma_semaphore, #tpu.memory_space<semaphore_mem>>) src(%dma_wait3A_269 : memref<2x8x128xf32, #tpu.memory_space<vmem>>) dst(%dma_wait3A_264 : memref<2x8x128xf32, #tpu.memory_space<hbm>>)
    %eq3A = arith.constant 4 : i32
    %eq3A_270 = arith.cmpi eq, %add3A, %eq3A : i32
    %convert_element_type3A = arith.extui %eq3A_270 : i1 to i32
    %cond3A = arith.constant 0 : i32
    %cond3A_271 = arith.cmpi ne, %convert_element_type3A, %cond3A : i32
    scf.if %cond3A_271 {
      %run_scoped3A = arith.constant 0 : i32
      %run_scoped3A_272 = arith.constant 0 : i32
      "tpu.region"() ({
        %run_scoped3A_312 = tpu.sem_alloc : memref<!tpu.dma_semaphore, #tpu.memory_space<semaphore_mem>>
        %dma_start3A_313 = arith.constant 0 : i32
        %dma_start3A_314 = tpu.memref_slice %arg4[%run_scoped3A_272, %dma_start3A_313] : memref<128x128xf32, #tpu.memory_space<vmem>> -> memref<1x64xf32, #tpu.memory_space<vmem>>
        %dma_start3A_315 = tpu.memref_squeeze %dma_start3A_314 : memref<1x64xf32, #tpu.memory_space<vmem>> -> memref<64xf32, #tpu.memory_space<vmem>>
        %dma_start3A_316 = arith.constant 999936 : i32
        %dma_start3A_317 = tpu.memref_slice %arg2[%run_scoped3A, %dma_start3A_316] : memref<16x1000000xf32, #tpu.memory_space<hbm>> -> memref<1x64xf32, #tpu.memory_space<hbm>>
        %dma_start3A_318 = tpu.memref_squeeze %dma_start3A_317 : memref<1x64xf32, #tpu.memory_space<hbm>> -> memref<64xf32, #tpu.memory_space<hbm>>
        %dma_start3A_319 = arith.constant 0 : i32
        %dma_start3A_320 = tpu.memref_slice %arg4[%run_scoped3A_272, %dma_start3A_319] : memref<128x128xf32, #tpu.memory_space<vmem>> -> memref<1x64xf32, #tpu.memory_space<vmem>>
        %dma_start3A_321 = tpu.memref_squeeze %dma_start3A_320 : memref<1x64xf32, #tpu.memory_space<vmem>> -> memref<64xf32, #tpu.memory_space<vmem>>
        %dma_start3A_322 = arith.constant 999936 : i32
        %dma_start3A_323 = tpu.memref_slice %arg2[%run_scoped3A, %dma_start3A_322] : memref<16x1000000xf32, #tpu.memory_space<hbm>> -> memref<1x64xf32, #tpu.memory_space<hbm>>
        %dma_start3A_324 = tpu.memref_squeeze %dma_start3A_323 : memref<1x64xf32, #tpu.memory_space<hbm>> -> memref<64xf32, #tpu.memory_space<hbm>>
        tpu.enqueue_dma source(%dma_start3A_324 : memref<64xf32, #tpu.memory_space<hbm>>) target(%dma_start3A_321 : memref<64xf32, #tpu.memory_space<vmem>>) target_semaphore(%run_scoped3A_312 : memref<!tpu.dma_semaphore, #tpu.memory_space<semaphore_mem>>)
        %dma_wait3A_325 = arith.constant 0 : i32
        %dma_wait3A_326 = tpu.memref_slice %arg4[%run_scoped3A_272, %dma_wait3A_325] : memref<128x128xf32, #tpu.memory_space<vmem>> -> memref<1x64xf32, #tpu.memory_space<vmem>>
        %dma_wait3A_327 = tpu.memref_squeeze %dma_wait3A_326 : memref<1x64xf32, #tpu.memory_space<vmem>> -> memref<64xf32, #tpu.memory_space<vmem>>
        %dma_wait3A_328 = arith.constant 999936 : i32
        %dma_wait3A_329 = tpu.memref_slice %arg2[%run_scoped3A, %dma_wait3A_328] : memref<16x1000000xf32, #tpu.memory_space<hbm>> -> memref<1x64xf32, #tpu.memory_space<hbm>>
        %dma_wait3A_330 = tpu.memref_squeeze %dma_wait3A_329 : memref<1x64xf32, #tpu.memory_space<hbm>> -> memref<64xf32, #tpu.memory_space<hbm>>
        %dma_wait3A_331 = arith.constant 0 : i32
        %dma_wait3A_332 = tpu.memref_slice %arg4[%run_scoped3A_272, %dma_wait3A_331] : memref<128x128xf32, #tpu.memory_space<vmem>> -> memref<1x64xf32, #tpu.memory_space<vmem>>
        %dma_wait3A_333 = tpu.memref_squeeze %dma_wait3A_332 : memref<1x64xf32, #tpu.memory_space<vmem>> -> memref<64xf32, #tpu.memory_space<vmem>>
        %dma_wait3A_334 = arith.constant 999936 : i32
        %dma_wait3A_335 = tpu.memref_slice %arg2[%run_scoped3A, %dma_wait3A_334] : memref<16x1000000xf32, #tpu.memory_space<hbm>> -> memref<1x64xf32, #tpu.memory_space<hbm>>
        %dma_wait3A_336 = tpu.memref_squeeze %dma_wait3A_335 : memref<1x64xf32, #tpu.memory_space<hbm>> -> memref<64xf32, #tpu.memory_space<hbm>>
        tpu.wait_dma2 semaphore(%run_scoped3A_312 : memref<!tpu.dma_semaphore, #tpu.memory_space<semaphore_mem>>) src(%dma_wait3A_336 : memref<64xf32, #tpu.memory_space<hbm>>) dst(%dma_wait3A_333 : memref<64xf32, #tpu.memory_space<vmem>>)
        tpu.yield
      }) : () -> ()
      %run_scoped3A_273 = arith.constant 1 : i32
      %run_scoped3A_274 = arith.constant 1 : i32
      "tpu.region"() ({
        %run_scoped3A_312 = tpu.sem_alloc : memref<!tpu.dma_semaphore, #tpu.memory_space<semaphore_mem>>
        %dma_start3A_313 = arith.constant 0 : i32
        %dma_start3A_314 = tpu.memref_slice %arg4[%run_scoped3A_274, %dma_start3A_313] : memref<128x128xf32, #tpu.memory_space<vmem>> -> memref<1x64xf32, #tpu.memory_space<vmem>>
        %dma_start3A_315 = tpu.memref_squeeze %dma_start3A_314 : memref<1x64xf32, #tpu.memory_space<vmem>> -> memref<64xf32, #tpu.memory_space<vmem>>
        %dma_start3A_316 = arith.constant 999936 : i32
        %dma_start3A_317 = tpu.memref_slice %arg2[%run_scoped3A_273, %dma_start3A_316] : memref<16x1000000xf32, #tpu.memory_space<hbm>> -> memref<1x64xf32, #tpu.memory_space<hbm>>
        %dma_start3A_318 = tpu.memref_squeeze %dma_start3A_317 : memref<1x64xf32, #tpu.memory_space<hbm>> -> memref<64xf32, #tpu.memory_space<hbm>>
        %dma_start3A_319 = arith.constant 0 : i32
        %dma_start3A_320 = tpu.memref_slice %arg4[%run_scoped3A_274, %dma_start3A_319] : memref<128x128xf32, #tpu.memory_space<vmem>> -> memref<1x64xf32, #tpu.memory_space<vmem>>
        %dma_start3A_321 = tpu.memref_squeeze %dma_start3A_320 : memref<1x64xf32, #tpu.memory_space<vmem>> -> memref<64xf32, #tpu.memory_space<vmem>>
        %dma_start3A_322 = arith.constant 999936 : i32
        %dma_start3A_323 = tpu.memref_slice %arg2[%run_scoped3A_273, %dma_start3A_322] : memref<16x1000000xf32, #tpu.memory_space<hbm>> -> memref<1x64xf32, #tpu.memory_space<hbm>>
        %dma_start3A_324 = tpu.memref_squeeze %dma_start3A_323 : memref<1x64xf32, #tpu.memory_space<hbm>> -> memref<64xf32, #tpu.memory_space<hbm>>
        tpu.enqueue_dma source(%dma_start3A_324 : memref<64xf32, #tpu.memory_space<hbm>>) target(%dma_start3A_321 : memref<64xf32, #tpu.memory_space<vmem>>) target_semaphore(%run_scoped3A_312 : memref<!tpu.dma_semaphore, #tpu.memory_space<semaphore_mem>>)
        %dma_wait3A_325 = arith.constant 0 : i32
        %dma_wait3A_326 = tpu.memref_slice %arg4[%run_scoped3A_274, %dma_wait3A_325] : memref<128x128xf32, #tpu.memory_space<vmem>> -> memref<1x64xf32, #tpu.memory_space<vmem>>
        %dma_wait3A_327 = tpu.memref_squeeze %dma_wait3A_326 : memref<1x64xf32, #tpu.memory_space<vmem>> -> memref<64xf32, #tpu.memory_space<vmem>>
        %dma_wait3A_328 = arith.constant 999936 : i32
        %dma_wait3A_329 = tpu.memref_slice %arg2[%run_scoped3A_273, %dma_wait3A_328] : memref<16x1000000xf32, #tpu.memory_space<hbm>> -> memref<1x64xf32, #tpu.memory_space<hbm>>
        %dma_wait3A_330 = tpu.memref_squeeze %dma_wait3A_329 : memref<1x64xf32, #tpu.memory_space<hbm>> -> memref<64xf32, #tpu.memory_space<hbm>>
        %dma_wait3A_331 = arith.constant 0 : i32
        %dma_wait3A_332 = tpu.memref_slice %arg4[%run_scoped3A_274, %dma_wait3A_331] : memref<128x128xf32, #tpu.memory_space<vmem>> -> memref<1x64xf32, #tpu.memory_space<vmem>>
        %dma_wait3A_333 = tpu.memref_squeeze %dma_wait3A_332 : memref<1x64xf32, #tpu.memory_space<vmem>> -> memref<64xf32, #tpu.memory_space<vmem>>
        %dma_wait3A_334 = arith.constant 999936 : i32
        %dma_wait3A_335 = tpu.memref_slice %arg2[%run_scoped3A_273, %dma_wait3A_334] : memref<16x1000000xf32, #tpu.memory_space<hbm>> -> memref<1x64xf32, #tpu.memory_space<hbm>>
        %dma_wait3A_336 = tpu.memref_squeeze %dma_wait3A_335 : memref<1x64xf32, #tpu.memory_space<hbm>> -> memref<64xf32, #tpu.memory_space<hbm>>
        tpu.wait_dma2 semaphore(%run_scoped3A_312 : memref<!tpu.dma_semaphore, #tpu.memory_space<semaphore_mem>>) src(%dma_wait3A_336 : memref<64xf32, #tpu.memory_space<hbm>>) dst(%dma_wait3A_333 : memref<64xf32, #tpu.memory_space<vmem>>)
        tpu.yield
      }) : () -> ()
      %run_scoped3A_275 = arith.constant 2 : i32
      %run_scoped3A_276 = arith.constant 2 : i32
      "tpu.region"() ({
        %run_scoped3A_312 = tpu.sem_alloc : memref<!tpu.dma_semaphore, #tpu.memory_space<semaphore_mem>>
        %dma_start3A_313 = arith.constant 0 : i32
        %dma_start3A_314 = tpu.memref_slice %arg4[%run_scoped3A_276, %dma_start3A_313] : memref<128x128xf32, #tpu.memory_space<vmem>> -> memref<1x64xf32, #tpu.memory_space<vmem>>
        %dma_start3A_315 = tpu.memref_squeeze %dma_start3A_314 : memref<1x64xf32, #tpu.memory_space<vmem>> -> memref<64xf32, #tpu.memory_space<vmem>>
        %dma_start3A_316 = arith.constant 999936 : i32
        %dma_start3A_317 = tpu.memref_slice %arg2[%run_scoped3A_275, %dma_start3A_316] : memref<16x1000000xf32, #tpu.memory_space<hbm>> -> memref<1x64xf32, #tpu.memory_space<hbm>>
        %dma_start3A_318 = tpu.memref_squeeze %dma_start3A_317 : memref<1x64xf32, #tpu.memory_space<hbm>> -> memref<64xf32, #tpu.memory_space<hbm>>
        %dma_start3A_319 = arith.constant 0 : i32
        %dma_start3A_320 = tpu.memref_slice %arg4[%run_scoped3A_276, %dma_start3A_319] : memref<128x128xf32, #tpu.memory_space<vmem>> -> memref<1x64xf32, #tpu.memory_space<vmem>>
        %dma_start3A_321 = tpu.memref_squeeze %dma_start3A_320 : memref<1x64xf32, #tpu.memory_space<vmem>> -> memref<64xf32, #tpu.memory_space<vmem>>
        %dma_start3A_322 = arith.constant 999936 : i32
        %dma_start3A_323 = tpu.memref_slice %arg2[%run_scoped3A_275, %dma_start3A_322] : memref<16x1000000xf32, #tpu.memory_space<hbm>> -> memref<1x64xf32, #tpu.memory_space<hbm>>
        %dma_start3A_324 = tpu.memref_squeeze %dma_start3A_323 : memref<1x64xf32, #tpu.memory_space<hbm>> -> memref<64xf32, #tpu.memory_space<hbm>>
        tpu.enqueue_dma source(%dma_start3A_324 : memref<64xf32, #tpu.memory_space<hbm>>) target(%dma_start3A_321 : memref<64xf32, #tpu.memory_space<vmem>>) target_semaphore(%run_scoped3A_312 : memref<!tpu.dma_semaphore, #tpu.memory_space<semaphore_mem>>)
        %dma_wait3A_325 = arith.constant 0 : i32
        %dma_wait3A_326 = tpu.memref_slice %arg4[%run_scoped3A_276, %dma_wait3A_325] : memref<128x128xf32, #tpu.memory_space<vmem>> -> memref<1x64xf32, #tpu.memory_space<vmem>>
        %dma_wait3A_327 = tpu.memref_squeeze %dma_wait3A_326 : memref<1x64xf32, #tpu.memory_space<vmem>> -> memref<64xf32, #tpu.memory_space<vmem>>
        %dma_wait3A_328 = arith.constant 999936 : i32
        %dma_wait3A_329 = tpu.memref_slice %arg2[%run_scoped3A_275, %dma_wait3A_328] : memref<16x1000000xf32, #tpu.memory_space<hbm>> -> memref<1x64xf32, #tpu.memory_space<hbm>>
        %dma_wait3A_330 = tpu.memref_squeeze %dma_wait3A_329 : memref<1x64xf32, #tpu.memory_space<hbm>> -> memref<64xf32, #tpu.memory_space<hbm>>
        %dma_wait3A_331 = arith.constant 0 : i32
        %dma_wait3A_332 = tpu.memref_slice %arg4[%run_scoped3A_276, %dma_wait3A_331] : memref<128x128xf32, #tpu.memory_space<vmem>> -> memref<1x64xf32, #tpu.memory_space<vmem>>
        %dma_wait3A_333 = tpu.memref_squeeze %dma_wait3A_332 : memref<1x64xf32, #tpu.memory_space<vmem>> -> memref<64xf32, #tpu.memory_space<vmem>>
        %dma_wait3A_334 = arith.constant 999936 : i32
        %dma_wait3A_335 = tpu.memref_slice %arg2[%run_scoped3A_275, %dma_wait3A_334] : memref<16x1000000xf32, #tpu.memory_space<hbm>> -> memref<1x64xf32, #tpu.memory_space<hbm>>
        %dma_wait3A_336 = tpu.memref_squeeze %dma_wait3A_335 : memref<1x64xf32, #tpu.memory_space<hbm>> -> memref<64xf32, #tpu.memory_space<hbm>>
        tpu.wait_dma2 semaphore(%run_scoped3A_312 : memref<!tpu.dma_semaphore, #tpu.memory_space<semaphore_mem>>) src(%dma_wait3A_336 : memref<64xf32, #tpu.memory_space<hbm>>) dst(%dma_wait3A_333 : memref<64xf32, #tpu.memory_space<vmem>>)
        tpu.yield
      }) : () -> ()
      %run_scoped3A_277 = arith.constant 3 : i32
      %run_scoped3A_278 = arith.constant 3 : i32
      "tpu.region"() ({
        %run_scoped3A_312 = tpu.sem_alloc : memref<!tpu.dma_semaphore, #tpu.memory_space<semaphore_mem>>
        %dma_start3A_313 = arith.constant 0 : i32
        %dma_start3A_314 = tpu.memref_slice %arg4[%run_scoped3A_278, %dma_start3A_313] : memref<128x128xf32, #tpu.memory_space<vmem>> -> memref<1x64xf32, #tpu.memory_space<vmem>>
        %dma_start3A_315 = tpu.memref_squeeze %dma_start3A_314 : memref<1x64xf32, #tpu.memory_space<vmem>> -> memref<64xf32, #tpu.memory_space<vmem>>
        %dma_start3A_316 = arith.constant 999936 : i32
        %dma_start3A_317 = tpu.memref_slice %arg2[%run_scoped3A_277, %dma_start3A_316] : memref<16x1000000xf32, #tpu.memory_space<hbm>> -> memref<1x64xf32, #tpu.memory_space<hbm>>
        %dma_start3A_318 = tpu.memref_squeeze %dma_start3A_317 : memref<1x64xf32, #tpu.memory_space<hbm>> -> memref<64xf32, #tpu.memory_space<hbm>>
        %dma_start3A_319 = arith.constant 0 : i32
        %dma_start3A_320 = tpu.memref_slice %arg4[%run_scoped3A_278, %dma_start3A_319] : memref<128x128xf32, #tpu.memory_space<vmem>> -> memref<1x64xf32, #tpu.memory_space<vmem>>
        %dma_start3A_321 = tpu.memref_squeeze %dma_start3A_320 : memref<1x64xf32, #tpu.memory_space<vmem>> -> memref<64xf32, #tpu.memory_space<vmem>>
        %dma_start3A_322 = arith.constant 999936 : i32
        %dma_start3A_323 = tpu.memref_slice %arg2[%run_scoped3A_277, %dma_start3A_322] : memref<16x1000000xf32, #tpu.memory_space<hbm>> -> memref<1x64xf32, #tpu.memory_space<hbm>>
        %dma_start3A_324 = tpu.memref_squeeze %dma_start3A_323 : memref<1x64xf32, #tpu.memory_space<hbm>> -> memref<64xf32, #tpu.memory_space<hbm>>
        tpu.enqueue_dma source(%dma_start3A_324 : memref<64xf32, #tpu.memory_space<hbm>>) target(%dma_start3A_321 : memref<64xf32, #tpu.memory_space<vmem>>) target_semaphore(%run_scoped3A_312 : memref<!tpu.dma_semaphore, #tpu.memory_space<semaphore_mem>>)
        %dma_wait3A_325 = arith.constant 0 : i32
        %dma_wait3A_326 = tpu.memref_slice %arg4[%run_scoped3A_278, %dma_wait3A_325] : memref<128x128xf32, #tpu.memory_space<vmem>> -> memref<1x64xf32, #tpu.memory_space<vmem>>
        %dma_wait3A_327 = tpu.memref_squeeze %dma_wait3A_326 : memref<1x64xf32, #tpu.memory_space<vmem>> -> memref<64xf32, #tpu.memory_space<vmem>>
        %dma_wait3A_328 = arith.constant 999936 : i32
        %dma_wait3A_329 = tpu.memref_slice %arg2[%run_scoped3A_277, %dma_wait3A_328] : memref<16x1000000xf32, #tpu.memory_space<hbm>> -> memref<1x64xf32, #tpu.memory_space<hbm>>
        %dma_wait3A_330 = tpu.memref_squeeze %dma_wait3A_329 : memref<1x64xf32, #tpu.memory_space<hbm>> -> memref<64xf32, #tpu.memory_space<hbm>>
        %dma_wait3A_331 = arith.constant 0 : i32
        %dma_wait3A_332 = tpu.memref_slice %arg4[%run_scoped3A_278, %dma_wait3A_331] : memref<128x128xf32, #tpu.memory_space<vmem>> -> memref<1x64xf32, #tpu.memory_space<vmem>>
        %dma_wait3A_333 = tpu.memref_squeeze %dma_wait3A_332 : memref<1x64xf32, #tpu.memory_space<vmem>> -> memref<64xf32, #tpu.memory_space<vmem>>
        %dma_wait3A_334 = arith.constant 999936 : i32
        %dma_wait3A_335 = tpu.memref_slice %arg2[%run_scoped3A_277, %dma_wait3A_334] : memref<16x1000000xf32, #tpu.memory_space<hbm>> -> memref<1x64xf32, #tpu.memory_space<hbm>>
        %dma_wait3A_336 = tpu.memref_squeeze %dma_wait3A_335 : memref<1x64xf32, #tpu.memory_space<hbm>> -> memref<64xf32, #tpu.memory_space<hbm>>
        tpu.wait_dma2 semaphore(%run_scoped3A_312 : memref<!tpu.dma_semaphore, #tpu.memory_space<semaphore_mem>>) src(%dma_wait3A_336 : memref<64xf32, #tpu.memory_space<hbm>>) dst(%dma_wait3A_333 : memref<64xf32, #tpu.memory_space<vmem>>)
        tpu.yield
      }) : () -> ()
      %run_scoped3A_279 = arith.constant 4 : i32
      %run_scoped3A_280 = arith.constant 4 : i32
      "tpu.region"() ({
        %run_scoped3A_312 = tpu.sem_alloc : memref<!tpu.dma_semaphore, #tpu.memory_space<semaphore_mem>>
        %dma_start3A_313 = arith.constant 0 : i32
        %dma_start3A_314 = tpu.memref_slice %arg4[%run_scoped3A_280, %dma_start3A_313] : memref<128x128xf32, #tpu.memory_space<vmem>> -> memref<1x64xf32, #tpu.memory_space<vmem>>
        %dma_start3A_315 = tpu.memref_squeeze %dma_start3A_314 : memref<1x64xf32, #tpu.memory_space<vmem>> -> memref<64xf32, #tpu.memory_space<vmem>>
        %dma_start3A_316 = arith.constant 999936 : i32
        %dma_start3A_317 = tpu.memref_slice %arg2[%run_scoped3A_279, %dma_start3A_316] : memref<16x1000000xf32, #tpu.memory_space<hbm>> -> memref<1x64xf32, #tpu.memory_space<hbm>>
        %dma_start3A_318 = tpu.memref_squeeze %dma_start3A_317 : memref<1x64xf32, #tpu.memory_space<hbm>> -> memref<64xf32, #tpu.memory_space<hbm>>
        %dma_start3A_319 = arith.constant 0 : i32
        %dma_start3A_320 = tpu.memref_slice %arg4[%run_scoped3A_280, %dma_start3A_319] : memref<128x128xf32, #tpu.memory_space<vmem>> -> memref<1x64xf32, #tpu.memory_space<vmem>>
        %dma_start3A_321 = tpu.memref_squeeze %dma_start3A_320 : memref<1x64xf32, #tpu.memory_space<vmem>> -> memref<64xf32, #tpu.memory_space<vmem>>
        %dma_start3A_322 = arith.constant 999936 : i32
        %dma_start3A_323 = tpu.memref_slice %arg2[%run_scoped3A_279, %dma_start3A_322] : memref<16x1000000xf32, #tpu.memory_space<hbm>> -> memref<1x64xf32, #tpu.memory_space<hbm>>
        %dma_start3A_324 = tpu.memref_squeeze %dma_start3A_323 : memref<1x64xf32, #tpu.memory_space<hbm>> -> memref<64xf32, #tpu.memory_space<hbm>>
        tpu.enqueue_dma source(%dma_start3A_324 : memref<64xf32, #tpu.memory_space<hbm>>) target(%dma_start3A_321 : memref<64xf32, #tpu.memory_space<vmem>>) target_semaphore(%run_scoped3A_312 : memref<!tpu.dma_semaphore, #tpu.memory_space<semaphore_mem>>)
        %dma_wait3A_325 = arith.constant 0 : i32
        %dma_wait3A_326 = tpu.memref_slice %arg4[%run_scoped3A_280, %dma_wait3A_325] : memref<128x128xf32, #tpu.memory_space<vmem>> -> memref<1x64xf32, #tpu.memory_space<vmem>>
        %dma_wait3A_327 = tpu.memref_squeeze %dma_wait3A_326 : memref<1x64xf32, #tpu.memory_space<vmem>> -> memref<64xf32, #tpu.memory_space<vmem>>
        %dma_wait3A_328 = arith.constant 999936 : i32
        %dma_wait3A_329 = tpu.memref_slice %arg2[%run_scoped3A_279, %dma_wait3A_328] : memref<16x1000000xf32, #tpu.memory_space<hbm>> -> memref<1x64xf32, #tpu.memory_space<hbm>>
        %dma_wait3A_330 = tpu.memref_squeeze %dma_wait3A_329 : memref<1x64xf32, #tpu.memory_space<hbm>> -> memref<64xf32, #tpu.memory_space<hbm>>
        %dma_wait3A_331 = arith.constant 0 : i32
        %dma_wait3A_332 = tpu.memref_slice %arg4[%run_scoped3A_280, %dma_wait3A_331] : memref<128x128xf32, #tpu.memory_space<vmem>> -> memref<1x64xf32, #tpu.memory_space<vmem>>
        %dma_wait3A_333 = tpu.memref_squeeze %dma_wait3A_332 : memref<1x64xf32, #tpu.memory_space<vmem>> -> memref<64xf32, #tpu.memory_space<vmem>>
        %dma_wait3A_334 = arith.constant 999936 : i32
        %dma_wait3A_335 = tpu.memref_slice %arg2[%run_scoped3A_279, %dma_wait3A_334] : memref<16x1000000xf32, #tpu.memory_space<hbm>> -> memref<1x64xf32, #tpu.memory_space<hbm>>
        %dma_wait3A_336 = tpu.memref_squeeze %dma_wait3A_335 : memref<1x64xf32, #tpu.memory_space<hbm>> -> memref<64xf32, #tpu.memory_space<hbm>>
        tpu.wait_dma2 semaphore(%run_scoped3A_312 : memref<!tpu.dma_semaphore, #tpu.memory_space<semaphore_mem>>) src(%dma_wait3A_336 : memref<64xf32, #tpu.memory_space<hbm>>) dst(%dma_wait3A_333 : memref<64xf32, #tpu.memory_space<vmem>>)
        tpu.yield
      }) : () -> ()
      %run_scoped3A_281 = arith.constant 5 : i32
      %run_scoped3A_282 = arith.constant 5 : i32
      "tpu.region"() ({
        %run_scoped3A_312 = tpu.sem_alloc : memref<!tpu.dma_semaphore, #tpu.memory_space<semaphore_mem>>
        %dma_start3A_313 = arith.constant 0 : i32
        %dma_start3A_314 = tpu.memref_slice %arg4[%run_scoped3A_282, %dma_start3A_313] : memref<128x128xf32, #tpu.memory_space<vmem>> -> memref<1x64xf32, #tpu.memory_space<vmem>>
        %dma_start3A_315 = tpu.memref_squeeze %dma_start3A_314 : memref<1x64xf32, #tpu.memory_space<vmem>> -> memref<64xf32, #tpu.memory_space<vmem>>
        %dma_start3A_316 = arith.constant 999936 : i32
        %dma_start3A_317 = tpu.memref_slice %arg2[%run_scoped3A_281, %dma_start3A_316] : memref<16x1000000xf32, #tpu.memory_space<hbm>> -> memref<1x64xf32, #tpu.memory_space<hbm>>
        %dma_start3A_318 = tpu.memref_squeeze %dma_start3A_317 : memref<1x64xf32, #tpu.memory_space<hbm>> -> memref<64xf32, #tpu.memory_space<hbm>>
        %dma_start3A_319 = arith.constant 0 : i32
        %dma_start3A_320 = tpu.memref_slice %arg4[%run_scoped3A_282, %dma_start3A_319] : memref<128x128xf32, #tpu.memory_space<vmem>> -> memref<1x64xf32, #tpu.memory_space<vmem>>
        %dma_start3A_321 = tpu.memref_squeeze %dma_start3A_320 : memref<1x64xf32, #tpu.memory_space<vmem>> -> memref<64xf32, #tpu.memory_space<vmem>>
        %dma_start3A_322 = arith.constant 999936 : i32
        %dma_start3A_323 = tpu.memref_slice %arg2[%run_scoped3A_281, %dma_start3A_322] : memref<16x1000000xf32, #tpu.memory_space<hbm>> -> memref<1x64xf32, #tpu.memory_space<hbm>>
        %dma_start3A_324 = tpu.memref_squeeze %dma_start3A_323 : memref<1x64xf32, #tpu.memory_space<hbm>> -> memref<64xf32, #tpu.memory_space<hbm>>
        tpu.enqueue_dma source(%dma_start3A_324 : memref<64xf32, #tpu.memory_space<hbm>>) target(%dma_start3A_321 : memref<64xf32, #tpu.memory_space<vmem>>) target_semaphore(%run_scoped3A_312 : memref<!tpu.dma_semaphore, #tpu.memory_space<semaphore_mem>>)
        %dma_wait3A_325 = arith.constant 0 : i32
        %dma_wait3A_326 = tpu.memref_slice %arg4[%run_scoped3A_282, %dma_wait3A_325] : memref<128x128xf32, #tpu.memory_space<vmem>> -> memref<1x64xf32, #tpu.memory_space<vmem>>
        %dma_wait3A_327 = tpu.memref_squeeze %dma_wait3A_326 : memref<1x64xf32, #tpu.memory_space<vmem>> -> memref<64xf32, #tpu.memory_space<vmem>>
        %dma_wait3A_328 = arith.constant 999936 : i32
        %dma_wait3A_329 = tpu.memref_slice %arg2[%run_scoped3A_281, %dma_wait3A_328] : memref<16x1000000xf32, #tpu.memory_space<hbm>> -> memref<1x64xf32, #tpu.memory_space<hbm>>
        %dma_wait3A_330 = tpu.memref_squeeze %dma_wait3A_329 : memref<1x64xf32, #tpu.memory_space<hbm>> -> memref<64xf32, #tpu.memory_space<hbm>>
        %dma_wait3A_331 = arith.constant 0 : i32
        %dma_wait3A_332 = tpu.memref_slice %arg4[%run_scoped3A_282, %dma_wait3A_331] : memref<128x128xf32, #tpu.memory_space<vmem>> -> memref<1x64xf32, #tpu.memory_space<vmem>>
        %dma_wait3A_333 = tpu.memref_squeeze %dma_wait3A_332 : memref<1x64xf32, #tpu.memory_space<vmem>> -> memref<64xf32, #tpu.memory_space<vmem>>
        %dma_wait3A_334 = arith.constant 999936 : i32
        %dma_wait3A_335 = tpu.memref_slice %arg2[%run_scoped3A_281, %dma_wait3A_334] : memref<16x1000000xf32, #tpu.memory_space<hbm>> -> memref<1x64xf32, #tpu.memory_space<hbm>>
        %dma_wait3A_336 = tpu.memref_squeeze %dma_wait3A_335 : memref<1x64xf32, #tpu.memory_space<hbm>> -> memref<64xf32, #tpu.memory_space<hbm>>
        tpu.wait_dma2 semaphore(%run_scoped3A_312 : memref<!tpu.dma_semaphore, #tpu.memory_space<semaphore_mem>>) src(%dma_wait3A_336 : memref<64xf32, #tpu.memory_space<hbm>>) dst(%dma_wait3A_333 : memref<64xf32, #tpu.memory_space<vmem>>)
        tpu.yield
      }) : () -> ()
      %run_scoped3A_283 = arith.constant 6 : i32
      %run_scoped3A_284 = arith.constant 6 : i32
      "tpu.region"() ({
        %run_scoped3A_312 = tpu.sem_alloc : memref<!tpu.dma_semaphore, #tpu.memory_space<semaphore_mem>>
        %dma_start3A_313 = arith.constant 0 : i32
        %dma_start3A_314 = tpu.memref_slice %arg4[%run_scoped3A_284, %dma_start3A_313] : memref<128x128xf32, #tpu.memory_space<vmem>> -> memref<1x64xf32, #tpu.memory_space<vmem>>
        %dma_start3A_315 = tpu.memref_squeeze %dma_start3A_314 : memref<1x64xf32, #tpu.memory_space<vmem>> -> memref<64xf32, #tpu.memory_space<vmem>>
        %dma_start3A_316 = arith.constant 999936 : i32
        %dma_start3A_317 = tpu.memref_slice %arg2[%run_scoped3A_283, %dma_start3A_316] : memref<16x1000000xf32, #tpu.memory_space<hbm>> -> memref<1x64xf32, #tpu.memory_space<hbm>>
        %dma_start3A_318 = tpu.memref_squeeze %dma_start3A_317 : memref<1x64xf32, #tpu.memory_space<hbm>> -> memref<64xf32, #tpu.memory_space<hbm>>
        %dma_start3A_319 = arith.constant 0 : i32
        %dma_start3A_320 = tpu.memref_slice %arg4[%run_scoped3A_284, %dma_start3A_319] : memref<128x128xf32, #tpu.memory_space<vmem>> -> memref<1x64xf32, #tpu.memory_space<vmem>>
        %dma_start3A_321 = tpu.memref_squeeze %dma_start3A_320 : memref<1x64xf32, #tpu.memory_space<vmem>> -> memref<64xf32, #tpu.memory_space<vmem>>
        %dma_start3A_322 = arith.constant 999936 : i32
        %dma_start3A_323 = tpu.memref_slice %arg2[%run_scoped3A_283, %dma_start3A_322] : memref<16x1000000xf32, #tpu.memory_space<hbm>> -> memref<1x64xf32, #tpu.memory_space<hbm>>
        %dma_start3A_324 = tpu.memref_squeeze %dma_start3A_323 : memref<1x64xf32, #tpu.memory_space<hbm>> -> memref<64xf32, #tpu.memory_space<hbm>>
        tpu.enqueue_dma source(%dma_start3A_324 : memref<64xf32, #tpu.memory_space<hbm>>) target(%dma_start3A_321 : memref<64xf32, #tpu.memory_space<vmem>>) target_semaphore(%run_scoped3A_312 : memref<!tpu.dma_semaphore, #tpu.memory_space<semaphore_mem>>)
        %dma_wait3A_325 = arith.constant 0 : i32
        %dma_wait3A_326 = tpu.memref_slice %arg4[%run_scoped3A_284, %dma_wait3A_325] : memref<128x128xf32, #tpu.memory_space<vmem>> -> memref<1x64xf32, #tpu.memory_space<vmem>>
        %dma_wait3A_327 = tpu.memref_squeeze %dma_wait3A_326 : memref<1x64xf32, #tpu.memory_space<vmem>> -> memref<64xf32, #tpu.memory_space<vmem>>
        %dma_wait3A_328 = arith.constant 999936 : i32
        %dma_wait3A_329 = tpu.memref_slice %arg2[%run_scoped3A_283, %dma_wait3A_328] : memref<16x1000000xf32, #tpu.memory_space<hbm>> -> memref<1x64xf32, #tpu.memory_space<hbm>>
        %dma_wait3A_330 = tpu.memref_squeeze %dma_wait3A_329 : memref<1x64xf32, #tpu.memory_space<hbm>> -> memref<64xf32, #tpu.memory_space<hbm>>
        %dma_wait3A_331 = arith.constant 0 : i32
        %dma_wait3A_332 = tpu.memref_slice %arg4[%run_scoped3A_284, %dma_wait3A_331] : memref<128x128xf32, #tpu.memory_space<vmem>> -> memref<1x64xf32, #tpu.memory_space<vmem>>
        %dma_wait3A_333 = tpu.memref_squeeze %dma_wait3A_332 : memref<1x64xf32, #tpu.memory_space<vmem>> -> memref<64xf32, #tpu.memory_space<vmem>>
        %dma_wait3A_334 = arith.constant 999936 : i32
        %dma_wait3A_335 = tpu.memref_slice %arg2[%run_scoped3A_283, %dma_wait3A_334] : memref<16x1000000xf32, #tpu.memory_space<hbm>> -> memref<1x64xf32, #tpu.memory_space<hbm>>
        %dma_wait3A_336 = tpu.memref_squeeze %dma_wait3A_335 : memref<1x64xf32, #tpu.memory_space<hbm>> -> memref<64xf32, #tpu.memory_space<hbm>>
        tpu.wait_dma2 semaphore(%run_scoped3A_312 : memref<!tpu.dma_semaphore, #tpu.memory_space<semaphore_mem>>) src(%dma_wait3A_336 : memref<64xf32, #tpu.memory_space<hbm>>) dst(%dma_wait3A_333 : memref<64xf32, #tpu.memory_space<vmem>>)
        tpu.yield
      }) : () -> ()
      %run_scoped3A_285 = arith.constant 7 : i32
      %run_scoped3A_286 = arith.constant 7 : i32
      "tpu.region"() ({
        %run_scoped3A_312 = tpu.sem_alloc : memref<!tpu.dma_semaphore, #tpu.memory_space<semaphore_mem>>
        %dma_start3A_313 = arith.constant 0 : i32
        %dma_start3A_314 = tpu.memref_slice %arg4[%run_scoped3A_286, %dma_start3A_313] : memref<128x128xf32, #tpu.memory_space<vmem>> -> memref<1x64xf32, #tpu.memory_space<vmem>>
        %dma_start3A_315 = tpu.memref_squeeze %dma_start3A_314 : memref<1x64xf32, #tpu.memory_space<vmem>> -> memref<64xf32, #tpu.memory_space<vmem>>
        %dma_start3A_316 = arith.constant 999936 : i32
        %dma_start3A_317 = tpu.memref_slice %arg2[%run_scoped3A_285, %dma_start3A_316] : memref<16x1000000xf32, #tpu.memory_space<hbm>> -> memref<1x64xf32, #tpu.memory_space<hbm>>
        %dma_start3A_318 = tpu.memref_squeeze %dma_start3A_317 : memref<1x64xf32, #tpu.memory_space<hbm>> -> memref<64xf32, #tpu.memory_space<hbm>>
        %dma_start3A_319 = arith.constant 0 : i32
        %dma_start3A_320 = tpu.memref_slice %arg4[%run_scoped3A_286, %dma_start3A_319] : memref<128x128xf32, #tpu.memory_space<vmem>> -> memref<1x64xf32, #tpu.memory_space<vmem>>
        %dma_start3A_321 = tpu.memref_squeeze %dma_start3A_320 : memref<1x64xf32, #tpu.memory_space<vmem>> -> memref<64xf32, #tpu.memory_space<vmem>>
        %dma_start3A_322 = arith.constant 999936 : i32
        %dma_start3A_323 = tpu.memref_slice %arg2[%run_scoped3A_285, %dma_start3A_322] : memref<16x1000000xf32, #tpu.memory_space<hbm>> -> memref<1x64xf32, #tpu.memory_space<hbm>>
        %dma_start3A_324 = tpu.memref_squeeze %dma_start3A_323 : memref<1x64xf32, #tpu.memory_space<hbm>> -> memref<64xf32, #tpu.memory_space<hbm>>
        tpu.enqueue_dma source(%dma_start3A_324 : memref<64xf32, #tpu.memory_space<hbm>>) target(%dma_start3A_321 : memref<64xf32, #tpu.memory_space<vmem>>) target_semaphore(%run_scoped3A_312 : memref<!tpu.dma_semaphore, #tpu.memory_space<semaphore_mem>>)
        %dma_wait3A_325 = arith.constant 0 : i32
        %dma_wait3A_326 = tpu.memref_slice %arg4[%run_scoped3A_286, %dma_wait3A_325] : memref<128x128xf32, #tpu.memory_space<vmem>> -> memref<1x64xf32, #tpu.memory_space<vmem>>
        %dma_wait3A_327 = tpu.memref_squeeze %dma_wait3A_326 : memref<1x64xf32, #tpu.memory_space<vmem>> -> memref<64xf32, #tpu.memory_space<vmem>>
        %dma_wait3A_328 = arith.constant 999936 : i32
        %dma_wait3A_329 = tpu.memref_slice %arg2[%run_scoped3A_285, %dma_wait3A_328] : memref<16x1000000xf32, #tpu.memory_space<hbm>> -> memref<1x64xf32, #tpu.memory_space<hbm>>
        %dma_wait3A_330 = tpu.memref_squeeze %dma_wait3A_329 : memref<1x64xf32, #tpu.memory_space<hbm>> -> memref<64xf32, #tpu.memory_space<hbm>>
        %dma_wait3A_331 = arith.constant 0 : i32
        %dma_wait3A_332 = tpu.memref_slice %arg4[%run_scoped3A_286, %dma_wait3A_331] : memref<128x128xf32, #tpu.memory_space<vmem>> -> memref<1x64xf32, #tpu.memory_space<vmem>>
        %dma_wait3A_333 = tpu.memref_squeeze %dma_wait3A_332 : memref<1x64xf32, #tpu.memory_space<vmem>> -> memref<64xf32, #tpu.memory_space<vmem>>
        %dma_wait3A_334 = arith.constant 999936 : i32
        %dma_wait3A_335 = tpu.memref_slice %arg2[%run_scoped3A_285, %dma_wait3A_334] : memref<16x1000000xf32, #tpu.memory_space<hbm>> -> memref<1x64xf32, #tpu.memory_space<hbm>>
        %dma_wait3A_336 = tpu.memref_squeeze %dma_wait3A_335 : memref<1x64xf32, #tpu.memory_space<hbm>> -> memref<64xf32, #tpu.memory_space<hbm>>
        tpu.wait_dma2 semaphore(%run_scoped3A_312 : memref<!tpu.dma_semaphore, #tpu.memory_space<semaphore_mem>>) src(%dma_wait3A_336 : memref<64xf32, #tpu.memory_space<hbm>>) dst(%dma_wait3A_333 : memref<64xf32, #tpu.memory_space<vmem>>)
        tpu.yield
      }) : () -> ()
      %run_scoped3A_287 = arith.constant 8 : i32
      %run_scoped3A_288 = arith.constant 8 : i32
      "tpu.region"() ({
        %run_scoped3A_312 = tpu.sem_alloc : memref<!tpu.dma_semaphore, #tpu.memory_space<semaphore_mem>>
        %dma_start3A_313 = arith.constant 0 : i32
        %dma_start3A_314 = tpu.memref_slice %arg4[%run_scoped3A_288, %dma_start3A_313] : memref<128x128xf32, #tpu.memory_space<vmem>> -> memref<1x64xf32, #tpu.memory_space<vmem>>
        %dma_start3A_315 = tpu.memref_squeeze %dma_start3A_314 : memref<1x64xf32, #tpu.memory_space<vmem>> -> memref<64xf32, #tpu.memory_space<vmem>>
        %dma_start3A_316 = arith.constant 999936 : i32
        %dma_start3A_317 = tpu.memref_slice %arg2[%run_scoped3A_287, %dma_start3A_316] : memref<16x1000000xf32, #tpu.memory_space<hbm>> -> memref<1x64xf32, #tpu.memory_space<hbm>>
        %dma_start3A_318 = tpu.memref_squeeze %dma_start3A_317 : memref<1x64xf32, #tpu.memory_space<hbm>> -> memref<64xf32, #tpu.memory_space<hbm>>
        %dma_start3A_319 = arith.constant 0 : i32
        %dma_start3A_320 = tpu.memref_slice %arg4[%run_scoped3A_288, %dma_start3A_319] : memref<128x128xf32, #tpu.memory_space<vmem>> -> memref<1x64xf32, #tpu.memory_space<vmem>>
        %dma_start3A_321 = tpu.memref_squeeze %dma_start3A_320 : memref<1x64xf32, #tpu.memory_space<vmem>> -> memref<64xf32, #tpu.memory_space<vmem>>
        %dma_start3A_322 = arith.constant 999936 : i32
        %dma_start3A_323 = tpu.memref_slice %arg2[%run_scoped3A_287, %dma_start3A_322] : memref<16x1000000xf32, #tpu.memory_space<hbm>> -> memref<1x64xf32, #tpu.memory_space<hbm>>
        %dma_start3A_324 = tpu.memref_squeeze %dma_start3A_323 : memref<1x64xf32, #tpu.memory_space<hbm>> -> memref<64xf32, #tpu.memory_space<hbm>>
        tpu.enqueue_dma source(%dma_start3A_324 : memref<64xf32, #tpu.memory_space<hbm>>) target(%dma_start3A_321 : memref<64xf32, #tpu.memory_space<vmem>>) target_semaphore(%run_scoped3A_312 : memref<!tpu.dma_semaphore, #tpu.memory_space<semaphore_mem>>)
        %dma_wait3A_325 = arith.constant 0 : i32
        %dma_wait3A_326 = tpu.memref_slice %arg4[%run_scoped3A_288, %dma_wait3A_325] : memref<128x128xf32, #tpu.memory_space<vmem>> -> memref<1x64xf32, #tpu.memory_space<vmem>>
        %dma_wait3A_327 = tpu.memref_squeeze %dma_wait3A_326 : memref<1x64xf32, #tpu.memory_space<vmem>> -> memref<64xf32, #tpu.memory_space<vmem>>
        %dma_wait3A_328 = arith.constant 999936 : i32
        %dma_wait3A_329 = tpu.memref_slice %arg2[%run_scoped3A_287, %dma_wait3A_328] : memref<16x1000000xf32, #tpu.memory_space<hbm>> -> memref<1x64xf32, #tpu.memory_space<hbm>>
        %dma_wait3A_330 = tpu.memref_squeeze %dma_wait3A_329 : memref<1x64xf32, #tpu.memory_space<hbm>> -> memref<64xf32, #tpu.memory_space<hbm>>
        %dma_wait3A_331 = arith.constant 0 : i32
        %dma_wait3A_332 = tpu.memref_slice %arg4[%run_scoped3A_288, %dma_wait3A_331] : memref<128x128xf32, #tpu.memory_space<vmem>> -> memref<1x64xf32, #tpu.memory_space<vmem>>
        %dma_wait3A_333 = tpu.memref_squeeze %dma_wait3A_332 : memref<1x64xf32, #tpu.memory_space<vmem>> -> memref<64xf32, #tpu.memory_space<vmem>>
        %dma_wait3A_334 = arith.constant 999936 : i32
        %dma_wait3A_335 = tpu.memref_slice %arg2[%run_scoped3A_287, %dma_wait3A_334] : memref<16x1000000xf32, #tpu.memory_space<hbm>> -> memref<1x64xf32, #tpu.memory_space<hbm>>
        %dma_wait3A_336 = tpu.memref_squeeze %dma_wait3A_335 : memref<1x64xf32, #tpu.memory_space<hbm>> -> memref<64xf32, #tpu.memory_space<hbm>>
        tpu.wait_dma2 semaphore(%run_scoped3A_312 : memref<!tpu.dma_semaphore, #tpu.memory_space<semaphore_mem>>) src(%dma_wait3A_336 : memref<64xf32, #tpu.memory_space<hbm>>) dst(%dma_wait3A_333 : memref<64xf32, #tpu.memory_space<vmem>>)
        tpu.yield
      }) : () -> ()
      %run_scoped3A_289 = arith.constant 9 : i32
      %run_scoped3A_290 = arith.constant 9 : i32
      "tpu.region"() ({
        %run_scoped3A_312 = tpu.sem_alloc : memref<!tpu.dma_semaphore, #tpu.memory_space<semaphore_mem>>
        %dma_start3A_313 = arith.constant 0 : i32
        %dma_start3A_314 = tpu.memref_slice %arg4[%run_scoped3A_290, %dma_start3A_313] : memref<128x128xf32, #tpu.memory_space<vmem>> -> memref<1x64xf32, #tpu.memory_space<vmem>>
        %dma_start3A_315 = tpu.memref_squeeze %dma_start3A_314 : memref<1x64xf32, #tpu.memory_space<vmem>> -> memref<64xf32, #tpu.memory_space<vmem>>
        %dma_start3A_316 = arith.constant 999936 : i32
        %dma_start3A_317 = tpu.memref_slice %arg2[%run_scoped3A_289, %dma_start3A_316] : memref<16x1000000xf32, #tpu.memory_space<hbm>> -> memref<1x64xf32, #tpu.memory_space<hbm>>
        %dma_start3A_318 = tpu.memref_squeeze %dma_start3A_317 : memref<1x64xf32, #tpu.memory_space<hbm>> -> memref<64xf32, #tpu.memory_space<hbm>>
        %dma_start3A_319 = arith.constant 0 : i32
        %dma_start3A_320 = tpu.memref_slice %arg4[%run_scoped3A_290, %dma_start3A_319] : memref<128x128xf32, #tpu.memory_space<vmem>> -> memref<1x64xf32, #tpu.memory_space<vmem>>
        %dma_start3A_321 = tpu.memref_squeeze %dma_start3A_320 : memref<1x64xf32, #tpu.memory_space<vmem>> -> memref<64xf32, #tpu.memory_space<vmem>>
        %dma_start3A_322 = arith.constant 999936 : i32
        %dma_start3A_323 = tpu.memref_slice %arg2[%run_scoped3A_289, %dma_start3A_322] : memref<16x1000000xf32, #tpu.memory_space<hbm>> -> memref<1x64xf32, #tpu.memory_space<hbm>>
        %dma_start3A_324 = tpu.memref_squeeze %dma_start3A_323 : memref<1x64xf32, #tpu.memory_space<hbm>> -> memref<64xf32, #tpu.memory_space<hbm>>
        tpu.enqueue_dma source(%dma_start3A_324 : memref<64xf32, #tpu.memory_space<hbm>>) target(%dma_start3A_321 : memref<64xf32, #tpu.memory_space<vmem>>) target_semaphore(%run_scoped3A_312 : memref<!tpu.dma_semaphore, #tpu.memory_space<semaphore_mem>>)
        %dma_wait3A_325 = arith.constant 0 : i32
        %dma_wait3A_326 = tpu.memref_slice %arg4[%run_scoped3A_290, %dma_wait3A_325] : memref<128x128xf32, #tpu.memory_space<vmem>> -> memref<1x64xf32, #tpu.memory_space<vmem>>
        %dma_wait3A_327 = tpu.memref_squeeze %dma_wait3A_326 : memref<1x64xf32, #tpu.memory_space<vmem>> -> memref<64xf32, #tpu.memory_space<vmem>>
        %dma_wait3A_328 = arith.constant 999936 : i32
        %dma_wait3A_329 = tpu.memref_slice %arg2[%run_scoped3A_289, %dma_wait3A_328] : memref<16x1000000xf32, #tpu.memory_space<hbm>> -> memref<1x64xf32, #tpu.memory_space<hbm>>
        %dma_wait3A_330 = tpu.memref_squeeze %dma_wait3A_329 : memref<1x64xf32, #tpu.memory_space<hbm>> -> memref<64xf32, #tpu.memory_space<hbm>>
        %dma_wait3A_331 = arith.constant 0 : i32
        %dma_wait3A_332 = tpu.memref_slice %arg4[%run_scoped3A_290, %dma_wait3A_331] : memref<128x128xf32, #tpu.memory_space<vmem>> -> memref<1x64xf32, #tpu.memory_space<vmem>>
        %dma_wait3A_333 = tpu.memref_squeeze %dma_wait3A_332 : memref<1x64xf32, #tpu.memory_space<vmem>> -> memref<64xf32, #tpu.memory_space<vmem>>
        %dma_wait3A_334 = arith.constant 999936 : i32
        %dma_wait3A_335 = tpu.memref_slice %arg2[%run_scoped3A_289, %dma_wait3A_334] : memref<16x1000000xf32, #tpu.memory_space<hbm>> -> memref<1x64xf32, #tpu.memory_space<hbm>>
        %dma_wait3A_336 = tpu.memref_squeeze %dma_wait3A_335 : memref<1x64xf32, #tpu.memory_space<hbm>> -> memref<64xf32, #tpu.memory_space<hbm>>
        tpu.wait_dma2 semaphore(%run_scoped3A_312 : memref<!tpu.dma_semaphore, #tpu.memory_space<semaphore_mem>>) src(%dma_wait3A_336 : memref<64xf32, #tpu.memory_space<hbm>>) dst(%dma_wait3A_333 : memref<64xf32, #tpu.memory_space<vmem>>)
        tpu.yield
      }) : () -> ()
      %run_scoped3A_291 = arith.constant 10 : i32
      %run_scoped3A_292 = arith.constant 10 : i32
      "tpu.region"() ({
        %run_scoped3A_312 = tpu.sem_alloc : memref<!tpu.dma_semaphore, #tpu.memory_space<semaphore_mem>>
        %dma_start3A_313 = arith.constant 0 : i32
        %dma_start3A_314 = tpu.memref_slice %arg4[%run_scoped3A_292, %dma_start3A_313] : memref<128x128xf32, #tpu.memory_space<vmem>> -> memref<1x64xf32, #tpu.memory_space<vmem>>
        %dma_start3A_315 = tpu.memref_squeeze %dma_start3A_314 : memref<1x64xf32, #tpu.memory_space<vmem>> -> memref<64xf32, #tpu.memory_space<vmem>>
        %dma_start3A_316 = arith.constant 999936 : i32
        %dma_start3A_317 = tpu.memref_slice %arg2[%run_scoped3A_291, %dma_start3A_316] : memref<16x1000000xf32, #tpu.memory_space<hbm>> -> memref<1x64xf32, #tpu.memory_space<hbm>>
        %dma_start3A_318 = tpu.memref_squeeze %dma_start3A_317 : memref<1x64xf32, #tpu.memory_space<hbm>> -> memref<64xf32, #tpu.memory_space<hbm>>
        %dma_start3A_319 = arith.constant 0 : i32
        %dma_start3A_320 = tpu.memref_slice %arg4[%run_scoped3A_292, %dma_start3A_319] : memref<128x128xf32, #tpu.memory_space<vmem>> -> memref<1x64xf32, #tpu.memory_space<vmem>>
        %dma_start3A_321 = tpu.memref_squeeze %dma_start3A_320 : memref<1x64xf32, #tpu.memory_space<vmem>> -> memref<64xf32, #tpu.memory_space<vmem>>
        %dma_start3A_322 = arith.constant 999936 : i32
        %dma_start3A_323 = tpu.memref_slice %arg2[%run_scoped3A_291, %dma_start3A_322] : memref<16x1000000xf32, #tpu.memory_space<hbm>> -> memref<1x64xf32, #tpu.memory_space<hbm>>
        %dma_start3A_324 = tpu.memref_squeeze %dma_start3A_323 : memref<1x64xf32, #tpu.memory_space<hbm>> -> memref<64xf32, #tpu.memory_space<hbm>>
        tpu.enqueue_dma source(%dma_start3A_324 : memref<64xf32, #tpu.memory_space<hbm>>) target(%dma_start3A_321 : memref<64xf32, #tpu.memory_space<vmem>>) target_semaphore(%run_scoped3A_312 : memref<!tpu.dma_semaphore, #tpu.memory_space<semaphore_mem>>)
        %dma_wait3A_325 = arith.constant 0 : i32
        %dma_wait3A_326 = tpu.memref_slice %arg4[%run_scoped3A_292, %dma_wait3A_325] : memref<128x128xf32, #tpu.memory_space<vmem>> -> memref<1x64xf32, #tpu.memory_space<vmem>>
        %dma_wait3A_327 = tpu.memref_squeeze %dma_wait3A_326 : memref<1x64xf32, #tpu.memory_space<vmem>> -> memref<64xf32, #tpu.memory_space<vmem>>
        %dma_wait3A_328 = arith.constant 999936 : i32
        %dma_wait3A_329 = tpu.memref_slice %arg2[%run_scoped3A_291, %dma_wait3A_328] : memref<16x1000000xf32, #tpu.memory_space<hbm>> -> memref<1x64xf32, #tpu.memory_space<hbm>>
        %dma_wait3A_330 = tpu.memref_squeeze %dma_wait3A_329 : memref<1x64xf32, #tpu.memory_space<hbm>> -> memref<64xf32, #tpu.memory_space<hbm>>
        %dma_wait3A_331 = arith.constant 0 : i32
        %dma_wait3A_332 = tpu.memref_slice %arg4[%run_scoped3A_292, %dma_wait3A_331] : memref<128x128xf32, #tpu.memory_space<vmem>> -> memref<1x64xf32, #tpu.memory_space<vmem>>
        %dma_wait3A_333 = tpu.memref_squeeze %dma_wait3A_332 : memref<1x64xf32, #tpu.memory_space<vmem>> -> memref<64xf32, #tpu.memory_space<vmem>>
        %dma_wait3A_334 = arith.constant 999936 : i32
        %dma_wait3A_335 = tpu.memref_slice %arg2[%run_scoped3A_291, %dma_wait3A_334] : memref<16x1000000xf32, #tpu.memory_space<hbm>> -> memref<1x64xf32, #tpu.memory_space<hbm>>
        %dma_wait3A_336 = tpu.memref_squeeze %dma_wait3A_335 : memref<1x64xf32, #tpu.memory_space<hbm>> -> memref<64xf32, #tpu.memory_space<hbm>>
        tpu.wait_dma2 semaphore(%run_scoped3A_312 : memref<!tpu.dma_semaphore, #tpu.memory_space<semaphore_mem>>) src(%dma_wait3A_336 : memref<64xf32, #tpu.memory_space<hbm>>) dst(%dma_wait3A_333 : memref<64xf32, #tpu.memory_space<vmem>>)
        tpu.yield
      }) : () -> ()
      %run_scoped3A_293 = arith.constant 11 : i32
      %run_scoped3A_294 = arith.constant 11 : i32
      "tpu.region"() ({
        %run_scoped3A_312 = tpu.sem_alloc : memref<!tpu.dma_semaphore, #tpu.memory_space<semaphore_mem>>
        %dma_start3A_313 = arith.constant 0 : i32
        %dma_start3A_314 = tpu.memref_slice %arg4[%run_scoped3A_294, %dma_start3A_313] : memref<128x128xf32, #tpu.memory_space<vmem>> -> memref<1x64xf32, #tpu.memory_space<vmem>>
        %dma_start3A_315 = tpu.memref_squeeze %dma_start3A_314 : memref<1x64xf32, #tpu.memory_space<vmem>> -> memref<64xf32, #tpu.memory_space<vmem>>
        %dma_start3A_316 = arith.constant 999936 : i32
        %dma_start3A_317 = tpu.memref_slice %arg2[%run_scoped3A_293, %dma_start3A_316] : memref<16x1000000xf32, #tpu.memory_space<hbm>> -> memref<1x64xf32, #tpu.memory_space<hbm>>
        %dma_start3A_318 = tpu.memref_squeeze %dma_start3A_317 : memref<1x64xf32, #tpu.memory_space<hbm>> -> memref<64xf32, #tpu.memory_space<hbm>>
        %dma_start3A_319 = arith.constant 0 : i32
        %dma_start3A_320 = tpu.memref_slice %arg4[%run_scoped3A_294, %dma_start3A_319] : memref<128x128xf32, #tpu.memory_space<vmem>> -> memref<1x64xf32, #tpu.memory_space<vmem>>
        %dma_start3A_321 = tpu.memref_squeeze %dma_start3A_320 : memref<1x64xf32, #tpu.memory_space<vmem>> -> memref<64xf32, #tpu.memory_space<vmem>>
        %dma_start3A_322 = arith.constant 999936 : i32
        %dma_start3A_323 = tpu.memref_slice %arg2[%run_scoped3A_293, %dma_start3A_322] : memref<16x1000000xf32, #tpu.memory_space<hbm>> -> memref<1x64xf32, #tpu.memory_space<hbm>>
        %dma_start3A_324 = tpu.memref_squeeze %dma_start3A_323 : memref<1x64xf32, #tpu.memory_space<hbm>> -> memref<64xf32, #tpu.memory_space<hbm>>
        tpu.enqueue_dma source(%dma_start3A_324 : memref<64xf32, #tpu.memory_space<hbm>>) target(%dma_start3A_321 : memref<64xf32, #tpu.memory_space<vmem>>) target_semaphore(%run_scoped3A_312 : memref<!tpu.dma_semaphore, #tpu.memory_space<semaphore_mem>>)
        %dma_wait3A_325 = arith.constant 0 : i32
        %dma_wait3A_326 = tpu.memref_slice %arg4[%run_scoped3A_294, %dma_wait3A_325] : memref<128x128xf32, #tpu.memory_space<vmem>> -> memref<1x64xf32, #tpu.memory_space<vmem>>
        %dma_wait3A_327 = tpu.memref_squeeze %dma_wait3A_326 : memref<1x64xf32, #tpu.memory_space<vmem>> -> memref<64xf32, #tpu.memory_space<vmem>>
        %dma_wait3A_328 = arith.constant 999936 : i32
        %dma_wait3A_329 = tpu.memref_slice %arg2[%run_scoped3A_293, %dma_wait3A_328] : memref<16x1000000xf32, #tpu.memory_space<hbm>> -> memref<1x64xf32, #tpu.memory_space<hbm>>
        %dma_wait3A_330 = tpu.memref_squeeze %dma_wait3A_329 : memref<1x64xf32, #tpu.memory_space<hbm>> -> memref<64xf32, #tpu.memory_space<hbm>>
        %dma_wait3A_331 = arith.constant 0 : i32
        %dma_wait3A_332 = tpu.memref_slice %arg4[%run_scoped3A_294, %dma_wait3A_331] : memref<128x128xf32, #tpu.memory_space<vmem>> -> memref<1x64xf32, #tpu.memory_space<vmem>>
        %dma_wait3A_333 = tpu.memref_squeeze %dma_wait3A_332 : memref<1x64xf32, #tpu.memory_space<vmem>> -> memref<64xf32, #tpu.memory_space<vmem>>
        %dma_wait3A_334 = arith.constant 999936 : i32
        %dma_wait3A_335 = tpu.memref_slice %arg2[%run_scoped3A_293, %dma_wait3A_334] : memref<16x1000000xf32, #tpu.memory_space<hbm>> -> memref<1x64xf32, #tpu.memory_space<hbm>>
        %dma_wait3A_336 = tpu.memref_squeeze %dma_wait3A_335 : memref<1x64xf32, #tpu.memory_space<hbm>> -> memref<64xf32, #tpu.memory_space<hbm>>
        tpu.wait_dma2 semaphore(%run_scoped3A_312 : memref<!tpu.dma_semaphore, #tpu.memory_space<semaphore_mem>>) src(%dma_wait3A_336 : memref<64xf32, #tpu.memory_space<hbm>>) dst(%dma_wait3A_333 : memref<64xf32, #tpu.memory_space<vmem>>)
        tpu.yield
      }) : () -> ()
      %run_scoped3A_295 = arith.constant 12 : i32
      %run_scoped3A_296 = arith.constant 12 : i32
      "tpu.region"() ({
        %run_scoped3A_312 = tpu.sem_alloc : memref<!tpu.dma_semaphore, #tpu.memory_space<semaphore_mem>>
        %dma_start3A_313 = arith.constant 0 : i32
        %dma_start3A_314 = tpu.memref_slice %arg4[%run_scoped3A_296, %dma_start3A_313] : memref<128x128xf32, #tpu.memory_space<vmem>> -> memref<1x64xf32, #tpu.memory_space<vmem>>
        %dma_start3A_315 = tpu.memref_squeeze %dma_start3A_314 : memref<1x64xf32, #tpu.memory_space<vmem>> -> memref<64xf32, #tpu.memory_space<vmem>>
        %dma_start3A_316 = arith.constant 999936 : i32
        %dma_start3A_317 = tpu.memref_slice %arg2[%run_scoped3A_295, %dma_start3A_316] : memref<16x1000000xf32, #tpu.memory_space<hbm>> -> memref<1x64xf32, #tpu.memory_space<hbm>>
        %dma_start3A_318 = tpu.memref_squeeze %dma_start3A_317 : memref<1x64xf32, #tpu.memory_space<hbm>> -> memref<64xf32, #tpu.memory_space<hbm>>
        %dma_start3A_319 = arith.constant 0 : i32
        %dma_start3A_320 = tpu.memref_slice %arg4[%run_scoped3A_296, %dma_start3A_319] : memref<128x128xf32, #tpu.memory_space<vmem>> -> memref<1x64xf32, #tpu.memory_space<vmem>>
        %dma_start3A_321 = tpu.memref_squeeze %dma_start3A_320 : memref<1x64xf32, #tpu.memory_space<vmem>> -> memref<64xf32, #tpu.memory_space<vmem>>
        %dma_start3A_322 = arith.constant 999936 : i32
        %dma_start3A_323 = tpu.memref_slice %arg2[%run_scoped3A_295, %dma_start3A_322] : memref<16x1000000xf32, #tpu.memory_space<hbm>> -> memref<1x64xf32, #tpu.memory_space<hbm>>
        %dma_start3A_324 = tpu.memref_squeeze %dma_start3A_323 : memref<1x64xf32, #tpu.memory_space<hbm>> -> memref<64xf32, #tpu.memory_space<hbm>>
        tpu.enqueue_dma source(%dma_start3A_324 : memref<64xf32, #tpu.memory_space<hbm>>) target(%dma_start3A_321 : memref<64xf32, #tpu.memory_space<vmem>>) target_semaphore(%run_scoped3A_312 : memref<!tpu.dma_semaphore, #tpu.memory_space<semaphore_mem>>)
        %dma_wait3A_325 = arith.constant 0 : i32
        %dma_wait3A_326 = tpu.memref_slice %arg4[%run_scoped3A_296, %dma_wait3A_325] : memref<128x128xf32, #tpu.memory_space<vmem>> -> memref<1x64xf32, #tpu.memory_space<vmem>>
        %dma_wait3A_327 = tpu.memref_squeeze %dma_wait3A_326 : memref<1x64xf32, #tpu.memory_space<vmem>> -> memref<64xf32, #tpu.memory_space<vmem>>
        %dma_wait3A_328 = arith.constant 999936 : i32
        %dma_wait3A_329 = tpu.memref_slice %arg2[%run_scoped3A_295, %dma_wait3A_328] : memref<16x1000000xf32, #tpu.memory_space<hbm>> -> memref<1x64xf32, #tpu.memory_space<hbm>>
        %dma_wait3A_330 = tpu.memref_squeeze %dma_wait3A_329 : memref<1x64xf32, #tpu.memory_space<hbm>> -> memref<64xf32, #tpu.memory_space<hbm>>
        %dma_wait3A_331 = arith.constant 0 : i32
        %dma_wait3A_332 = tpu.memref_slice %arg4[%run_scoped3A_296, %dma_wait3A_331] : memref<128x128xf32, #tpu.memory_space<vmem>> -> memref<1x64xf32, #tpu.memory_space<vmem>>
        %dma_wait3A_333 = tpu.memref_squeeze %dma_wait3A_332 : memref<1x64xf32, #tpu.memory_space<vmem>> -> memref<64xf32, #tpu.memory_space<vmem>>
        %dma_wait3A_334 = arith.constant 999936 : i32
        %dma_wait3A_335 = tpu.memref_slice %arg2[%run_scoped3A_295, %dma_wait3A_334] : memref<16x1000000xf32, #tpu.memory_space<hbm>> -> memref<1x64xf32, #tpu.memory_space<hbm>>
        %dma_wait3A_336 = tpu.memref_squeeze %dma_wait3A_335 : memref<1x64xf32, #tpu.memory_space<hbm>> -> memref<64xf32, #tpu.memory_space<hbm>>
        tpu.wait_dma2 semaphore(%run_scoped3A_312 : memref<!tpu.dma_semaphore, #tpu.memory_space<semaphore_mem>>) src(%dma_wait3A_336 : memref<64xf32, #tpu.memory_space<hbm>>) dst(%dma_wait3A_333 : memref<64xf32, #tpu.memory_space<vmem>>)
        tpu.yield
      }) : () -> ()
      %run_scoped3A_297 = arith.constant 13 : i32
      %run_scoped3A_298 = arith.constant 13 : i32
      "tpu.region"() ({
        %run_scoped3A_312 = tpu.sem_alloc : memref<!tpu.dma_semaphore, #tpu.memory_space<semaphore_mem>>
        %dma_start3A_313 = arith.constant 0 : i32
        %dma_start3A_314 = tpu.memref_slice %arg4[%run_scoped3A_298, %dma_start3A_313] : memref<128x128xf32, #tpu.memory_space<vmem>> -> memref<1x64xf32, #tpu.memory_space<vmem>>
        %dma_start3A_315 = tpu.memref_squeeze %dma_start3A_314 : memref<1x64xf32, #tpu.memory_space<vmem>> -> memref<64xf32, #tpu.memory_space<vmem>>
        %dma_start3A_316 = arith.constant 999936 : i32
        %dma_start3A_317 = tpu.memref_slice %arg2[%run_scoped3A_297, %dma_start3A_316] : memref<16x1000000xf32, #tpu.memory_space<hbm>> -> memref<1x64xf32, #tpu.memory_space<hbm>>
        %dma_start3A_318 = tpu.memref_squeeze %dma_start3A_317 : memref<1x64xf32, #tpu.memory_space<hbm>> -> memref<64xf32, #tpu.memory_space<hbm>>
        %dma_start3A_319 = arith.constant 0 : i32
        %dma_start3A_320 = tpu.memref_slice %arg4[%run_scoped3A_298, %dma_start3A_319] : memref<128x128xf32, #tpu.memory_space<vmem>> -> memref<1x64xf32, #tpu.memory_space<vmem>>
        %dma_start3A_321 = tpu.memref_squeeze %dma_start3A_320 : memref<1x64xf32, #tpu.memory_space<vmem>> -> memref<64xf32, #tpu.memory_space<vmem>>
        %dma_start3A_322 = arith.constant 999936 : i32
        %dma_start3A_323 = tpu.memref_slice %arg2[%run_scoped3A_297, %dma_start3A_322] : memref<16x1000000xf32, #tpu.memory_space<hbm>> -> memref<1x64xf32, #tpu.memory_space<hbm>>
        %dma_start3A_324 = tpu.memref_squeeze %dma_start3A_323 : memref<1x64xf32, #tpu.memory_space<hbm>> -> memref<64xf32, #tpu.memory_space<hbm>>
        tpu.enqueue_dma source(%dma_start3A_324 : memref<64xf32, #tpu.memory_space<hbm>>) target(%dma_start3A_321 : memref<64xf32, #tpu.memory_space<vmem>>) target_semaphore(%run_scoped3A_312 : memref<!tpu.dma_semaphore, #tpu.memory_space<semaphore_mem>>)
        %dma_wait3A_325 = arith.constant 0 : i32
        %dma_wait3A_326 = tpu.memref_slice %arg4[%run_scoped3A_298, %dma_wait3A_325] : memref<128x128xf32, #tpu.memory_space<vmem>> -> memref<1x64xf32, #tpu.memory_space<vmem>>
        %dma_wait3A_327 = tpu.memref_squeeze %dma_wait3A_326 : memref<1x64xf32, #tpu.memory_space<vmem>> -> memref<64xf32, #tpu.memory_space<vmem>>
        %dma_wait3A_328 = arith.constant 999936 : i32
        %dma_wait3A_329 = tpu.memref_slice %arg2[%run_scoped3A_297, %dma_wait3A_328] : memref<16x1000000xf32, #tpu.memory_space<hbm>> -> memref<1x64xf32, #tpu.memory_space<hbm>>
        %dma_wait3A_330 = tpu.memref_squeeze %dma_wait3A_329 : memref<1x64xf32, #tpu.memory_space<hbm>> -> memref<64xf32, #tpu.memory_space<hbm>>
        %dma_wait3A_331 = arith.constant 0 : i32
        %dma_wait3A_332 = tpu.memref_slice %arg4[%run_scoped3A_298, %dma_wait3A_331] : memref<128x128xf32, #tpu.memory_space<vmem>> -> memref<1x64xf32, #tpu.memory_space<vmem>>
        %dma_wait3A_333 = tpu.memref_squeeze %dma_wait3A_332 : memref<1x64xf32, #tpu.memory_space<vmem>> -> memref<64xf32, #tpu.memory_space<vmem>>
        %dma_wait3A_334 = arith.constant 999936 : i32
        %dma_wait3A_335 = tpu.memref_slice %arg2[%run_scoped3A_297, %dma_wait3A_334] : memref<16x1000000xf32, #tpu.memory_space<hbm>> -> memref<1x64xf32, #tpu.memory_space<hbm>>
        %dma_wait3A_336 = tpu.memref_squeeze %dma_wait3A_335 : memref<1x64xf32, #tpu.memory_space<hbm>> -> memref<64xf32, #tpu.memory_space<hbm>>
        tpu.wait_dma2 semaphore(%run_scoped3A_312 : memref<!tpu.dma_semaphore, #tpu.memory_space<semaphore_mem>>) src(%dma_wait3A_336 : memref<64xf32, #tpu.memory_space<hbm>>) dst(%dma_wait3A_333 : memref<64xf32, #tpu.memory_space<vmem>>)
        tpu.yield
      }) : () -> ()
      %run_scoped3A_299 = arith.constant 14 : i32
      %run_scoped3A_300 = arith.constant 14 : i32
      "tpu.region"() ({
        %run_scoped3A_312 = tpu.sem_alloc : memref<!tpu.dma_semaphore, #tpu.memory_space<semaphore_mem>>
        %dma_start3A_313 = arith.constant 0 : i32
        %dma_start3A_314 = tpu.memref_slice %arg4[%run_scoped3A_300, %dma_start3A_313] : memref<128x128xf32, #tpu.memory_space<vmem>> -> memref<1x64xf32, #tpu.memory_space<vmem>>
        %dma_start3A_315 = tpu.memref_squeeze %dma_start3A_314 : memref<1x64xf32, #tpu.memory_space<vmem>> -> memref<64xf32, #tpu.memory_space<vmem>>
        %dma_start3A_316 = arith.constant 999936 : i32
        %dma_start3A_317 = tpu.memref_slice %arg2[%run_scoped3A_299, %dma_start3A_316] : memref<16x1000000xf32, #tpu.memory_space<hbm>> -> memref<1x64xf32, #tpu.memory_space<hbm>>
        %dma_start3A_318 = tpu.memref_squeeze %dma_start3A_317 : memref<1x64xf32, #tpu.memory_space<hbm>> -> memref<64xf32, #tpu.memory_space<hbm>>
        %dma_start3A_319 = arith.constant 0 : i32
        %dma_start3A_320 = tpu.memref_slice %arg4[%run_scoped3A_300, %dma_start3A_319] : memref<128x128xf32, #tpu.memory_space<vmem>> -> memref<1x64xf32, #tpu.memory_space<vmem>>
        %dma_start3A_321 = tpu.memref_squeeze %dma_start3A_320 : memref<1x64xf32, #tpu.memory_space<vmem>> -> memref<64xf32, #tpu.memory_space<vmem>>
        %dma_start3A_322 = arith.constant 999936 : i32
        %dma_start3A_323 = tpu.memref_slice %arg2[%run_scoped3A_299, %dma_start3A_322] : memref<16x1000000xf32, #tpu.memory_space<hbm>> -> memref<1x64xf32, #tpu.memory_space<hbm>>
        %dma_start3A_324 = tpu.memref_squeeze %dma_start3A_323 : memref<1x64xf32, #tpu.memory_space<hbm>> -> memref<64xf32, #tpu.memory_space<hbm>>
        tpu.enqueue_dma source(%dma_start3A_324 : memref<64xf32, #tpu.memory_space<hbm>>) target(%dma_start3A_321 : memref<64xf32, #tpu.memory_space<vmem>>) target_semaphore(%run_scoped3A_312 : memref<!tpu.dma_semaphore, #tpu.memory_space<semaphore_mem>>)
        %dma_wait3A_325 = arith.constant 0 : i32
        %dma_wait3A_326 = tpu.memref_slice %arg4[%run_scoped3A_300, %dma_wait3A_325] : memref<128x128xf32, #tpu.memory_space<vmem>> -> memref<1x64xf32, #tpu.memory_space<vmem>>
        %dma_wait3A_327 = tpu.memref_squeeze %dma_wait3A_326 : memref<1x64xf32, #tpu.memory_space<vmem>> -> memref<64xf32, #tpu.memory_space<vmem>>
        %dma_wait3A_328 = arith.constant 999936 : i32
        %dma_wait3A_329 = tpu.memref_slice %arg2[%run_scoped3A_299, %dma_wait3A_328] : memref<16x1000000xf32, #tpu.memory_space<hbm>> -> memref<1x64xf32, #tpu.memory_space<hbm>>
        %dma_wait3A_330 = tpu.memref_squeeze %dma_wait3A_329 : memref<1x64xf32, #tpu.memory_space<hbm>> -> memref<64xf32, #tpu.memory_space<hbm>>
        %dma_wait3A_331 = arith.constant 0 : i32
        %dma_wait3A_332 = tpu.memref_slice %arg4[%run_scoped3A_300, %dma_wait3A_331] : memref<128x128xf32, #tpu.memory_space<vmem>> -> memref<1x64xf32, #tpu.memory_space<vmem>>
        %dma_wait3A_333 = tpu.memref_squeeze %dma_wait3A_332 : memref<1x64xf32, #tpu.memory_space<vmem>> -> memref<64xf32, #tpu.memory_space<vmem>>
        %dma_wait3A_334 = arith.constant 999936 : i32
        %dma_wait3A_335 = tpu.memref_slice %arg2[%run_scoped3A_299, %dma_wait3A_334] : memref<16x1000000xf32, #tpu.memory_space<hbm>> -> memref<1x64xf32, #tpu.memory_space<hbm>>
        %dma_wait3A_336 = tpu.memref_squeeze %dma_wait3A_335 : memref<1x64xf32, #tpu.memory_space<hbm>> -> memref<64xf32, #tpu.memory_space<hbm>>
        tpu.wait_dma2 semaphore(%run_scoped3A_312 : memref<!tpu.dma_semaphore, #tpu.memory_space<semaphore_mem>>) src(%dma_wait3A_336 : memref<64xf32, #tpu.memory_space<hbm>>) dst(%dma_wait3A_333 : memref<64xf32, #tpu.memory_space<vmem>>)
        tpu.yield
      }) : () -> ()
      %run_scoped3A_301 = arith.constant 15 : i32
      %run_scoped3A_302 = arith.constant 15 : i32
      "tpu.region"() ({
        %run_scoped3A_312 = tpu.sem_alloc : memref<!tpu.dma_semaphore, #tpu.memory_space<semaphore_mem>>
        %dma_start3A_313 = arith.constant 0 : i32
        %dma_start3A_314 = tpu.memref_slice %arg4[%run_scoped3A_302, %dma_start3A_313] : memref<128x128xf32, #tpu.memory_space<vmem>> -> memref<1x64xf32, #tpu.memory_space<vmem>>
        %dma_start3A_315 = tpu.memref_squeeze %dma_start3A_314 : memref<1x64xf32, #tpu.memory_space<vmem>> -> memref<64xf32, #tpu.memory_space<vmem>>
        %dma_start3A_316 = arith.constant 999936 : i32
        %dma_start3A_317 = tpu.memref_slice %arg2[%run_scoped3A_301, %dma_start3A_316] : memref<16x1000000xf32, #tpu.memory_space<hbm>> -> memref<1x64xf32, #tpu.memory_space<hbm>>
        %dma_start3A_318 = tpu.memref_squeeze %dma_start3A_317 : memref<1x64xf32, #tpu.memory_space<hbm>> -> memref<64xf32, #tpu.memory_space<hbm>>
        %dma_start3A_319 = arith.constant 0 : i32
        %dma_start3A_320 = tpu.memref_slice %arg4[%run_scoped3A_302, %dma_start3A_319] : memref<128x128xf32, #tpu.memory_space<vmem>> -> memref<1x64xf32, #tpu.memory_space<vmem>>
        %dma_start3A_321 = tpu.memref_squeeze %dma_start3A_320 : memref<1x64xf32, #tpu.memory_space<vmem>> -> memref<64xf32, #tpu.memory_space<vmem>>
        %dma_start3A_322 = arith.constant 999936 : i32
        %dma_start3A_323 = tpu.memref_slice %arg2[%run_scoped3A_301, %dma_start3A_322] : memref<16x1000000xf32, #tpu.memory_space<hbm>> -> memref<1x64xf32, #tpu.memory_space<hbm>>
        %dma_start3A_324 = tpu.memref_squeeze %dma_start3A_323 : memref<1x64xf32, #tpu.memory_space<hbm>> -> memref<64xf32, #tpu.memory_space<hbm>>
        tpu.enqueue_dma source(%dma_start3A_324 : memref<64xf32, #tpu.memory_space<hbm>>) target(%dma_start3A_321 : memref<64xf32, #tpu.memory_space<vmem>>) target_semaphore(%run_scoped3A_312 : memref<!tpu.dma_semaphore, #tpu.memory_space<semaphore_mem>>)
        %dma_wait3A_325 = arith.constant 0 : i32
        %dma_wait3A_326 = tpu.memref_slice %arg4[%run_scoped3A_302, %dma_wait3A_325] : memref<128x128xf32, #tpu.memory_space<vmem>> -> memref<1x64xf32, #tpu.memory_space<vmem>>
        %dma_wait3A_327 = tpu.memref_squeeze %dma_wait3A_326 : memref<1x64xf32, #tpu.memory_space<vmem>> -> memref<64xf32, #tpu.memory_space<vmem>>
        %dma_wait3A_328 = arith.constant 999936 : i32
        %dma_wait3A_329 = tpu.memref_slice %arg2[%run_scoped3A_301, %dma_wait3A_328] : memref<16x1000000xf32, #tpu.memory_space<hbm>> -> memref<1x64xf32, #tpu.memory_space<hbm>>
        %dma_wait3A_330 = tpu.memref_squeeze %dma_wait3A_329 : memref<1x64xf32, #tpu.memory_space<hbm>> -> memref<64xf32, #tpu.memory_space<hbm>>
        %dma_wait3A_331 = arith.constant 0 : i32
        %dma_wait3A_332 = tpu.memref_slice %arg4[%run_scoped3A_302, %dma_wait3A_331] : memref<128x128xf32, #tpu.memory_space<vmem>> -> memref<1x64xf32, #tpu.memory_space<vmem>>
        %dma_wait3A_333 = tpu.memref_squeeze %dma_wait3A_332 : memref<1x64xf32, #tpu.memory_space<vmem>> -> memref<64xf32, #tpu.memory_space<vmem>>
        %dma_wait3A_334 = arith.constant 999936 : i32
        %dma_wait3A_335 = tpu.memref_slice %arg2[%run_scoped3A_301, %dma_wait3A_334] : memref<16x1000000xf32, #tpu.memory_space<hbm>> -> memref<1x64xf32, #tpu.memory_space<hbm>>
        %dma_wait3A_336 = tpu.memref_squeeze %dma_wait3A_335 : memref<1x64xf32, #tpu.memory_space<hbm>> -> memref<64xf32, #tpu.memory_space<hbm>>
        tpu.wait_dma2 semaphore(%run_scoped3A_312 : memref<!tpu.dma_semaphore, #tpu.memory_space<semaphore_mem>>) src(%dma_wait3A_336 : memref<64xf32, #tpu.memory_space<hbm>>) dst(%dma_wait3A_333 : memref<64xf32, #tpu.memory_space<vmem>>)
        tpu.yield
      }) : () -> ()
      %scan3A_303 = arith.constant 0 : i32
      %scan3A_304 = arith.constant 0 : i32
      %scan3A_305 = arith.constant 8 : i32
      %scan3A_306 = arith.addi %scan3A_304, %scan3A_305 : i32
      %scan3A_307 = arith.constant 1 : i32
      scf.for %scan3A_312 = %scan3A_304 to %scan3A_306 step %scan3A_307  : i32 {
        %broadcast_in_dim3A = arith.constant 0 : i32
        %broadcast_in_dim3A_313 = vector.broadcast %broadcast_in_dim3A : i32 to vector<16xi32>
        %mul3A_314 = arith.constant 8 : i32
        %mul3A_315 = arith.muli %scan3A_312, %mul3A_314 : i32
        %add3A_316 = vector.broadcast %mul3A_315 : i32 to vector<16xi32>
        %add3A_317 = arith.addi %broadcast_in_dim3A_313, %add3A_316 : vector<16xi32>
        %add3A_318 = arith.constant 0 : i32
        %add3A_319 = vector.broadcast %add3A_318 : i32 to vector<16xi32>
        %add3A_320 = arith.addi %add3A_317, %add3A_319 : vector<16xi32>
        %gather3A = tpu.vector_load_idx %arg4[%iota3A, %add3A_320] : memref<128x128xf32, #tpu.memory_space<vmem>>[vector<16xi32>, vector<16xi32>], vector<16xf32>,
        %and3A = arith.constant 7 : i32
        %and3A_321 = arith.andi %scan3A_312, %and3A : i32
        %swap3A = arith.constant 0 : i32
        %swap3A_322 = arith.constant 0 : i32
        %swap3A_323 = arith.index_cast %swap3A : i32 to index
        %swap3A_324 = arith.index_cast %swap3A_322 : i32 to index
        %swap3A_325 = arith.index_cast %and3A_321 : i32 to index
        %swap3A_326 = arith.constant 0 : index
        %swap3A_327 = tpu.vector_load %arg5[%swap3A_323, %swap3A_324, %swap3A_325, %swap3A_326] {strides = array<i32>} : memref<8x2x8x128xf32, #tpu.memory_space<vmem>>, vector<16xf32>,
        tpu.vector_store %arg5[%swap3A_323, %swap3A_324, %swap3A_325, %swap3A_326], %gather3A {strides = array<i32>} : memref<8x2x8x128xf32, #tpu.memory_space<vmem>>, vector<16xf32>,
        %add3A_328 = arith.constant 1 : i32
        %add3A_329 = vector.broadcast %add3A_328 : i32 to vector<16xi32>
        %add3A_330 = arith.addi %add3A_317, %add3A_329 : vector<16xi32>
        %gather3A_331 = tpu.vector_load_idx %arg4[%iota3A, %add3A_330] : memref<128x128xf32, #tpu.memory_space<vmem>>[vector<16xi32>, vector<16xi32>], vector<16xf32>,
        %and3A_332 = arith.constant 7 : i32
        %and3A_333 = arith.andi %scan3A_312, %and3A_332 : i32
        %swap3A_334 = arith.constant 0 : i32
        %swap3A_335 = arith.constant 0 : i32
        %swap3A_336 = arith.index_cast %swap3A_334 : i32 to index
        %swap3A_337 = arith.index_cast %swap3A_335 : i32 to index
        %swap3A_338 = arith.index_cast %and3A_333 : i32 to index
        %swap3A_339 = arith.constant 16 : index
        %swap3A_340 = tpu.vector_load %arg5[%swap3A_336, %swap3A_337, %swap3A_338, %swap3A_339] {strides = array<i32>} : memref<8x2x8x128xf32, #tpu.memory_space<vmem>>, vector<16xf32>,
        tpu.vector_store %arg5[%swap3A_336, %swap3A_337, %swap3A_338, %swap3A_339], %gather3A_331 {strides = array<i32>} : memref<8x2x8x128xf32, #tpu.memory_space<vmem>>, vector<16xf32>,
        %add3A_341 = arith.constant 2 : i32
        %add3A_342 = vector.broadcast %add3A_341 : i32 to vector<16xi32>
        %add3A_343 = arith.addi %add3A_317, %add3A_342 : vector<16xi32>
        %gather3A_344 = tpu.vector_load_idx %arg4[%iota3A, %add3A_343] : memref<128x128xf32, #tpu.memory_space<vmem>>[vector<16xi32>, vector<16xi32>], vector<16xf32>,
        %and3A_345 = arith.constant 7 : i32
        %and3A_346 = arith.andi %scan3A_312, %and3A_345 : i32
        %swap3A_347 = arith.constant 0 : i32
        %swap3A_348 = arith.constant 0 : i32
        %swap3A_349 = arith.index_cast %swap3A_347 : i32 to index
        %swap3A_350 = arith.index_cast %swap3A_348 : i32 to index
        %swap3A_351 = arith.index_cast %and3A_346 : i32 to index
        %swap3A_352 = arith.constant 32 : index
        %swap3A_353 = tpu.vector_load %arg5[%swap3A_349, %swap3A_350, %swap3A_351, %swap3A_352] {strides = array<i32>} : memref<8x2x8x128xf32, #tpu.memory_space<vmem>>, vector<16xf32>,
        tpu.vector_store %arg5[%swap3A_349, %swap3A_350, %swap3A_351, %swap3A_352], %gather3A_344 {strides = array<i32>} : memref<8x2x8x128xf32, #tpu.memory_space<vmem>>, vector<16xf32>,
        %add3A_354 = arith.constant 3 : i32
        %add3A_355 = vector.broadcast %add3A_354 : i32 to vector<16xi32>
        %add3A_356 = arith.addi %add3A_317, %add3A_355 : vector<16xi32>
        %gather3A_357 = tpu.vector_load_idx %arg4[%iota3A, %add3A_356] : memref<128x128xf32, #tpu.memory_space<vmem>>[vector<16xi32>, vector<16xi32>], vector<16xf32>,
        %and3A_358 = arith.constant 7 : i32
        %and3A_359 = arith.andi %scan3A_312, %and3A_358 : i32
        %swap3A_360 = arith.constant 0 : i32
        %swap3A_361 = arith.constant 0 : i32
        %swap3A_362 = arith.index_cast %swap3A_360 : i32 to index
        %swap3A_363 = arith.index_cast %swap3A_361 : i32 to index
        %swap3A_364 = arith.index_cast %and3A_359 : i32 to index
        %swap3A_365 = arith.constant 48 : index
        %swap3A_366 = tpu.vector_load %arg5[%swap3A_362, %swap3A_363, %swap3A_364, %swap3A_365] {strides = array<i32>} : memref<8x2x8x128xf32, #tpu.memory_space<vmem>>, vector<16xf32>,
        tpu.vector_store %arg5[%swap3A_362, %swap3A_363, %swap3A_364, %swap3A_365], %gather3A_357 {strides = array<i32>} : memref<8x2x8x128xf32, #tpu.memory_space<vmem>>, vector<16xf32>,
        %add3A_367 = arith.constant 4 : i32
        %add3A_368 = vector.broadcast %add3A_367 : i32 to vector<16xi32>
        %add3A_369 = arith.addi %add3A_317, %add3A_368 : vector<16xi32>
        %gather3A_370 = tpu.vector_load_idx %arg4[%iota3A, %add3A_369] : memref<128x128xf32, #tpu.memory_space<vmem>>[vector<16xi32>, vector<16xi32>], vector<16xf32>,
        %and3A_371 = arith.constant 7 : i32
        %and3A_372 = arith.andi %scan3A_312, %and3A_371 : i32
        %swap3A_373 = arith.constant 0 : i32
        %swap3A_374 = arith.constant 0 : i32
        %swap3A_375 = arith.index_cast %swap3A_373 : i32 to index
        %swap3A_376 = arith.index_cast %swap3A_374 : i32 to index
        %swap3A_377 = arith.index_cast %and3A_372 : i32 to index
        %swap3A_378 = arith.constant 64 : index
        %swap3A_379 = tpu.vector_load %arg5[%swap3A_375, %swap3A_376, %swap3A_377, %swap3A_378] {strides = array<i32>} : memref<8x2x8x128xf32, #tpu.memory_space<vmem>>, vector<16xf32>,
        tpu.vector_store %arg5[%swap3A_375, %swap3A_376, %swap3A_377, %swap3A_378], %gather3A_370 {strides = array<i32>} : memref<8x2x8x128xf32, #tpu.memory_space<vmem>>, vector<16xf32>,
        %add3A_380 = arith.constant 5 : i32
        %add3A_381 = vector.broadcast %add3A_380 : i32 to vector<16xi32>
        %add3A_382 = arith.addi %add3A_317, %add3A_381 : vector<16xi32>
        %gather3A_383 = tpu.vector_load_idx %arg4[%iota3A, %add3A_382] : memref<128x128xf32, #tpu.memory_space<vmem>>[vector<16xi32>, vector<16xi32>], vector<16xf32>,
        %and3A_384 = arith.constant 7 : i32
        %and3A_385 = arith.andi %scan3A_312, %and3A_384 : i32
        %swap3A_386 = arith.constant 0 : i32
        %swap3A_387 = arith.constant 0 : i32
        %swap3A_388 = arith.index_cast %swap3A_386 : i32 to index
        %swap3A_389 = arith.index_cast %swap3A_387 : i32 to index
        %swap3A_390 = arith.index_cast %and3A_385 : i32 to index
        %swap3A_391 = arith.constant 80 : index
        %swap3A_392 = tpu.vector_load %arg5[%swap3A_388, %swap3A_389, %swap3A_390, %swap3A_391] {strides = array<i32>} : memref<8x2x8x128xf32, #tpu.memory_space<vmem>>, vector<16xf32>,
        tpu.vector_store %arg5[%swap3A_388, %swap3A_389, %swap3A_390, %swap3A_391], %gather3A_383 {strides = array<i32>} : memref<8x2x8x128xf32, #tpu.memory_space<vmem>>, vector<16xf32>,
        %add3A_393 = arith.constant 6 : i32
        %add3A_394 = vector.broadcast %add3A_393 : i32 to vector<16xi32>
        %add3A_395 = arith.addi %add3A_317, %add3A_394 : vector<16xi32>
        %gather3A_396 = tpu.vector_load_idx %arg4[%iota3A, %add3A_395] : memref<128x128xf32, #tpu.memory_space<vmem>>[vector<16xi32>, vector<16xi32>], vector<16xf32>,
        %and3A_397 = arith.constant 7 : i32
        %and3A_398 = arith.andi %scan3A_312, %and3A_397 : i32
        %swap3A_399 = arith.constant 0 : i32
        %swap3A_400 = arith.constant 0 : i32
        %swap3A_401 = arith.index_cast %swap3A_399 : i32 to index
        %swap3A_402 = arith.index_cast %swap3A_400 : i32 to index
        %swap3A_403 = arith.index_cast %and3A_398 : i32 to index
        %swap3A_404 = arith.constant 96 : index
        %swap3A_405 = tpu.vector_load %arg5[%swap3A_401, %swap3A_402, %swap3A_403, %swap3A_404] {strides = array<i32>} : memref<8x2x8x128xf32, #tpu.memory_space<vmem>>, vector<16xf32>,
        tpu.vector_store %arg5[%swap3A_401, %swap3A_402, %swap3A_403, %swap3A_404], %gather3A_396 {strides = array<i32>} : memref<8x2x8x128xf32, #tpu.memory_space<vmem>>, vector<16xf32>,
        %add3A_406 = arith.constant 7 : i32
        %add3A_407 = vector.broadcast %add3A_406 : i32 to vector<16xi32>
        %add3A_408 = arith.addi %add3A_317, %add3A_407 : vector<16xi32>
        %gather3A_409 = tpu.vector_load_idx %arg4[%iota3A, %add3A_408] : memref<128x128xf32, #tpu.memory_space<vmem>>[vector<16xi32>, vector<16xi32>], vector<16xf32>,
        %and3A_410 = arith.constant 7 : i32
        %and3A_411 = arith.andi %scan3A_312, %and3A_410 : i32
        %swap3A_412 = arith.constant 0 : i32
        %swap3A_413 = arith.constant 0 : i32
        %swap3A_414 = arith.index_cast %swap3A_412 : i32 to index
        %swap3A_415 = arith.index_cast %swap3A_413 : i32 to index
        %swap3A_416 = arith.index_cast %and3A_411 : i32 to index
        %swap3A_417 = arith.constant 112 : index
        %swap3A_418 = tpu.vector_load %arg5[%swap3A_414, %swap3A_415, %swap3A_416, %swap3A_417] {strides = array<i32>} : memref<8x2x8x128xf32, #tpu.memory_space<vmem>>, vector<16xf32>,
        tpu.vector_store %arg5[%swap3A_414, %swap3A_415, %swap3A_416, %swap3A_417], %gather3A_409 {strides = array<i32>} : memref<8x2x8x128xf32, #tpu.memory_space<vmem>>, vector<16xf32>,
      }
      %scan3A_308 = arith.constant 8 : i32
      %run_scoped3A_309 = arith.constant 0 : i32
      %run_scoped3A_310 = arith.constant 0 : i32
      %run_scoped3A_311 = arith.constant 15624 : i32
      "tpu.region"() ({
        %run_scoped3A_312 = tpu.sem_alloc : memref<!tpu.dma_semaphore, #tpu.memory_space<semaphore_mem>>
        %dma_start3A_313 = arith.constant 0 : i32
        %dma_start3A_314 = arith.constant 0 : i32
        %dma_start3A_315 = tpu.memref_slice %arg5[%run_scoped3A_309, %run_scoped3A_310, %dma_start3A_313, %dma_start3A_314] : memref<8x2x8x128xf32, #tpu.memory_space<vmem>> -> memref<1x1x8x128xf32, #tpu.memory_space<vmem>>
        %dma_start3A_316 = tpu.memref_squeeze %dma_start3A_315 : memref<1x1x8x128xf32, #tpu.memory_space<vmem>> -> memref<8x128xf32, #tpu.memory_space<vmem>>
        %dma_start3A_317 = arith.constant 0 : i32
        %dma_start3A_318 = arith.constant 0 : i32
        %dma_start3A_319 = tpu.memref_slice %arg3[%run_scoped3A_311, %dma_start3A_317, %dma_start3A_318] : memref<15625x8x128xf32, #tpu.memory_space<hbm>> -> memref<1x8x128xf32, #tpu.memory_space<hbm>>
        %dma_start3A_320 = tpu.memref_squeeze %dma_start3A_319 : memref<1x8x128xf32, #tpu.memory_space<hbm>> -> memref<8x128xf32, #tpu.memory_space<hbm>>
        %dma_start3A_321 = arith.constant 0 : i32
        %dma_start3A_322 = arith.constant 0 : i32
        %dma_start3A_323 = tpu.memref_slice %arg3[%run_scoped3A_311, %dma_start3A_321, %dma_start3A_322] : memref<15625x8x128xf32, #tpu.memory_space<hbm>> -> memref<1x8x128xf32, #tpu.memory_space<hbm>>
        %dma_start3A_324 = tpu.memref_squeeze %dma_start3A_323 : memref<1x8x128xf32, #tpu.memory_space<hbm>> -> memref<8x128xf32, #tpu.memory_space<hbm>>
        %dma_start3A_325 = arith.constant 0 : i32
        %dma_start3A_326 = arith.constant 0 : i32
        %dma_start3A_327 = tpu.memref_slice %arg5[%run_scoped3A_309, %run_scoped3A_310, %dma_start3A_325, %dma_start3A_326] : memref<8x2x8x128xf32, #tpu.memory_space<vmem>> -> memref<1x1x8x128xf32, #tpu.memory_space<vmem>>
        %dma_start3A_328 = tpu.memref_squeeze %dma_start3A_327 : memref<1x1x8x128xf32, #tpu.memory_space<vmem>> -> memref<8x128xf32, #tpu.memory_space<vmem>>
        tpu.enqueue_dma source(%dma_start3A_328 : memref<8x128xf32, #tpu.memory_space<vmem>>) target(%dma_start3A_324 : memref<8x128xf32, #tpu.memory_space<hbm>>) target_semaphore(%run_scoped3A_312 : memref<!tpu.dma_semaphore, #tpu.memory_space<semaphore_mem>>)
        %dma_wait3A_329 = arith.constant 0 : i32
        %dma_wait3A_330 = arith.constant 0 : i32
        %dma_wait3A_331 = tpu.memref_slice %arg5[%run_scoped3A_309, %run_scoped3A_310, %dma_wait3A_329, %dma_wait3A_330] : memref<8x2x8x128xf32, #tpu.memory_space<vmem>> -> memref<1x1x8x128xf32, #tpu.memory_space<vmem>>
        %dma_wait3A_332 = tpu.memref_squeeze %dma_wait3A_331 : memref<1x1x8x128xf32, #tpu.memory_space<vmem>> -> memref<8x128xf32, #tpu.memory_space<vmem>>
        %dma_wait3A_333 = arith.constant 0 : i32
        %dma_wait3A_334 = arith.constant 0 : i32
        %dma_wait3A_335 = tpu.memref_slice %arg3[%run_scoped3A_311, %dma_wait3A_333, %dma_wait3A_334] : memref<15625x8x128xf32, #tpu.memory_space<hbm>> -> memref<1x8x128xf32, #tpu.memory_space<hbm>>
        %dma_wait3A_336 = tpu.memref_squeeze %dma_wait3A_335 : memref<1x8x128xf32, #tpu.memory_space<hbm>> -> memref<8x128xf32, #tpu.memory_space<hbm>>
        %dma_wait3A_337 = arith.constant 0 : i32
        %dma_wait3A_338 = arith.constant 0 : i32
        %dma_wait3A_339 = tpu.memref_slice %arg3[%run_scoped3A_311, %dma_wait3A_337, %dma_wait3A_338] : memref<15625x8x128xf32, #tpu.memory_space<hbm>> -> memref<1x8x128xf32, #tpu.memory_space<hbm>>
        %dma_wait3A_340 = tpu.memref_squeeze %dma_wait3A_339 : memref<1x8x128xf32, #tpu.memory_space<hbm>> -> memref<8x128xf32, #tpu.memory_space<hbm>>
        %dma_wait3A_341 = arith.constant 0 : i32
        %dma_wait3A_342 = arith.constant 0 : i32
        %dma_wait3A_343 = tpu.memref_slice %arg5[%run_scoped3A_309, %run_scoped3A_310, %dma_wait3A_341, %dma_wait3A_342] : memref<8x2x8x128xf32, #tpu.memory_space<vmem>> -> memref<1x1x8x128xf32, #tpu.memory_space<vmem>>
        %dma_wait3A_344 = tpu.memref_squeeze %dma_wait3A_343 : memref<1x1x8x128xf32, #tpu.memory_space<vmem>> -> memref<8x128xf32, #tpu.memory_space<vmem>>
        tpu.wait_dma2 semaphore(%run_scoped3A_312 : memref<!tpu.dma_semaphore, #tpu.memory_space<semaphore_mem>>) src(%dma_wait3A_344 : memref<8x128xf32, #tpu.memory_space<vmem>>) dst(%dma_wait3A_340 : memref<8x128xf32, #tpu.memory_space<hbm>>)
        tpu.yield
      }) : () -> ()
    } else {
    }
    return
  }
}

</mosaic_0001>

<sc_bundles>
// kernel: kernel.4.cloned.1.call-start
scs
__scs_entry_jumppad:
0x0: {  	(pc) =	sbr.rel $0x88, $3  }
0x1: {  	(tag) =	ssettag $0x0;
	lr =	simm.s32 $0x1  }
0x2: {  	[smem:$0x3F9E] =	sst lr;
	_ =	strace $0xD0000000  }
0x3: {  	_ = 	snop  }
0x4: {  	_ = 	snop  }
0x5: {  	_ = 	snop  }
0x6: {  	_ = 	snop  }
0x7: {  	_ = 	snop  }
__scs_overlays_trampoline_lowered:
0x8: {  	[smem:$0x3FAD] =	sst s0  }
0x9: {  	[smem:$0x3FAE] =	sst s1  }
0xa: {  	[smem:$0x3FAF] =	sst s2  }
0xb: {  	[smem:$0x3FB0] =	sst s3  }
0xc: {  	[smem:$0x3FB1] =	sst s4  }
0xd: {  	[smem:$0x3FB2] =	sst s5  }
0xe: {  	[smem:$0x3FB3] =	sst s6  }
0xf: {  	[smem:$0x3FB4] =	sst s7  }
0x10: {  	[smem:$0x3FB5] =	sst s8  }
0x11: {  	[smem:$0x3FB6] =	sst s9;
	s0 =	simm.s32 @!p0 $0x0  }
0x12: {  	s1 =	sld [smem:$0x3F9C];
	s0 =	simm.s32 @p0 $0x1  }
0x13: {  	[smem:$0x3FB7] =	sst s0;
	s0 =	simm.s32 @!p1 $0x0  }
0x14: {  	s2 =	sld [smem:$0x3F9B];
	s0 =	simm.s32 @p1 $0x1  }
0x15: {  	[smem:$0x3FB8] =	sst s0;
	s0 =	simm.s32 @!p2 $0x0  }
0x16: {  	s3 =	sld [smem:$0x3FDB];
	s0 =	simm.s32 @p2 $0x1  }
0x17: {  	s4 =	simm.s32 $0x1BF5;
	[smem:$0x3FBA] =	sst s0  }
0x18: {  	s0 =	sld [smem:$0x3F9D];
	_ =	swait.ge [sflag:s4], $0x0  }
0x19: {  	s7 =	sld [smem:$0x3F9E]  }
0x1a: {  	s8 =	sadd.s32 $0xFFFFE003, lr  }
0x1b: {  	s9 =	sadd.s32 $0xFFFFFEF7, lr;
	s5 =	simm.s32 $0xFFFFFFFF;
	p2 =	slt.u32 s8, $0xFFFFF086  }
0x1c: {  	p1 =	slt.u32 s9, $0xF7A;
	s5 =	simm.s32 @!p2 $0x0  }
0x1d: {  	s5 =	simm.s32 @p1 $0x1;
	p0 =	seq.s32 s7, s2  }
0x1e: {  	s7 =	smul.u32 @!p0 $0xF7A, s2;
	p2 =	seq.s32 @!p0 s5, $0x0  }
0x1f: {  	s9 =	smul.u32 $0xF7A, s1;
	s8 =	simm.s32 @!p0 $0x1BF5;
	p2 =	por !p2, p0  }
0x20: {  	[sflag:s8] =	ssyncset.s32 @!p0 $0xFFFFF086;
	s6 =	sadd.s32 @!p0 s3, s7;
	s7 =	simm.s32 @!p0 $0x108  }
0x21: {  	s3 =	sadd.s32 s3, s9;
	s6 =	sadd.s32 @!p0 $0x88, s6;
	s7 =	simm.s32 @p2 $0x1082  }
0x22: {  	[simem:s7], [sflag:s8] =	dma.local @!p0 [hbm:s6], $0xF7A  }
0x23: {  	s9 =	sor.u32 $0xD0000000, s2;
	s6 =	simm.s32 $0x108;
	_ =	swait.ge @!p0 [sflag:s8], $0x0  }
0x24: {  	s3 =	sadd.s32 $0x88, s3;
	s6 =	simm.s32 @!p1 $0x1082;
	[sflag:s4] =	ssyncset.s32 $0xFFFFF086  }
0x25: {  	[simem:s6], [sflag:s4] =	dma.local [hbm:s3], $0xF7A  }
0x26: {  	[smem:$0x3F9E] =	sst s1;
	(tag) =	ssettag s2;
	_ =	strace s9  }
0x27: {  	s1 =	sld [smem:$0x3FAE]  }
0x28: {  	s2 =	sld [smem:$0x3FAF]  }
0x29: {  	s4 =	sld [smem:$0x3FB1]  }
0x2a: {  	p0 =	seq.s32 s5, $0x0;
	s5 =	sld [smem:$0x3FB2]  }
0x2b: {  	s6 =	sld [smem:$0x3FB3]  }
0x2c: {  	s7 =	sld [smem:$0x3FB4]  }
0x2d: {  	s3 =	simm.s32 $0x108;
	s8 =	sld [smem:$0x3FB5]  }
0x2e: {  	s3 =	simm.s32 @!p0 $0x1082;
	s9 =	sld [smem:$0x3FB6]  }
0x2f: {  	lr =	sadd.s32 s0, s3;
	s0 =	sld [smem:$0x3FAD]  }
0x30: {  	s3 =	sld [smem:$0x3FB0]  }
0x31: {  	[smem:$0x3FB9] =	sst s10  }
0x32: {  	s10 =	sld [smem:$0x3FB7];
	_ =	sdelay $0x3  }
0x33: {  	p0 =	seq.s32 s10, $0x1;
	s10 =	sld [smem:$0x3FB9];
	_ =	sdelay $0x3  }
0x34: {  	[smem:$0x3FB9] =	sst s10  }
0x35: {  	s10 =	sld [smem:$0x3FB8];
	_ =	sdelay $0x3  }
0x36: {  	p1 =	seq.s32 s10, $0x1;
	s10 =	sld [smem:$0x3FB9];
	_ =	sdelay $0x3  }
0x37: {  	[smem:$0x3FB9] =	sst s10  }
0x38: {  	s10 =	sld [smem:$0x3FBA]  }
0x39: {  	_ = 	snop;
	(pc) =	sbr.ind lr, $3  }
0x3a: {  	_ = 	snop  }
0x3b: {  	_ = 	snop  }
0x3c: {  	p2 =	seq.s32 s10, $0x1;
	s10 =	sld [smem:$0x3FB9]  }
0x3d: {  	_ =	shalt  }
0x3e: {  	_ =	shalt  }
0x3f: {  	_ =	shalt  }
0x40: {  	_ =	shalt  }
0x41: {  	_ =	shalt  }
0x42: {  	_ =	shalt  }
0x43: {  	_ =	shalt  }
0x44: {  	_ =	shalt  }
0x45: {  	_ =	shalt  }
0x46: {  	_ =	shalt  }
0x47: {  	_ =	shalt  }
0x48: {  	_ =	shalt  }
0x49: {  	_ =	shalt  }
0x4a: {  	_ =	shalt  }
0x4b: {  	_ =	shalt  }
0x4c: {  	_ =	shalt  }
0x4d: {  	_ =	shalt  }
0x4e: {  	_ =	shalt  }
0x4f: {  	_ =	shalt  }
0x50: {  	_ =	shalt  }
0x51: {  	_ =	shalt  }
0x52: {  	_ =	shalt  }
0x53: {  	_ =	shalt  }
0x54: {  	_ =	shalt  }
0x55: {  	_ =	shalt  }
0x56: {  	_ =	shalt  }
0x57: {  	_ =	shalt  }
0x58: {  	_ =	shalt  }
0x59: {  	_ =	shalt  }
0x5a: {  	_ =	shalt  }
0x5b: {  	_ =	shalt  }
0x5c: {  	_ =	shalt  }
0x5d: {  	_ =	shalt  }
0x5e: {  	_ =	shalt  }
0x5f: {  	_ =	shalt  }
0x60: {  	_ =	shalt  }
0x61: {  	_ =	shalt  }
0x62: {  	_ =	shalt  }
0x63: {  	_ =	shalt  }
0x64: {  	_ =	shalt  }
0x65: {  	_ =	shalt  }
0x66: {  	_ =	shalt  }
0x67: {  	_ =	shalt  }
0x68: {  	_ =	shalt  }
0x69: {  	_ =	shalt  }
0x6a: {  	_ =	shalt  }
0x6b: {  	_ =	shalt  }
0x6c: {  	_ =	shalt  }
0x6d: {  	_ =	shalt  }
0x6e: {  	_ =	shalt  }
0x6f: {  	_ =	shalt  }
0x70: {  	_ =	shalt  }
0x71: {  	_ =	shalt  }
0x72: {  	_ =	shalt  }
0x73: {  	_ =	shalt  }
0x74: {  	_ =	shalt  }
0x75: {  	_ =	shalt  }
0x76: {  	_ =	shalt  }
0x77: {  	_ =	shalt  }
0x78: {  	_ =	shalt  }
0x79: {  	_ =	shalt  }
0x7a: {  	_ =	shalt  }
0x7b: {  	_ =	shalt  }
0x7c: {  	_ =	shalt  }
0x7d: {  	_ =	shalt  }
0x7e: {  	_ =	shalt  }
0x7f: {  	_ =	shalt  }
0x80: {  	_ =	shalt  }
0x81: {  	_ =	shalt  }
0x82: {  	_ =	shalt  }
0x83: {  	_ =	shalt  }
0x84: {  	_ =	shalt  }
0x85: {  	_ =	shalt  }
0x86: {  	_ =	shalt  }
0x87: {  	_ =	shalt  }
.Lfunc_end0:
.L_simem_size_0:
called_computation_lowered:
.L_overlay_start_0:
0x88: {  	s2 =	sld [smem:$0x3FD9]  }
0x89: {  	s3 =	sld [smem:$0x3FFE];
	_ =	sdelay $0x1  }
0x8a: {  	s1 =	srdreg.scid  }
0x8b: {  	s0 =	sand.u32 $0x1, s1  }
0x8c: {  	s17 =	sshll.u32 s0, $0xA;
	s2 =	sadd.s32 s3, s2  }
0x8d: {  	s2 =	sadd.s32 s2, s17  }
0x8e: {  	[smem:$0x3FC5] =	sst s2  }
0x8f: {  	_ = 	snop  }
0x90: {  	s2 =	sld [smem:$0x3FC8];
	(tm) =	ssettm $0x1  }
0x91: {  	s18 =	sld [smem:$0x3FFB];
	_ =	sdelay $0x3  }
0x92: {  	_ =	strace s18  }
0x93: {  	s3 =	sld [smem:$0x3FFC];
	_ =	sdelay $0x3  }
0x94: {  	_ =	strace s3  }
0x95: {  	s3 =	sld [smem:$0x3FFD];
	_ =	sdelay $0x3  }
0x96: {  	_ =	strace s3  }
0x97: {  	_ =	strace $0x8FFFFFFF  }
0x98: {  	s19 =	sld [smem:$0x3FDB];
	_ =	sdelay $0x1  }
0x99: {  	s4 =	simm.s32 $_scs_section_size  }
0x9a: {  	s5 =	simm.s32 $_size__tile_overlayer_lowered;
	s6 =	simm.s32 $_tile_overlayer_lowered  }
0x9b: {  	s22 =	simm.s32 $0x1BFF;
	s21 =	sshll.u32 s6, $0x1;
	s3 =	sadd.s32 s4, s19  }
0x9c: {  	s7 =	simm.s32 $0x0;
	s20 =	sshll.u32 s5, $0x1;
	s5 =	sadd.s32 s21, s3  }
0x9d: {  	[timem:s7], [sflag:s22] =	dma.local [hbm:s5], s20  }
0x9e: {  	_ =	swait.ge [sflag:s22], s20  }
0x9f: {  	s4 =	ssub.s32 $0x0, s20;
	[sflag:s22] =	ssyncset.done $0x0  }
0xa0: {  	[sflag:s22] =	ssyncadd.s32 s4;
	_ =	sdelay $0x1  }
0xa1: {  	s23 =	simm.s32 $0x1B8B  }
0xa2: {  	_ =	swait.ge [sflag:s23], $0x1  }
0xa3: {  	[sflag:s23] =	ssyncset.done $0x0  }
0xa4: {  	s25 =	simm.s32 $0x1B8E;
	s24 =	sld [smem:$0x3FFE];
	[sflag:s23] =	ssyncadd.s32 $0xFFFFFFFF  }
0xa5: {  	s26 =	simm.s32 $execute0_lowered;
	[smem:$0x3FD2] =	sst s25  }
0xa6: {  	s5 =	sshll.u32 s26, $0x1;
	_ =	strace $0x80000046;
	[dreg:$0x1] =	wrdreg $0xFFFFFFFF  }
0xa7: {  	s28 =	simm.s32 $_size_execute0_lowered;
	s3 =	sadd.s32 s3, s5;
	[dreg:$0x0] =	wrdreg $0x0  }
0xa8: {  	s5 =	sshll.u32 s28, $0x1;
	[dreg:$0x2] =	wrdreg s3  }
0xa9: {  	[dreg:$0x3] =	wrdreg s5  }
0xaa: {  	[dreg:$0x4] =	wrdreg $0xC0  }
0xab: {  	_ =	task [dreg:s7], $0x5FFFF  }
0xac: {  	[dreg:$0x1] =	wrdreg $0xFFFFFFFF  }
0xad: {  	[dreg:$0x0] =	wrdreg $0x60  }
0xae: {  	[dreg:$0x2] =	wrdreg s2  }
0xaf: {  	[dreg:$0x3] =	wrdreg s24  }
0xb0: {  	[dreg:$0x4] =	wrdreg $0x9  }
0xb1: {  	_ =	task.clear_ibuf [dreg:s7], $0x5FFFF;
	_ =	strace $0x90000046  }
0xb2: {  	s29 =	simm.s32 $0x9;
	_ =	strace $0x80000048  }
0xb3: {  	_ =	swait.ge [sflag:s29], $0x1  }
0xb4: {  	[sflag:s29] =	ssyncadd.s32 $0xFFFFFFFF  }
0xb5: {  	_ =	strace $0x90000048  }
0xb6: {  	_ =	sfence  }
0xb7: {  	s30 =	sld [smem:$0x0];
	_ =	sdelay $0x2  }
0xb8: {  	s31 =	sshll.u32 s1, $0xD;
	s1 =	sshrl.u32 s1, $0x2  }
0xb9: {  	s3 =	sand.u32 $0x4000, s31;
	s1 =	sadd.s32 s1, s30  }
0xba: {  	s0 =	sor.u32 s3, s0;
	s1 =	sshll.u32 s1, $0x11  }
0xbb: {  	s0 =	sor.u32 s1, s0  }
0xbc: {  	s0 =	sadd.s32 $0x8F2B, s0  }
0xbd: {  	[sflag:s0] =	ssyncadd.remote.s32 $0x1  }
0xbe: {  	_ =	sfence.sel $0xFFFF  }
0xbf: {  	[dreg:$0x0] =	wrdreg $0xFFFFFFFF;
	(pc) =	sbr.abs _section_cstart, $3  }
0xc0: {  	[dreg:$0x1] =	wrdreg $0xFFFFFFFF  }
0xc1: {  	_ =	task.clear_ibuf [dreg:s7], $0x2FFFF;
	_ =	strace $0x9FFFFFFF  }
0xc2: {  	(tm) =	ssettm $0x7FFFFFFF  }
0xc3: {  	_ =	shalt  }
tec
execute0_lowered:
.L_overlay_start_1:
0x0: {  	(tag) =	ssettag $0x1  }
0x1: {  	s0 =	rddreg [dreg:$0x0]  }
0x2: {  	s1 =	rddreg [dreg:$0x1];
	s2 =	simm.s32 $0x0  }
0x3: {  	[smem:$0x7FF] =	sst s2;
	s10 =	sadd.s32 $0xF4210, s0  }
0x4: {  	s11 =	sadd.s32 $0xF4220, s0;
	_ =	strace $0x80000047;
	[dreg:$0x9] =	wrdreg s10  }
0x5: {  	s12 =	sadd.s32 $0xF4230, s0;
	[dreg:$0xa] =	wrdreg s11  }
0x6: {  	s13 =	sadd.s32 $0xF4240, s0;
	[dreg:$0xb] =	wrdreg s12  }
0x7: {  	s14 =	sadd.s32 $0xF4250, s0;
	[dreg:$0xc] =	wrdreg s13  }
0x8: {  	s15 =	sadd.s32 $0xF4260, s0;
	[dreg:$0xd] =	wrdreg s14  }
0x9: {  	s3 =	srdreg.scid;
	s16 =	sadd.s32 $0xF4270, s0;
	[dreg:$0xe] =	wrdreg s15  }
0xa: {  	s8 =	stileid.u32;
	s17 =	sadd.s32 $0x1E8480, s0;
	[dreg:$0xf] =	wrdreg s16  }
0xb: {  	s9 =	simm.s32 $0xF5;
	s18 =	sadd.s32 $0x1E8490, s0;
	[dreg:$0x10] =	wrdreg s17  }
0xc: {  	s3 =	sand.u32 $0x1, s3;
	s19 =	sadd.s32 $0x1E84A0, s0;
	[dreg:$0x11] =	wrdreg s18  }
0xd: {  	s4 =	sshll.u32 s8, $0x1;
	s20 =	sadd.s32 $0x1E84B0, s0;
	[dreg:$0x12] =	wrdreg s19  }
0xe: {  	p0 =	slt.u32 s8, $0x2;
	s21 =	sadd.s32 $0x1E84C0, s0;
	[dreg:$0x13] =	wrdreg s20  }
0xf: {  	s22 =	sadd.s32 $0x1E84D0, s0;
	s23 =	sadd.s32 $0x1E84E0, s0;
	[dreg:$0x14] =	wrdreg s21  }
0x10: {  	s24 =	sadd.s32 $0x1E8E00, s1;
	s4 =	sor.u32 s3, s4;
	[dreg:$0x15] =	wrdreg s22  }
0x11: {  	s3 =	ssub.s32 $0x2, s3;
	s9 =	simm.s32 @!p0 $0xF4;
	[dreg:$0x16] =	wrdreg s23  }
0x12: {  	[dreg:$0x18] =	wrdreg s24;
	s6 =	sshrl.u32 s3, $0x1;
	s7 =	sshll.u32 s4, $0x7  }
0x13: {  	[dreg:$0x3] =	wrdreg s9;
	s6 =	ssub.s32 s3, s6;
	s3 =	sadd.s32 s0, s7  }
0x14: {  	s5 =	sshll.u32 s4, $0x8;
	s7 =	sadd.s32 $0x1000, s3;
	[dreg:$0x4] =	wrdreg s3  }
0x15: {  	s5 =	sadd.s32 s5, s1;
	s31 =	sadd.s32 $0x2000, s3;
	[dreg:$0x5] =	wrdreg s7  }
0x16: {  	s5 =	sadd.s32 $0xA00, s5;
	[dreg:$0x6] =	wrdreg s31  }
0x17: {  	s25 =	smax.u32 s6, $0x1;
	[dreg:$0x7] =	wrdreg s5  }
0x18: {  	s26 =	sadd.s32 $0x3000, s3;
	[dreg:$0x19] =	wrdreg s25  }
0x19: {  	s28 =	sadd.s32 $0x4000, s3;
	[dreg:$0x1a] =	wrdreg s26  }
0x1a: {  	v0 =	vlaneseq.u32;
	s29 =	sadd.s32 $0x5000, s3;
	[dreg:$0x1b] =	wrdreg s28  }
.Ltmp0:
0x1b: {  	v0 =	vmul.u32 $0x80, v0;
	s30 =	sadd.s32 $0x6000, s3;
	[dreg:$0x1c] =	wrdreg s29;
	(pc) =	sbr.rel .LBB2_1-.Ltmp0, $4  }
0x1c: {  	s7 =	sadd.s32 $0xF4200, s0;
	[dreg:$0x1d] =	wrdreg s30  }
0x1d: {  	v1 =	vor.u32 $0x1, v0;
	s0 =	sadd.s32 $0x1E84F0, s0;
	[dreg:$0x8] =	wrdreg s7  }
0x1e: {  	v2 =	vor.u32 $0x2, v0;
	v3 =	vor.u32 $0x3, v0;
	v4 =	vor.u32 $0x4, v0;
	s31 =	sadd.s32 $0x7000, s3;
	[dreg:$0x17] =	wrdreg s0  }
0x1f: {  	p0 =	sne.s32 s4, $0x4;
	v5 =	vor.u32 $0x5, v0;
	v6 =	vor.u32 $0x6, v0;
	v7 =	vor.u32 $0x7, v0;
	s1 =	simm.s32 $0x0;
	[dreg:$0x1e] =	wrdreg s31  }
.LBB2_11:
0x20: {  	s1 =	sadd.s32 $0x1, s1;
	s0 =	rddreg [dreg:$0x19]  }
0x21: {  	p1 =	sne.s32 s1, s0  }
.Ltmp1:
0x22: {  	_ = 	snop;
	(pc) =	sbr.rel @!p1 .LBB2_12-.Ltmp1, $1  }
0x23: {  	_ =	sdelay $0x3  }
.LBB2_1:
0x24: {  	[dreg:$0x1f] =	wrdreg s1  }
0x25: {  	s0 =	rddreg [dreg:$0x4];
	s17 =	simm.s32 $0x400;
	s3 =	simm.s32 $0x7A1400  }
0x26: {  	[tilespmem:s2], [sflag:$0x1] =	stream.strided.gather [hbm4b:s0+s17], $0x800, s3, s17, $0x38;
	[tilespmem:$0x8000] =	vst v63  }
0x27: {  	s18 =	rddreg [dreg:$0x5];
	s4 =	simm.s32 $0x800  }
0x28: {  	[tilespmem:s4], [sflag:$0x1] =	stream.strided.gather [hbm4b:s18+s17], $0x800, s3, s17, $0x38;
	[tilespmem:$0x8000] =	vst v63  }
0x29: {  	s19 =	rddreg [dreg:$0x6];
	s20 =	simm.s32 $0x1000  }
0x2a: {  	[tilespmem:s20], [sflag:$0x1] =	stream.strided.gather [hbm4b:s19+s17], $0x800, s3, s17, $0x38;
	[tilespmem:$0x8000] =	vst v63  }
0x2b: {  	s21 =	rddreg [dreg:$0x1a];
	s22 =	simm.s32 $0x1800  }
0x2c: {  	[tilespmem:s22], [sflag:$0x1] =	stream.strided.gather [hbm4b:s21+s17], $0x800, s3, s17, $0x38;
	[tilespmem:$0x8000] =	vst v63  }
0x2d: {  	s23 =	rddreg [dreg:$0x1b];
	s24 =	simm.s32 $0x2000  }
0x2e: {  	[tilespmem:s24], [sflag:$0x1] =	stream.strided.gather [hbm4b:s23+s17], $0x800, s3, s17, $0x38;
	[tilespmem:$0x8000] =	vst v63  }
0x2f: {  	s25 =	rddreg [dreg:$0x1c];
	s26 =	simm.s32 $0x2800  }
0x30: {  	[tilespmem:s26], [sflag:$0x1] =	stream.strided.gather [hbm4b:s25+s17], $0x800, s3, s17, $0x38;
	[tilespmem:$0x8000] =	vst v63  }
.Ltmp2:
0x31: {  	s28 =	rddreg [dreg:$0x1d];
	(pc) =	sbr.rel .LBB2_2-.Ltmp2, $4  }
0x32: {  	s29 =	simm.s32 $0x3000;
	s30 =	rddreg [dreg:$0x1e]  }
0x33: {  	[tilespmem:s29], [sflag:$0x1] =	stream.strided.gather [hbm4b:s28+s17], $0x800, s3, s17, $0x38;
	[tilespmem:$0x8000] =	vst v63  }
0x34: {  	s31 =	simm.s32 $0x3800;
	s10 =	simm.s32 $0x0;
	s11 =	simm.s32 $0x0  }
0x35: {  	[tilespmem:s31], [sflag:$0x1] =	stream.strided.gather [hbm4b:s30+s17], $0x800, s3, s17, $0x38;
	[tilespmem:$0x8000] =	vst v63  }
.LBB2_6:
0x36: {  	s11 =	sadd.s32 $0x1, s11  }
0x37: {  	p1 =	sne.s32 s11, $0xF5  }
.Ltmp3:
0x38: {  	_ = 	snop;
	(pc) =	sbr.rel @!p1 .LBB2_7-.Ltmp3, $2  }
0x39: {  	_ =	sdelay $0x2  }
0x3a: {  	s10 =	sadd.s32 $0x1, s10  }
.LBB2_2:
0x3b: {  	p1 =	sge.u32 s11, s9  }
.Ltmp4:
0x3c: {  	_ = 	snop;
	(pc) =	sbr.rel @p1 .LBB2_6-.Ltmp4, $1  }
0x3d: {  	_ =	sdelay $0x3  }
0x3e: {  	s1 =	sand.u32 $0x7, s11  }
0x3f: {  	s0 =	sshll.u32 s1, $0x4  }
0x40: {  	v8 =	vmov s0  }
0x41: {  	s23 =	simm.s32 $0x1;
	v8 =	vshll.u32 v8, $0x7  }
0x42: {  	s13 =	simm.s32 $0x8;
	_ =	swait.ge [sflag:s23], $0x800;
	v9 =	vor.u32 v0, v8  }
0x43: {  	p1 =	slt.u32 s11, $0x8;
	s21 =	simm.s32 $0x18;
	[sflag:s23] =	ssyncset.done $0x0;
	v11 =	vor.u32 s13, v9  }
0x44: {  	s0 =	simm.s32 @!p1 $0x2;
	[sflag:s23] =	ssyncadd.s32 $0xFFFFF800;
	v12 =	vor.u32 s21, v9  }
0x45: {  	_ =	swait.ge @!p1 [sflag:s0], $0x800  }
0x46: {  	[sflag:s0] =	ssyncset.done @!p1 $0x0  }
0x47: {  	s14 =	simm.s32 $0x10;
	s24 =	sshll.u32 s1, $0xB;
	[sflag:s0] =	ssyncadd.s32 @!p1 $0xFFFFF800  }
0x48: {  	v8 =	vmov s24;
	v10 =	vor.u32 $0x1, v9;
	v14 =	vor.u32 s14, v9;
	v11 =	vld.idx.msk [tilespmem:v11+s2+$0x0], $0xffff  }
0x49: {  	s25 =	simm.s32 $0x0;
	v13 =	vor.u32 s13, v10;
	v15 =	vld.idx.msk [tilespmem:v12+s2+$0x0], $0xffff  }
0x4a: {  	s4 =	simm.s32 $0x80;
	s0 =	sand.u32 $0x400, s25;
	v16 =	vor.u32 s21, v10  }
0x4b: {  	s26 =	simm.s32 $0x180;
	s4 =	sand.u32 $0x280, s4;
	s0 =	sor.u32 $0x4000, s0  }
0x4c: {  	s12 =	sor.u32 s4, s0;
	s4 =	sand.u32 $0x380, s26  }
0x4d: {  	s19 =	sor.u32 s4, s0;
	v14 =	vld.idx.msk [tilespmem:v14+s2+$0x0], $0xffff;
	[tilespmem:v8+s12+$0x0 ss:$0x1] =	vst.idx.msk $0xffff, v11  }
0x4e: {  	v12 =	vor.u32 $0x2, v9;
	[tilespmem:v8+s19+$0x0 ss:$0x1] =	vst.idx.msk $0xffff, v15;
	v15 =	vor.u32 s14, v10;
	v11 =	vld.idx.msk [tilespmem:v13+s2+$0x0], $0xffff  }
0x4f: {  	s3 =	simm.s32 $0x100;
	v17 =	vor.u32 s13, v12;
	v16 =	vld.idx.msk [tilespmem:v16+s2+$0x0], $0xffff  }
0x50: {  	s4 =	sand.u32 $0x300, s3  }
0x51: {  	s15 =	sor.u32 s4, s0  }
0x52: {  	s16 =	simm.s32 $0x0;
	v18 =	vor.u32 s21, v12;
	[tilespmem:v8+s15+$0x0 ss:$0x1] =	vst.idx.msk $0xffff, v14  }
0x53: {  	v19 =	vor.u32 s16, v9;
	v14 =	vld.idx.msk [tilespmem:v15+s2+$0x0], $0xffff;
	[tilespmem:v8+s12+$0x10 ss:$0x1] =	vst.idx.msk $0xffff, v11  }
0x54: {  	v13 =	vor.u32 $0x3, v9;
	[tilespmem:v8+s19+$0x10 ss:$0x1] =	vst.idx.msk $0xffff, v16;
	v16 =	vor.u32 s14, v12;
	v11 =	vld.idx.msk [tilespmem:v17+s2+$0x0], $0xffff  }
0x55: {  	s18 =	simm.s32 $0x38;
	v17 =	vor.u32 s13, v13  }
0x56: {  	v21 =	vor.u32 s18, v9  }
0x57: {  	v15 =	vld.idx.msk [tilespmem:v18+s2+$0x0], $0xffff  }
0x58: {  	v18 =	vld.idx.msk [tilespmem:v19+s2+$0x0], $0xffff;
	v19 =	vor.u32 s21, v13;
	[tilespmem:v8+s15+$0x10 ss:$0x1] =	vst.idx.msk $0xffff, v14  }
0x59: {  	s20 =	simm.s32 $0x28;
	v20 =	vor.u32 s16, v10;
	v16 =	vld.idx.msk [tilespmem:v16+s2+$0x0], $0xffff;
	[tilespmem:v8+s12+$0x20 ss:$0x1] =	vst.idx.msk $0xffff, v11  }
0x5a: {  	s5 =	sand.u32 $0x7, s10;
	v22 =	vor.u32 s20, v9;
	v11 =	vor.u32 $0x4, v9;
	v17 =	vld.idx.msk [tilespmem:v17+s2+$0x0], $0xffff  }
0x5b: {  	s0 =	sshll.u32 s5, $0xB;
	v21 =	vld.idx.msk [tilespmem:v21+s2+$0x0], $0xffff;
	v14 =	vor.u32 s13, v11  }
0x5c: {  	s6 =	simm.s32 $0x200;
	v25 =	vor.u32 s18, v10;
	s17 =	sor.u32 $0x4040, s0;
	[tilespmem:v8+s19+$0x20 ss:$0x1] =	vst.idx.msk $0xffff, v15  }
0x5d: {  	s31 =	simm.s32 $0x380;
	s0 =	sand.u32 $0x400, s6;
	[tilespmem:s17+$0xFFFFFFC0] =	vst v18;
	v15 =	vor.u32 s14, v13;
	v18 =	vld.idx.msk [tilespmem:v19+s2+$0x0], $0xffff  }
0x5e: {  	s7 =	sand.u32 $0x380, s31;
	s0 =	sor.u32 $0x4000, s0;
	v19 =	vld.idx.msk [tilespmem:v20+s2+$0x0], $0xffff;
	v20 =	vor.u32 s21, v11;
	[tilespmem:v8+s15+$0x20 ss:$0x1] =	vst.idx.msk $0xffff, v16  }
0x5f: {  	s22 =	simm.s32 $0x30;
	s23 =	sor.u32 s7, s0;
	v16 =	vld.idx.msk [tilespmem:v22+s2+$0x0], $0xffff;
	[tilespmem:v8+s12+$0x30 ss:$0x1] =	vst.idx.msk $0xffff, v17;
	v17 =	vor.u32 s16, v12  }
0x60: {  	v23 =	vor.u32 s22, v9;
	[tilespmem:v8+s23+$0x0 ss:$0x1] =	vst.idx.msk $0xffff, v21;
	v24 =	vld.idx.msk [tilespmem:v14+s2+$0x0], $0xffff  }
0x61: {  	s5 =	simm.s32 $0x280;
	v25 =	vld.idx.msk [tilespmem:v25+s2+$0x0], $0xffff;
	v22 =	vor.u32 s20, v10;
	v14 =	vor.u32 $0x5, v9  }
0x62: {  	s8 =	sand.u32 $0x280, s5;
	v15 =	vld.idx.msk [tilespmem:v15+s2+$0x0], $0xffff;
	[tilespmem:v8+s19+$0x30 ss:$0x1] =	vst.idx.msk $0xffff, v18;
	v18 =	vor.u32 s13, v14  }
0x63: {  	s25 =	sor.u32 s8, s0;
	v31 =	vor.u32 s14, v11;
	[tilespmem:s17+$0xFFFFFFD0] =	vst v19;
	v19 =	vld.idx.msk [tilespmem:v20+s2+$0x0], $0xffff  }
0x64: {  	v20 =	vor.u32 s21, v14;
	[tilespmem:v8+s25+$0x0 ss:$0x1] =	vst.idx.msk $0xffff, v16;
	v17 =	vld.idx.msk [tilespmem:v17+s2+$0x0], $0xffff  }
0x65: {  	v21 =	vld.idx.msk [tilespmem:v23+s2+$0x0], $0xffff;
	[tilespmem:v8+s12+$0x40 ss:$0x1] =	vst.idx.msk $0xffff, v24;
	v24 =	vor.u32 s16, v13  }
0x66: {  	v26 =	vor.u32 s22, v10;
	[tilespmem:v8+s23+$0x10 ss:$0x1] =	vst.idx.msk $0xffff, v25;
	v22 =	vld.idx.msk [tilespmem:v22+s2+$0x0], $0xffff  }
0x67: {  	s9 =	simm.s32 $0x300;
	v27 =	vor.u32 s18, v12;
	[tilespmem:v8+s15+$0x30 ss:$0x1] =	vst.idx.msk $0xffff, v15;
	v28 =	vld.idx.msk [tilespmem:v18+s2+$0x0], $0xffff  }
0x68: {  	s4 =	sand.u32 $0x300, s9;
	v30 =	vor.u32 s20, v12;
	v16 =	vor.u32 $0x6, v9;
	v25 =	vld.idx.msk [tilespmem:v31+s2+$0x0], $0xffff;
	[tilespmem:v8+s19+$0x40 ss:$0x1] =	vst.idx.msk $0xffff, v19  }
0x69: {  	s29 =	simm.s32 $0x20;
	s26 =	sor.u32 s4, s0;
	v29 =	vor.u32 s13, v16;
	v23 =	vld.idx.msk [tilespmem:v20+s2+$0x0], $0xffff;
	[tilespmem:s17+$0xFFFFFFE0] =	vst v17  }
0x6a: {  	[tilespmem:v8+s26+$0x0 ss:$0x1] =	vst.idx.msk $0xffff, v21;
	v19 =	vor.u32 s29, v9;
	v21 =	vld.idx.msk [tilespmem:v24+s2+$0x0], $0xffff  }
0x6b: {  	s24 =	sshll.u32 s1, $0xD;
	v20 =	vld.idx.msk [tilespmem:v26+s2+$0x0], $0xffff;
	v26 =	vor.u32 s21, v16;
	[tilespmem:v8+s25+$0x10 ss:$0x1] =	vst.idx.msk $0xffff, v22  }
0x6c: {  	s28 =	sshrl.u32 s24, $0x2;
	s30 =	sadd.s32 $0x200, s17;
	v15 =	vor.u32 $0x7, v9;
	v22 =	vld.idx.msk [tilespmem:v27+s2+$0x0], $0xffff;
	[tilespmem:v8+s12+$0x50 ss:$0x1] =	vst.idx.msk $0xffff, v28;
	v28 =	vor.u32 s22, v12  }
0x6d: {  	s9 =	simm.s32 $0x58;
	s6 =	simm.s32 $0x4;
	s1 =	smov.u32 s30;
	v18 =	vor.u32 s29, v10;
	v27 =	vor.u32 s16, v11;
	v17 =	vor.u32 s20, v13;
	v24 =	vld.idx.msk [tilespmem:v30+s2+$0x0], $0xffff  }
.LBB2_4:
0x6e: {  	s0 =	sadd.s32 $0xFFFFFFE8, s9;
	v30 =	vor.u32 s9, v9;
	s6 =	sadd.s32 $0x4, s6;
	v29 =	vld.idx.msk [tilespmem:v29+s2+$0x0], $0xffff;
	[tilespmem:v8+s19+$0x50 ss:$0x1] =	vst.idx.msk $0xffff, v23  }
0x6f: {  	s8 =	sadd.s32 $0xFFFFFFF0, s9;
	p1 =	slt.u32 s6, $0xC;
	v23 =	vld.idx.msk [tilespmem:v19+s2+$0x0], $0xffff;
	v19 =	vor.u32 s0, v9;
	[tilespmem:s17+$0xFFFFFFF0] =	vst v21  }
0x70: {  	s5 =	sadd.s32 $0xFFFFFFF8, s9;
	v21 =	vor.u32 s8, v9;
	v31 =	vor.u32 s8, v13;
	[tilespmem:v8+s26+$0x10 ss:$0x1] =	vst.idx.msk $0xffff, v20;
	v20 =	vor.u32 s14, v14;
	v26 =	vld.idx.msk [tilespmem:v26+s2+$0x0], $0xffff  }
0x71: {  	v32 =	vor.u32 s5, v9;
	v28 =	vld.idx.msk [tilespmem:v28+s2+$0x0], $0xffff;
	[tilespmem:v8+s23+$0x20 ss:$0x1] =	vst.idx.msk $0xffff, v22  }
0x72: {  	[tilespmem:v8+s25+$0x20 ss:$0x1] =	vst.idx.msk $0xffff, v24;
	v22 =	vld.idx.msk [tilespmem:v27+s2+$0x0], $0xffff;
	v24 =	vor.u32 s21, v15;
	s21 =	smov.u32 s18;
	s18 =	smov.u32 s9  }
0x73: {  	v27 =	vld.idx.msk [tilespmem:v17+s2+$0x0], $0xffff;
	v33 =	vor.u32 s21, v13;
	[tilespmem:v8+s15+$0x40 ss:$0x1] =	vst.idx.msk $0xffff, v25;
	v17 =	vmov v31  }
0x74: {  	s31 =	sadd.s32 $0x200, s31;
	v25 =	vld.idx.msk [tilespmem:v30+s2+$0x0], $0xffff;
	v30 =	vor.u32 s16, v14;
	[tilespmem:v8+s12+$0x60 ss:$0x1] =	vst.idx.msk $0xffff, v29  }
0x75: {  	s4 =	sadd.s32 $0xFFFFFE80, s31;
	v29 =	vor.u32 s9, v10;
	[tilespmem:s30+$0xFFFFFFC0] =	vst v23;
	v23 =	vor.u32 s20, v11;
	v20 =	vld.idx.msk [tilespmem:v20+s2+$0x0], $0xffff  }
0x76: {  	s4 =	sand.u32 $0x400, s4;
	v31 =	vld.idx.msk [tilespmem:v18+s2+$0x0], $0xffff;
	v18 =	vor.u32 s0, v10;
	[tilespmem:v8+s19+$0x60 ss:$0x1] =	vst.idx.msk $0xffff, v26  }
0x77: {  	s7 =	sor.u32 $0x4000, s4;
	s4 =	sand.u32 $0x380, s31;
	v26 =	vor.u32 s8, v10;
	[tilespmem:v8+s26+$0x20 ss:$0x1] =	vst.idx.msk $0xffff, v28;
	v28 =	vor.u32 s22, v13;
	v24 =	vld.idx.msk [tilespmem:v24+s2+$0x0], $0xffff  }
0x78: {  	s24 =	sadd.s32 $0xFFFFFF00, s31;
	v34 =	vor.u32 s5, v10;
	s3 =	sor.u32 s4, s7;
	v33 =	vld.idx.msk [tilespmem:v33+s2+$0x0], $0xffff;
	[tilespmem:s17+$0x0] =	vst v22  }
0x79: {  	s4 =	sand.u32 $0x280, s24;
	s24 =	sadd.s32 $0xFFFFFF80, s31;
	s30 =	sadd.s32 $0x200, s30;
	[tilespmem:v8+s25+$0x30 ss:$0x1] =	vst.idx.msk $0xffff, v27;
	v22 =	vld.idx.msk [tilespmem:v30+s2+$0x0], $0xffff  }
0x7a: {  	s4 =	sor.u32 s4, s7;
	s24 =	sand.u32 $0x300, s24;
	[tilespmem:v8+s3+$0x0 ss:$0x1] =	vst.idx.msk $0xffff, v25;
	v23 =	vld.idx.msk [tilespmem:v23+s2+$0x0], $0xffff;
	v25 =	vor.u32 s14, v16  }
0x7b: {  	s7 =	sor.u32 s24, s7;
	v27 =	vor.u32 s16, v16;
	v21 =	vld.idx.msk [tilespmem:v21+s2+$0x0], $0xffff;
	[tilespmem:v8+s15+$0x50 ss:$0x1] =	vst.idx.msk $0xffff, v20  }
0x7c: {  	[tilespmem:s1+$0xFFFFFFD0] =	vst v31;
	v20 =	vld.idx.msk [tilespmem:v28+s2+$0x0], $0xffff;
	v28 =	vor.u32 s21, v11  }
0x7d: {  	v31 =	vor.u32 s29, v12;
	v30 =	vld.idx.msk [tilespmem:v32+s2+$0x0], $0xffff;
	[tilespmem:v8+s19+$0x70 ss:$0x1] =	vst.idx.msk $0xffff, v24;
	s19 =	smov.u32 s23;
	s23 =	smov.u32 s3  }
0x7e: {  	v24 =	vld.idx.msk [tilespmem:v29+s2+$0x0], $0xffff;
	v29 =	vor.u32 s20, v14;
	[tilespmem:v8+s19+$0x30 ss:$0x1] =	vst.idx.msk $0xffff, v33  }
0x7f: {  	[tilespmem:s17+$0x10] =	vst v22;
	v22 =	vor.u32 s13, v15;
	v25 =	vld.idx.msk [tilespmem:v25+s2+$0x0], $0xffff;
	s13 =	smov.u32 s20;
	s20 =	smov.u32 s8  }
0x80: {  	[tilespmem:v8+s25+$0x40 ss:$0x1] =	vst.idx.msk $0xffff, v23;
	v23 =	vld.idx.msk [tilespmem:v27+s2+$0x0], $0xffff  }
0x81: {  	v27 =	vor.u32 s14, v15;
	s14 =	smov.u32 s22;
	s22 =	smov.u32 s5;
	[tilespmem:v8+s4+$0x0 ss:$0x1] =	vst.idx.msk $0xffff, v21;
	v21 =	vld.idx.msk [tilespmem:v28+s2+$0x0], $0xffff  }
0x82: {  	v28 =	vld.idx.msk [tilespmem:v31+s2+$0x0], $0xffff;
	[tilespmem:v8+s26+$0x30 ss:$0x1] =	vst.idx.msk $0xffff, v20;
	v20 =	vor.u32 s16, v15;
	s16 =	smov.u32 s29;
	s29 =	smov.u32 s0  }
0x83: {  	[tilespmem:v8+s7+$0x0 ss:$0x1] =	vst.idx.msk $0xffff, v30;
	v29 =	vld.idx.msk [tilespmem:v29+s2+$0x0], $0xffff;
	v30 =	vor.u32 s21, v14  }
0x84: {  	[tilespmem:v8+s23+$0x10 ss:$0x1] =	vst.idx.msk $0xffff, v24;
	v24 =	vor.u32 s16, v13;
	v22 =	vld.idx.msk [tilespmem:v22+s2+$0x0], $0xffff  }
0x85: {  	v26 =	vld.idx.msk [tilespmem:v26+s2+$0x0], $0xffff;
	[tilespmem:v8+s15+$0x60 ss:$0x1] =	vst.idx.msk $0xffff, v25  }
0x86: {  	v25 =	vor.u32 s9, v12;
	[tilespmem:s17+$0x20] =	vst v23;
	v27 =	vld.idx.msk [tilespmem:v27+s2+$0x0], $0xffff  }
0x87: {  	v31 =	vor.u32 s20, v12;
	[tilespmem:v8+s19+$0x40 ss:$0x1] =	vst.idx.msk $0xffff, v21;
	v32 =	vld.idx.msk [tilespmem:v20+s2+$0x0], $0xffff  }
0x88: {  	v33 =	vor.u32 s14, v11;
	[tilespmem:s1+$0xFFFFFFE0] =	vst v28;
	v23 =	vld.idx.msk [tilespmem:v30+s2+$0x0], $0xffff  }
.Ltmp5:
0x89: {  	v21 =	vld.idx.msk [tilespmem:v24+s2+$0x0], $0xffff;
	[tilespmem:v8+s25+$0x50 ss:$0x1] =	vst.idx.msk $0xffff, v29;
	v29 =	vor.u32 s13, v16;
	(pc) =	sbr.rel @p1 .LBB2_4-.Ltmp5, $4  }
0x8a: {  	v20 =	vld.idx.msk [tilespmem:v34+s2+$0x0], $0xffff;
	[tilespmem:v8+s12+$0x70 ss:$0x1] =	vst.idx.msk $0xffff, v22;
	s12 =	smov.u32 s25;
	s25 =	smov.u32 s4  }
0x8b: {  	[tilespmem:v8+s25+$0x10 ss:$0x1] =	vst.idx.msk $0xffff, v26;
	v22 =	vld.idx.msk [tilespmem:v25+s2+$0x0], $0xffff;
	v26 =	vor.u32 s21, v16  }
0x8c: {  	v28 =	vor.u32 s22, v12;
	v24 =	vld.idx.msk [tilespmem:v31+s2+$0x0], $0xffff;
	[tilespmem:v8+s15+$0x70 ss:$0x1] =	vst.idx.msk $0xffff, v27;
	s15 =	smov.u32 s26;
	s26 =	smov.u32 s7  }
0x8d: {  	s9 =	sadd.s32 $0x20, s9;
	v27 =	vor.u32 s16, v11;
	v25 =	vld.idx.msk [tilespmem:v33+s2+$0x0], $0xffff;
	[tilespmem:s17+$0x30] =	vst v32;
	s17 =	smov.u32 s1;
	s1 =	smov.u32 s30  }
0x8e: {  	_ =	sdelay $0x3  }
0x8f: {  	v9 =	vld.idx.msk [tilespmem:v19+s2+$0x0], $0xffff;
	_ =	sdelay $0x4  }
0x90: {  	[tilespmem:s30+$0xFFFFFFC0] =	vst v9  }
0x91: {  	v9 =	vld.idx.msk [tilespmem:v18+s2+$0x0], $0xffff  }
0x92: {  	v10 =	vor.u32 s29, v12  }
0x93: {  	[tilespmem:v8+s19+$0x50 ss:$0x1] =	vst.idx.msk $0xffff, v23  }
0x94: {  	[tilespmem:s17+$0xFFFFFFF0] =	vst v21  }
0x95: {  	v60 =	vld.idx.msk [tilespmem:v29+s2+$0x0], $0xffff;
	v61 =	vor.u32 s18, v13;
	[tilespmem:v8+s26+$0x10 ss:$0x1] =	vst.idx.msk $0xffff, v20  }
0x96: {  	v62 =	vld.idx.msk [tilespmem:v28+s2+$0x0], $0xffff;
	[tilespmem:s1+$0xFFFFFFD0] =	vst v9  }
0x97: {  	v63 =	vor.u32 s22, v13;
	[tilespmem:v8+s23+$0x20 ss:$0x1] =	vst.idx.msk $0xffff, v22;
	v10 =	vld.idx.msk [tilespmem:v10+s2+$0x0], $0xffff  }
0x98: {  	v26 =	vld.idx.msk [tilespmem:v26+s2+$0x0], $0xffff;
	v28 =	vor.u32 s29, v13;
	[tilespmem:v8+s25+$0x20 ss:$0x1] =	vst.idx.msk $0xffff, v24  }
0x99: {  	v29 =	vor.u32 s14, v14;
	v30 =	vld.idx.msk [tilespmem:v27+s2+$0x0], $0xffff;
	[tilespmem:v8+s15+$0x40 ss:$0x1] =	vst.idx.msk $0xffff, v25  }
0x9a: {  	v31 =	vor.u32 s21, v15;
	[tilespmem:v8+s12+$0x60 ss:$0x1] =	vst.idx.msk $0xffff, v60;
	v32 =	vld.idx.msk [tilespmem:v61+s2+$0x0], $0xffff  }
0x9b: {  	v33 =	vor.u32 s18, v11;
	v17 =	vld.idx.msk [tilespmem:v17+s2+$0x0], $0xffff;
	[tilespmem:v8+s26+$0x20 ss:$0x1] =	vst.idx.msk $0xffff, v62  }
0x9c: {  	v34 =	vor.u32 s20, v11;
	v9 =	vld.idx.msk [tilespmem:v63+s2+$0x0], $0xffff;
	[tilespmem:s1+$0xFFFFFFE0] =	vst v10  }
0x9d: {  	v35 =	vor.u32 s22, v11;
	[tilespmem:v8+s19+$0x60 ss:$0x1] =	vst.idx.msk $0xffff, v26;
	v13 =	vld.idx.msk [tilespmem:v28+s2+$0x0], $0xffff  }
0x9e: {  	v37 =	vor.u32 s29, v11;
	v36 =	vld.idx.msk [tilespmem:v29+s2+$0x0], $0xffff;
	[tilespmem:s17+$0x0] =	vst v30  }
0x9f: {  	v38 =	vor.u32 s16, v14;
	v39 =	vld.idx.msk [tilespmem:v31+s2+$0x0], $0xffff;
	[tilespmem:v8+s23+$0x30 ss:$0x1] =	vst.idx.msk $0xffff, v32  }
0xa0: {  	v49 =	vor.u32 s13, v15;
	[tilespmem:v8+s25+$0x30 ss:$0x1] =	vst.idx.msk $0xffff, v17;
	v41 =	vld.idx.msk [tilespmem:v33+s2+$0x0], $0xffff  }
0xa1: {  	v43 =	vor.u32 s18, v14;
	v42 =	vld.idx.msk [tilespmem:v34+s2+$0x0], $0xffff;
	[tilespmem:v8+s26+$0x30 ss:$0x1] =	vst.idx.msk $0xffff, v9  }
0xa2: {  	v44 =	vor.u32 s20, v14;
	v10 =	vld.idx.msk [tilespmem:v35+s2+$0x0], $0xffff;
	[tilespmem:s1+$0xFFFFFFF0] =	vst v13  }
0xa3: {  	v45 =	vor.u32 s22, v14;
	[tilespmem:v8+s15+$0x50 ss:$0x1] =	vst.idx.msk $0xffff, v36;
	v11 =	vld.idx.msk [tilespmem:v37+s2+$0x0], $0xffff  }
0xa4: {  	v47 =	vor.u32 s29, v14;
	v46 =	vld.idx.msk [tilespmem:v38+s2+$0x0], $0xffff;
	[tilespmem:v8+s19+$0x70 ss:$0x1] =	vst.idx.msk $0xffff, v39  }
0xa5: {  	v40 =	vor.u32 s14, v16;
	v17 =	vld.idx.msk [tilespmem:v49+s2+$0x0], $0xffff;
	[tilespmem:v8+s23+$0x40 ss:$0x1] =	vst.idx.msk $0xffff, v41  }
0xa6: {  	v48 =	vor.u32 s16, v16;
	[tilespmem:v8+s25+$0x40 ss:$0x1] =	vst.idx.msk $0xffff, v42;
	v9 =	vld.idx.msk [tilespmem:v43+s2+$0x0], $0xffff  }
0xa7: {  	v50 =	vor.u32 s18, v16;
	v18 =	vld.idx.msk [tilespmem:v44+s2+$0x0], $0xffff;
	[tilespmem:v8+s26+$0x40 ss:$0x1] =	vst.idx.msk $0xffff, v10  }
0xa8: {  	v51 =	vor.u32 s20, v16;
	v13 =	vld.idx.msk [tilespmem:v45+s2+$0x0], $0xffff;
	[tilespmem:s1+$0x0] =	vst v11  }
0xa9: {  	v52 =	vor.u32 s22, v16;
	[tilespmem:s17+$0x10] =	vst v46;
	v11 =	vld.idx.msk [tilespmem:v47+s2+$0x0], $0xffff  }
0xaa: {  	v53 =	vor.u32 s29, v16;
	v12 =	vld.idx.msk [tilespmem:v40+s2+$0x0], $0xffff;
	[tilespmem:v8+s12+$0x70 ss:$0x1] =	vst.idx.msk $0xffff, v17  }
0xab: {  	v54 =	vor.u32 s14, v15;
	v20 =	vld.idx.msk [tilespmem:v48+s2+$0x0], $0xffff;
	[tilespmem:v8+s23+$0x50 ss:$0x1] =	vst.idx.msk $0xffff, v9  }
0xac: {  	v55 =	vor.u32 s16, v15;
	[tilespmem:v8+s25+$0x50 ss:$0x1] =	vst.idx.msk $0xffff, v18;
	v56 =	vld.idx.msk [tilespmem:v50+s2+$0x0], $0xffff  }
0xad: {  	v57 =	vor.u32 s18, v15;
	v10 =	vld.idx.msk [tilespmem:v51+s2+$0x0], $0xffff;
	[tilespmem:v8+s26+$0x50 ss:$0x1] =	vst.idx.msk $0xffff, v13  }
0xae: {  	v58 =	vor.u32 s20, v15;
	v13 =	vld.idx.msk [tilespmem:v52+s2+$0x0], $0xffff;
	[tilespmem:s1+$0x10] =	vst v11  }
0xaf: {  	v59 =	vor.u32 s22, v15;
	[tilespmem:v8+s15+$0x60 ss:$0x1] =	vst.idx.msk $0xffff, v12;
	v12 =	vld.idx.msk [tilespmem:v53+s2+$0x0], $0xffff  }
0xb0: {  	v60 =	vor.u32 s29, v15;
	v16 =	vld.idx.msk [tilespmem:v54+s2+$0x0], $0xffff;
	[tilespmem:s17+$0x20] =	vst v20  }
0xb1: {  	v9 =	vld.idx.msk [tilespmem:v55+s2+$0x0], $0xffff;
	[tilespmem:v8+s23+$0x60 ss:$0x1] =	vst.idx.msk $0xffff, v56  }
0xb2: {  	[tilespmem:v8+s25+$0x60 ss:$0x1] =	vst.idx.msk $0xffff, v10;
	v61 =	vld.idx.msk [tilespmem:v57+s2+$0x0], $0xffff  }
0xb3: {  	[tilespmem:v8+s26+$0x60 ss:$0x1] =	vst.idx.msk $0xffff, v13;
	v11 =	vld.idx.msk [tilespmem:v58+s2+$0x0], $0xffff  }
0xb4: {  	v62 =	vld.idx.msk [tilespmem:v59+s2+$0x0], $0xffff;
	[tilespmem:s1+$0x20] =	vst v12  }
0xb5: {  	[tilespmem:v8+s15+$0x70 ss:$0x1] =	vst.idx.msk $0xffff, v16;
	v63 =	vld.idx.msk [tilespmem:v60+s2+$0x0], $0xffff  }
0xb6: {  	[tilespmem:s17+$0x30] =	vst v9  }
0xb7: {  	[tilespmem:v8+s23+$0x70 ss:$0x1] =	vst.idx.msk $0xffff, v61  }
0xb8: {  	[tilespmem:v8+s25+$0x70 ss:$0x1] =	vst.idx.msk $0xffff, v11  }
0xb9: {  	[tilespmem:v8+s26+$0x70 ss:$0x1] =	vst.idx.msk $0xffff, v62  }
0xba: {  	[tilespmem:s1+$0x30] =	vst v63  }
0xbb: {  	s0 =	sshll.u32 s11, $0xD;
	s3 =	rddreg [dreg:$0x7]  }
0xbc: {  	s31 =	sor.u32 $0x4000, s28;
	s0 =	sadd.s32 s0, s3  }
0xbd: {  	[hbm4b:s0+s2] =	stream.linear.scatter [tilespmem:s31], [sflag:$0x2], $0x800, $0x38;
	[tilespmem:$0x8000] =	vst v63  }
.Ltmp6:
0xbe: {  	s9 =	rddreg [dreg:$0x3];
	s0 =	sadd.s32 $0x8, s11;
	(pc) =	sbr.rel .LBB2_6-.Ltmp6, $4  }
0xbf: {  	p1 =	sge.u32 s0, s9  }
0xc0: {  	s1 =	rddreg [dreg:$0x4];
	s0 =	sshll.u32 @!p1 s0, $0xC  }
0xc1: {  	s3 =	simm.s32 @!p1 $0x7A1400;
	s0 =	sadd.s32 @!p1 s0, s1;
	s1 =	simm.s32 @!p1 $0x400  }
0xc2: {  	[tilespmem:s28], [sflag:$0x1] =	stream.strided.gather @!p1 [hbm4b:s0+s1], $0x800, s3, s1, $0x38;
	[tilespmem:$0x8000] =	vst v63  }
.LBB2_7:
0xc3: {  	s0 =	simm.s32 $0x2  }
0xc4: {  	_ =	swait.ge [sflag:s0], $0x800  }
0xc5: {  	[sflag:s0] =	ssyncset.done $0x0  }
0xc6: {  	[sflag:s0] =	ssyncadd.s32 $0xFFFFF800  }
0xc7: {  	_ =	swait.ge [sflag:s0], $0x800  }
0xc8: {  	[sflag:s0] =	ssyncset.done $0x0  }
0xc9: {  	[sflag:s0] =	ssyncadd.s32 $0xFFFFF800  }
0xca: {  	_ =	swait.ge [sflag:s0], $0x800  }
0xcb: {  	[sflag:s0] =	ssyncset.done $0x0  }
0xcc: {  	[sflag:s0] =	ssyncadd.s32 $0xFFFFF800  }
0xcd: {  	_ =	swait.ge [sflag:s0], $0x800  }
0xce: {  	[sflag:s0] =	ssyncset.done $0x0  }
0xcf: {  	[sflag:s0] =	ssyncadd.s32 $0xFFFFF800  }
0xd0: {  	_ =	swait.ge [sflag:s0], $0x800  }
0xd1: {  	[sflag:s0] =	ssyncset.done $0x0  }
0xd2: {  	[sflag:s0] =	ssyncadd.s32 $0xFFFFF800  }
0xd3: {  	_ =	swait.ge [sflag:s0], $0x800  }
0xd4: {  	[sflag:s0] =	ssyncset.done $0x0  }
0xd5: {  	[sflag:s0] =	ssyncadd.s32 $0xFFFFF800  }
0xd6: {  	_ =	swait.ge [sflag:s0], $0x800  }
.Ltmp7:
0xd7: {  	[sflag:s0] =	ssyncset.done $0x0;
	(pc) =	sbr.rel @p0 .LBB2_11-.Ltmp7, $4  }
0xd8: {  	[sflag:s0] =	ssyncadd.s32 $0xFFFFF800  }
0xd9: {  	_ =	swait.ge [sflag:s0], $0x800  }
0xda: {  	[sflag:s0] =	ssyncset.done $0x0  }
0xdb: {  	s1 =	rddreg [dreg:$0x1f];
	[sflag:s0] =	ssyncadd.s32 $0xFFFFF800  }
0xdc: {  	s0 =	simm.s32 $0x0  }
0xdd: {  	s1 =	rddreg [dreg:$0x8];
	s3 =	simm.s32 $0x400;
	s4 =	simm.s32 $0x80  }
0xde: {  	[tilespmem:s0], [sflag:$0x3] =	stream.strided.gather [hbm4b:s1+s4], $0x0, s3, s4, $0x38;
	[tilespmem:$0x8000] =	vst v63  }
0xdf: {  	s5 =	simm.s32 $0x3  }
0xe0: {  	[tilespmem:s0], [sflag:$0x3] =	stream.linear.gather [hbm4b:s1+s0], $0x40, $0x38;
	[tilespmem:$0x8000] =	vst v63  }
0xe1: {  	_ =	swait.ge [sflag:s5], $0x40  }
0xe2: {  	[sflag:s5] =	ssyncset.done $0x0  }
0xe3: {  	s28 =	rddreg [dreg:$0x9];
	[sflag:s5] =	ssyncadd.s32 $0xFFFFFFC0  }
0xe4: {  	[tilespmem:s4], [sflag:$0x3] =	stream.strided.gather [hbm4b:s28+s4], $0x0, s3, s4, $0x38;
	[tilespmem:$0x8000] =	vst v63  }
0xe5: {  	_ = 	snop  }
0xe6: {  	[tilespmem:s4], [sflag:$0x3] =	stream.linear.gather [hbm4b:s28+s0], $0x40, $0x38;
	[tilespmem:$0x8000] =	vst v63  }
0xe7: {  	_ =	swait.ge [sflag:s5], $0x40  }
0xe8: {  	[sflag:s5] =	ssyncset.done $0x0  }
0xe9: {  	s6 =	simm.s32 $0x100;
	s29 =	rddreg [dreg:$0xa];
	[sflag:s5] =	ssyncadd.s32 $0xFFFFFFC0  }
0xea: {  	[tilespmem:s6], [sflag:$0x3] =	stream.strided.gather [hbm4b:s29+s4], $0x0, s3, s4, $0x38;
	[tilespmem:$0x8000] =	vst v63  }
0xeb: {  	_ = 	snop  }
0xec: {  	[tilespmem:s6], [sflag:$0x3] =	stream.linear.gather [hbm4b:s29+s0], $0x40, $0x38;
	[tilespmem:$0x8000] =	vst v63  }
0xed: {  	_ =	swait.ge [sflag:s5], $0x40  }
0xee: {  	[sflag:s5] =	ssyncset.done $0x0  }
0xef: {  	s31 =	simm.s32 $0x180;
	s30 =	rddreg [dreg:$0xb];
	[sflag:s5] =	ssyncadd.s32 $0xFFFFFFC0  }
0xf0: {  	[tilespmem:s31], [sflag:$0x3] =	stream.strided.gather [hbm4b:s30+s4], $0x0, s3, s4, $0x38;
	[tilespmem:$0x8000] =	vst v63  }
0xf1: {  	_ = 	snop  }
0xf2: {  	[tilespmem:s31], [sflag:$0x3] =	stream.linear.gather [hbm4b:s30+s0], $0x40, $0x38;
	[tilespmem:$0x8000] =	vst v63  }
0xf3: {  	_ =	swait.ge [sflag:s5], $0x40  }
0xf4: {  	[sflag:s5] =	ssyncset.done $0x0  }
0xf5: {  	s8 =	simm.s32 $0x200;
	s7 =	rddreg [dreg:$0xc];
	[sflag:s5] =	ssyncadd.s32 $0xFFFFFFC0  }
0xf6: {  	[tilespmem:s8], [sflag:$0x3] =	stream.strided.gather [hbm4b:s7+s4], $0x0, s3, s4, $0x38;
	[tilespmem:$0x8000] =	vst v63  }
0xf7: {  	_ = 	snop  }
0xf8: {  	[tilespmem:s8], [sflag:$0x3] =	stream.linear.gather [hbm4b:s7+s0], $0x40, $0x38;
	[tilespmem:$0x8000] =	vst v63  }
0xf9: {  	_ =	swait.ge [sflag:s5], $0x40  }
0xfa: {  	[sflag:s5] =	ssyncset.done $0x0  }
0xfb: {  	s11 =	simm.s32 $0x280;
	s10 =	rddreg [dreg:$0xd];
	[sflag:s5] =	ssyncadd.s32 $0xFFFFFFC0  }
0xfc: {  	[tilespmem:s11], [sflag:$0x3] =	stream.strided.gather [hbm4b:s10+s4], $0x0, s3, s4, $0x38;
	[tilespmem:$0x8000] =	vst v63  }
0xfd: {  	_ = 	snop  }
0xfe: {  	[tilespmem:s11], [sflag:$0x3] =	stream.linear.gather [hbm4b:s10+s0], $0x40, $0x38;
	[tilespmem:$0x8000] =	vst v63  }
0xff: {  	_ =	swait.ge [sflag:s5], $0x40  }
0x100: {  	[sflag:s5] =	ssyncset.done $0x0  }
0x101: {  	s13 =	simm.s32 $0x300;
	s12 =	rddreg [dreg:$0xe];
	[sflag:s5] =	ssyncadd.s32 $0xFFFFFFC0  }
0x102: {  	[tilespmem:s13], [sflag:$0x3] =	stream.strided.gather [hbm4b:s12+s4], $0x0, s3, s4, $0x38;
	[tilespmem:$0x8000] =	vst v63  }
0x103: {  	_ = 	snop  }
0x104: {  	[tilespmem:s13], [sflag:$0x3] =	stream.linear.gather [hbm4b:s12+s0], $0x40, $0x38;
	[tilespmem:$0x8000] =	vst v63  }
0x105: {  	_ =	swait.ge [sflag:s5], $0x40  }
0x106: {  	[sflag:s5] =	ssyncset.done $0x0  }
0x107: {  	s15 =	simm.s32 $0x380;
	s14 =	rddreg [dreg:$0xf];
	[sflag:s5] =	ssyncadd.s32 $0xFFFFFFC0  }
0x108: {  	[tilespmem:s15], [sflag:$0x3] =	stream.strided.gather [hbm4b:s14+s4], $0x0, s3, s4, $0x38;
	[tilespmem:$0x8000] =	vst v63  }
0x109: {  	_ = 	snop  }
0x10a: {  	[tilespmem:s15], [sflag:$0x3] =	stream.linear.gather [hbm4b:s14+s0], $0x40, $0x38;
	[tilespmem:$0x8000] =	vst v63  }
0x10b: {  	_ =	swait.ge [sflag:s5], $0x40  }
0x10c: {  	[sflag:s5] =	ssyncset.done $0x0  }
0x10d: {  	s16 =	rddreg [dreg:$0x10];
	[sflag:s5] =	ssyncadd.s32 $0xFFFFFFC0  }
0x10e: {  	[tilespmem:s3], [sflag:$0x3] =	stream.strided.gather [hbm4b:s16+s4], $0x0, s3, s4, $0x38;
	[tilespmem:$0x8000] =	vst v63  }
0x10f: {  	_ = 	snop  }
0x110: {  	[tilespmem:s3], [sflag:$0x3] =	stream.linear.gather [hbm4b:s16+s0], $0x40, $0x38;
	[tilespmem:$0x8000] =	vst v63  }
0x111: {  	_ =	swait.ge [sflag:s5], $0x40  }
0x112: {  	[sflag:s5] =	ssyncset.done $0x0  }
0x113: {  	s18 =	simm.s32 $0x480;
	s17 =	rddreg [dreg:$0x11];
	[sflag:s5] =	ssyncadd.s32 $0xFFFFFFC0  }
0x114: {  	[tilespmem:s18], [sflag:$0x3] =	stream.strided.gather [hbm4b:s17+s4], $0x0, s3, s4, $0x38;
	[tilespmem:$0x8000] =	vst v63  }
0x115: {  	_ = 	snop  }
0x116: {  	[tilespmem:s18], [sflag:$0x3] =	stream.linear.gather [hbm4b:s17+s0], $0x40, $0x38;
	[tilespmem:$0x8000] =	vst v63  }
0x117: {  	_ =	swait.ge [sflag:s5], $0x40  }
0x118: {  	[sflag:s5] =	ssyncset.done $0x0  }
0x119: {  	s20 =	simm.s32 $0x500;
	s19 =	rddreg [dreg:$0x12];
	[sflag:s5] =	ssyncadd.s32 $0xFFFFFFC0  }
0x11a: {  	[tilespmem:s20], [sflag:$0x3] =	stream.strided.gather [hbm4b:s19+s4], $0x0, s3, s4, $0x38;
	[tilespmem:$0x8000] =	vst v63  }
0x11b: {  	_ = 	snop  }
0x11c: {  	[tilespmem:s20], [sflag:$0x3] =	stream.linear.gather [hbm4b:s19+s0], $0x40, $0x38;
	[tilespmem:$0x8000] =	vst v63  }
0x11d: {  	_ =	swait.ge [sflag:s5], $0x40  }
0x11e: {  	[sflag:s5] =	ssyncset.done $0x0  }
0x11f: {  	s22 =	simm.s32 $0x580;
	s21 =	rddreg [dreg:$0x13];
	[sflag:s5] =	ssyncadd.s32 $0xFFFFFFC0  }
0x120: {  	[tilespmem:s22], [sflag:$0x3] =	stream.strided.gather [hbm4b:s21+s4], $0x0, s3, s4, $0x38;
	[tilespmem:$0x8000] =	vst v63  }
0x121: {  	_ = 	snop  }
0x122: {  	[tilespmem:s22], [sflag:$0x3] =	stream.linear.gather [hbm4b:s21+s0], $0x40, $0x38;
	[tilespmem:$0x8000] =	vst v63  }
0x123: {  	_ =	swait.ge [sflag:s5], $0x40  }
0x124: {  	[sflag:s5] =	ssyncset.done $0x0  }
0x125: {  	s24 =	simm.s32 $0x600;
	s23 =	rddreg [dreg:$0x14];
	[sflag:s5] =	ssyncadd.s32 $0xFFFFFFC0  }
0x126: {  	[tilespmem:s24], [sflag:$0x3] =	stream.strided.gather [hbm4b:s23+s4], $0x0, s3, s4, $0x38;
	[tilespmem:$0x8000] =	vst v63  }
0x127: {  	_ = 	snop  }
0x128: {  	[tilespmem:s24], [sflag:$0x3] =	stream.linear.gather [hbm4b:s23+s0], $0x40, $0x38;
	[tilespmem:$0x8000] =	vst v63  }
0x129: {  	_ =	swait.ge [sflag:s5], $0x40  }
0x12a: {  	[sflag:s5] =	ssyncset.done $0x0  }
0x12b: {  	s26 =	simm.s32 $0x680;
	s25 =	rddreg [dreg:$0x15];
	[sflag:s5] =	ssyncadd.s32 $0xFFFFFFC0  }
0x12c: {  	[tilespmem:s26], [sflag:$0x3] =	stream.strided.gather [hbm4b:s25+s4], $0x0, s3, s4, $0x38;
	[tilespmem:$0x8000] =	vst v63  }
0x12d: {  	_ = 	snop  }
0x12e: {  	[tilespmem:s26], [sflag:$0x3] =	stream.linear.gather [hbm4b:s25+s0], $0x40, $0x38;
	[tilespmem:$0x8000] =	vst v63  }
0x12f: {  	_ =	swait.ge [sflag:s5], $0x40  }
0x130: {  	[sflag:s5] =	ssyncset.done $0x0  }
0x131: {  	s29 =	simm.s32 $0x700;
	s28 =	rddreg [dreg:$0x16];
	[sflag:s5] =	ssyncadd.s32 $0xFFFFFFC0  }
0x132: {  	[tilespmem:s29], [sflag:$0x3] =	stream.strided.gather [hbm4b:s28+s4], $0x0, s3, s4, $0x38;
	[tilespmem:$0x8000] =	vst v63  }
0x133: {  	_ = 	snop  }
0x134: {  	[tilespmem:s29], [sflag:$0x3] =	stream.linear.gather [hbm4b:s28+s0], $0x40, $0x38;
	[tilespmem:$0x8000] =	vst v63  }
0x135: {  	_ =	swait.ge [sflag:s5], $0x40  }
0x136: {  	[sflag:s5] =	ssyncset.done $0x0  }
0x137: {  	s31 =	simm.s32 $0x780;
	s30 =	rddreg [dreg:$0x17];
	[sflag:s5] =	ssyncadd.s32 $0xFFFFFFC0  }
0x138: {  	[tilespmem:s31], [sflag:$0x3] =	stream.strided.gather [hbm4b:s30+s4], $0x0, s3, s4, $0x38;
	[tilespmem:$0x8000] =	vst v63  }
0x139: {  	v8 =	vor.u32 s0, v0  }
0x13a: {  	[tilespmem:s31], [sflag:$0x3] =	stream.linear.gather [hbm4b:s30+s0], $0x40, $0x38;
	[tilespmem:$0x8000] =	vst v63  }
0x13b: {  	_ =	swait.ge [sflag:s5], $0x40  }
0x13c: {  	[sflag:s5] =	ssyncset.done $0x0  }
0x13d: {  	[sflag:s5] =	ssyncadd.s32 $0xFFFFFFC0  }
0x13e: {  	v8 =	vld.idx.msk [tilespmem:v8+s2+$0x0], $0xffff  }
0x13f: {  	v9 =	vor.u32 s0, v1;
	_ =	sdelay $0x2  }
0x140: {  	s1 =	simm.s32 $0x4040  }
0x141: {  	[tilespmem:s1+$0xFFFFFFC0] =	vst v8  }
0x142: {  	v8 =	vld.idx.msk [tilespmem:v9+s2+$0x0], $0xffff  }
0x143: {  	v9 =	vor.u32 s0, v2;
	_ =	sdelay $0x3  }
0x144: {  	[tilespmem:s1+$0xFFFFFFD0] =	vst v8  }
0x145: {  	v8 =	vld.idx.msk [tilespmem:v9+s2+$0x0], $0xffff  }
0x146: {  	v9 =	vor.u32 s0, v3;
	_ =	sdelay $0x3  }
0x147: {  	[tilespmem:s1+$0xFFFFFFE0] =	vst v8  }
0x148: {  	v8 =	vld.idx.msk [tilespmem:v9+s2+$0x0], $0xffff  }
0x149: {  	v9 =	vor.u32 s0, v4;
	_ =	sdelay $0x3  }
0x14a: {  	[tilespmem:s1+$0xFFFFFFF0] =	vst v8  }
0x14b: {  	v8 =	vld.idx.msk [tilespmem:v9+s2+$0x0], $0xffff  }
0x14c: {  	v9 =	vor.u32 s0, v5;
	_ =	sdelay $0x3  }
0x14d: {  	[tilespmem:s1+$0x0] =	vst v8  }
0x14e: {  	v8 =	vld.idx.msk [tilespmem:v9+s2+$0x0], $0xffff  }
0x14f: {  	v9 =	vor.u32 s0, v6;
	_ =	sdelay $0x3  }
0x150: {  	[tilespmem:s1+$0x10] =	vst v8  }
0x151: {  	v8 =	vld.idx.msk [tilespmem:v9+s2+$0x0], $0xffff  }
0x152: {  	v9 =	vor.u32 s0, v7;
	_ =	sdelay $0x3  }
0x153: {  	[tilespmem:s1+$0x20] =	vst v8  }
0x154: {  	s6 =	simm.s32 $0x8;
	v8 =	vld.idx.msk [tilespmem:v9+s2+$0x0], $0xffff  }
0x155: {  	s0 =	simm.s32 $0x10;
	v9 =	vor.u32 s6, v0  }
.LBB2_9:
0x156: {  	p1 =	sne.s32 s0, $0x38;
	_ =	sdelay $0x2  }
0x157: {  	[tilespmem:s1+$0x30] =	vst v8  }
0x158: {  	v8 =	vld.idx.msk [tilespmem:v9+s2+$0x0], $0xffff;
	_ =	sdelay $0x1  }
0x159: {  	v9 =	vor.u32 s6, v1;
	_ =	sdelay $0x2  }
0x15a: {  	s1 =	sadd.s32 $0x80, s1  }
0x15b: {  	[tilespmem:s1+$0xFFFFFFC0] =	vst v8  }
0x15c: {  	v8 =	vld.idx.msk [tilespmem:v9+s2+$0x0], $0xffff;
	_ =	sdelay $0x1  }
0x15d: {  	v9 =	vor.u32 s6, v2;
	_ =	sdelay $0x3  }
0x15e: {  	[tilespmem:s1+$0xFFFFFFD0] =	vst v8  }
0x15f: {  	v8 =	vld.idx.msk [tilespmem:v9+s2+$0x0], $0xffff;
	_ =	sdelay $0x1  }
0x160: {  	v9 =	vor.u32 s6, v3;
	_ =	sdelay $0x3  }
0x161: {  	[tilespmem:s1+$0xFFFFFFE0] =	vst v8  }
0x162: {  	v8 =	vld.idx.msk [tilespmem:v9+s2+$0x0], $0xffff;
	_ =	sdelay $0x1  }
0x163: {  	v9 =	vor.u32 s6, v4;
	_ =	sdelay $0x3  }
0x164: {  	[tilespmem:s1+$0xFFFFFFF0] =	vst v8  }
0x165: {  	v8 =	vld.idx.msk [tilespmem:v9+s2+$0x0], $0xffff;
	_ =	sdelay $0x1  }
0x166: {  	v9 =	vor.u32 s6, v5;
	_ =	sdelay $0x3  }
0x167: {  	[tilespmem:s1+$0x0] =	vst v8  }
0x168: {  	v8 =	vld.idx.msk [tilespmem:v9+s2+$0x0], $0xffff;
	_ =	sdelay $0x1  }
0x169: {  	v9 =	vor.u32 s6, v6;
	_ =	sdelay $0x3  }
0x16a: {  	[tilespmem:s1+$0x10] =	vst v8  }
0x16b: {  	v8 =	vld.idx.msk [tilespmem:v9+s2+$0x0], $0xffff;
	_ =	sdelay $0x1  }
0x16c: {  	v9 =	vor.u32 s6, v7;
	s6 =	smov.u32 s0;
	_ =	sdelay $0x2  }
.Ltmp8:
0x16d: {  	(pc) =	sbr.rel @p1 .LBB2_9-.Ltmp8, $3  }
0x16e: {  	[tilespmem:s1+$0x20] =	vst v8  }
0x16f: {  	v8 =	vld.idx.msk [tilespmem:v9+s2+$0x0], $0xffff;
	_ =	sdelay $0x1  }
0x170: {  	s0 =	sadd.s32 $0x8, s0;
	v9 =	vor.u32 s6, v0  }
0x171: {  	_ =	sdelay $0x2  }
0x172: {  	[tilespmem:s1+$0x30] =	vst v8  }
0x173: {  	v8 =	vld.idx.msk [tilespmem:v9+s2+$0x0], $0xffff  }
0x174: {  	v57 =	vor.u32 s6, v1;
	_ =	sdelay $0x2  }
0x175: {  	s0 =	sadd.s32 $0x80, s1  }
0x176: {  	[tilespmem:s0+$0xFFFFFFC0] =	vst v8  }
0x177: {  	v8 =	vld.idx.msk [tilespmem:v57+s2+$0x0], $0xffff  }
0x178: {  	v58 =	vor.u32 s6, v2;
	_ =	sdelay $0x3  }
0x179: {  	[tilespmem:s0+$0xFFFFFFD0] =	vst v8  }
0x17a: {  	v8 =	vld.idx.msk [tilespmem:v58+s2+$0x0], $0xffff  }
0x17b: {  	v59 =	vor.u32 s6, v3;
	_ =	sdelay $0x3  }
0x17c: {  	[tilespmem:s0+$0xFFFFFFE0] =	vst v8  }
0x17d: {  	v8 =	vld.idx.msk [tilespmem:v59+s2+$0x0], $0xffff  }
0x17e: {  	v60 =	vor.u32 s6, v4;
	_ =	sdelay $0x3  }
0x17f: {  	[tilespmem:s0+$0xFFFFFFF0] =	vst v8  }
0x180: {  	v8 =	vld.idx.msk [tilespmem:v60+s2+$0x0], $0xffff  }
0x181: {  	v61 =	vor.u32 s6, v5;
	_ =	sdelay $0x3  }
0x182: {  	[tilespmem:s0+$0x0] =	vst v8  }
0x183: {  	v8 =	vld.idx.msk [tilespmem:v61+s2+$0x0], $0xffff  }
0x184: {  	v62 =	vor.u32 s6, v6;
	_ =	sdelay $0x3  }
0x185: {  	[tilespmem:s0+$0x10] =	vst v8  }
0x186: {  	v8 =	vld.idx.msk [tilespmem:v62+s2+$0x0], $0xffff  }
0x187: {  	v63 =	vor.u32 s6, v7;
	_ =	sdelay $0x3  }
0x188: {  	[tilespmem:s0+$0x20] =	vst v8  }
0x189: {  	v8 =	vld.idx.msk [tilespmem:v63+s2+$0x0], $0xffff;
	_ =	sdelay $0x3  }
0x18a: {  	s29 =	rddreg [dreg:$0x18]  }
.Ltmp9:
0x18b: {  	s30 =	simm.s32 $0x4000;
	s31 =	simm.s32 $0x3;
	[tilespmem:s0+$0x30] =	vst v8;
	(pc) =	sbr.rel .LBB2_11-.Ltmp9, $4  }
0x18c: {  	[hbm4b:s29+s2] =	stream.linear.scatter [tilespmem:s30], [sflag:$0x3], $0x400, $0x38;
	[tilespmem:$0x8000] =	vst v63  }
0x18d: {  	_ =	swait.ge [sflag:s31], $0x400  }
0x18e: {  	[sflag:s31] =	ssyncset.done $0x0  }
0x18f: {  	s1 =	rddreg [dreg:$0x1f];
	[sflag:s31] =	ssyncadd.s32 $0xFFFFFC00  }
.LBB2_12:
0x190: {  	_ =	sfence.sel $0x180000  }
0x191: {  	[bflag:$0x0] =	sbarrier.arrive $0xFFFF  }
0x192: {  	_ =	strace $0x90000047  }
0x193: {  	s0 =	stileid.u32;
	[bflag:$0x2] =	sbarrier.arrive $0xFFFF  }
0x194: {  	p0 =	sne.s32 s0, $0x0;
	s0 =	rddreg [dreg:$0x2]  }
0x195: {  	s0 =	sadd.s32 @!p0 $0x100000, s0  }
0x196: {  	[sflag:s0] =	ssyncadd.tile.s32 @!p0 $0x1;
	_ =	shalt  }
.Lfunc_end2:
_tile_overlayer_lowered:
.L_overlay_start_2:
0x197: {  	(tag) =	ssettag $0x2  }
0x198: {  	s0 =	rddreg [dreg:$0x0];
	s2 =	stileid.u32  }
0x199: {  	s1 =	rddreg [dreg:$0x1];
	p0 =	sne.s32 s2, $0x0  }
0x19a: {  	s3 =	rddreg [dreg:$0x2];
	[bflag:$0x3] =	sbarrier.arrive $0xFFFF;
	s2 =	simm.s32 @!p0 $0x1C03  }
0x19b: {  	[timem:s3], [sflag:s2] =	dma.local @!p0 [hbm:s0], s1  }
0x19c: {  	s0 =	simm.s32 @!p0 $0x3  }
0x19d: {  	_ =	swait.ge @!p0 [sflag:s0], s1  }
0x19e: {  	s1 =	ssub.s32 @!p0 $0x0, s1;
	[sflag:s0] =	ssyncset.done @!p0 $0x0  }
0x19f: {  	[sflag:s0] =	ssyncadd.s32 @!p0 s1  }
0x1a0: {  	[bflag:$0x3] =	sbarrier.arrive $0xFFFF  }
0x1a1: {  	_ =	shalt  }

// kernel: kernel.7.cloned.1.call-start
scs
__scs_entry_jumppad:
0x0: {  	(pc) =	sbr.rel $0x88, $3  }
0x1: {  	(tag) =	ssettag $0x0;
	lr =	simm.s32 $0x1  }
0x2: {  	[smem:$0x3F9E] =	sst lr;
	_ =	strace $0xD0000000  }
0x3: {  	_ = 	snop  }
0x4: {  	_ = 	snop  }
0x5: {  	_ = 	snop  }
0x6: {  	_ = 	snop  }
0x7: {  	_ = 	snop  }
__scs_overlays_trampoline_lowered:
0x8: {  	[smem:$0x3FAD] =	sst s0  }
0x9: {  	[smem:$0x3FAE] =	sst s1  }
0xa: {  	[smem:$0x3FAF] =	sst s2  }
0xb: {  	[smem:$0x3FB0] =	sst s3  }
0xc: {  	[smem:$0x3FB1] =	sst s4  }
0xd: {  	[smem:$0x3FB2] =	sst s5  }
0xe: {  	[smem:$0x3FB3] =	sst s6  }
0xf: {  	[smem:$0x3FB4] =	sst s7  }
0x10: {  	[smem:$0x3FB5] =	sst s8  }
0x11: {  	[smem:$0x3FB6] =	sst s9;
	s0 =	simm.s32 @!p0 $0x0  }
0x12: {  	s1 =	sld [smem:$0x3F9C];
	s0 =	simm.s32 @p0 $0x1  }
0x13: {  	[smem:$0x3FB7] =	sst s0;
	s0 =	simm.s32 @!p1 $0x0  }
0x14: {  	s2 =	sld [smem:$0x3F9B];
	s0 =	simm.s32 @p1 $0x1  }
0x15: {  	[smem:$0x3FB8] =	sst s0;
	s0 =	simm.s32 @!p2 $0x0  }
0x16: {  	s3 =	sld [smem:$0x3FDB];
	s0 =	simm.s32 @p2 $0x1  }
0x17: {  	s4 =	simm.s32 $0x1BF5;
	[smem:$0x3FBA] =	sst s0  }
0x18: {  	s0 =	sld [smem:$0x3F9D];
	_ =	swait.ge [sflag:s4], $0x0  }
0x19: {  	s7 =	sld [smem:$0x3F9E]  }
0x1a: {  	s8 =	sadd.s32 $0xFFFFE003, lr  }
0x1b: {  	s9 =	sadd.s32 $0xFFFFFEF7, lr;
	s5 =	simm.s32 $0xFFFFFFFF;
	p2 =	slt.u32 s8, $0xFFFFF086  }
0x1c: {  	p1 =	slt.u32 s9, $0xF7A;
	s5 =	simm.s32 @!p2 $0x0  }
0x1d: {  	s5 =	simm.s32 @p1 $0x1;
	p0 =	seq.s32 s7, s2  }
0x1e: {  	s7 =	smul.u32 @!p0 $0xF7A, s2;
	p2 =	seq.s32 @!p0 s5, $0x0  }
0x1f: {  	s9 =	smul.u32 $0xF7A, s1;
	s8 =	simm.s32 @!p0 $0x1BF5;
	p2 =	por !p2, p0  }
0x20: {  	[sflag:s8] =	ssyncset.s32 @!p0 $0xFFFFF086;
	s6 =	sadd.s32 @!p0 s3, s7;
	s7 =	simm.s32 @!p0 $0x108  }
0x21: {  	s3 =	sadd.s32 s3, s9;
	s6 =	sadd.s32 @!p0 $0x88, s6;
	s7 =	simm.s32 @p2 $0x1082  }
0x22: {  	[simem:s7], [sflag:s8] =	dma.local @!p0 [hbm:s6], $0xF7A  }
0x23: {  	s9 =	sor.u32 $0xD0000000, s2;
	s6 =	simm.s32 $0x108;
	_ =	swait.ge @!p0 [sflag:s8], $0x0  }
0x24: {  	s3 =	sadd.s32 $0x88, s3;
	s6 =	simm.s32 @!p1 $0x1082;
	[sflag:s4] =	ssyncset.s32 $0xFFFFF086  }
0x25: {  	[simem:s6], [sflag:s4] =	dma.local [hbm:s3], $0xF7A  }
0x26: {  	[smem:$0x3F9E] =	sst s1;
	(tag) =	ssettag s2;
	_ =	strace s9  }
0x27: {  	s1 =	sld [smem:$0x3FAE]  }
0x28: {  	s2 =	sld [smem:$0x3FAF]  }
0x29: {  	s4 =	sld [smem:$0x3FB1]  }
0x2a: {  	p0 =	seq.s32 s5, $0x0;
	s5 =	sld [smem:$0x3FB2]  }
0x2b: {  	s6 =	sld [smem:$0x3FB3]  }
0x2c: {  	s7 =	sld [smem:$0x3FB4]  }
0x2d: {  	s3 =	simm.s32 $0x108;
	s8 =	sld [smem:$0x3FB5]  }
0x2e: {  	s3 =	simm.s32 @!p0 $0x1082;
	s9 =	sld [smem:$0x3FB6]  }
0x2f: {  	lr =	sadd.s32 s0, s3;
	s0 =	sld [smem:$0x3FAD]  }
0x30: {  	s3 =	sld [smem:$0x3FB0]  }
0x31: {  	[smem:$0x3FB9] =	sst s10  }
0x32: {  	s10 =	sld [smem:$0x3FB7];
	_ =	sdelay $0x3  }
0x33: {  	p0 =	seq.s32 s10, $0x1;
	s10 =	sld [smem:$0x3FB9];
	_ =	sdelay $0x3  }
0x34: {  	[smem:$0x3FB9] =	sst s10  }
0x35: {  	s10 =	sld [smem:$0x3FB8];
	_ =	sdelay $0x3  }
0x36: {  	p1 =	seq.s32 s10, $0x1;
	s10 =	sld [smem:$0x3FB9];
	_ =	sdelay $0x3  }
0x37: {  	[smem:$0x3FB9] =	sst s10  }
0x38: {  	s10 =	sld [smem:$0x3FBA]  }
0x39: {  	_ = 	snop;
	(pc) =	sbr.ind lr, $3  }
0x3a: {  	_ = 	snop  }
0x3b: {  	_ = 	snop  }
0x3c: {  	p2 =	seq.s32 s10, $0x1;
	s10 =	sld [smem:$0x3FB9]  }
0x3d: {  	_ =	shalt  }
0x3e: {  	_ =	shalt  }
0x3f: {  	_ =	shalt  }
0x40: {  	_ =	shalt  }
0x41: {  	_ =	shalt  }
0x42: {  	_ =	shalt  }
0x43: {  	_ =	shalt  }
0x44: {  	_ =	shalt  }
0x45: {  	_ =	shalt  }
0x46: {  	_ =	shalt  }
0x47: {  	_ =	shalt  }
0x48: {  	_ =	shalt  }
0x49: {  	_ =	shalt  }
0x4a: {  	_ =	shalt  }
0x4b: {  	_ =	shalt  }
0x4c: {  	_ =	shalt  }
0x4d: {  	_ =	shalt  }
0x4e: {  	_ =	shalt  }
0x4f: {  	_ =	shalt  }
0x50: {  	_ =	shalt  }
0x51: {  	_ =	shalt  }
0x52: {  	_ =	shalt  }
0x53: {  	_ =	shalt  }
0x54: {  	_ =	shalt  }
0x55: {  	_ =	shalt  }
0x56: {  	_ =	shalt  }
0x57: {  	_ =	shalt  }
0x58: {  	_ =	shalt  }
0x59: {  	_ =	shalt  }
0x5a: {  	_ =	shalt  }
0x5b: {  	_ =	shalt  }
0x5c: {  	_ =	shalt  }
0x5d: {  	_ =	shalt  }
0x5e: {  	_ =	shalt  }
0x5f: {  	_ =	shalt  }
0x60: {  	_ =	shalt  }
0x61: {  	_ =	shalt  }
0x62: {  	_ =	shalt  }
0x63: {  	_ =	shalt  }
0x64: {  	_ =	shalt  }
0x65: {  	_ =	shalt  }
0x66: {  	_ =	shalt  }
0x67: {  	_ =	shalt  }
0x68: {  	_ =	shalt  }
0x69: {  	_ =	shalt  }
0x6a: {  	_ =	shalt  }
0x6b: {  	_ =	shalt  }
0x6c: {  	_ =	shalt  }
0x6d: {  	_ =	shalt  }
0x6e: {  	_ =	shalt  }
0x6f: {  	_ =	shalt  }
0x70: {  	_ =	shalt  }
0x71: {  	_ =	shalt  }
0x72: {  	_ =	shalt  }
0x73: {  	_ =	shalt  }
0x74: {  	_ =	shalt  }
0x75: {  	_ =	shalt  }
0x76: {  	_ =	shalt  }
0x77: {  	_ =	shalt  }
0x78: {  	_ =	shalt  }
0x79: {  	_ =	shalt  }
0x7a: {  	_ =	shalt  }
0x7b: {  	_ =	shalt  }
0x7c: {  	_ =	shalt  }
0x7d: {  	_ =	shalt  }
0x7e: {  	_ =	shalt  }
0x7f: {  	_ =	shalt  }
0x80: {  	_ =	shalt  }
0x81: {  	_ =	shalt  }
0x82: {  	_ =	shalt  }
0x83: {  	_ =	shalt  }
0x84: {  	_ =	shalt  }
0x85: {  	_ =	shalt  }
0x86: {  	_ =	shalt  }
0x87: {  	_ =	shalt  }
.Lfunc_end0:
.L_simem_size_0:
called_computation.1_lowered:
.L_overlay_start_0:
0x88: {  	s2 =	sld [smem:$0x3FD9]  }
0x89: {  	s3 =	sld [smem:$0x3FFE];
	_ =	sdelay $0x1  }
0x8a: {  	s1 =	srdreg.scid  }
0x8b: {  	s0 =	sand.u32 $0x1, s1  }
0x8c: {  	s17 =	sshll.u32 s0, $0xA;
	s2 =	sadd.s32 s3, s2  }
0x8d: {  	s2 =	sadd.s32 s2, s17  }
0x8e: {  	[smem:$0x3FC5] =	sst s2  }
0x8f: {  	_ = 	snop  }
0x90: {  	s2 =	sld [smem:$0x3FC9]  }
0x91: {  	s18 =	sld [smem:$0x3FD0];
	(tm) =	ssettm $0x1  }
0x92: {  	s4 =	sld [smem:$0x3FFB];
	_ =	sdelay $0x3  }
0x93: {  	_ =	strace s4  }
0x94: {  	s4 =	sld [smem:$0x3FFC];
	_ =	sdelay $0x3  }
0x95: {  	_ =	strace s4  }
0x96: {  	s4 =	sld [smem:$0x3FFD];
	_ =	sdelay $0x3  }
0x97: {  	_ =	strace s4  }
0x98: {  	_ =	strace $0x8FFFFFFF  }
0x99: {  	s19 =	sld [smem:$0x3FDB];
	_ =	sdelay $0x1  }
0x9a: {  	s5 =	simm.s32 $_scs_section_size  }
0x9b: {  	s6 =	simm.s32 $_size__tile_overlayer_lowered;
	s7 =	simm.s32 $_tile_overlayer_lowered  }
0x9c: {  	s22 =	simm.s32 $0x1BFF;
	s21 =	sshll.u32 s7, $0x1;
	s4 =	sadd.s32 s5, s19  }
0x9d: {  	s8 =	simm.s32 $0x0;
	s20 =	sshll.u32 s6, $0x1;
	s6 =	sadd.s32 s21, s4  }
0x9e: {  	[timem:s8], [sflag:s22] =	dma.local [hbm:s6], s20  }
0x9f: {  	_ =	swait.ge [sflag:s22], s20  }
0xa0: {  	s5 =	ssub.s32 $0x0, s20;
	[sflag:s22] =	ssyncset.done $0x0  }
0xa1: {  	[sflag:s22] =	ssyncadd.s32 s5;
	_ =	sdelay $0x1  }
0xa2: {  	s23 =	simm.s32 $0x1B8B  }
0xa3: {  	_ =	swait.ge [sflag:s23], $0x1  }
0xa4: {  	[sflag:s23] =	ssyncset.done $0x0  }
0xa5: {  	s25 =	simm.s32 $0x1B8E;
	s24 =	sld [smem:$0x3FFE];
	[sflag:s23] =	ssyncadd.s32 $0xFFFFFFFF  }
0xa6: {  	s26 =	simm.s32 $execute0_lowered;
	[smem:$0x3FD2] =	sst s25  }
0xa7: {  	s6 =	sshll.u32 s26, $0x1;
	_ =	strace $0x80000049;
	[dreg:$0x1] =	wrdreg $0xFFFFFFFF  }
0xa8: {  	s28 =	simm.s32 $_size_execute0_lowered;
	s4 =	sadd.s32 s4, s6;
	[dreg:$0x0] =	wrdreg $0x0  }
0xa9: {  	s6 =	sshll.u32 s28, $0x1;
	[dreg:$0x2] =	wrdreg s4  }
0xaa: {  	[dreg:$0x3] =	wrdreg s6  }
0xab: {  	[dreg:$0x4] =	wrdreg $0xC0  }
0xac: {  	_ =	task [dreg:s8], $0x5FFFF  }
0xad: {  	[dreg:$0x1] =	wrdreg $0xFFFFFFFF  }
0xae: {  	[dreg:$0x0] =	wrdreg $0x60  }
0xaf: {  	[dreg:$0x2] =	wrdreg s2  }
0xb0: {  	[dreg:$0x3] =	wrdreg s24  }
0xb1: {  	[dreg:$0x4] =	wrdreg s18  }
0xb2: {  	[dreg:$0x5] =	wrdreg $0x9  }
0xb3: {  	_ =	task.clear_ibuf [dreg:s8], $0x6FFFF;
	_ =	strace $0x90000049  }
0xb4: {  	s29 =	simm.s32 $0x9;
	_ =	strace $0x8000004B  }
0xb5: {  	_ =	swait.ge [sflag:s29], $0x1  }
0xb6: {  	[sflag:s29] =	ssyncadd.s32 $0xFFFFFFFF  }
0xb7: {  	_ =	strace $0x9000004B  }
0xb8: {  	_ =	sfence  }
0xb9: {  	s30 =	sld [smem:$0x0];
	_ =	sdelay $0x2  }
0xba: {  	s31 =	sshll.u32 s1, $0xD;
	s1 =	sshrl.u32 s1, $0x2  }
0xbb: {  	s3 =	sand.u32 $0x4000, s31;
	s1 =	sadd.s32 s1, s30  }
0xbc: {  	s0 =	sor.u32 s3, s0;
	s1 =	sshll.u32 s1, $0x11  }
0xbd: {  	s0 =	sor.u32 s1, s0  }
0xbe: {  	s0 =	sadd.s32 $0x8F2B, s0  }
0xbf: {  	[sflag:s0] =	ssyncadd.remote.s32 $0x1  }
0xc0: {  	_ =	sfence.sel $0xFFFF  }
0xc1: {  	[dreg:$0x0] =	wrdreg $0xFFFFFFFF;
	(pc) =	sbr.abs _section_cstart, $3  }
0xc2: {  	[dreg:$0x1] =	wrdreg $0xFFFFFFFF  }
0xc3: {  	_ =	task.clear_ibuf [dreg:s8], $0x2FFFF;
	_ =	strace $0x9FFFFFFF  }
0xc4: {  	(tm) =	ssettm $0x7FFFFFFF  }
0xc5: {  	_ =	shalt  }
tec
execute0_lowered:
.L_overlay_start_1:
0x0: {  	(tag) =	ssettag $0x1  }
0x1: {  	s7 =	rddreg [dreg:$0x0]  }
0x2: {  	s0 =	rddreg [dreg:$0x1];
	s1 =	srdreg.scid  }
0x3: {  	s2 =	stileid.u32;
	s8 =	rddreg [dreg:$0x2]  }
0x4: {  	s4 =	simm.s32 $0x0;
	s30 =	simm.s32 $0x3;
	s31 =	simm.s32 $0x80  }
0x5: {  	s1 =	sand.u32 $0x1, s1;
	s2 =	sshll.u32 s2, $0x1;
	[smem:$0x7FF] =	sst s4  }
0x6: {  	s5 =	sadd.s32 $0xA00, s0;
	s0 =	sadd.s32 $0x1E9000, s0;
	s24 =	sadd.s32 $0x1000, s8  }
0x7: {  	s25 =	sadd.s32 $0x2000, s8;
	_ =	strace $0x8000004A;
	[dreg:$0x4] =	wrdreg s0  }
0x8: {  	s26 =	sadd.s32 $0x3000, s8;
	s28 =	sadd.s32 $0x4000, s8;
	[dreg:$0x8] =	wrdreg s24  }
0x9: {  	s29 =	sadd.s32 $0x5000, s8;
	s16 =	sadd.s32 $0x6000, s8;
	[dreg:$0x9] =	wrdreg s25  }
0xa: {  	s17 =	sadd.s32 $0x7000, s8;
	s18 =	sadd.s32 $0x8000, s8;
	[dreg:$0xa] =	wrdreg s26  }
0xb: {  	s2 =	sor.u32 s1, s2;
	s19 =	ssub.s32 $0x2, s1;
	[dreg:$0xb] =	wrdreg s28  }
0xc: {  	[dreg:$0xc] =	wrdreg s29;
	s24 =	sadd.s32 $0xE000, s8;
	s3 =	smul.u32 $0x6400, s2  }
0xd: {  	s26 =	sadd.s32 $0xF000, s8;
	s20 =	smul.u32 $0xC80, s2;
	s6 =	sshrl.u32 s19, $0x1  }
0xe: {  	s9 =	smul.u32 $0x19, s2;
	s2 =	simm.s32 $0x1;
	s0 =	ssub.s32 s19, s6  }
0xf: {  	s19 =	sadd.s32 $0x9000, s8;
	s3 =	sshrl.u32 s3, $0x3;
	s1 =	sadd.s32 s7, s20  }
0x10: {  	s15 =	smov.u32 s9;
	s23 =	sadd.s32 $0x2, s9;
	[dreg:$0x5] =	wrdreg s1  }
0x11: {  	s20 =	sadd.s32 $0xA000, s8;
	s0 =	smax.u32 s0, $0x1;
	[dreg:$0x7] =	wrdreg s23  }
0x12: {  	s21 =	sadd.s32 s7, s3;
	s23 =	sadd.s32 $0xD000, s8;
	[dreg:$0xd] =	wrdreg s0  }
0x13: {  	v0 =	vlaneseq.u32;
	s0 =	simm.s32 $0x2;
	s3 =	simm.s32 $0x0;
	s22 =	sadd.s32 $0x80, s21  }
0x14: {  	v0 =	vmul.u32 $0x88, v0;
	s21 =	sadd.s32 $0xB000, s8;
	[dreg:$0x6] =	wrdreg s22;
	s22 =	sadd.s32 $0xC000, s8  }
.LBB2_1:
0x15: {  	[dreg:$0xe] =	wrdreg s3  }
0x16: {  	s1 =	rddreg [dreg:$0x4];
	s11 =	simm.s32 $0x11000;
	s12 =	simm.s32 $0x4  }
0x17: {  	[tilespmem:s11], [sflag:$0x4] =	stream.linear.gather [hbm4b:s1+s4], $0xC80, $0x38;
	[tilespmem:$0x11C80] =	vst v63  }
0x18: {  	_ =	swait.ge [sflag:s12], $0xC80  }
0x19: {  	[sflag:s12] =	ssyncset.done $0x0  }
0x1a: {  	s13 =	rddreg [dreg:$0x5];
	[sflag:s12] =	ssyncadd.s32 $0xFFFFF380  }
0x1b: {  	[tilespmem:s4], [sflag:$0x3] =	stream.linear.gather [hbm4b:s13+s4], $0x400, $0x38;
	[tilespmem:$0x11C80] =	vst v63  }
0x1c: {  	_ =	swait.ge [sflag:s30], $0x400  }
0x1d: {  	[sflag:s30] =	ssyncset.done $0x0  }
0x1e: {  	s14 =	simm.s32 $0x800;
	[sflag:s30] =	ssyncadd.s32 $0xFFFFFC00  }
0x1f: {  	[tilespmem:s14], [sflag:$0x1] =	stream.indirect.gather [hbm4b:s5+s31], $0x10, s4, s31, $0xb8;
	[tilespmem:$0x11C80] =	vst v63  }
0x20: {  	s25 =	simm.s32 $0x1000  }
0x21: {  	[tilespmem:s25], [sflag:$0x1] =	stream.indirect.gather [hbm4b:s5+s31], $0x10, s31, s31, $0xb8;
	[tilespmem:$0x11C80] =	vst v63  }
0x22: {  	s28 =	simm.s32 $0x100;
	s29 =	simm.s32 $0x1800  }
0x23: {  	[tilespmem:s29], [sflag:$0x1] =	stream.indirect.gather [hbm4b:s5+s31], $0x10, s28, s31, $0xb8;
	[tilespmem:$0x11C80] =	vst v63  }
0x24: {  	s6 =	simm.s32 $0x180;
	s7 =	simm.s32 $0x2000  }
0x25: {  	[tilespmem:s7], [sflag:$0x1] =	stream.indirect.gather [hbm4b:s5+s31], $0x10, s6, s31, $0xb8;
	[tilespmem:$0x11C80] =	vst v63  }
0x26: {  	s8 =	simm.s32 $0x200;
	s9 =	simm.s32 $0x2800  }
0x27: {  	[tilespmem:s9], [sflag:$0x1] =	stream.indirect.gather [hbm4b:s5+s31], $0x10, s8, s31, $0xb8;
	[tilespmem:$0x11C80] =	vst v63  }
0x28: {  	s10 =	simm.s32 $0x280;
	s11 =	simm.s32 $0x3000  }
0x29: {  	[tilespmem:s11], [sflag:$0x1] =	stream.indirect.gather [hbm4b:s5+s31], $0x10, s10, s31, $0xb8;
	[tilespmem:$0x11C80] =	vst v63  }
0x2a: {  	s12 =	simm.s32 $0x300;
	s13 =	simm.s32 $0x3800  }
0x2b: {  	[tilespmem:s13], [sflag:$0x1] =	stream.indirect.gather [hbm4b:s5+s31], $0x10, s12, s31, $0xb8;
	[tilespmem:$0x11C80] =	vst v63  }
0x2c: {  	s14 =	simm.s32 $0x380;
	s25 =	simm.s32 $0x4000  }
0x2d: {  	[tilespmem:s25], [sflag:$0x1] =	stream.indirect.gather [hbm4b:s5+s31], $0x10, s14, s31, $0xb8;
	[tilespmem:$0x11C80] =	vst v63  }
0x2e: {  	s1 =	simm.s32 $0x0;
	s28 =	rddreg [dreg:$0x6];
	s29 =	simm.s32 $0x400  }
0x2f: {  	[tilespmem:s29], [sflag:$0x3] =	stream.linear.gather [hbm4b:s28+s4], $0x400, $0x38;
	[tilespmem:$0x11C80] =	vst v63  }
.LBB2_2:
0x30: {  	_ =	swait.ge [sflag:s2], $0x800  }
0x31: {  	[sflag:s2] =	ssyncset.done $0x0  }
0x32: {  	[sflag:s2] =	ssyncadd.s32 $0xFFFFF800  }
0x33: {  	_ =	swait.ge [sflag:s2], $0x800  }
0x34: {  	[sflag:s2] =	ssyncset.done $0x0  }
0x35: {  	[sflag:s2] =	ssyncadd.s32 $0xFFFFF800  }
0x36: {  	_ =	swait.ge [sflag:s2], $0x800  }
0x37: {  	[sflag:s2] =	ssyncset.done $0x0  }
0x38: {  	[sflag:s2] =	ssyncadd.s32 $0xFFFFF800  }
0x39: {  	_ =	swait.ge [sflag:s2], $0x800  }
0x3a: {  	[sflag:s2] =	ssyncset.done $0x0  }
0x3b: {  	[sflag:s2] =	ssyncadd.s32 $0xFFFFF800  }
0x3c: {  	_ =	swait.ge [sflag:s2], $0x800  }
0x3d: {  	[sflag:s2] =	ssyncset.done $0x0  }
0x3e: {  	[sflag:s2] =	ssyncadd.s32 $0xFFFFF800  }
0x3f: {  	_ =	swait.ge [sflag:s2], $0x800  }
0x40: {  	[sflag:s2] =	ssyncset.done $0x0  }
0x41: {  	[sflag:s2] =	ssyncadd.s32 $0xFFFFF800  }
0x42: {  	p0 =	sgt.u32 s1, $0x16;
	_ =	swait.ge [sflag:s2], $0x800  }
.Ltmp0:
0x43: {  	[sflag:s2] =	ssyncset.done $0x0;
	(pc) =	sbr.rel @p0 .LBB2_5-.Ltmp0, $4  }
0x44: {  	[sflag:s2] =	ssyncadd.s32 $0xFFFFF800  }
0x45: {  	_ =	swait.ge [sflag:s2], $0x800  }
0x46: {  	[sflag:s2] =	ssyncset.done $0x0  }
0x47: {  	s3 =	sand.u32 $0x1, s1;
	[sflag:s2] =	ssyncadd.s32 $0xFFFFF800  }
0x48: {  	s6 =	rddreg [dreg:$0x7]  }
0x49: {  	s6 =	sadd.s32 s1, s6  }
.Ltmp1:
0x4a: {  	s6 =	sshll.u32 s6, $0x7;
	(pc) =	sbr.rel .LBB2_4-.Ltmp1, $4  }
0x4b: {  	s7 =	sshll.u32 s1, $0xA;
	s8 =	rddreg [dreg:$0x0];
	s6 =	sand.u32 $0xFFFFF80, s6  }
0x4c: {  	s7 =	sand.u32 $0x400, s7;
	s6 =	sadd.s32 s8, s6  }
0x4d: {  	[tilespmem:s7], [sflag:$0x3] =	stream.linear.gather [hbm4b:s6+s4], $0x400, $0x38;
	[tilespmem:$0x11C80] =	vst v63  }
0x4e: {  	s6 =	sadd.s32 $0x1, s1  }
.LBB2_5:
0x4f: {  	p0 =	seq.s32 s1, $0x18  }
.Ltmp2:
0x50: {  	_ = 	snop;
	(pc) =	sbr.rel @!p0 .LBB2_4-.Ltmp2, $2  }
0x51: {  	_ =	sdelay $0x2  }
0x52: {  	s6 =	simm.s32 $0x18  }
.Ltmp3:
0x53: {  	(pc) =	sbr.rel .LBB2_7-.Ltmp3, $2  }
0x54: {  	_ =	sdelay $0x2  }
0x55: {  	s6 =	simm.s32 $0x19;
	s7 =	simm.s32 $0x0  }
.LBB2_4:
0x56: {  	s7 =	sshll.u32 s3, $0xA;
	_ =	swait.ge [sflag:s30], $0x400  }
0x57: {  	s8 =	sxor.u32 $0x400, s7;
	[sflag:s30] =	ssyncset.done $0x0  }
0x58: {  	s12 =	sxor.u32 $0x480, s7;
	s14 =	sxor.u32 $0x500, s7;
	s9 =	sshll.u32 s8, $0x4  }
0x59: {  	[sflag:s30] =	ssyncadd.s32 $0xFFFFFC00;
	s13 =	sshll.u32 s12, $0x4;
	s9 =	sor.u32 $0x800, s9  }
0x5a: {  	[tilespmem:s9], [sflag:$0x1] =	stream.indirect.gather [hbm4b:s5+s31], $0x10, s8, s31, $0xb8;
	[tilespmem:$0x11C80] =	vst v63  }
0x5b: {  	s28 =	sxor.u32 $0x580, s7;
	s25 =	sshll.u32 s14, $0x4;
	s9 =	sadd.s32 $0x800, s13  }
0x5c: {  	[tilespmem:s9], [sflag:$0x1] =	stream.indirect.gather [hbm4b:s5+s31], $0x10, s12, s31, $0xb8;
	[tilespmem:$0x11C80] =	vst v63  }
0x5d: {  	s10 =	sxor.u32 $0x600, s7;
	s29 =	sshll.u32 s28, $0x4;
	s9 =	sor.u32 $0x800, s25  }
0x5e: {  	[tilespmem:s9], [sflag:$0x1] =	stream.indirect.gather [hbm4b:s5+s31], $0x10, s14, s31, $0xb8;
	[tilespmem:$0x11C80] =	vst v63  }
0x5f: {  	s11 =	sshll.u32 s10, $0x4;
	s12 =	sxor.u32 $0x680, s7;
	s9 =	sadd.s32 $0x800, s29  }
0x60: {  	[tilespmem:s9], [sflag:$0x1] =	stream.indirect.gather [hbm4b:s5+s31], $0x10, s28, s31, $0xb8;
	[tilespmem:$0x11C80] =	vst v63  }
0x61: {  	s13 =	sshll.u32 s12, $0x4;
	s9 =	sor.u32 $0x800, s11  }
0x62: {  	[tilespmem:s9], [sflag:$0x1] =	stream.indirect.gather [hbm4b:s5+s31], $0x10, s10, s31, $0xb8;
	[tilespmem:$0x11C80] =	vst v63  }
0x63: {  	p0 =	slt.u32 s1, $0x2;
	s14 =	sxor.u32 $0x700, s7;
	s9 =	sadd.s32 $0x800, s13  }
0x64: {  	[tilespmem:s9], [sflag:$0x1] =	stream.indirect.gather [hbm4b:s5+s31], $0x10, s12, s31, $0xb8;
	[tilespmem:$0x11C80] =	vst v63  }
.Ltmp4:
0x65: {  	s25 =	sshll.u32 s14, $0x4;
	s28 =	sxor.u32 $0x780, s7;
	(pc) =	sbr.rel @p0 .LBB2_8-.Ltmp4, $4  }
0x66: {  	s29 =	sshll.u32 s28, $0x4;
	s9 =	sor.u32 $0x800, s25  }
0x67: {  	[tilespmem:s9], [sflag:$0x1] =	stream.indirect.gather [hbm4b:s5+s31], $0x10, s14, s31, $0xb8;
	[tilespmem:$0x11C80] =	vst v63  }
0x68: {  	s9 =	sadd.s32 $0x800, s29  }
0x69: {  	[tilespmem:s9], [sflag:$0x1] =	stream.indirect.gather [hbm4b:s5+s31], $0x10, s28, s31, $0xb8;
	[tilespmem:$0x11C80] =	vst v63  }
.LBB2_7:
0x6a: {  	_ =	swait.ge [sflag:s0], $0x400  }
0x6b: {  	[sflag:s0] =	ssyncset.done $0x0  }
0x6c: {  	[sflag:s0] =	ssyncadd.s32 $0xFFFFFC00  }
0x6d: {  	_ =	swait.ge [sflag:s0], $0x400  }
0x6e: {  	[sflag:s0] =	ssyncset.done $0x0  }
0x6f: {  	[sflag:s0] =	ssyncadd.s32 $0xFFFFFC00  }
0x70: {  	_ =	swait.ge [sflag:s0], $0x400  }
0x71: {  	[sflag:s0] =	ssyncset.done $0x0  }
0x72: {  	[sflag:s0] =	ssyncadd.s32 $0xFFFFFC00  }
0x73: {  	_ =	swait.ge [sflag:s0], $0x400  }
0x74: {  	[sflag:s0] =	ssyncset.done $0x0  }
0x75: {  	[sflag:s0] =	ssyncadd.s32 $0xFFFFFC00  }
0x76: {  	_ =	swait.ge [sflag:s0], $0x400  }
0x77: {  	[sflag:s0] =	ssyncset.done $0x0  }
0x78: {  	[sflag:s0] =	ssyncadd.s32 $0xFFFFFC00  }
0x79: {  	_ =	swait.ge [sflag:s0], $0x400  }
0x7a: {  	[sflag:s0] =	ssyncset.done $0x0  }
0x7b: {  	[sflag:s0] =	ssyncadd.s32 $0xFFFFFC00  }
0x7c: {  	_ =	swait.ge [sflag:s0], $0x400  }
0x7d: {  	[sflag:s0] =	ssyncset.done $0x0  }
0x7e: {  	[sflag:s0] =	ssyncadd.s32 $0xFFFFFC00  }
0x7f: {  	_ =	swait.ge [sflag:s0], $0x400  }
0x80: {  	[sflag:s0] =	ssyncset.done $0x0  }
0x81: {  	[sflag:s0] =	ssyncadd.s32 $0xFFFFFC00  }
0x82: {  	_ =	swait.ge [sflag:s0], $0x400  }
0x83: {  	[sflag:s0] =	ssyncset.done $0x0  }
0x84: {  	[sflag:s0] =	ssyncadd.s32 $0xFFFFFC00  }
0x85: {  	_ =	swait.ge [sflag:s0], $0x400  }
0x86: {  	[sflag:s0] =	ssyncset.done $0x0  }
0x87: {  	[sflag:s0] =	ssyncadd.s32 $0xFFFFFC00  }
0x88: {  	_ =	swait.ge [sflag:s0], $0x400  }
0x89: {  	[sflag:s0] =	ssyncset.done $0x0  }
0x8a: {  	[sflag:s0] =	ssyncadd.s32 $0xFFFFFC00  }
0x8b: {  	_ =	swait.ge [sflag:s0], $0x400  }
0x8c: {  	[sflag:s0] =	ssyncset.done $0x0  }
0x8d: {  	[sflag:s0] =	ssyncadd.s32 $0xFFFFFC00  }
0x8e: {  	_ =	swait.ge [sflag:s0], $0x400  }
0x8f: {  	[sflag:s0] =	ssyncset.done $0x0  }
0x90: {  	[sflag:s0] =	ssyncadd.s32 $0xFFFFFC00  }
0x91: {  	_ =	swait.ge [sflag:s0], $0x400  }
0x92: {  	[sflag:s0] =	ssyncset.done $0x0  }
0x93: {  	[sflag:s0] =	ssyncadd.s32 $0xFFFFFC00  }
0x94: {  	_ =	swait.ge [sflag:s0], $0x400  }
0x95: {  	[sflag:s0] =	ssyncset.done $0x0  }
0x96: {  	[sflag:s0] =	ssyncadd.s32 $0xFFFFFC00  }
0x97: {  	_ =	swait.ge [sflag:s0], $0x400  }
0x98: {  	[sflag:s0] =	ssyncset.done $0x0  }
0x99: {  	[sflag:s0] =	ssyncadd.s32 $0xFFFFFC00  }
.LBB2_8:
0x9a: {  	s9 =	sadd.s32 s15, s1  }
0x9b: {  	s25 =	sshrl.u32 s9, $0x5  }
0x9c: {  	s12 =	smul.u32 $0x11000, s3;
	s13 =	sshll.u32 s25, $0x7  }
0x9d: {  	s14 =	sshll.u32 s7, $0x4;
	s3 =	sand.u32 $0x3FFFFF80, s13  }
0x9e: {  	s1 =	simm.s32 $0x0;
	s8 =	sshrl.u32 s12, $0x2;
	s3 =	sadd.s32 $0x11000, s3  }
0x9f: {  	s28 =	sadd.s32 $0x900, s14;
	s29 =	sadd.s32 $0x8800, s8;
	v1 =	vmov s3;
	s3 =	simm.s32 $0x0  }
.LBB2_9:
0xa0: {  	s7 =	sshll.u32 s3, $0x4  }
0xa1: {  	v2 =	vmov s7  }
0xa2: {  	v3 =	vmul.u32 $0x88, v2;
	_ =	sdelay $0x1  }
0xa3: {  	v5 =	vld [tilespmem:s28+$0x80];
	s7 =	sand.u32 $0x3FFFFFF0, s7;
	v3 =	vbroadcast v3, $0x0  }
0xa4: {  	v2 =	vld.idx.msk [tilespmem:v1+s7+$0x0 ss:$0x1], $0xffff  }
0xa5: {  	s11 =	simm.s32 $0x18;
	v3 =	vadd.s32 v0, v3  }
0xa6: {  	v4 =	vadd.s32 s11, v3;
	_ =	sdelay $0x1  }
0xa7: {  	v8 =	vld [tilespmem:s28+$0xFFFFFF00]  }
0xa8: {  	v9 =	vld [tilespmem:s28+$0xFFFFFF80];
	v6 =	vadd.f32 v5, v2  }
0xa9: {  	s12 =	simm.s32 $0x8;
	v10 =	vld [tilespmem:s28+$0x0];
	v7 =	vadd.s32 s1, v3  }
0xaa: {  	s13 =	simm.s32 $0x10;
	v5 =	vadd.s32 s12, v3;
	[tilespmem:v4+s29+$0x0] =	vst.idx.msk $0xffff, v6  }
0xab: {  	v6 =	vadd.s32 s13, v3;
	v11 =	vld [tilespmem:s28+$0x90]  }
0xac: {  	v8 =	vadd.f32 v8, v2  }
0xad: {  	v9 =	vadd.f32 v9, v2;
	v12 =	vor.u32 $0x1, v4  }
0xae: {  	v10 =	vadd.f32 v10, v2;
	[tilespmem:v7+s29+$0x0] =	vst.idx.msk $0xffff, v8  }
0xaf: {  	[tilespmem:v5+s29+$0x0] =	vst.idx.msk $0xffff, v9;
	v8 =	vld [tilespmem:s28+$0xFFFFFF10]  }
0xb0: {  	v9 =	vld [tilespmem:s28+$0xFFFFFF90];
	[tilespmem:v6+s29+$0x0] =	vst.idx.msk $0xffff, v10;
	v10 =	vadd.f32 v11, v2  }
0xb1: {  	v11 =	vor.u32 $0x1, v7;
	v13 =	vld [tilespmem:s28+$0x10]  }
0xb2: {  	v14 =	vor.u32 $0x1, v5;
	[tilespmem:v12+s29+$0x0] =	vst.idx.msk $0xffff, v10  }
0xb3: {  	v10 =	vor.u32 $0x1, v6;
	v12 =	vld [tilespmem:s28+$0xA0]  }
0xb4: {  	v8 =	vadd.f32 v8, v2  }
0xb5: {  	v15 =	vor.u32 $0x2, v4;
	v9 =	vadd.f32 v9, v2  }
0xb6: {  	v13 =	vadd.f32 v13, v2;
	[tilespmem:v11+s29+$0x0] =	vst.idx.msk $0xffff, v8  }
0xb7: {  	[tilespmem:v14+s29+$0x0] =	vst.idx.msk $0xffff, v9;
	v8 =	vld [tilespmem:s28+$0xFFFFFF20]  }
0xb8: {  	v9 =	vld [tilespmem:s28+$0xFFFFFFA0];
	[tilespmem:v10+s29+$0x0] =	vst.idx.msk $0xffff, v13;
	v10 =	vadd.f32 v12, v2  }
0xb9: {  	v11 =	vor.u32 $0x2, v7;
	v12 =	vld [tilespmem:s28+$0x20]  }
0xba: {  	v13 =	vor.u32 $0x2, v5;
	[tilespmem:v15+s29+$0x0] =	vst.idx.msk $0xffff, v10  }
0xbb: {  	v10 =	vor.u32 $0x2, v6;
	v14 =	vld [tilespmem:s28+$0xB0]  }
0xbc: {  	v8 =	vadd.f32 v8, v2  }
0xbd: {  	v9 =	vadd.f32 v9, v2;
	v15 =	vor.u32 $0x3, v4  }
0xbe: {  	v12 =	vadd.f32 v12, v2;
	[tilespmem:v11+s29+$0x0] =	vst.idx.msk $0xffff, v8  }
0xbf: {  	[tilespmem:v13+s29+$0x0] =	vst.idx.msk $0xffff, v9;
	v8 =	vld [tilespmem:s28+$0xFFFFFF30]  }
0xc0: {  	v9 =	vld [tilespmem:s28+$0xFFFFFFB0];
	[tilespmem:v10+s29+$0x0] =	vst.idx.msk $0xffff, v12;
	v10 =	vadd.f32 v14, v2  }
0xc1: {  	s11 =	sadd.s32 $0x200, s28;
	v11 =	vor.u32 $0x3, v7;
	v12 =	vld [tilespmem:s28+$0x30]  }
0xc2: {  	v14 =	vor.u32 $0x3, v5;
	[tilespmem:v15+s29+$0x0] =	vst.idx.msk $0xffff, v10;
	v10 =	vld [tilespmem:s11+$0x80]  }
0xc3: {  	s14 =	simm.s32 $0x38;
	v15 =	vor.u32 $0x3, v6;
	v16 =	vld [tilespmem:s28+$0xC0]  }
0xc4: {  	v18 =	vld [tilespmem:s11+$0xFFFFFF80];
	v13 =	vadd.s32 s14, v3;
	v17 =	vadd.f32 v8, v2  }
0xc5: {  	s10 =	simm.s32 $0x28;
	v19 =	vld [tilespmem:s11+$0x0];
	v20 =	vor.u32 $0x4, v4;
	v9 =	vadd.f32 v9, v2  }
0xc6: {  	s12 =	simm.s32 $0x30;
	v8 =	vadd.s32 s10, v3;
	v12 =	vadd.f32 v12, v2;
	[tilespmem:v11+s29+$0x0] =	vst.idx.msk $0xffff, v17;
	v11 =	vld [tilespmem:s11+$0xFFFFFF00]  }
0xc7: {  	s10 =	simm.s32 $0x20;
	[tilespmem:v14+s29+$0x0] =	vst.idx.msk $0xffff, v9;
	v9 =	vadd.s32 s12, v3;
	v17 =	vld [tilespmem:s28+$0xFFFFFF40];
	v14 =	vadd.f32 v10, v2  }
0xc8: {  	v10 =	vadd.s32 s10, v3;
	[tilespmem:v15+s29+$0x0] =	vst.idx.msk $0xffff, v12;
	v12 =	vld [tilespmem:s28+$0xFFFFFFC0];
	v15 =	vadd.f32 v16, v2  }
0xc9: {  	v18 =	vadd.f32 v18, v2;
	v16 =	vor.u32 $0x4, v7;
	[tilespmem:v13+s29+$0x0] =	vst.idx.msk $0xffff, v14;
	v14 =	vld [tilespmem:s28+$0x40]  }
0xca: {  	v21 =	vor.u32 $0x4, v5;
	v19 =	vadd.f32 v19, v2;
	v22 =	vld [tilespmem:s11+$0x90];
	[tilespmem:v20+s29+$0x0] =	vst.idx.msk $0xffff, v15  }
0xcb: {  	[tilespmem:v8+s29+$0x0] =	vst.idx.msk $0xffff, v18;
	v15 =	vor.u32 $0x4, v6;
	v11 =	vadd.f32 v11, v2;
	v18 =	vld [tilespmem:s28+$0xD0]  }
0xcc: {  	v20 =	vld [tilespmem:s11+$0xFFFFFF90];
	[tilespmem:v9+s29+$0x0] =	vst.idx.msk $0xffff, v19;
	v19 =	vor.u32 $0x1, v13;
	v17 =	vadd.f32 v17, v2  }
0xcd: {  	v23 =	vor.u32 $0x5, v4;
	[tilespmem:v10+s29+$0x0] =	vst.idx.msk $0xffff, v11;
	v11 =	vld [tilespmem:s11+$0x10];
	v12 =	vadd.f32 v12, v2  }
0xce: {  	v24 =	vor.u32 $0x1, v8;
	v25 =	vld [tilespmem:s11+$0xFFFFFF10];
	[tilespmem:v16+s29+$0x0] =	vst.idx.msk $0xffff, v17;
	v14 =	vadd.f32 v14, v2  }
0xcf: {  	v16 =	vor.u32 $0x1, v9;
	[tilespmem:v21+s29+$0x0] =	vst.idx.msk $0xffff, v12;
	v17 =	vadd.f32 v22, v2;
	v22 =	vld [tilespmem:s28+$0xFFFFFF50]  }
0xd0: {  	v12 =	vor.u32 $0x1, v10;
	v21 =	vld [tilespmem:s28+$0xFFFFFFD0];
	[tilespmem:v15+s29+$0x0] =	vst.idx.msk $0xffff, v14;
	v14 =	vadd.f32 v18, v2  }
0xd1: {  	v15 =	vor.u32 $0x5, v7;
	v18 =	vadd.f32 v20, v2;
	[tilespmem:v19+s29+$0x0] =	vst.idx.msk $0xffff, v17;
	v17 =	vld [tilespmem:s28+$0x50]  }
0xd2: {  	v19 =	vor.u32 $0x5, v5;
	v11 =	vadd.f32 v11, v2;
	v20 =	vld [tilespmem:s11+$0xA0];
	[tilespmem:v23+s29+$0x0] =	vst.idx.msk $0xffff, v14  }
0xd3: {  	v14 =	vor.u32 $0x5, v6;
	v23 =	vadd.f32 v25, v2;
	[tilespmem:v24+s29+$0x0] =	vst.idx.msk $0xffff, v18;
	v18 =	vld [tilespmem:s28+$0xE0]  }
0xd4: {  	v24 =	vld [tilespmem:s11+$0xFFFFFFA0];
	[tilespmem:v16+s29+$0x0] =	vst.idx.msk $0xffff, v11;
	v11 =	vor.u32 $0x2, v13;
	v16 =	vadd.f32 v22, v2  }
0xd5: {  	[tilespmem:v12+s29+$0x0] =	vst.idx.msk $0xffff, v23;
	v12 =	vld [tilespmem:s11+$0x20];
	v21 =	vadd.f32 v21, v2;
	v22 =	vor.u32 $0x6, v4  }
0xd6: {  	v23 =	vor.u32 $0x2, v8;
	v25 =	vld [tilespmem:s11+$0xFFFFFF20];
	[tilespmem:v15+s29+$0x0] =	vst.idx.msk $0xffff, v16;
	v15 =	vadd.f32 v17, v2  }
0xd7: {  	v16 =	vor.u32 $0x2, v9;
	[tilespmem:v19+s29+$0x0] =	vst.idx.msk $0xffff, v21;
	v17 =	vadd.f32 v20, v2  }
0xd8: {  	v19 =	vor.u32 $0x2, v10;
	v20 =	vld [tilespmem:s28+$0xFFFFFF60];
	[tilespmem:v14+s29+$0x0] =	vst.idx.msk $0xffff, v15;
	v14 =	vadd.f32 v18, v2  }
0xd9: {  	v18 =	vadd.f32 v24, v2;
	[tilespmem:v11+s29+$0x0] =	vst.idx.msk $0xffff, v17;
	v11 =	vld [tilespmem:s28+$0x60]  }
0xda: {  	v21 =	vld [tilespmem:s28+$0xFFFFFFE0];
	v15 =	vor.u32 $0x6, v7;
	v12 =	vadd.f32 v12, v2;
	[tilespmem:v22+s29+$0x0] =	vst.idx.msk $0xffff, v14  }
0xdb: {  	v24 =	vld [tilespmem:s11+$0xB0];
	v14 =	vor.u32 $0x6, v6;
	v22 =	vadd.f32 v25, v2;
	[tilespmem:v23+s29+$0x0] =	vst.idx.msk $0xffff, v18  }
0xdc: {  	v17 =	vor.u32 $0x6, v5;
	v18 =	vld [tilespmem:s28+$0xF0];
	[tilespmem:v16+s29+$0x0] =	vst.idx.msk $0xffff, v12  }
0xdd: {  	v23 =	vld [tilespmem:s11+$0xFFFFFFB0];
	v16 =	vor.u32 $0x3, v13;
	v12 =	vadd.f32 v20, v2;
	[tilespmem:v19+s29+$0x0] =	vst.idx.msk $0xffff, v22  }
0xde: {  	v22 =	vld [tilespmem:s11+$0xFFFFFF30];
	v11 =	vadd.f32 v11, v2  }
0xdf: {  	s10 =	sadd.s32 $0x200, s11;
	v19 =	vld [tilespmem:s11+$0x30];
	v20 =	vadd.f32 v21, v2;
	[tilespmem:v15+s29+$0x0] =	vst.idx.msk $0xffff, v12;
	v12 =	vor.u32 $0x7, v4  }
0xe0: {  	v15 =	vld [tilespmem:s10+$0x80];
	v4 =	vadd.f32 v24, v2;
	[tilespmem:v14+s29+$0x0] =	vst.idx.msk $0xffff, v11;
	v11 =	vor.u32 $0x3, v10  }
0xe1: {  	[tilespmem:v17+s29+$0x0] =	vst.idx.msk $0xffff, v20;
	v21 =	vld [tilespmem:s28+$0xFFFFFF70];
	v14 =	vor.u32 $0x3, v8  }
0xe2: {  	s13 =	simm.s32 $0x58;
	v24 =	vld [tilespmem:s10+$0xFFFFFF80];
	v17 =	vadd.f32 v18, v2;
	[tilespmem:v16+s29+$0x0] =	vst.idx.msk $0xffff, v4;
	v16 =	vor.u32 $0x3, v9  }
0xe3: {  	s14 =	simm.s32 $0x48;
	v4 =	vadd.s32 s13, v3;
	v18 =	vld [tilespmem:s11+$0xC0];
	v22 =	vadd.f32 v22, v2  }
0xe4: {  	v27 =	vadd.s32 s14, v3;
	v23 =	vadd.f32 v23, v2;
	[tilespmem:v12+s29+$0x0] =	vst.idx.msk $0xffff, v17;
	v12 =	vld [tilespmem:s10+$0x0]  }
0xe5: {  	s12 =	simm.s32 $0x50;
	v19 =	vadd.f32 v19, v2;
	v17 =	vor.u32 $0x4, v13;
	[tilespmem:v11+s29+$0x0] =	vst.idx.msk $0xffff, v22;
	v11 =	vld [tilespmem:s10+$0xFFFFFF00]  }
0xe6: {  	s7 =	simm.s32 $0x40;
	v31 =	vadd.s32 s12, v3;
	[tilespmem:v14+s29+$0x0] =	vst.idx.msk $0xffff, v23;
	v14 =	vadd.f32 v15, v2;
	v15 =	vld [tilespmem:s11+$0xFFFFFF40]  }
0xe7: {  	v32 =	vadd.s32 s7, v3;
	v22 =	vadd.f32 v24, v2;
	[tilespmem:v16+s29+$0x0] =	vst.idx.msk $0xffff, v19;
	v16 =	vld [tilespmem:s11+$0xFFFFFFC0]  }
0xe8: {  	v19 =	vor.u32 $0x4, v10;
	v18 =	vadd.f32 v18, v2;
	[tilespmem:v4+s29+$0x0] =	vst.idx.msk $0xffff, v14;
	v14 =	vld [tilespmem:s11+$0x40]  }
0xe9: {  	v23 =	vor.u32 $0x4, v8;
	[tilespmem:v27+s29+$0x0] =	vst.idx.msk $0xffff, v22;
	v12 =	vadd.f32 v12, v2;
	v24 =	vld [tilespmem:s10+$0x90]  }
0xea: {  	v22 =	vld [tilespmem:s10+$0xFFFFFF90];
	[tilespmem:v17+s29+$0x0] =	vst.idx.msk $0xffff, v18;
	v17 =	vor.u32 $0x4, v9;
	v11 =	vadd.f32 v11, v2  }
0xeb: {  	v18 =	vld [tilespmem:s11+$0xD0];
	[tilespmem:v31+s29+$0x0] =	vst.idx.msk $0xffff, v12;
	v12 =	vor.u32 $0x1, v4;
	v15 =	vadd.f32 v15, v2  }
0xec: {  	v28 =	vor.u32 $0x1, v27;
	v16 =	vadd.f32 v16, v2;
	[tilespmem:v32+s29+$0x0] =	vst.idx.msk $0xffff, v11;
	v11 =	vld [tilespmem:s10+$0x10]  }
0xed: {  	v25 =	vor.u32 $0x5, v13;
	v14 =	vadd.f32 v14, v2;
	v29 =	vld [tilespmem:s10+$0xFFFFFF10];
	[tilespmem:v19+s29+$0x0] =	vst.idx.msk $0xffff, v15  }
0xee: {  	v26 =	vld [tilespmem:s28+$0x70];
	v15 =	vor.u32 $0x1, v31;
	v19 =	vadd.f32 v24, v2;
	[tilespmem:v23+s29+$0x0] =	vst.idx.msk $0xffff, v16  }
0xef: {  	v16 =	vor.u32 $0x1, v32;
	v22 =	vadd.f32 v22, v2;
	v23 =	vld [tilespmem:s11+$0xFFFFFFD0];
	[tilespmem:v17+s29+$0x0] =	vst.idx.msk $0xffff, v14  }
0xf0: {  	v24 =	vld [tilespmem:s11+$0xFFFFFF50];
	v14 =	vadd.f32 v18, v2;
	[tilespmem:v12+s29+$0x0] =	vst.idx.msk $0xffff, v19  }
0xf1: {  	v17 =	vor.u32 $0x5, v8;
	v12 =	vld [tilespmem:s11+$0x50];
	[tilespmem:v28+s29+$0x0] =	vst.idx.msk $0xffff, v22;
	v11 =	vadd.f32 v11, v2  }
0xf2: {  	v38 =	vor.u32 $0x2, v32;
	v18 =	vor.u32 $0x5, v10;
	v30 =	vld [tilespmem:s10+$0xA0];
	[tilespmem:v25+s29+$0x0] =	vst.idx.msk $0xffff, v14;
	v14 =	vadd.f32 v29, v2  }
0xf3: {  	v34 =	vor.u32 $0x2, v27;
	v33 =	vor.u32 $0x6, v8;
	v19 =	vor.u32 $0x5, v9;
	v28 =	vld [tilespmem:s10+$0xFFFFFFA0];
	[tilespmem:v15+s29+$0x0] =	vst.idx.msk $0xffff, v11  }
0xf4: {  	v36 =	vor.u32 $0x6, v9;
	v25 =	vld [tilespmem:s11+$0xE0];
	v11 =	vor.u32 $0x2, v4;
	[tilespmem:v16+s29+$0x0] =	vst.idx.msk $0xffff, v14;
	v16 =	vadd.f32 v23, v2  }
0xf5: {  	v37 =	vor.u32 $0x6, v10;
	v7 =	vor.u32 $0x7, v7;
	v15 =	vadd.f32 v24, v2;
	v14 =	vld [tilespmem:s10+$0x20]  }
0xf6: {  	v5 =	vor.u32 $0x7, v5;
	v29 =	vor.u32 $0x6, v13;
	v12 =	vadd.f32 v12, v2;
	v35 =	vld [tilespmem:s10+$0xFFFFFF20];
	[tilespmem:v17+s29+$0x0] =	vst.idx.msk $0xffff, v16  }
0xf7: {  	v6 =	vor.u32 $0x7, v6;
	[tilespmem:v18+s29+$0x0] =	vst.idx.msk $0xffff, v15;
	v15 =	vor.u32 $0x2, v31;
	v18 =	vadd.f32 v30, v2;
	v39 =	vld [tilespmem:s11+$0xFFFFFFE0]  }
0xf8: {  	v44 =	vor.u32 $0x3, v4;
	v26 =	vadd.f32 v26, v2;
	v30 =	vld [tilespmem:s11+$0xFFFFFF60];
	[tilespmem:v19+s29+$0x0] =	vst.idx.msk $0xffff, v12;
	v16 =	vadd.f32 v28, v2  }
0xf9: {  	v20 =	vld [tilespmem:s28+$0xFFFFFFF0];
	v8 =	vor.u32 $0x7, v8;
	v22 =	vor.u32 $0x3, v32;
	v12 =	vadd.f32 v25, v2;
	[tilespmem:v11+s29+$0x0] =	vst.idx.msk $0xffff, v18  }
0xfa: {  	v24 =	vor.u32 $0x3, v27;
	v23 =	vor.u32 $0x4, v32;
	v40 =	vld [tilespmem:s11+$0x60];
	[tilespmem:v34+s29+$0x0] =	vst.idx.msk $0xffff, v16;
	v11 =	vadd.f32 v14, v2  }
0xfb: {  	v19 =	vor.u32 $0x4, v27;
	v17 =	vor.u32 $0x5, v32;
	v41 =	vld [tilespmem:s10+$0xB0];
	[tilespmem:v29+s29+$0x0] =	vst.idx.msk $0xffff, v12;
	v28 =	vadd.f32 v35, v2  }
0xfc: {  	v25 =	vor.u32 $0x3, v31;
	v18 =	vor.u32 $0x4, v31;
	v42 =	vld [tilespmem:s11+$0xF0];
	[tilespmem:v15+s29+$0x0] =	vst.idx.msk $0xffff, v11;
	v61 =	vadd.f32 v39, v2  }
0xfd: {  	v16 =	vor.u32 $0x5, v31;
	v14 =	vor.u32 $0x5, v27;
	v43 =	vld [tilespmem:s10+$0xFFFFFFB0];
	v29 =	vadd.f32 v30, v2;
	[tilespmem:v38+s29+$0x0] =	vst.idx.msk $0xffff, v28  }
0xfe: {  	v12 =	vor.u32 $0x6, v31;
	v11 =	vor.u32 $0x6, v27;
	v34 =	vld [tilespmem:s10+$0x30];
	[tilespmem:v33+s29+$0x0] =	vst.idx.msk $0xffff, v61;
	v33 =	vor.u32 $0x7, v13  }
0xff: {  	v15 =	vor.u32 $0x6, v32;
	v28 =	vadd.f32 v21, v2;
	v62 =	vadd.f32 v40, v2;
	v35 =	vld [tilespmem:s10+$0xFFFFFF30];
	[tilespmem:v37+s29+$0x0] =	vst.idx.msk $0xffff, v29  }
0x100: {  	v21 =	vor.u32 $0x7, v27;
	v27 =	vor.u32 $0x7, v32;
	v63 =	vadd.f32 v41, v2;
	v30 =	vld [tilespmem:s11+$0xFFFFFF70]  }
0x101: {  	v29 =	vadd.f32 v20, v2;
	v20 =	vor.u32 $0x7, v31;
	[tilespmem:v36+s29+$0x0] =	vst.idx.msk $0xffff, v62;
	v31 =	vld [tilespmem:s11+$0xFFFFFFF0];
	v32 =	vadd.f32 v42, v2  }
0x102: {  	s12 =	simm.s32 $0x8;
	s13 =	sadd.s32 $0x200, s10;
	v9 =	vor.u32 $0x7, v9;
	v10 =	vor.u32 $0x7, v10;
	v36 =	vadd.f32 v43, v2;
	v13 =	vld [tilespmem:s11+$0x70];
	[tilespmem:v44+s29+$0x0] =	vst.idx.msk $0xffff, v63  }
.LBB2_10:
0x103: {  	v37 =	vld [tilespmem:s13+$0x80];
	v34 =	vadd.f32 v34, v2;
	s7 =	sadd.s32 $0x20, s7;
	[tilespmem:v33+s29+$0x0] =	vst.idx.msk $0xffff, v32  }
0x104: {  	s12 =	sadd.s32 $0x4, s12;
	v33 =	vadd.s32 s7, v3;
	s11 =	sadd.s32 $0x8, s7;
	s14 =	sadd.s32 $0x18, s7;
	v35 =	vadd.f32 v35, v2;
	[tilespmem:v24+s29+$0x0] =	vst.idx.msk $0xffff, v36;
	v36 =	vld [tilespmem:s10+$0xC0]  }
0x105: {  	p0 =	slt.u32 s12, $0xC;
	v38 =	vor.u32 $0x1, v33;
	v39 =	vld [tilespmem:s13+$0xFFFFFF80];
	v40 =	vadd.s32 s11, v3;
	s11 =	sadd.s32 $0x10, s7;
	v32 =	vadd.s32 s14, v3;
	[tilespmem:v25+s29+$0x0] =	vst.idx.msk $0xffff, v34  }
0x106: {  	v34 =	vor.u32 $0x1, v40;
	v41 =	vld [tilespmem:s13+$0x0];
	v42 =	vadd.s32 s11, v3;
	[tilespmem:v22+s29+$0x0] =	vst.idx.msk $0xffff, v35;
	v35 =	vor.u32 $0x4, v4  }
0x107: {  	v44 =	vor.u32 $0x2, v40;
	v43 =	vld [tilespmem:s13+$0xFFFFFF00];
	v45 =	vor.u32 $0x1, v42;
	v46 =	vor.u32 $0x2, v42;
	[tilespmem:v7+s29+$0x0] =	vst.idx.msk $0xffff, v28;
	v7 =	vmovc v10;
	v10 =	vmovc v27  }
0x108: {  	v47 =	vor.u32 $0x2, v33;
	v24 =	vor.u32 $0x3, v40;
	v27 =	vadd.f32 v37, v2;
	v28 =	vld [tilespmem:s10+$0xFFFFFF40];
	[tilespmem:v5+s29+$0x0] =	vst.idx.msk $0xffff, v29;
	v5 =	vmovc v8  }
0x109: {  	v22 =	vor.u32 $0x3, v33;
	v25 =	vor.u32 $0x3, v42;
	v8 =	vmovc v21;
	v29 =	vld [tilespmem:s10+$0xFFFFFFC0];
	v36 =	vadd.f32 v36, v2;
	[tilespmem:v6+s29+$0x0] =	vst.idx.msk $0xffff, v26  }
0x10a: {  	v37 =	vor.u32 $0x4, v40;
	v6 =	vmovc v9;
	v21 =	vadd.f32 v39, v2;
	v39 =	vor.u32 $0x4, v42;
	[tilespmem:v32+s29+$0x0] =	vst.idx.msk $0xffff, v27;
	v26 =	vld [tilespmem:s10+$0x40]  }
0x10b: {  	v48 =	vor.u32 $0x4, v33;
	v49 =	vor.u32 $0x5, v40;
	v9 =	vmovc v20;
	v27 =	vadd.f32 v41, v2;
	v41 =	vld [tilespmem:s13+$0x90];
	[tilespmem:v35+s29+$0x0] =	vst.idx.msk $0xffff, v36  }
0x10c: {  	v35 =	vor.u32 $0x5, v33;
	v36 =	vor.u32 $0x5, v42;
	v20 =	vadd.f32 v43, v2;
	[tilespmem:v40+s29+$0x0] =	vst.idx.msk $0xffff, v21;
	v43 =	vld [tilespmem:s10+$0xD0]  }
0x10d: {  	v51 =	vor.u32 $0x6, v40;
	v52 =	vor.u32 $0x1, v32;
	v50 =	vld [tilespmem:s13+$0xFFFFFF90];
	[tilespmem:v42+s29+$0x0] =	vst.idx.msk $0xffff, v27;
	v21 =	vadd.f32 v28, v2  }
0x10e: {  	v55 =	vor.u32 $0x5, v4;
	v54 =	vor.u32 $0x6, v42;
	[tilespmem:v33+s29+$0x0] =	vst.idx.msk $0xffff, v20;
	v53 =	vld [tilespmem:s13+$0x10];
	v20 =	vadd.f32 v29, v2  }
0x10f: {  	v57 =	vor.u32 $0x6, v33;
	v28 =	vadd.f32 v30, v2;
	v56 =	vld [tilespmem:s13+$0xFFFFFF10];
	[tilespmem:v23+s29+$0x0] =	vst.idx.msk $0xffff, v21;
	v23 =	vadd.f32 v26, v2  }
0x110: {  	v29 =	vadd.f32 v31, v2;
	v21 =	vor.u32 $0x7, v40;
	v30 =	vadd.f32 v41, v2;
	v40 =	vld [tilespmem:s10+$0xFFFFFF50];
	[tilespmem:v19+s29+$0x0] =	vst.idx.msk $0xffff, v20  }
0x111: {  	v26 =	vadd.f32 v13, v2;
	v20 =	vor.u32 $0x7, v42;
	v31 =	vld [tilespmem:s10+$0xFFFFFFD0];
	[tilespmem:v18+s29+$0x0] =	vst.idx.msk $0xffff, v23;
	v41 =	vadd.f32 v43, v2  }
0x112: {  	v27 =	vor.u32 $0x7, v33;
	v19 =	vmovc v37;
	v18 =	vmov v39;
	v13 =	vadd.f32 v50, v2;
	[tilespmem:v52+s29+$0x0] =	vst.idx.msk $0xffff, v30;
	v30 =	vld [tilespmem:s10+$0x50]  }
0x113: {  	v33 =	vadd.f32 v53, v2;
	v37 =	vld [tilespmem:s13+$0xA0];
	[tilespmem:v55+s29+$0x0] =	vst.idx.msk $0xffff, v41;
	v23 =	vmov v48  }
0x114: {  	v39 =	vadd.f32 v56, v2;
	[tilespmem:v34+s29+$0x0] =	vst.idx.msk $0xffff, v13;
	v13 =	vld [tilespmem:s10+$0xE0]  }
0x115: {  	v34 =	vld [tilespmem:s13+$0xFFFFFFA0];
	[tilespmem:v45+s29+$0x0] =	vst.idx.msk $0xffff, v33;
	v33 =	vor.u32 $0x2, v32;
	v40 =	vadd.f32 v40, v2  }
0x116: {  	[tilespmem:v38+s29+$0x0] =	vst.idx.msk $0xffff, v39;
	v38 =	vld [tilespmem:s13+$0x20];
	v31 =	vadd.f32 v31, v2;
	v39 =	vor.u32 $0x6, v4  }
0x117: {  	v41 =	vld [tilespmem:s13+$0xFFFFFF20];
	[tilespmem:v17+s29+$0x0] =	vst.idx.msk $0xffff, v40;
	v30 =	vadd.f32 v30, v2;
	v17 =	vmov v35  }
0x118: {  	v35 =	vadd.f32 v37, v2;
	v37 =	vld [tilespmem:s10+$0xFFFFFF60];
	[tilespmem:v14+s29+$0x0] =	vst.idx.msk $0xffff, v31;
	v14 =	vmov v49  }
0x119: {  	v31 =	vld [tilespmem:s10+$0xFFFFFFE0];
	[tilespmem:v16+s29+$0x0] =	vst.idx.msk $0xffff, v30;
	v13 =	vadd.f32 v13, v2;
	v16 =	vmov v36  }
0x11a: {  	v30 =	vadd.f32 v34, v2;
	[tilespmem:v33+s29+$0x0] =	vst.idx.msk $0xffff, v35;
	v36 =	vld [tilespmem:s10+$0x60]  }
0x11b: {  	v33 =	vadd.f32 v38, v2;
	v38 =	vld [tilespmem:s13+$0xB0];
	[tilespmem:v39+s29+$0x0] =	vst.idx.msk $0xffff, v13  }
0x11c: {  	v13 =	vadd.f32 v41, v2;
	[tilespmem:v44+s29+$0x0] =	vst.idx.msk $0xffff, v30;
	v39 =	vld [tilespmem:s10+$0xF0]  }
0x11d: {  	v41 =	vor.u32 $0x3, v32;
	v40 =	vld [tilespmem:s13+$0xFFFFFFB0];
	[tilespmem:v46+s29+$0x0] =	vst.idx.msk $0xffff, v33;
	v30 =	vadd.f32 v37, v2  }
.Ltmp5:
0x11e: {  	v33 =	vor.u32 $0x7, v4;
	v4 =	vmov v32;
	[tilespmem:v47+s29+$0x0] =	vst.idx.msk $0xffff, v13;
	v34 =	vld [tilespmem:s13+$0x30];
	v13 =	vadd.f32 v31, v2;
	(pc) =	sbr.rel @p0 .LBB2_10-.Ltmp5, $4  }
0x11f: {  	v35 =	vld [tilespmem:s13+$0xFFFFFF30];
	[tilespmem:v15+s29+$0x0] =	vst.idx.msk $0xffff, v30;
	v32 =	vadd.f32 v36, v2;
	v15 =	vmov v57  }
0x120: {  	v37 =	vadd.f32 v38, v2;
	v30 =	vld [tilespmem:s10+$0xFFFFFF70];
	[tilespmem:v11+s29+$0x0] =	vst.idx.msk $0xffff, v13;
	v11 =	vmov v51  }
0x121: {  	v31 =	vld [tilespmem:s10+$0xFFFFFFF0];
	[tilespmem:v12+s29+$0x0] =	vst.idx.msk $0xffff, v32;
	v32 =	vadd.f32 v39, v2;
	v12 =	vmov v54  }
0x122: {  	v36 =	vadd.f32 v40, v2;
	[tilespmem:v41+s29+$0x0] =	vst.idx.msk $0xffff, v37;
	v13 =	vld [tilespmem:s10+$0x70];
	s10 =	smov.u32 s13;
	s13 =	sadd.s32 $0x200, s13  }
0x123: {  	_ =	sdelay $0x1  }
0x124: {  	v3 =	vld [tilespmem:s10+$0xC0];
	v35 =	vadd.f32 v35, v2;
	_ =	sdelay $0x1  }
0x125: {  	v37 =	vor.u32 $0x4, v4;
	v47 =	vadd.f32 v34, v2;
	[tilespmem:v22+s29+$0x0] =	vst.idx.msk $0xffff, v35  }
0x126: {  	[tilespmem:v24+s29+$0x0] =	vst.idx.msk $0xffff, v36;
	v48 =	vld [tilespmem:s10+$0xFFFFFF40]  }
0x127: {  	[tilespmem:v25+s29+$0x0] =	vst.idx.msk $0xffff, v47;
	v49 =	vld [tilespmem:s10+$0xFFFFFFC0]  }
0x128: {  	v25 =	vld [tilespmem:s10+$0x40];
	v3 =	vadd.f32 v3, v2;
	_ =	sdelay $0x1  }
0x129: {  	[tilespmem:v37+s29+$0x0] =	vst.idx.msk $0xffff, v3  }
0x12a: {  	v3 =	vld [tilespmem:s10+$0xD0];
	v24 =	vadd.f32 v48, v2  }
0x12b: {  	v22 =	vadd.f32 v49, v2  }
0x12c: {  	v50 =	vor.u32 $0x5, v4;
	v51 =	vadd.f32 v25, v2;
	[tilespmem:v23+s29+$0x0] =	vst.idx.msk $0xffff, v24  }
0x12d: {  	[tilespmem:v19+s29+$0x0] =	vst.idx.msk $0xffff, v22;
	v24 =	vld [tilespmem:s10+$0xFFFFFF50]  }
0x12e: {  	v19 =	vld [tilespmem:s10+$0xFFFFFFD0];
	[tilespmem:v18+s29+$0x0] =	vst.idx.msk $0xffff, v51  }
0x12f: {  	v18 =	vld [tilespmem:s10+$0x50];
	v3 =	vadd.f32 v3, v2;
	_ =	sdelay $0x1  }
0x130: {  	[tilespmem:v50+s29+$0x0] =	vst.idx.msk $0xffff, v3  }
0x131: {  	v3 =	vld [tilespmem:s10+$0xE0];
	v52 =	vadd.f32 v24, v2  }
0x132: {  	v19 =	vadd.f32 v19, v2  }
0x133: {  	v53 =	vor.u32 $0x6, v4;
	v54 =	vadd.f32 v18, v2;
	[tilespmem:v17+s29+$0x0] =	vst.idx.msk $0xffff, v52  }
0x134: {  	[tilespmem:v14+s29+$0x0] =	vst.idx.msk $0xffff, v19;
	v55 =	vld [tilespmem:s10+$0xFFFFFF60]  }
0x135: {  	v14 =	vld [tilespmem:s10+$0xFFFFFFE0];
	[tilespmem:v16+s29+$0x0] =	vst.idx.msk $0xffff, v54  }
0x136: {  	v16 =	vld [tilespmem:s10+$0x60];
	v3 =	vadd.f32 v3, v2  }
0x137: {  	[tilespmem:v33+s29+$0x0] =	vst.idx.msk $0xffff, v32  }
0x138: {  	[tilespmem:v53+s29+$0x0] =	vst.idx.msk $0xffff, v3  }
0x139: {  	[tilespmem:v7+s29+$0x0] =	vst.idx.msk $0xffff, v28;
	v3 =	vld [tilespmem:s10+$0xF0];
	v56 =	vadd.f32 v55, v2  }
0x13a: {  	[tilespmem:v5+s29+$0x0] =	vst.idx.msk $0xffff, v29;
	v57 =	vadd.f32 v14, v2  }
0x13b: {  	v58 =	vor.u32 $0x7, v4;
	v59 =	vadd.f32 v16, v2;
	[tilespmem:v15+s29+$0x0] =	vst.idx.msk $0xffff, v56  }
0x13c: {  	[tilespmem:v11+s29+$0x0] =	vst.idx.msk $0xffff, v57;
	v60 =	vld [tilespmem:s10+$0xFFFFFF70]  }
0x13d: {  	v61 =	vadd.f32 v30, v2;
	v5 =	vld [tilespmem:s10+$0xFFFFFFF0];
	[tilespmem:v12+s29+$0x0] =	vst.idx.msk $0xffff, v59  }
0x13e: {  	[tilespmem:v6+s29+$0x0] =	vst.idx.msk $0xffff, v26;
	v7 =	vld [tilespmem:s10+$0x70];
	v3 =	vadd.f32 v3, v2  }
0x13f: {  	s3 =	sadd.s32 $0x1, s3;
	v62 =	vadd.f32 v31, v2;
	[tilespmem:v10+s29+$0x0] =	vst.idx.msk $0xffff, v61  }
0x140: {  	p0 =	sne.s32 s3, $0x8;
	[tilespmem:v58+s29+$0x0] =	vst.idx.msk $0xffff, v3;
	v3 =	vadd.f32 v13, v2  }
.Ltmp6:
0x141: {  	[tilespmem:v8+s29+$0x0] =	vst.idx.msk $0xffff, v62;
	v63 =	vadd.f32 v60, v2;
	(pc) =	sbr.rel @p0 .LBB2_9-.Ltmp6, $4  }
0x142: {  	[tilespmem:v9+s29+$0x0] =	vst.idx.msk $0xffff, v3;
	v3 =	vadd.f32 v5, v2  }
0x143: {  	v2 =	vadd.f32 v7, v2;
	[tilespmem:v27+s29+$0x0] =	vst.idx.msk $0xffff, v63  }
0x144: {  	[tilespmem:v21+s29+$0x0] =	vst.idx.msk $0xffff, v3  }
0x145: {  	s28 =	sadd.s32 $0x800, s28;
	[tilespmem:v20+s29+$0x0] =	vst.idx.msk $0xffff, v2  }
0x146: {  	s1 =	sshll.u32 s9, $0x7  }
0x147: {  	s3 =	sshll.u32 s25, $0x10;
	s1 =	sand.u32 $0xF80, s1  }
0x148: {  	s14 =	rddreg [dreg:$0x2];
	s1 =	sor.u32 s1, s3  }
0x149: {  	s3 =	sadd.s32 s14, s1  }
0x14a: {  	[hbm4b:s3+s4] =	stream.linear.scatter [tilespmem:s29], [sflag:$0x2], $0x80, $0x38;
	[tilespmem:$0x11C80] =	vst v63  }
0x14b: {  	s7 =	sadd.s32 $0x8888, s8;
	s25 =	sadd.s32 $0x10, s3  }
0x14c: {  	[hbm4b:s25+s4] =	stream.linear.scatter [tilespmem:s7], [sflag:$0x2], $0x80, $0x38;
	[tilespmem:$0x11C80] =	vst v63  }
0x14d: {  	s28 =	sadd.s32 $0x8910, s8;
	s29 =	sadd.s32 $0x20, s3  }
0x14e: {  	[hbm4b:s29+s4] =	stream.linear.scatter [tilespmem:s28], [sflag:$0x2], $0x80, $0x38;
	[tilespmem:$0x11C80] =	vst v63  }
0x14f: {  	s9 =	sadd.s32 $0x8998, s8;
	s10 =	sadd.s32 $0x30, s3  }
0x150: {  	[hbm4b:s10+s4] =	stream.linear.scatter [tilespmem:s9], [sflag:$0x2], $0x80, $0x38;
	[tilespmem:$0x11C80] =	vst v63  }
0x151: {  	s11 =	sadd.s32 $0x8A20, s8;
	s12 =	sadd.s32 $0x40, s3  }
0x152: {  	[hbm4b:s12+s4] =	stream.linear.scatter [tilespmem:s11], [sflag:$0x2], $0x80, $0x38;
	[tilespmem:$0x11C80] =	vst v63  }
0x153: {  	s13 =	sadd.s32 $0x8AA8, s8;
	s14 =	sadd.s32 $0x50, s3  }
0x154: {  	[hbm4b:s14+s4] =	stream.linear.scatter [tilespmem:s13], [sflag:$0x2], $0x80, $0x38;
	[tilespmem:$0x11C80] =	vst v63  }
0x155: {  	s25 =	sadd.s32 $0x8B30, s8;
	s28 =	sadd.s32 $0x60, s3  }
0x156: {  	[hbm4b:s28+s4] =	stream.linear.scatter [tilespmem:s25], [sflag:$0x2], $0x80, $0x38;
	[tilespmem:$0x11C80] =	vst v63  }
0x157: {  	s7 =	rddreg [dreg:$0x8];
	s29 =	sadd.s32 $0x8BB8, s8;
	s3 =	sadd.s32 $0x70, s3  }
0x158: {  	[hbm4b:s3+s4] =	stream.linear.scatter [tilespmem:s29], [sflag:$0x2], $0x80, $0x38;
	[tilespmem:$0x11C80] =	vst v63  }
0x159: {  	s9 =	sadd.s32 $0x8C40, s8;
	s3 =	sadd.s32 s1, s7  }
0x15a: {  	[hbm4b:s3+s4] =	stream.linear.scatter [tilespmem:s9], [sflag:$0x2], $0x80, $0x38;
	[tilespmem:$0x11C80] =	vst v63  }
0x15b: {  	s10 =	sadd.s32 $0x8CC8, s8;
	s11 =	sadd.s32 $0x10, s3  }
0x15c: {  	[hbm4b:s11+s4] =	stream.linear.scatter [tilespmem:s10], [sflag:$0x2], $0x80, $0x38;
	[tilespmem:$0x11C80] =	vst v63  }
0x15d: {  	s12 =	sadd.s32 $0x8D50, s8;
	s13 =	sadd.s32 $0x20, s3  }
0x15e: {  	[hbm4b:s13+s4] =	stream.linear.scatter [tilespmem:s12], [sflag:$0x2], $0x80, $0x38;
	[tilespmem:$0x11C80] =	vst v63  }
0x15f: {  	s14 =	sadd.s32 $0x8DD8, s8;
	s25 =	sadd.s32 $0x30, s3  }
0x160: {  	[hbm4b:s25+s4] =	stream.linear.scatter [tilespmem:s14], [sflag:$0x2], $0x80, $0x38;
	[tilespmem:$0x11C80] =	vst v63  }
0x161: {  	s28 =	sadd.s32 $0x8E60, s8;
	s29 =	sadd.s32 $0x40, s3  }
0x162: {  	[hbm4b:s29+s4] =	stream.linear.scatter [tilespmem:s28], [sflag:$0x2], $0x80, $0x38;
	[tilespmem:$0x11C80] =	vst v63  }
0x163: {  	s9 =	sadd.s32 $0x8EE8, s8;
	s10 =	sadd.s32 $0x50, s3  }
0x164: {  	[hbm4b:s10+s4] =	stream.linear.scatter [tilespmem:s9], [sflag:$0x2], $0x80, $0x38;
	[tilespmem:$0x11C80] =	vst v63  }
0x165: {  	s11 =	sadd.s32 $0x8F70, s8;
	s12 =	sadd.s32 $0x60, s3  }
0x166: {  	[hbm4b:s12+s4] =	stream.linear.scatter [tilespmem:s11], [sflag:$0x2], $0x80, $0x38;
	[tilespmem:$0x11C80] =	vst v63  }
0x167: {  	s13 =	sadd.s32 $0x8FF8, s8;
	s3 =	sadd.s32 $0x70, s3;
	s14 =	rddreg [dreg:$0x9]  }
0x168: {  	[hbm4b:s3+s4] =	stream.linear.scatter [tilespmem:s13], [sflag:$0x2], $0x80, $0x38;
	[tilespmem:$0x11C80] =	vst v63  }
0x169: {  	s25 =	sadd.s32 $0x9080, s8;
	s3 =	sadd.s32 s1, s14  }
0x16a: {  	[hbm4b:s3+s4] =	stream.linear.scatter [tilespmem:s25], [sflag:$0x2], $0x80, $0x38;
	[tilespmem:$0x11C80] =	vst v63  }
0x16b: {  	s28 =	sadd.s32 $0x9108, s8;
	s29 =	sadd.s32 $0x10, s3  }
0x16c: {  	[hbm4b:s29+s4] =	stream.linear.scatter [tilespmem:s28], [sflag:$0x2], $0x80, $0x38;
	[tilespmem:$0x11C80] =	vst v63  }
0x16d: {  	s10 =	sadd.s32 $0x9190, s8;
	s11 =	sadd.s32 $0x20, s3  }
0x16e: {  	[hbm4b:s11+s4] =	stream.linear.scatter [tilespmem:s10], [sflag:$0x2], $0x80, $0x38;
	[tilespmem:$0x11C80] =	vst v63  }
0x16f: {  	s12 =	sadd.s32 $0x9218, s8;
	s13 =	sadd.s32 $0x30, s3  }
0x170: {  	[hbm4b:s13+s4] =	stream.linear.scatter [tilespmem:s12], [sflag:$0x2], $0x80, $0x38;
	[tilespmem:$0x11C80] =	vst v63  }
0x171: {  	s14 =	sadd.s32 $0x92A0, s8;
	s25 =	sadd.s32 $0x40, s3  }
0x172: {  	[hbm4b:s25+s4] =	stream.linear.scatter [tilespmem:s14], [sflag:$0x2], $0x80, $0x38;
	[tilespmem:$0x11C80] =	vst v63  }
0x173: {  	s28 =	sadd.s32 $0x9328, s8;
	s29 =	sadd.s32 $0x50, s3  }
0x174: {  	[hbm4b:s29+s4] =	stream.linear.scatter [tilespmem:s28], [sflag:$0x2], $0x80, $0x38;
	[tilespmem:$0x11C80] =	vst v63  }
0x175: {  	s9 =	sadd.s32 $0x93B0, s8;
	s10 =	sadd.s32 $0x60, s3  }
0x176: {  	[hbm4b:s10+s4] =	stream.linear.scatter [tilespmem:s9], [sflag:$0x2], $0x80, $0x38;
	[tilespmem:$0x11C80] =	vst v63  }
0x177: {  	s11 =	sadd.s32 $0x9438, s8;
	s3 =	sadd.s32 $0x70, s3;
	s12 =	rddreg [dreg:$0xa]  }
0x178: {  	[hbm4b:s3+s4] =	stream.linear.scatter [tilespmem:s11], [sflag:$0x2], $0x80, $0x38;
	[tilespmem:$0x11C80] =	vst v63  }
0x179: {  	s13 =	sadd.s32 $0x94C0, s8;
	s3 =	sadd.s32 s1, s12  }
0x17a: {  	[hbm4b:s3+s4] =	stream.linear.scatter [tilespmem:s13], [sflag:$0x2], $0x80, $0x38;
	[tilespmem:$0x11C80] =	vst v63  }
0x17b: {  	s14 =	sadd.s32 $0x9548, s8;
	s25 =	sadd.s32 $0x10, s3  }
0x17c: {  	[hbm4b:s25+s4] =	stream.linear.scatter [tilespmem:s14], [sflag:$0x2], $0x80, $0x38;
	[tilespmem:$0x11C80] =	vst v63  }
0x17d: {  	s28 =	sadd.s32 $0x95D0, s8;
	s29 =	sadd.s32 $0x20, s3  }
0x17e: {  	[hbm4b:s29+s4] =	stream.linear.scatter [tilespmem:s28], [sflag:$0x2], $0x80, $0x38;
	[tilespmem:$0x11C80] =	vst v63  }
0x17f: {  	s9 =	sadd.s32 $0x9658, s8;
	s10 =	sadd.s32 $0x30, s3  }
0x180: {  	[hbm4b:s10+s4] =	stream.linear.scatter [tilespmem:s9], [sflag:$0x2], $0x80, $0x38;
	[tilespmem:$0x11C80] =	vst v63  }
0x181: {  	s11 =	sadd.s32 $0x96E0, s8;
	s12 =	sadd.s32 $0x40, s3  }
0x182: {  	[hbm4b:s12+s4] =	stream.linear.scatter [tilespmem:s11], [sflag:$0x2], $0x80, $0x38;
	[tilespmem:$0x11C80] =	vst v63  }
0x183: {  	s13 =	sadd.s32 $0x9768, s8;
	s14 =	sadd.s32 $0x50, s3  }
0x184: {  	[hbm4b:s14+s4] =	stream.linear.scatter [tilespmem:s13], [sflag:$0x2], $0x80, $0x38;
	[tilespmem:$0x11C80] =	vst v63  }
0x185: {  	s25 =	sadd.s32 $0x97F0, s8;
	s28 =	sadd.s32 $0x60, s3  }
0x186: {  	[hbm4b:s28+s4] =	stream.linear.scatter [tilespmem:s25], [sflag:$0x2], $0x80, $0x38;
	[tilespmem:$0x11C80] =	vst v63  }
0x187: {  	s7 =	rddreg [dreg:$0xb];
	s29 =	sadd.s32 $0x9878, s8;
	s3 =	sadd.s32 $0x70, s3  }
0x188: {  	[hbm4b:s3+s4] =	stream.linear.scatter [tilespmem:s29], [sflag:$0x2], $0x80, $0x38;
	[tilespmem:$0x11C80] =	vst v63  }
0x189: {  	s9 =	sadd.s32 $0x9900, s8;
	s3 =	sadd.s32 s1, s7  }
0x18a: {  	[hbm4b:s3+s4] =	stream.linear.scatter [tilespmem:s9], [sflag:$0x2], $0x80, $0x38;
	[tilespmem:$0x11C80] =	vst v63  }
0x18b: {  	s10 =	sadd.s32 $0x9988, s8;
	s11 =	sadd.s32 $0x10, s3  }
0x18c: {  	[hbm4b:s11+s4] =	stream.linear.scatter [tilespmem:s10], [sflag:$0x2], $0x80, $0x38;
	[tilespmem:$0x11C80] =	vst v63  }
0x18d: {  	s12 =	sadd.s32 $0x9A10, s8;
	s13 =	sadd.s32 $0x20, s3  }
0x18e: {  	[hbm4b:s13+s4] =	stream.linear.scatter [tilespmem:s12], [sflag:$0x2], $0x80, $0x38;
	[tilespmem:$0x11C80] =	vst v63  }
0x18f: {  	s14 =	sadd.s32 $0x9A98, s8;
	s25 =	sadd.s32 $0x30, s3  }
0x190: {  	[hbm4b:s25+s4] =	stream.linear.scatter [tilespmem:s14], [sflag:$0x2], $0x80, $0x38;
	[tilespmem:$0x11C80] =	vst v63  }
0x191: {  	s28 =	sadd.s32 $0x9B20, s8;
	s29 =	sadd.s32 $0x40, s3  }
0x192: {  	[hbm4b:s29+s4] =	stream.linear.scatter [tilespmem:s28], [sflag:$0x2], $0x80, $0x38;
	[tilespmem:$0x11C80] =	vst v63  }
0x193: {  	s9 =	sadd.s32 $0x9BA8, s8;
	s10 =	sadd.s32 $0x50, s3  }
0x194: {  	[hbm4b:s10+s4] =	stream.linear.scatter [tilespmem:s9], [sflag:$0x2], $0x80, $0x38;
	[tilespmem:$0x11C80] =	vst v63  }
0x195: {  	s11 =	sadd.s32 $0x9C30, s8;
	s12 =	sadd.s32 $0x60, s3  }
0x196: {  	[hbm4b:s12+s4] =	stream.linear.scatter [tilespmem:s11], [sflag:$0x2], $0x80, $0x38;
	[tilespmem:$0x11C80] =	vst v63  }
0x197: {  	s13 =	sadd.s32 $0x9CB8, s8;
	s3 =	sadd.s32 $0x70, s3;
	s14 =	rddreg [dreg:$0xc]  }
0x198: {  	[hbm4b:s3+s4] =	stream.linear.scatter [tilespmem:s13], [sflag:$0x2], $0x80, $0x38;
	[tilespmem:$0x11C80] =	vst v63  }
0x199: {  	s25 =	sadd.s32 $0x9D40, s8;
	s3 =	sadd.s32 s1, s14  }
0x19a: {  	[hbm4b:s3+s4] =	stream.linear.scatter [tilespmem:s25], [sflag:$0x2], $0x80, $0x38;
	[tilespmem:$0x11C80] =	vst v63  }
0x19b: {  	s28 =	sadd.s32 $0x9DC8, s8;
	s29 =	sadd.s32 $0x10, s3  }
0x19c: {  	[hbm4b:s29+s4] =	stream.linear.scatter [tilespmem:s28], [sflag:$0x2], $0x80, $0x38;
	[tilespmem:$0x11C80] =	vst v63  }
0x19d: {  	s10 =	sadd.s32 $0x9E50, s8;
	s11 =	sadd.s32 $0x20, s3  }
0x19e: {  	[hbm4b:s11+s4] =	stream.linear.scatter [tilespmem:s10], [sflag:$0x2], $0x80, $0x38;
	[tilespmem:$0x11C80] =	vst v63  }
0x19f: {  	s12 =	sadd.s32 $0x9ED8, s8;
	s13 =	sadd.s32 $0x30, s3  }
0x1a0: {  	[hbm4b:s13+s4] =	stream.linear.scatter [tilespmem:s12], [sflag:$0x2], $0x80, $0x38;
	[tilespmem:$0x11C80] =	vst v63  }
0x1a1: {  	s14 =	sadd.s32 $0x9F60, s8;
	s25 =	sadd.s32 $0x40, s3  }
0x1a2: {  	[hbm4b:s25+s4] =	stream.linear.scatter [tilespmem:s14], [sflag:$0x2], $0x80, $0x38;
	[tilespmem:$0x11C80] =	vst v63  }
0x1a3: {  	s28 =	sadd.s32 $0x9FE8, s8;
	s29 =	sadd.s32 $0x50, s3  }
0x1a4: {  	[hbm4b:s29+s4] =	stream.linear.scatter [tilespmem:s28], [sflag:$0x2], $0x80, $0x38;
	[tilespmem:$0x11C80] =	vst v63  }
0x1a5: {  	s10 =	sadd.s32 $0xA070, s8;
	s11 =	sadd.s32 $0x60, s3  }
0x1a6: {  	[hbm4b:s11+s4] =	stream.linear.scatter [tilespmem:s10], [sflag:$0x2], $0x80, $0x38;
	[tilespmem:$0x11C80] =	vst v63  }
0x1a7: {  	s3 =	sadd.s32 $0x70, s3;
	s12 =	sadd.s32 $0xA0F8, s8  }
0x1a8: {  	[hbm4b:s3+s4] =	stream.linear.scatter [tilespmem:s12], [sflag:$0x2], $0x80, $0x38;
	[tilespmem:$0x11C80] =	vst v63  }
0x1a9: {  	s13 =	sadd.s32 $0xA180, s8;
	s3 =	sadd.s32 s1, s16  }
0x1aa: {  	[hbm4b:s3+s4] =	stream.linear.scatter [tilespmem:s13], [sflag:$0x2], $0x80, $0x38;
	[tilespmem:$0x11C80] =	vst v63  }
0x1ab: {  	s14 =	sadd.s32 $0xA208, s8;
	s25 =	sadd.s32 $0x10, s3  }
0x1ac: {  	[hbm4b:s25+s4] =	stream.linear.scatter [tilespmem:s14], [sflag:$0x2], $0x80, $0x38;
	[tilespmem:$0x11C80] =	vst v63  }
0x1ad: {  	s28 =	sadd.s32 $0xA290, s8;
	s29 =	sadd.s32 $0x20, s3  }
0x1ae: {  	[hbm4b:s29+s4] =	stream.linear.scatter [tilespmem:s28], [sflag:$0x2], $0x80, $0x38;
	[tilespmem:$0x11C80] =	vst v63  }
0x1af: {  	s9 =	sadd.s32 $0xA318, s8;
	s10 =	sadd.s32 $0x30, s3  }
0x1b0: {  	[hbm4b:s10+s4] =	stream.linear.scatter [tilespmem:s9], [sflag:$0x2], $0x80, $0x38;
	[tilespmem:$0x11C80] =	vst v63  }
0x1b1: {  	s11 =	sadd.s32 $0xA3A0, s8;
	s12 =	sadd.s32 $0x40, s3  }
0x1b2: {  	[hbm4b:s12+s4] =	stream.linear.scatter [tilespmem:s11], [sflag:$0x2], $0x80, $0x38;
	[tilespmem:$0x11C80] =	vst v63  }
0x1b3: {  	s13 =	sadd.s32 $0xA428, s8;
	s14 =	sadd.s32 $0x50, s3  }
0x1b4: {  	[hbm4b:s14+s4] =	stream.linear.scatter [tilespmem:s13], [sflag:$0x2], $0x80, $0x38;
	[tilespmem:$0x11C80] =	vst v63  }
0x1b5: {  	s25 =	sadd.s32 $0xA4B0, s8;
	s28 =	sadd.s32 $0x60, s3  }
0x1b6: {  	[hbm4b:s28+s4] =	stream.linear.scatter [tilespmem:s25], [sflag:$0x2], $0x80, $0x38;
	[tilespmem:$0x11C80] =	vst v63  }
0x1b7: {  	s29 =	sadd.s32 $0xA538, s8;
	s3 =	sadd.s32 $0x70, s3  }
0x1b8: {  	[hbm4b:s3+s4] =	stream.linear.scatter [tilespmem:s29], [sflag:$0x2], $0x80, $0x38;
	[tilespmem:$0x11C80] =	vst v63  }
0x1b9: {  	s9 =	sadd.s32 $0xA5C0, s8;
	s3 =	sadd.s32 s1, s17  }
0x1ba: {  	[hbm4b:s3+s4] =	stream.linear.scatter [tilespmem:s9], [sflag:$0x2], $0x80, $0x38;
	[tilespmem:$0x11C80] =	vst v63  }
0x1bb: {  	s10 =	sadd.s32 $0xA648, s8;
	s11 =	sadd.s32 $0x10, s3  }
0x1bc: {  	[hbm4b:s11+s4] =	stream.linear.scatter [tilespmem:s10], [sflag:$0x2], $0x80, $0x38;
	[tilespmem:$0x11C80] =	vst v63  }
0x1bd: {  	s12 =	sadd.s32 $0xA6D0, s8;
	s13 =	sadd.s32 $0x20, s3  }
0x1be: {  	[hbm4b:s13+s4] =	stream.linear.scatter [tilespmem:s12], [sflag:$0x2], $0x80, $0x38;
	[tilespmem:$0x11C80] =	vst v63  }
0x1bf: {  	s14 =	sadd.s32 $0xA758, s8;
	s25 =	sadd.s32 $0x30, s3  }
0x1c0: {  	[hbm4b:s25+s4] =	stream.linear.scatter [tilespmem:s14], [sflag:$0x2], $0x80, $0x38;
	[tilespmem:$0x11C80] =	vst v63  }
0x1c1: {  	s28 =	sadd.s32 $0xA7E0, s8;
	s29 =	sadd.s32 $0x40, s3  }
0x1c2: {  	[hbm4b:s29+s4] =	stream.linear.scatter [tilespmem:s28], [sflag:$0x2], $0x80, $0x38;
	[tilespmem:$0x11C80] =	vst v63  }
0x1c3: {  	s10 =	sadd.s32 $0xA868, s8;
	s11 =	sadd.s32 $0x50, s3  }
0x1c4: {  	[hbm4b:s11+s4] =	stream.linear.scatter [tilespmem:s10], [sflag:$0x2], $0x80, $0x38;
	[tilespmem:$0x11C80] =	vst v63  }
0x1c5: {  	s12 =	sadd.s32 $0xA8F0, s8;
	s13 =	sadd.s32 $0x60, s3  }
0x1c6: {  	[hbm4b:s13+s4] =	stream.linear.scatter [tilespmem:s12], [sflag:$0x2], $0x80, $0x38;
	[tilespmem:$0x11C80] =	vst v63  }
0x1c7: {  	s3 =	sadd.s32 $0x70, s3;
	s14 =	sadd.s32 $0xA978, s8  }
0x1c8: {  	[hbm4b:s3+s4] =	stream.linear.scatter [tilespmem:s14], [sflag:$0x2], $0x80, $0x38;
	[tilespmem:$0x11C80] =	vst v63  }
0x1c9: {  	s25 =	sadd.s32 $0xAA00, s8;
	s3 =	sadd.s32 s1, s18  }
0x1ca: {  	[hbm4b:s3+s4] =	stream.linear.scatter [tilespmem:s25], [sflag:$0x2], $0x80, $0x38;
	[tilespmem:$0x11C80] =	vst v63  }
0x1cb: {  	s28 =	sadd.s32 $0xAA88, s8;
	s29 =	sadd.s32 $0x10, s3  }
0x1cc: {  	[hbm4b:s29+s4] =	stream.linear.scatter [tilespmem:s28], [sflag:$0x2], $0x80, $0x38;
	[tilespmem:$0x11C80] =	vst v63  }
0x1cd: {  	s10 =	sadd.s32 $0xAB10, s8;
	s11 =	sadd.s32 $0x20, s3  }
0x1ce: {  	[hbm4b:s11+s4] =	stream.linear.scatter [tilespmem:s10], [sflag:$0x2], $0x80, $0x38;
	[tilespmem:$0x11C80] =	vst v63  }
0x1cf: {  	s12 =	sadd.s32 $0xAB98, s8;
	s13 =	sadd.s32 $0x30, s3  }
0x1d0: {  	[hbm4b:s13+s4] =	stream.linear.scatter [tilespmem:s12], [sflag:$0x2], $0x80, $0x38;
	[tilespmem:$0x11C80] =	vst v63  }
0x1d1: {  	s14 =	sadd.s32 $0xAC20, s8;
	s25 =	sadd.s32 $0x40, s3  }
0x1d2: {  	[hbm4b:s25+s4] =	stream.linear.scatter [tilespmem:s14], [sflag:$0x2], $0x80, $0x38;
	[tilespmem:$0x11C80] =	vst v63  }
0x1d3: {  	s28 =	sadd.s32 $0xACA8, s8;
	s29 =	sadd.s32 $0x50, s3  }
0x1d4: {  	[hbm4b:s29+s4] =	stream.linear.scatter [tilespmem:s28], [sflag:$0x2], $0x80, $0x38;
	[tilespmem:$0x11C80] =	vst v63  }
0x1d5: {  	s10 =	sadd.s32 $0xAD30, s8;
	s11 =	sadd.s32 $0x60, s3  }
0x1d6: {  	[hbm4b:s11+s4] =	stream.linear.scatter [tilespmem:s10], [sflag:$0x2], $0x80, $0x38;
	[tilespmem:$0x11C80] =	vst v63  }
0x1d7: {  	s3 =	sadd.s32 $0x70, s3;
	s12 =	sadd.s32 $0xADB8, s8  }
0x1d8: {  	[hbm4b:s3+s4] =	stream.linear.scatter [tilespmem:s12], [sflag:$0x2], $0x80, $0x38;
	[tilespmem:$0x11C80] =	vst v63  }
0x1d9: {  	s13 =	sadd.s32 $0xAE40, s8;
	s3 =	sadd.s32 s1, s19  }
0x1da: {  	[hbm4b:s3+s4] =	stream.linear.scatter [tilespmem:s13], [sflag:$0x2], $0x80, $0x38;
	[tilespmem:$0x11C80] =	vst v63  }
0x1db: {  	s14 =	sadd.s32 $0xAEC8, s8;
	s25 =	sadd.s32 $0x10, s3  }
0x1dc: {  	[hbm4b:s25+s4] =	stream.linear.scatter [tilespmem:s14], [sflag:$0x2], $0x80, $0x38;
	[tilespmem:$0x11C80] =	vst v63  }
0x1dd: {  	s28 =	sadd.s32 $0xAF50, s8;
	s29 =	sadd.s32 $0x20, s3  }
0x1de: {  	[hbm4b:s29+s4] =	stream.linear.scatter [tilespmem:s28], [sflag:$0x2], $0x80, $0x38;
	[tilespmem:$0x11C80] =	vst v63  }
0x1df: {  	s9 =	sadd.s32 $0xAFD8, s8;
	s10 =	sadd.s32 $0x30, s3  }
0x1e0: {  	[hbm4b:s10+s4] =	stream.linear.scatter [tilespmem:s9], [sflag:$0x2], $0x80, $0x38;
	[tilespmem:$0x11C80] =	vst v63  }
0x1e1: {  	s11 =	sadd.s32 $0xB060, s8;
	s12 =	sadd.s32 $0x40, s3  }
0x1e2: {  	[hbm4b:s12+s4] =	stream.linear.scatter [tilespmem:s11], [sflag:$0x2], $0x80, $0x38;
	[tilespmem:$0x11C80] =	vst v63  }
0x1e3: {  	s13 =	sadd.s32 $0xB0E8, s8;
	s14 =	sadd.s32 $0x50, s3  }
0x1e4: {  	[hbm4b:s14+s4] =	stream.linear.scatter [tilespmem:s13], [sflag:$0x2], $0x80, $0x38;
	[tilespmem:$0x11C80] =	vst v63  }
0x1e5: {  	s25 =	sadd.s32 $0xB170, s8;
	s28 =	sadd.s32 $0x60, s3  }
0x1e6: {  	[hbm4b:s28+s4] =	stream.linear.scatter [tilespmem:s25], [sflag:$0x2], $0x80, $0x38;
	[tilespmem:$0x11C80] =	vst v63  }
0x1e7: {  	s29 =	sadd.s32 $0xB1F8, s8;
	s3 =	sadd.s32 $0x70, s3  }
0x1e8: {  	[hbm4b:s3+s4] =	stream.linear.scatter [tilespmem:s29], [sflag:$0x2], $0x80, $0x38;
	[tilespmem:$0x11C80] =	vst v63  }
0x1e9: {  	s9 =	sadd.s32 $0xB280, s8;
	s3 =	sadd.s32 s1, s20  }
0x1ea: {  	[hbm4b:s3+s4] =	stream.linear.scatter [tilespmem:s9], [sflag:$0x2], $0x80, $0x38;
	[tilespmem:$0x11C80] =	vst v63  }
0x1eb: {  	s10 =	sadd.s32 $0xB308, s8;
	s11 =	sadd.s32 $0x10, s3  }
0x1ec: {  	[hbm4b:s11+s4] =	stream.linear.scatter [tilespmem:s10], [sflag:$0x2], $0x80, $0x38;
	[tilespmem:$0x11C80] =	vst v63  }
0x1ed: {  	s12 =	sadd.s32 $0xB390, s8;
	s13 =	sadd.s32 $0x20, s3  }
0x1ee: {  	[hbm4b:s13+s4] =	stream.linear.scatter [tilespmem:s12], [sflag:$0x2], $0x80, $0x38;
	[tilespmem:$0x11C80] =	vst v63  }
0x1ef: {  	s14 =	sadd.s32 $0xB418, s8;
	s25 =	sadd.s32 $0x30, s3  }
0x1f0: {  	[hbm4b:s25+s4] =	stream.linear.scatter [tilespmem:s14], [sflag:$0x2], $0x80, $0x38;
	[tilespmem:$0x11C80] =	vst v63  }
0x1f1: {  	s28 =	sadd.s32 $0xB4A0, s8;
	s29 =	sadd.s32 $0x40, s3  }
0x1f2: {  	[hbm4b:s29+s4] =	stream.linear.scatter [tilespmem:s28], [sflag:$0x2], $0x80, $0x38;
	[tilespmem:$0x11C80] =	vst v63  }
0x1f3: {  	s10 =	sadd.s32 $0xB528, s8;
	s11 =	sadd.s32 $0x50, s3  }
0x1f4: {  	[hbm4b:s11+s4] =	stream.linear.scatter [tilespmem:s10], [sflag:$0x2], $0x80, $0x38;
	[tilespmem:$0x11C80] =	vst v63  }
0x1f5: {  	s12 =	sadd.s32 $0xB5B0, s8;
	s13 =	sadd.s32 $0x60, s3  }
0x1f6: {  	[hbm4b:s13+s4] =	stream.linear.scatter [tilespmem:s12], [sflag:$0x2], $0x80, $0x38;
	[tilespmem:$0x11C80] =	vst v63  }
0x1f7: {  	s3 =	sadd.s32 $0x70, s3;
	s14 =	sadd.s32 $0xB638, s8  }
0x1f8: {  	[hbm4b:s3+s4] =	stream.linear.scatter [tilespmem:s14], [sflag:$0x2], $0x80, $0x38;
	[tilespmem:$0x11C80] =	vst v63  }
0x1f9: {  	s25 =	sadd.s32 $0xB6C0, s8;
	s3 =	sadd.s32 s1, s21  }
0x1fa: {  	[hbm4b:s3+s4] =	stream.linear.scatter [tilespmem:s25], [sflag:$0x2], $0x80, $0x38;
	[tilespmem:$0x11C80] =	vst v63  }
0x1fb: {  	s28 =	sadd.s32 $0xB748, s8;
	s29 =	sadd.s32 $0x10, s3  }
0x1fc: {  	[hbm4b:s29+s4] =	stream.linear.scatter [tilespmem:s28], [sflag:$0x2], $0x80, $0x38;
	[tilespmem:$0x11C80] =	vst v63  }
0x1fd: {  	s10 =	sadd.s32 $0xB7D0, s8;
	s11 =	sadd.s32 $0x20, s3  }
0x1fe: {  	[hbm4b:s11+s4] =	stream.linear.scatter [tilespmem:s10], [sflag:$0x2], $0x80, $0x38;
	[tilespmem:$0x11C80] =	vst v63  }
0x1ff: {  	s12 =	sadd.s32 $0xB858, s8;
	s13 =	sadd.s32 $0x30, s3  }
0x200: {  	[hbm4b:s13+s4] =	stream.linear.scatter [tilespmem:s12], [sflag:$0x2], $0x80, $0x38;
	[tilespmem:$0x11C80] =	vst v63  }
0x201: {  	s14 =	sadd.s32 $0xB8E0, s8;
	s25 =	sadd.s32 $0x40, s3  }
0x202: {  	[hbm4b:s25+s4] =	stream.linear.scatter [tilespmem:s14], [sflag:$0x2], $0x80, $0x38;
	[tilespmem:$0x11C80] =	vst v63  }
0x203: {  	s28 =	sadd.s32 $0xB968, s8;
	s29 =	sadd.s32 $0x50, s3  }
0x204: {  	[hbm4b:s29+s4] =	stream.linear.scatter [tilespmem:s28], [sflag:$0x2], $0x80, $0x38;
	[tilespmem:$0x11C80] =	vst v63  }
0x205: {  	s10 =	sadd.s32 $0xB9F0, s8;
	s11 =	sadd.s32 $0x60, s3  }
0x206: {  	[hbm4b:s11+s4] =	stream.linear.scatter [tilespmem:s10], [sflag:$0x2], $0x80, $0x38;
	[tilespmem:$0x11C80] =	vst v63  }
0x207: {  	s3 =	sadd.s32 $0x70, s3;
	s12 =	sadd.s32 $0xBA78, s8  }
0x208: {  	[hbm4b:s3+s4] =	stream.linear.scatter [tilespmem:s12], [sflag:$0x2], $0x80, $0x38;
	[tilespmem:$0x11C80] =	vst v63  }
0x209: {  	s13 =	sadd.s32 $0xBB00, s8;
	s3 =	sadd.s32 s1, s22  }
0x20a: {  	[hbm4b:s3+s4] =	stream.linear.scatter [tilespmem:s13], [sflag:$0x2], $0x80, $0x38;
	[tilespmem:$0x11C80] =	vst v63  }
0x20b: {  	s14 =	sadd.s32 $0xBB88, s8;
	s25 =	sadd.s32 $0x10, s3  }
0x20c: {  	[hbm4b:s25+s4] =	stream.linear.scatter [tilespmem:s14], [sflag:$0x2], $0x80, $0x38;
	[tilespmem:$0x11C80] =	vst v63  }
0x20d: {  	s28 =	sadd.s32 $0xBC10, s8;
	s29 =	sadd.s32 $0x20, s3  }
0x20e: {  	[hbm4b:s29+s4] =	stream.linear.scatter [tilespmem:s28], [sflag:$0x2], $0x80, $0x38;
	[tilespmem:$0x11C80] =	vst v63  }
0x20f: {  	s9 =	sadd.s32 $0xBC98, s8;
	s10 =	sadd.s32 $0x30, s3  }
0x210: {  	[hbm4b:s10+s4] =	stream.linear.scatter [tilespmem:s9], [sflag:$0x2], $0x80, $0x38;
	[tilespmem:$0x11C80] =	vst v63  }
0x211: {  	s11 =	sadd.s32 $0xBD20, s8;
	s12 =	sadd.s32 $0x40, s3  }
0x212: {  	[hbm4b:s12+s4] =	stream.linear.scatter [tilespmem:s11], [sflag:$0x2], $0x80, $0x38;
	[tilespmem:$0x11C80] =	vst v63  }
0x213: {  	s13 =	sadd.s32 $0xBDA8, s8;
	s14 =	sadd.s32 $0x50, s3  }
0x214: {  	[hbm4b:s14+s4] =	stream.linear.scatter [tilespmem:s13], [sflag:$0x2], $0x80, $0x38;
	[tilespmem:$0x11C80] =	vst v63  }
0x215: {  	s25 =	sadd.s32 $0xBE30, s8;
	s28 =	sadd.s32 $0x60, s3  }
0x216: {  	[hbm4b:s28+s4] =	stream.linear.scatter [tilespmem:s25], [sflag:$0x2], $0x80, $0x38;
	[tilespmem:$0x11C80] =	vst v63  }
0x217: {  	s29 =	sadd.s32 $0xBEB8, s8;
	s3 =	sadd.s32 $0x70, s3  }
0x218: {  	[hbm4b:s3+s4] =	stream.linear.scatter [tilespmem:s29], [sflag:$0x2], $0x80, $0x38;
	[tilespmem:$0x11C80] =	vst v63  }
0x219: {  	s9 =	sadd.s32 $0xBF40, s8;
	s3 =	sadd.s32 s1, s23  }
0x21a: {  	[hbm4b:s3+s4] =	stream.linear.scatter [tilespmem:s9], [sflag:$0x2], $0x80, $0x38;
	[tilespmem:$0x11C80] =	vst v63  }
0x21b: {  	s10 =	sadd.s32 $0xBFC8, s8;
	s11 =	sadd.s32 $0x10, s3  }
0x21c: {  	[hbm4b:s11+s4] =	stream.linear.scatter [tilespmem:s10], [sflag:$0x2], $0x80, $0x38;
	[tilespmem:$0x11C80] =	vst v63  }
0x21d: {  	s12 =	sadd.s32 $0xC050, s8;
	s13 =	sadd.s32 $0x20, s3  }
0x21e: {  	[hbm4b:s13+s4] =	stream.linear.scatter [tilespmem:s12], [sflag:$0x2], $0x80, $0x38;
	[tilespmem:$0x11C80] =	vst v63  }
0x21f: {  	s14 =	sadd.s32 $0xC0D8, s8;
	s25 =	sadd.s32 $0x30, s3  }
0x220: {  	[hbm4b:s25+s4] =	stream.linear.scatter [tilespmem:s14], [sflag:$0x2], $0x80, $0x38;
	[tilespmem:$0x11C80] =	vst v63  }
0x221: {  	s28 =	sadd.s32 $0xC160, s8;
	s29 =	sadd.s32 $0x40, s3  }
0x222: {  	[hbm4b:s29+s4] =	stream.linear.scatter [tilespmem:s28], [sflag:$0x2], $0x80, $0x38;
	[tilespmem:$0x11C80] =	vst v63  }
0x223: {  	s10 =	sadd.s32 $0xC1E8, s8;
	s11 =	sadd.s32 $0x50, s3  }
0x224: {  	[hbm4b:s11+s4] =	stream.linear.scatter [tilespmem:s10], [sflag:$0x2], $0x80, $0x38;
	[tilespmem:$0x11C80] =	vst v63  }
0x225: {  	s12 =	sadd.s32 $0xC270, s8;
	s13 =	sadd.s32 $0x60, s3  }
0x226: {  	[hbm4b:s13+s4] =	stream.linear.scatter [tilespmem:s12], [sflag:$0x2], $0x80, $0x38;
	[tilespmem:$0x11C80] =	vst v63  }
0x227: {  	s3 =	sadd.s32 $0x70, s3;
	s14 =	sadd.s32 $0xC2F8, s8  }
0x228: {  	[hbm4b:s3+s4] =	stream.linear.scatter [tilespmem:s14], [sflag:$0x2], $0x80, $0x38;
	[tilespmem:$0x11C80] =	vst v63  }
0x229: {  	s25 =	sadd.s32 $0xC380, s8;
	s3 =	sadd.s32 s1, s24  }
0x22a: {  	[hbm4b:s3+s4] =	stream.linear.scatter [tilespmem:s25], [sflag:$0x2], $0x80, $0x38;
	[tilespmem:$0x11C80] =	vst v63  }
0x22b: {  	s28 =	sadd.s32 $0xC408, s8;
	s29 =	sadd.s32 $0x10, s3  }
0x22c: {  	[hbm4b:s29+s4] =	stream.linear.scatter [tilespmem:s28], [sflag:$0x2], $0x80, $0x38;
	[tilespmem:$0x11C80] =	vst v63  }
0x22d: {  	s10 =	sadd.s32 $0xC490, s8;
	s11 =	sadd.s32 $0x20, s3  }
0x22e: {  	[hbm4b:s11+s4] =	stream.linear.scatter [tilespmem:s10], [sflag:$0x2], $0x80, $0x38;
	[tilespmem:$0x11C80] =	vst v63  }
0x22f: {  	s12 =	sadd.s32 $0xC518, s8;
	s13 =	sadd.s32 $0x30, s3  }
0x230: {  	[hbm4b:s13+s4] =	stream.linear.scatter [tilespmem:s12], [sflag:$0x2], $0x80, $0x38;
	[tilespmem:$0x11C80] =	vst v63  }
0x231: {  	s14 =	sadd.s32 $0xC5A0, s8;
	s25 =	sadd.s32 $0x40, s3  }
0x232: {  	[hbm4b:s25+s4] =	stream.linear.scatter [tilespmem:s14], [sflag:$0x2], $0x80, $0x38;
	[tilespmem:$0x11C80] =	vst v63  }
0x233: {  	s28 =	sadd.s32 $0xC628, s8;
	s29 =	sadd.s32 $0x50, s3  }
0x234: {  	[hbm4b:s29+s4] =	stream.linear.scatter [tilespmem:s28], [sflag:$0x2], $0x80, $0x38;
	[tilespmem:$0x11C80] =	vst v63  }
0x235: {  	s10 =	sadd.s32 $0xC6B0, s8;
	s11 =	sadd.s32 $0x60, s3  }
0x236: {  	[hbm4b:s11+s4] =	stream.linear.scatter [tilespmem:s10], [sflag:$0x2], $0x80, $0x38;
	[tilespmem:$0x11C80] =	vst v63  }
0x237: {  	s3 =	sadd.s32 $0x70, s3;
	s12 =	sadd.s32 $0xC738, s8  }
0x238: {  	[hbm4b:s3+s4] =	stream.linear.scatter [tilespmem:s12], [sflag:$0x2], $0x80, $0x38;
	[tilespmem:$0x11C80] =	vst v63  }
0x239: {  	s1 =	sadd.s32 s1, s26;
	s13 =	sadd.s32 $0xC7C0, s8  }
0x23a: {  	[hbm4b:s1+s4] =	stream.linear.scatter [tilespmem:s13], [sflag:$0x2], $0x80, $0x38;
	[tilespmem:$0x11C80] =	vst v63  }
0x23b: {  	s14 =	sadd.s32 $0xC848, s8;
	s25 =	sadd.s32 $0x10, s1  }
0x23c: {  	[hbm4b:s25+s4] =	stream.linear.scatter [tilespmem:s14], [sflag:$0x2], $0x80, $0x38;
	[tilespmem:$0x11C80] =	vst v63  }
0x23d: {  	s28 =	sadd.s32 $0xC8D0, s8;
	s29 =	sadd.s32 $0x20, s1  }
0x23e: {  	[hbm4b:s29+s4] =	stream.linear.scatter [tilespmem:s28], [sflag:$0x2], $0x80, $0x38;
	[tilespmem:$0x11C80] =	vst v63  }
0x23f: {  	s9 =	sadd.s32 $0xC958, s8;
	s10 =	sadd.s32 $0x30, s1  }
0x240: {  	[hbm4b:s10+s4] =	stream.linear.scatter [tilespmem:s9], [sflag:$0x2], $0x80, $0x38;
	[tilespmem:$0x11C80] =	vst v63  }
0x241: {  	s11 =	sadd.s32 $0xC9E0, s8;
	s12 =	sadd.s32 $0x40, s1  }
0x242: {  	[hbm4b:s12+s4] =	stream.linear.scatter [tilespmem:s11], [sflag:$0x2], $0x80, $0x38;
	[tilespmem:$0x11C80] =	vst v63  }
0x243: {  	p0 =	slt.u32 s6, $0x19;
	s13 =	sadd.s32 $0xCA68, s8;
	s14 =	sadd.s32 $0x50, s1  }
0x244: {  	[hbm4b:s14+s4] =	stream.linear.scatter [tilespmem:s13], [sflag:$0x2], $0x80, $0x38;
	[tilespmem:$0x11C80] =	vst v63  }
.Ltmp7:
0x245: {  	s25 =	sadd.s32 $0xCAF0, s8;
	s28 =	sadd.s32 $0x60, s1;
	(pc) =	sbr.rel @p0 .LBB2_2-.Ltmp7, $4  }
0x246: {  	[hbm4b:s28+s4] =	stream.linear.scatter [tilespmem:s25], [sflag:$0x2], $0x80, $0x38;
	[tilespmem:$0x11C80] =	vst v63  }
0x247: {  	s29 =	sadd.s32 $0xCB78, s8;
	s1 =	sadd.s32 $0x70, s1  }
0x248: {  	[hbm4b:s1+s4] =	stream.linear.scatter [tilespmem:s29], [sflag:$0x2], $0x80, $0x38;
	[tilespmem:$0x11C80] =	vst v63  }
0x249: {  	s1 =	smov.u32 s6  }
0x24a: {  	_ =	swait.ge [sflag:s0], $0x400  }
0x24b: {  	[sflag:s0] =	ssyncset.done $0x0  }
0x24c: {  	[sflag:s0] =	ssyncadd.s32 $0xFFFFFC00  }
0x24d: {  	_ =	swait.ge [sflag:s0], $0x400  }
0x24e: {  	[sflag:s0] =	ssyncset.done $0x0  }
0x24f: {  	[sflag:s0] =	ssyncadd.s32 $0xFFFFFC00  }
0x250: {  	_ =	swait.ge [sflag:s0], $0x400  }
0x251: {  	[sflag:s0] =	ssyncset.done $0x0  }
0x252: {  	[sflag:s0] =	ssyncadd.s32 $0xFFFFFC00  }
0x253: {  	_ =	swait.ge [sflag:s0], $0x400  }
0x254: {  	[sflag:s0] =	ssyncset.done $0x0  }
0x255: {  	[sflag:s0] =	ssyncadd.s32 $0xFFFFFC00  }
0x256: {  	_ =	swait.ge [sflag:s0], $0x400  }
0x257: {  	[sflag:s0] =	ssyncset.done $0x0  }
0x258: {  	[sflag:s0] =	ssyncadd.s32 $0xFFFFFC00  }
0x259: {  	_ =	swait.ge [sflag:s0], $0x400  }
0x25a: {  	[sflag:s0] =	ssyncset.done $0x0  }
0x25b: {  	[sflag:s0] =	ssyncadd.s32 $0xFFFFFC00  }
0x25c: {  	_ =	swait.ge [sflag:s0], $0x400  }
0x25d: {  	[sflag:s0] =	ssyncset.done $0x0  }
0x25e: {  	[sflag:s0] =	ssyncadd.s32 $0xFFFFFC00  }
0x25f: {  	_ =	swait.ge [sflag:s0], $0x400  }
0x260: {  	[sflag:s0] =	ssyncset.done $0x0  }
0x261: {  	[sflag:s0] =	ssyncadd.s32 $0xFFFFFC00  }
0x262: {  	_ =	swait.ge [sflag:s0], $0x400  }
0x263: {  	[sflag:s0] =	ssyncset.done $0x0  }
0x264: {  	[sflag:s0] =	ssyncadd.s32 $0xFFFFFC00  }
0x265: {  	_ =	swait.ge [sflag:s0], $0x400  }
0x266: {  	[sflag:s0] =	ssyncset.done $0x0  }
0x267: {  	[sflag:s0] =	ssyncadd.s32 $0xFFFFFC00  }
0x268: {  	_ =	swait.ge [sflag:s0], $0x400  }
0x269: {  	[sflag:s0] =	ssyncset.done $0x0  }
0x26a: {  	[sflag:s0] =	ssyncadd.s32 $0xFFFFFC00  }
0x26b: {  	_ =	swait.ge [sflag:s0], $0x400  }
0x26c: {  	[sflag:s0] =	ssyncset.done $0x0  }
0x26d: {  	[sflag:s0] =	ssyncadd.s32 $0xFFFFFC00  }
0x26e: {  	_ =	swait.ge [sflag:s0], $0x400  }
0x26f: {  	[sflag:s0] =	ssyncset.done $0x0  }
0x270: {  	[sflag:s0] =	ssyncadd.s32 $0xFFFFFC00  }
0x271: {  	_ =	swait.ge [sflag:s0], $0x400  }
0x272: {  	[sflag:s0] =	ssyncset.done $0x0  }
0x273: {  	[sflag:s0] =	ssyncadd.s32 $0xFFFFFC00  }
0x274: {  	_ =	swait.ge [sflag:s0], $0x400  }
0x275: {  	[sflag:s0] =	ssyncset.done $0x0  }
0x276: {  	[sflag:s0] =	ssyncadd.s32 $0xFFFFFC00  }
0x277: {  	_ =	swait.ge [sflag:s0], $0x400  }
0x278: {  	[sflag:s0] =	ssyncset.done $0x0  }
0x279: {  	[sflag:s0] =	ssyncadd.s32 $0xFFFFFC00  }
0x27a: {  	_ =	swait.ge [sflag:s0], $0x400  }
0x27b: {  	[sflag:s0] =	ssyncset.done $0x0  }
0x27c: {  	[sflag:s0] =	ssyncadd.s32 $0xFFFFFC00  }
0x27d: {  	_ =	swait.ge [sflag:s0], $0x400  }
0x27e: {  	[sflag:s0] =	ssyncset.done $0x0  }
0x27f: {  	[sflag:s0] =	ssyncadd.s32 $0xFFFFFC00  }
0x280: {  	_ =	swait.ge [sflag:s0], $0x400  }
0x281: {  	[sflag:s0] =	ssyncset.done $0x0  }
0x282: {  	[sflag:s0] =	ssyncadd.s32 $0xFFFFFC00  }
0x283: {  	_ =	swait.ge [sflag:s0], $0x400  }
0x284: {  	[sflag:s0] =	ssyncset.done $0x0  }
0x285: {  	[sflag:s0] =	ssyncadd.s32 $0xFFFFFC00  }
0x286: {  	_ =	swait.ge [sflag:s0], $0x400  }
0x287: {  	[sflag:s0] =	ssyncset.done $0x0  }
0x288: {  	[sflag:s0] =	ssyncadd.s32 $0xFFFFFC00  }
0x289: {  	_ =	swait.ge [sflag:s0], $0x400  }
0x28a: {  	[sflag:s0] =	ssyncset.done $0x0  }
0x28b: {  	[sflag:s0] =	ssyncadd.s32 $0xFFFFFC00  }
0x28c: {  	_ =	swait.ge [sflag:s0], $0x400  }
0x28d: {  	[sflag:s0] =	ssyncset.done $0x0  }
0x28e: {  	[sflag:s0] =	ssyncadd.s32 $0xFFFFFC00  }
0x28f: {  	_ =	swait.ge [sflag:s0], $0x400  }
0x290: {  	[sflag:s0] =	ssyncset.done $0x0  }
0x291: {  	[sflag:s0] =	ssyncadd.s32 $0xFFFFFC00  }
0x292: {  	_ =	swait.ge [sflag:s0], $0x400  }
0x293: {  	[sflag:s0] =	ssyncset.done $0x0  }
0x294: {  	[sflag:s0] =	ssyncadd.s32 $0xFFFFFC00  }
0x295: {  	_ =	swait.ge [sflag:s0], $0x400  }
0x296: {  	[sflag:s0] =	ssyncset.done $0x0  }
0x297: {  	[sflag:s0] =	ssyncadd.s32 $0xFFFFFC00  }
0x298: {  	_ =	swait.ge [sflag:s0], $0x400  }
0x299: {  	[sflag:s0] =	ssyncset.done $0x0  }
0x29a: {  	[sflag:s0] =	ssyncadd.s32 $0xFFFFFC00  }
0x29b: {  	_ =	swait.ge [sflag:s0], $0x400  }
0x29c: {  	[sflag:s0] =	ssyncset.done $0x0  }
0x29d: {  	[sflag:s0] =	ssyncadd.s32 $0xFFFFFC00  }
0x29e: {  	_ =	swait.ge [sflag:s0], $0x400  }
0x29f: {  	[sflag:s0] =	ssyncset.done $0x0  }
0x2a0: {  	[sflag:s0] =	ssyncadd.s32 $0xFFFFFC00  }
0x2a1: {  	_ =	swait.ge [sflag:s0], $0x400  }
0x2a2: {  	[sflag:s0] =	ssyncset.done $0x0  }
0x2a3: {  	[sflag:s0] =	ssyncadd.s32 $0xFFFFFC00  }
0x2a4: {  	_ =	swait.ge [sflag:s0], $0x400  }
0x2a5: {  	[sflag:s0] =	ssyncset.done $0x0  }
0x2a6: {  	[sflag:s0] =	ssyncadd.s32 $0xFFFFFC00  }
0x2a7: {  	_ =	swait.ge [sflag:s0], $0x400  }
0x2a8: {  	s3 =	rddreg [dreg:$0xe]  }
0x2a9: {  	s1 =	rddreg [dreg:$0xd];
	s3 =	sadd.s32 $0x1, s3  }
0x2aa: {  	p0 =	sne.s32 s3, s1  }
.Ltmp8:
0x2ab: {  	_ = 	snop;
	(pc) =	sbr.rel @p0 .LBB2_1-.Ltmp8, $3  }
0x2ac: {  	_ =	sdelay $0x1  }
0x2ad: {  	[sflag:s0] =	ssyncset.done $0x0  }
0x2ae: {  	[sflag:s0] =	ssyncadd.s32 $0xFFFFFC00  }
0x2af: {  	_ =	sfence.sel $0x180000  }
0x2b0: {  	[bflag:$0x0] =	sbarrier.arrive $0xFFFF  }
0x2b1: {  	_ =	strace $0x9000004A  }
0x2b2: {  	s0 =	stileid.u32;
	[bflag:$0x2] =	sbarrier.arrive $0xFFFF  }
0x2b3: {  	p0 =	sne.s32 s0, $0x0;
	s0 =	rddreg [dreg:$0x3]  }
0x2b4: {  	s0 =	sadd.s32 @!p0 $0x100000, s0  }
0x2b5: {  	[sflag:s0] =	ssyncadd.tile.s32 @!p0 $0x1;
	_ =	shalt  }
.Lfunc_end2:
_tile_overlayer_lowered:
.L_overlay_start_2:
0x2b6: {  	(tag) =	ssettag $0x2  }
0x2b7: {  	s0 =	rddreg [dreg:$0x0];
	s2 =	stileid.u32  }
0x2b8: {  	s1 =	rddreg [dreg:$0x1];
	p0 =	sne.s32 s2, $0x0  }
0x2b9: {  	s3 =	rddreg [dreg:$0x2];
	[bflag:$0x3] =	sbarrier.arrive $0xFFFF;
	s2 =	simm.s32 @!p0 $0x1C04  }
0x2ba: {  	[timem:s3], [sflag:s2] =	dma.local @!p0 [hbm:s0], s1  }
0x2bb: {  	s0 =	simm.s32 @!p0 $0x4  }
0x2bc: {  	_ =	swait.ge @!p0 [sflag:s0], s1  }
0x2bd: {  	s1 =	ssub.s32 @!p0 $0x0, s1;
	[sflag:s0] =	ssyncset.done @!p0 $0x0  }
0x2be: {  	[sflag:s0] =	ssyncadd.s32 @!p0 s1  }
0x2bf: {  	[bflag:$0x3] =	sbarrier.arrive $0xFFFF  }
0x2c0: {  	_ =	shalt  }

</sc_bundles>
